<compile_context>
chip_gen: v7x
topology: tpu7x:2x2x1
jax: 0.10.2.dev20260603
libtpu: 0.0.44.dev20260713+nightly
codegen_flags: <defaults>
</compile_context>

<pallas_src>
import functools

import jax
import jax.numpy as jnp
import numpy as np
from jax.experimental import pallas as pl
from jax.experimental.pallas import tpu as pltpu
from jax.experimental.pallas import tpu_sc as plsc

K = 64
CHUNK = 128
TILE_N = 2048
QBLK = 512
GATHER_WINDOW = 128



def _lex_lt(av, ai, bv, bi):
    return (av < bv) | ((av == bv) & (ai < bi))


def _stage(v, x, j, kk, asc):
    s, q = v.shape
    m = s // (2 * j)
    rv = v.reshape(m, 2, j, q)
    rx = x.reshape(m, 2, j, q)
    av, bv, ax, bx = rv[:, 0], rv[:, 1], rx[:, 0], rx[:, 1]
    sel = _lex_lt(bv, bx, av, ax)
    lo_v = jnp.where(sel, bv, av)
    lo_x = jnp.where(sel, bx, ax)
    hi_v = jnp.where(sel, av, bv)
    hi_x = jnp.where(sel, ax, bx)
    if kk == 0:
        if asc:
            na_v, na_x, nb_v, nb_x = lo_v, lo_x, hi_v, hi_x
        else:
            na_v, na_x, nb_v, nb_x = hi_v, hi_x, lo_v, lo_x
    else:
        p = kk // (2 * j)

        def _mix(first, second):
            f5 = first.reshape(m // (2 * p), 2, p, j, q)
            s5 = second.reshape(m // (2 * p), 2, p, j, q)
            return jnp.concatenate((f5[:, 0:1], s5[:, 1:2]), axis=1).reshape(
                m, j, q)

        if asc:
            na_v, na_x = _mix(lo_v, hi_v), _mix(lo_x, hi_x)
            nb_v, nb_x = _mix(hi_v, lo_v), _mix(hi_x, lo_x)
        else:
            na_v, na_x = _mix(hi_v, lo_v), _mix(hi_x, lo_x)
            nb_v, nb_x = _mix(lo_v, hi_v), _mix(lo_x, hi_x)
    nv = jnp.concatenate(
        (na_v.reshape(m, 1, j, q), nb_v.reshape(m, 1, j, q)), axis=1
    ).reshape(s, q)
    nx = jnp.concatenate(
        (na_x.reshape(m, 1, j, q), nb_x.reshape(m, 1, j, q)), axis=1
    ).reshape(s, q)
    return nv, nx


def _sort64(v, x, asc):
    kk = 2
    while kk <= K:
        j = kk // 2
        while j >= 1:
            v, x = _stage(v, x, j, kk if kk < K else 0, asc)
            j //= 2
        kk *= 2
    return v, x


def _merge_into(av, ax, bv, bx):
    t = _lex_lt(bv, bx, av, ax)
    v = jnp.where(t, bv, av)
    x = jnp.where(t, bx, ax)
    j = v.shape[0] // 2
    while j >= 1:
        v, x = _stage(v, x, j, 0, True)
        j //= 2
    return v, x


GSORT = 4


def _topk_body(v_ref, i_ref, oi_ref):
    r, q = v_ref.shape
    g = r // K
    t = GSORT if g % GSORT == 0 else 1
    av = jnp.full((K, q), jnp.inf, jnp.float32)
    ax = jnp.full((K, q), jnp.int32(2**30), jnp.int32)

    def body(gi, carry):
        av, ax = carry
        base = gi * (t * K)
        gv = v_ref[pl.ds(base, t * K), :]
        gx = i_ref[pl.ds(base, t * K), :]
        gv, gx = _sort64(gv, gx, False)
        for s in range(t):
            av, ax = _merge_into(av, ax, gv[s * K:(s + 1) * K],
                                 gx[s * K:(s + 1) * K])
        return av, ax

    av, ax = jax.lax.fori_loop(0, g // t, body, (av, ax))
    oi_ref[...] = ax


def _topk64(vals, ids):
    r, q = vals.shape
    qb = min(QBLK, q)
    return pl.pallas_call(
        _topk_body,
        grid=(q // qb,),
        in_specs=[
            pl.BlockSpec((r, qb), lambda i: (0, i)),
            pl.BlockSpec((r, qb), lambda i: (0, i)),
        ],
        out_specs=pl.BlockSpec((K, qb), lambda i: (0, i)),
        out_shape=jax.ShapeDtypeStruct((K, q), jnp.int32),
    )(vals, ids)



def _dist_body(n_real, t_ref, trt_ref, d_ref, m_ref):
    i = pl.program_id(0)
    t = t_ref[...]
    trt = trt_ref[...]
    dot = jnp.dot(t, trt, preferred_element_type=jnp.float32)
    t2 = jnp.sum(t * t, axis=-1, keepdims=True)
    r2 = jnp.sum(trt * trt, axis=0, keepdims=True)
    d2 = (t2 - 2.0 * dot) + r2
    col = jax.lax.broadcasted_iota(jnp.int32, (1, TILE_N), 1) + i * TILE_N
    d2 = jnp.where(col < n_real, d2, jnp.inf)
    d_ref[...] = d2
    q = d2.shape[0]
    m_ref[...] = jnp.min(
        d2.reshape(q, TILE_N // CHUNK, CHUNK), axis=-1
    )[None]


def _distances(test_x, trt, n_real, n_pad):
    q, d = test_x.shape
    n_tiles = n_pad // TILE_N
    return pl.pallas_call(
        functools.partial(_dist_body, n_real),
        grid=(n_tiles,),
        in_specs=[
            pl.BlockSpec((q, d), lambda i: (0, 0)),
            pl.BlockSpec((d, TILE_N), lambda i: (0, i)),
        ],
        out_specs=[
            pl.BlockSpec((q, TILE_N), lambda i: (0, i)),
            pl.BlockSpec((1, q, TILE_N // CHUNK), lambda i: (i, 0, 0)),
        ],
        out_shape=[
            jax.ShapeDtypeStruct((q, n_pad), jnp.float32),
            jax.ShapeDtypeStruct((n_tiles, q, TILE_N // CHUNK), jnp.float32),
        ],
    )(test_x, trt)



def _sc_gather(d_rows, gidx, num_indices):
    mesh = plsc.VectorSubcoreMesh(core_axis_name="c", subcore_axis_name="s")

    @functools.partial(
        pl.kernel,
        out_type=jax.ShapeDtypeStruct((num_indices, CHUNK), jnp.float32),
        mesh=mesh,
    )
    def k(x_hbm, i_hbm, o_hbm):
        def body(i_vmem, o_vmem):
            pltpu.sync_copy(x_hbm.at[i_vmem.at[0]], o_vmem)

        pltpu.emit_pipeline(
            body,
            grid=(num_indices // GATHER_WINDOW,),
            in_specs=[pl.BlockSpec((1, GATHER_WINDOW), lambda i: (0, i))],
            out_specs=[pl.BlockSpec((GATHER_WINDOW, CHUNK), lambda i: (i, 0))],
            core_axis_name=("c", "s"),
            dimension_semantics=(pltpu.PARALLEL,),
        )(i_hbm, o_hbm)

    return k(d_rows, gidx)



def kernel(train_x, test_x):
    n, d = train_x.shape
    q = test_x.shape[0]
    n_pad = ((n + TILE_N - 1) // TILE_N) * TILE_N
    nc = n_pad // CHUNK

    train_pad = jnp.pad(train_x, ((0, n_pad - n), (0, 0)))
    trt = train_pad.T

    dmat, m3 = _distances(test_x, trt, n, n_pad)
    mmat = m3.transpose(1, 0, 2).reshape(q, nc)

    rb = 1 << (nc - 1).bit_length()
    mt = jnp.pad(mmat.T, ((0, rb - nc), (0, 0)), constant_values=jnp.inf)
    bi = jnp.broadcast_to(jnp.arange(rb, dtype=jnp.int32)[:, None], (rb, q))
    cid = _topk64(mt, bi)
    c = cid.T

    gidx = (jnp.arange(q, dtype=jnp.int32)[:, None] * nc + c).reshape(1, q * K)
    gathered = _sc_gather(dmat.reshape(q * nc, CHUNK), gidx, q * K)

    gv = gathered.reshape(q, K * CHUNK)
    gids = (
        c[:, :, None] * CHUNK + jnp.arange(CHUNK, dtype=jnp.int32)[None, None, :]
    ).reshape(q, K * CHUNK)
    out = _topk64(gv.T, gids.T)
    return out.T

# --- scband reference (transcript-rebuilt; emitter-appended) ---
"""Pipeline reference for scband-nnutil-53961969107515 (READ-ONLY COPY).

The authoritative reference and input builder live on the scoring server;
editing this copy changes nothing except your own understanding.
"""

import jax, jax.numpy as jnp
import numpy as np

K_NN = 64  # init kwarg k


def setup_inputs(seed: int = 0) -> dict:
    key = jax.random.key(seed)
    k1, k2 = jax.random.split(key)
    train_x = jax.random.normal(k1, (100000, 64), dtype=jnp.float32)
    test_x = jax.random.normal(k2, (512, 64), dtype=jnp.float32)
    return {"train_x": train_x, "test_x": test_x}


def reference(train_x, test_x):
    # Equivalent of NNUtil.set_nn_idx(train_x) followed by find_nn_idx(test_x):
    # exact brute-force L2 nearest-neighbor search (faiss IndexFlatL2 semantics).
    t2 = jnp.sum(test_x * test_x, axis=-1, keepdims=True)            # [Q, 1]
    r2 = jnp.sum(train_x * train_x, axis=-1)                          # [K]
    d2 = t2 - 2.0 * (test_x @ train_x.T) + r2[None, :]                # [Q, K] squared L2
    neg_vals, nn_idx = jax.lax.top_k(-d2, K_NN)                       # k smallest distances
    return nn_idx                                                     # int64-equivalent indices [Q, k]

if __name__ == "__main__":
    import jax
    _d = setup_inputs()
    print(jax.jit(kernel)(*tuple(_d.values())))

</pallas_src>

<mosaic_0001>
#map = affine_map<(d0, d1) -> (0, 0)>
module attributes {stable_mosaic.version = 14 : i64} {
  func.func @k(%arg0: i32, %arg1: i32, %arg2: memref<401408x128xf32, #tpu.memory_space<hbm>>, %arg3: memref<1x32768xi32, #tpu.memory_space<hbm>>, %arg4: memref<32768x128xf32, #tpu.memory_space<hbm>>) attributes {dimension_semantics = [#tpu.dimension_semantics<core_parallel>, #tpu.dimension_semantics<subcore_parallel>], iteration_bounds = array<i64: 2, 16>, scalar_prefetch = 0 : i64, scratch_operands = 0 : i64, tpu.core_type = #tpu.core_type<sc_vector_subcore>, window_params = [{transform_indices = #map}, {transform_indices = #map}, {transform_indices = #map}]} {
    %mul3A = arith.constant 1 : i32
    %mul3A_0 = arith.muli %arg1, %mul3A : i32
    %add3A = arith.constant 0 : i32
    %add3A_1 = arith.addi %add3A, %mul3A_0 : i32
    %mul3A_2 = arith.constant 16 : i32
    %mul3A_3 = arith.muli %arg0, %mul3A_2 : i32
    %add3A_4 = arith.addi %add3A_1, %mul3A_3 : i32
    %mul3A_5 = arith.constant 8 : i32
    %mul3A_6 = arith.muli %add3A_4, %mul3A_5 : i32
    "tpu.region"() ({
      %run_scoped3A = memref.alloca() : memref<2x1x128xi32, #tpu.memory_space<vmem>>
      %run_scoped3A_7 = tpu.sem_alloc : memref<2x!tpu.dma_semaphore, #tpu.memory_space<semaphore_mem>>
      %run_scoped3A_8 = memref.alloca() : memref<2x128x128xf32, #tpu.memory_space<vmem>>
      %run_scoped3A_9 = tpu.sem_alloc : memref<2x!tpu.dma_semaphore, #tpu.memory_space<semaphore_mem>>
      %add3A_10 = arith.constant 0 : i32
      %add3A_11 = arith.addi %add3A_10, %mul3A_6 : i32
      %select_n3A = arith.constant true
      %select_n3A_12 = arith.constant 0 : i32
      %select_n3A_13 = arith.constant -1 : i32
      %select_n3A_14 = arith.select %select_n3A, %select_n3A_13, %select_n3A_12 : i32
      %eq3A = arith.constant -1 : i32
      %eq3A_15 = arith.cmpi eq, %select_n3A_14, %eq3A : i32
      %select_n3A_16 = arith.constant 7 : i32
      %select_n3A_17 = arith.select %eq3A_15, %select_n3A_16, %select_n3A_14 : i32
      %add3A_18 = arith.addi %select_n3A_17, %mul3A_6 : i32
      %select_n3A_19 = arith.constant true
      %select_n3A_20 = arith.constant 0 : i32
      %select_n3A_21 = arith.constant 1 : i32
      %select_n3A_22 = arith.select %select_n3A_19, %select_n3A_21, %select_n3A_20 : i32
      %eq3A_23 = arith.constant 8 : i32
      %eq3A_24 = arith.cmpi eq, %select_n3A_22, %eq3A_23 : i32
      %select_n3A_25 = arith.constant 0 : i32
      %select_n3A_26 = arith.select %eq3A_24, %select_n3A_25, %select_n3A_22 : i32
      %add3A_27 = arith.addi %select_n3A_26, %mul3A_6 : i32
      %add3A_28 = arith.constant 1 : i32
      %add3A_29 = arith.addi %select_n3A_26, %add3A_28 : i32
      %select_n3A_30 = arith.constant true
      %select_n3A_31 = arith.select %select_n3A_30, %add3A_29, %select_n3A_26 : i32
      %eq3A_32 = arith.constant 8 : i32
      %eq3A_33 = arith.cmpi eq, %select_n3A_31, %eq3A_32 : i32
      %select_n3A_34 = arith.constant 0 : i32
      %select_n3A_35 = arith.select %eq3A_33, %select_n3A_34, %select_n3A_31 : i32
      %add3A_36 = arith.addi %select_n3A_35, %mul3A_6 : i32
      "tpu.trace_start"() <{level = 10 : i32, message = "ep_initialize_0"}> : () -> ()
      %rem3A = arith.constant 0 : i32
      %rem3A_37 = arith.constant 2 : i32
      %rem3A_38 = arith.remui %rem3A, %rem3A_37 : i32
      %mul3A_39 = arith.constant 128 : i32
      %mul3A_40 = arith.muli %mul3A_39, %add3A_11 : i32
      %dma_start3A = arith.constant 0 : i32
      %dma_start3A_41 = arith.constant 0 : i32
      %dma_start3A_42 = tpu.memref_slice %run_scoped3A[%rem3A_38, %dma_start3A, %dma_start3A_41] : memref<2x1x128xi32, #tpu.memory_space<vmem>> -> memref<1x1x128xi32, #tpu.memory_space<vmem>>
      %dma_start3A_43 = tpu.memref_squeeze %dma_start3A_42 : memref<1x1x128xi32, #tpu.memory_space<vmem>> -> memref<1x128xi32, #tpu.memory_space<vmem>>
      %dma_start3A_44 = arith.constant 0 : i32
      %dma_start3A_45 = tpu.memref_slice %arg3[%dma_start3A_44, %mul3A_40] : memref<1x32768xi32, #tpu.memory_space<hbm>> -> memref<1x128xi32, #tpu.memory_space<hbm>>
      %dma_start3A_46 = tpu.memref_slice %run_scoped3A_7[%rem3A_38] : memref<2x!tpu.dma_semaphore, #tpu.memory_space<semaphore_mem>> -> memref<1x!tpu.dma_semaphore, #tpu.memory_space<semaphore_mem>>
      %dma_start3A_47 = tpu.memref_squeeze %dma_start3A_46 : memref<1x!tpu.dma_semaphore, #tpu.memory_space<semaphore_mem>> -> memref<!tpu.dma_semaphore, #tpu.memory_space<semaphore_mem>>
      %dma_start3A_48 = arith.constant 0 : i32
      %dma_start3A_49 = arith.constant 0 : i32
      %dma_start3A_50 = tpu.memref_slice %run_scoped3A[%rem3A_38, %dma_start3A_48, %dma_start3A_49] : memref<2x1x128xi32, #tpu.memory_space<vmem>> -> memref<1x1x128xi32, #tpu.memory_space<vmem>>
      %dma_start3A_51 = tpu.memref_squeeze %dma_start3A_50 : memref<1x1x128xi32, #tpu.memory_space<vmem>> -> memref<1x128xi32, #tpu.memory_space<vmem>>
      %dma_start3A_52 = arith.constant 0 : i32
      %dma_start3A_53 = tpu.memref_slice %arg3[%dma_start3A_52, %mul3A_40] : memref<1x32768xi32, #tpu.memory_space<hbm>> -> memref<1x128xi32, #tpu.memory_space<hbm>>
      tpu.enqueue_dma source(%dma_start3A_53 : memref<1x128xi32, #tpu.memory_space<hbm>>) target(%dma_start3A_51 : memref<1x128xi32, #tpu.memory_space<vmem>>) target_semaphore(%dma_start3A_47 : memref<!tpu.dma_semaphore, #tpu.memory_space<semaphore_mem>>)
      %add3A_54 = arith.constant 0 : i32
      %add3A_55 = arith.constant 1 : i32
      %add3A_56 = arith.addi %add3A_54, %add3A_55 : i32
      %select_n3A_57 = arith.constant true
      %select_n3A_58 = arith.constant 0 : i32
      %select_n3A_59 = arith.select %select_n3A_57, %add3A_56, %select_n3A_58 : i32
      "tpu.trace_stop"() : () -> ()
      %scan3A = arith.constant 0 : i32
      %scan3A_60 = arith.constant 0 : i32
      %scan3A_61 = arith.constant 0 : i32
      %scan3A_62 = arith.constant 0 : i32
      %scan3A_63 = arith.constant 0 : i32
      %scan3A_64 = arith.constant 8 : i32
      %scan3A_65 = arith.addi %scan3A_63, %scan3A_64 : i32
      %scan3A_66 = arith.constant 1 : i32
      %scan3A_67:5 = scf.for %scan3A_121 = %scan3A_63 to %scan3A_65 step %scan3A_66 iter_args(%scan3A_122 = %select_n3A_59, %scan3A_123 = %scan3A, %scan3A_124 = %scan3A_60, %scan3A_125 = %scan3A_61, %scan3A_126 = %scan3A_62) -> (i32, i32, i32, i32, i32)  : i32 {
        %eq3A_127 = arith.constant 0 : i32
        %eq3A_128 = arith.cmpi eq, %scan3A_121, %eq3A_127 : i32
        %eq3A_129 = arith.constant 7 : i32
        %eq3A_130 = arith.cmpi eq, %scan3A_121, %eq3A_129 : i32
        %add3A_131 = arith.addi %scan3A_126, %mul3A_6 : i32
        %sub3A_132 = arith.constant 1 : i32
        %sub3A_133 = arith.subi %scan3A_126, %sub3A_132 : i32
        %select_n3A_134 = arith.constant true
        %select_n3A_135 = arith.select %select_n3A_134, %sub3A_133, %scan3A_126 : i32
        %eq3A_136 = arith.constant -1 : i32
        %eq3A_137 = arith.cmpi eq, %select_n3A_135, %eq3A_136 : i32
        %select_n3A_138 = arith.constant 7 : i32
        %select_n3A_139 = arith.select %eq3A_137, %select_n3A_138, %select_n3A_135 : i32
        %add3A_140 = arith.addi %select_n3A_139, %mul3A_6 : i32
        %add3A_141 = arith.constant 1 : i32
        %add3A_142 = arith.addi %scan3A_126, %add3A_141 : i32
        %select_n3A_143 = arith.constant true
        %select_n3A_144 = arith.select %select_n3A_143, %add3A_142, %scan3A_126 : i32
        %eq3A_145 = arith.constant 8 : i32
        %eq3A_146 = arith.cmpi eq, %select_n3A_144, %eq3A_145 : i32
        %select_n3A_147 = arith.constant 0 : i32
        %select_n3A_148 = arith.select %eq3A_146, %select_n3A_147, %select_n3A_144 : i32
        %add3A_149 = arith.addi %select_n3A_148, %mul3A_6 : i32
        %add3A_150 = arith.constant 1 : i32
        %add3A_151 = arith.addi %select_n3A_148, %add3A_150 : i32
        %select_n3A_152 = arith.constant true
        %select_n3A_153 = arith.select %select_n3A_152, %add3A_151, %select_n3A_148 : i32
        %eq3A_154 = arith.constant 8 : i32
        %eq3A_155 = arith.cmpi eq, %select_n3A_153, %eq3A_154 : i32
        %select_n3A_156 = arith.constant 0 : i32
        %select_n3A_157 = arith.select %eq3A_155, %select_n3A_156, %select_n3A_153 : i32
        %add3A_158 = arith.addi %select_n3A_157, %mul3A_6 : i32
        %ne3A = arith.cmpi ne, %add3A_131, %add3A_149 : i32
        %or3A = arith.constant false
        %or3A_159 = arith.ori %or3A, %ne3A : i1
        %ge3A = arith.constant 7 : i32
        %ge3A_160 = arith.cmpi sge, %scan3A_121, %ge3A : i32
        %not3A = arith.constant true
        %not3A_161 = arith.xori %ge3A_160, %not3A : i1
        %and3A = arith.andi %or3A_159, %not3A_161 : i1
        %convert_element_type3A = arith.extui %and3A : i1 to i32
        %cond3A = arith.constant 0 : i32
        %cond3A_162 = arith.cmpi ne, %convert_element_type3A, %cond3A : i32
        scf.if %cond3A_162 {
          "tpu.trace_start"() <{level = 10 : i32, message = "ep_copy_in"}> : () -> ()
          %rem3A_264 = arith.constant 2 : i32
          %rem3A_265 = arith.remui %scan3A_122, %rem3A_264 : i32
          %mul3A_266 = arith.constant 128 : i32
          %mul3A_267 = arith.muli %mul3A_266, %add3A_149 : i32
          %dma_start3A_268 = arith.constant 0 : i32
          %dma_start3A_269 = arith.constant 0 : i32
          %dma_start3A_270 = tpu.memref_slice %run_scoped3A[%rem3A_265, %dma_start3A_268, %dma_start3A_269] : memref<2x1x128xi32, #tpu.memory_space<vmem>> -> memref<1x1x128xi32, #tpu.memory_space<vmem>>
          %dma_start3A_271 = tpu.memref_squeeze %dma_start3A_270 : memref<1x1x128xi32, #tpu.memory_space<vmem>> -> memref<1x128xi32, #tpu.memory_space<vmem>>
          %dma_start3A_272 = arith.constant 0 : i32
          %dma_start3A_273 = tpu.memref_slice %arg3[%dma_start3A_272, %mul3A_267] : memref<1x32768xi32, #tpu.memory_space<hbm>> -> memref<1x128xi32, #tpu.memory_space<hbm>>
          %dma_start3A_274 = tpu.memref_slice %run_scoped3A_7[%rem3A_265] : memref<2x!tpu.dma_semaphore, #tpu.memory_space<semaphore_mem>> -> memref<1x!tpu.dma_semaphore, #tpu.memory_space<semaphore_mem>>
          %dma_start3A_275 = tpu.memref_squeeze %dma_start3A_274 : memref<1x!tpu.dma_semaphore, #tpu.memory_space<semaphore_mem>> -> memref<!tpu.dma_semaphore, #tpu.memory_space<semaphore_mem>>
          %dma_start3A_276 = arith.constant 0 : i32
          %dma_start3A_277 = arith.constant 0 : i32
          %dma_start3A_278 = tpu.memref_slice %run_scoped3A[%rem3A_265, %dma_start3A_276, %dma_start3A_277] : memref<2x1x128xi32, #tpu.memory_space<vmem>> -> memref<1x1x128xi32, #tpu.memory_space<vmem>>
          %dma_start3A_279 = tpu.memref_squeeze %dma_start3A_278 : memref<1x1x128xi32, #tpu.memory_space<vmem>> -> memref<1x128xi32, #tpu.memory_space<vmem>>
          %dma_start3A_280 = arith.constant 0 : i32
          %dma_start3A_281 = tpu.memref_slice %arg3[%dma_start3A_280, %mul3A_267] : memref<1x32768xi32, #tpu.memory_space<hbm>> -> memref<1x128xi32, #tpu.memory_space<hbm>>
          tpu.enqueue_dma source(%dma_start3A_281 : memref<1x128xi32, #tpu.memory_space<hbm>>) target(%dma_start3A_279 : memref<1x128xi32, #tpu.memory_space<vmem>>) target_semaphore(%dma_start3A_275 : memref<!tpu.dma_semaphore, #tpu.memory_space<semaphore_mem>>)
          "tpu.trace_stop"() : () -> ()
        } else {
        }
        %and3A_163 = arith.constant true
        %and3A_164 = arith.andi %and3A, %and3A_163 : i1
        %add3A_165 = arith.constant 1 : i32
        %add3A_166 = arith.addi %scan3A_122, %add3A_165 : i32
        %select_n3A_167 = arith.select %and3A_164, %add3A_166, %scan3A_122 : i32
        %ne3A_168 = arith.cmpi ne, %add3A_131, %add3A_149 : i32
        %or3A_169 = arith.constant false
        %or3A_170 = arith.ori %or3A_169, %ne3A_168 : i1
        %or3A_171 = arith.constant false
        %or3A_172 = arith.ori %or3A_170, %or3A_171 : i1
        %ge3A_173 = arith.constant 7 : i32
        %ge3A_174 = arith.cmpi sge, %scan3A_121, %ge3A_173 : i32
        %not3A_175 = arith.constant true
        %not3A_176 = arith.xori %ge3A_174, %not3A_175 : i1
        %and3A_177 = arith.andi %or3A_172, %not3A_176 : i1
        %ne3A_178 = arith.cmpi ne, %add3A_131, %add3A_140 : i32
        %or3A_179 = arith.constant false
        %or3A_180 = arith.ori %or3A_179, %ne3A_178 : i1
        %or3A_181 = arith.ori %or3A_180, %eq3A_128 : i1
        %convert_element_type3A_182 = arith.extui %or3A_181 : i1 to i32
        %cond3A_183 = arith.constant 0 : i32
        %cond3A_184 = arith.cmpi ne, %convert_element_type3A_182, %cond3A_183 : i32
        scf.if %cond3A_184 {
          "tpu.trace_start"() <{level = 10 : i32, message = "ep_wait_in"}> : () -> ()
          %mul3A_264 = arith.constant 128 : i32
          %mul3A_265 = arith.muli %mul3A_264, %add3A_131 : i32
          %rem3A_266 = arith.constant 2 : i32
          %rem3A_267 = arith.remui %scan3A_123, %rem3A_266 : i32
          %dma_wait3A_268 = arith.constant 0 : i32
          %dma_wait3A_269 = arith.constant 0 : i32
          %dma_wait3A_270 = tpu.memref_slice %run_scoped3A[%rem3A_267, %dma_wait3A_268, %dma_wait3A_269] : memref<2x1x128xi32, #tpu.memory_space<vmem>> -> memref<1x1x128xi32, #tpu.memory_space<vmem>>
          %dma_wait3A_271 = tpu.memref_squeeze %dma_wait3A_270 : memref<1x1x128xi32, #tpu.memory_space<vmem>> -> memref<1x128xi32, #tpu.memory_space<vmem>>
          %dma_wait3A_272 = arith.constant 0 : i32
          %dma_wait3A_273 = tpu.memref_slice %arg3[%dma_wait3A_272, %mul3A_265] : memref<1x32768xi32, #tpu.memory_space<hbm>> -> memref<1x128xi32, #tpu.memory_space<hbm>>
          %dma_wait3A_274 = tpu.memref_slice %run_scoped3A_7[%rem3A_267] : memref<2x!tpu.dma_semaphore, #tpu.memory_space<semaphore_mem>> -> memref<1x!tpu.dma_semaphore, #tpu.memory_space<semaphore_mem>>
          %dma_wait3A_275 = tpu.memref_squeeze %dma_wait3A_274 : memref<1x!tpu.dma_semaphore, #tpu.memory_space<semaphore_mem>> -> memref<!tpu.dma_semaphore, #tpu.memory_space<semaphore_mem>>
          %dma_wait3A_276 = arith.constant 0 : i32
          %dma_wait3A_277 = arith.constant 0 : i32
          %dma_wait3A_278 = tpu.memref_slice %run_scoped3A[%rem3A_267, %dma_wait3A_276, %dma_wait3A_277] : memref<2x1x128xi32, #tpu.memory_space<vmem>> -> memref<1x1x128xi32, #tpu.memory_space<vmem>>
          %dma_wait3A_279 = tpu.memref_squeeze %dma_wait3A_278 : memref<1x1x128xi32, #tpu.memory_space<vmem>> -> memref<1x128xi32, #tpu.memory_space<vmem>>
          %dma_wait3A_280 = arith.constant 0 : i32
          %dma_wait3A_281 = tpu.memref_slice %arg3[%dma_wait3A_280, %mul3A_265] : memref<1x32768xi32, #tpu.memory_space<hbm>> -> memref<1x128xi32, #tpu.memory_space<hbm>>
          tpu.wait_dma2 semaphore(%dma_wait3A_275 : memref<!tpu.dma_semaphore, #tpu.memory_space<semaphore_mem>>) src(%dma_wait3A_281 : memref<1x128xi32, #tpu.memory_space<hbm>>) dst(%dma_wait3A_279 : memref<1x128xi32, #tpu.memory_space<vmem>>)
          "tpu.trace_stop"() : () -> ()
        } else {
        }
        %ne3A_185 = arith.cmpi ne, %add3A_131, %add3A_140 : i32
        %or3A_186 = arith.constant false
        %or3A_187 = arith.ori %or3A_186, %ne3A_185 : i1
        %or3A_188 = arith.constant false
        %or3A_189 = arith.ori %or3A_187, %or3A_188 : i1
        %or3A_190 = arith.ori %or3A_189, %eq3A_128 : i1
        %convert_element_type3A_191 = arith.extui %or3A_190 : i1 to i32
        %cond3A_192 = arith.constant 0 : i32
        %cond3A_193 = arith.cmpi ne, %convert_element_type3A_191, %cond3A_192 : i32
        scf.if %cond3A_193 {
        } else {
        }
        %rem3A_194 = arith.constant 2 : i32
        %rem3A_195 = arith.remui %scan3A_123, %rem3A_194 : i32
        %rem3A_196 = arith.constant 2 : i32
        %rem3A_197 = arith.remui %scan3A_124, %rem3A_196 : i32
        %run_scoped3A_198 = arith.constant 0 : i32
        "tpu.trace_start"() <{level = 10 : i32, message = "ep_run_kernel"}> : () -> ()
        "tpu.region"() ({
          %run_scoped3A_264 = tpu.sem_alloc : memref<!tpu.dma_semaphore, #tpu.memory_space<semaphore_mem>>
          %dma_start3A_265 = arith.constant 0 : i32
          %dma_start3A_266 = arith.constant 0 : i32
          %dma_start3A_267 = tpu.memref_slice %run_scoped3A_8[%rem3A_197, %dma_start3A_265, %dma_start3A_266] : memref<2x128x128xf32, #tpu.memory_space<vmem>> -> memref<1x128x128xf32, #tpu.memory_space<vmem>>
          %dma_start3A_268 = tpu.memref_squeeze %dma_start3A_267 : memref<1x128x128xf32, #tpu.memory_space<vmem>> -> memref<128x128xf32, #tpu.memory_space<vmem>>
          %dma_start3A_269 = arith.constant 0 : i32
          %dma_start3A_270 = arith.constant 0 : i32
          %dma_start3A_271 = tpu.memref_slice %run_scoped3A[%rem3A_195, %dma_start3A_269, %dma_start3A_270] : memref<2x1x128xi32, #tpu.memory_space<vmem>> -> memref<1x1x128xi32, #tpu.memory_space<vmem>>
          %dma_start3A_272 = tpu.memref_squeeze %dma_start3A_271 : memref<1x1x128xi32, #tpu.memory_space<vmem>> -> memref<1x128xi32, #tpu.memory_space<vmem>>
          %dma_start3A_273 = arith.constant 0 : i32
          %dma_start3A_274 = tpu.memref_slice %dma_start3A_272[%run_scoped3A_198, %dma_start3A_273] : memref<1x128xi32, #tpu.memory_space<vmem>> -> memref<1x128xi32, #tpu.memory_space<vmem>>
          %dma_start3A_275 = tpu.memref_squeeze %dma_start3A_274 : memref<1x128xi32, #tpu.memory_space<vmem>> -> memref<128xi32, #tpu.memory_space<vmem>>
          %dma_start3A_276 = arith.constant 0 : i32
          %dma_start3A_277 = arith.constant 0 : i32
          %dma_start3A_278 = tpu.memref_slice %arg2[%dma_start3A_276, %dma_start3A_277] : memref<401408x128xf32, #tpu.memory_space<hbm>> -> memref<401408x128xf32, #tpu.memory_space<hbm>>
          tpu.enqueue_indirect_dma source(%dma_start3A_278 : memref<401408x128xf32, #tpu.memory_space<hbm>>) target(%dma_start3A_268 : memref<128x128xf32, #tpu.memory_space<vmem>>) offsets(%dma_start3A_275 : memref<128xi32, #tpu.memory_space<vmem>>) semaphore(%run_scoped3A_264 : memref<!tpu.dma_semaphore, #tpu.memory_space<semaphore_mem>>)
          %dma_wait3A_279 = arith.constant 0 : i32
          %dma_wait3A_280 = arith.constant 0 : i32
          %dma_wait3A_281 = tpu.memref_slice %run_scoped3A_8[%rem3A_197, %dma_wait3A_279, %dma_wait3A_280] : memref<2x128x128xf32, #tpu.memory_space<vmem>> -> memref<1x128x128xf32, #tpu.memory_space<vmem>>
          %dma_wait3A_282 = tpu.memref_squeeze %dma_wait3A_281 : memref<1x128x128xf32, #tpu.memory_space<vmem>> -> memref<128x128xf32, #tpu.memory_space<vmem>>
          %dma_wait3A_283 = arith.constant 0 : i32
          %dma_wait3A_284 = arith.constant 0 : i32
          %dma_wait3A_285 = tpu.memref_slice %run_scoped3A[%rem3A_195, %dma_wait3A_283, %dma_wait3A_284] : memref<2x1x128xi32, #tpu.memory_space<vmem>> -> memref<1x1x128xi32, #tpu.memory_space<vmem>>
          %dma_wait3A_286 = tpu.memref_squeeze %dma_wait3A_285 : memref<1x1x128xi32, #tpu.memory_space<vmem>> -> memref<1x128xi32, #tpu.memory_space<vmem>>
          %dma_wait3A_287 = arith.constant 0 : i32
          %dma_wait3A_288 = tpu.memref_slice %dma_wait3A_286[%run_scoped3A_198, %dma_wait3A_287] : memref<1x128xi32, #tpu.memory_space<vmem>> -> memref<1x128xi32, #tpu.memory_space<vmem>>
          %dma_wait3A_289 = tpu.memref_squeeze %dma_wait3A_288 : memref<1x128xi32, #tpu.memory_space<vmem>> -> memref<128xi32, #tpu.memory_space<vmem>>
          %dma_wait3A_290 = arith.constant 0 : i32
          %dma_wait3A_291 = arith.constant 0 : i32
          %dma_wait3A_292 = tpu.memref_slice %arg2[%dma_wait3A_290, %dma_wait3A_291] : memref<401408x128xf32, #tpu.memory_space<hbm>> -> memref<401408x128xf32, #tpu.memory_space<hbm>>
          tpu.wait_indirect_dma semaphore(%run_scoped3A_264 : memref<!tpu.dma_semaphore, #tpu.memory_space<semaphore_mem>>) src(%dma_wait3A_292 : memref<401408x128xf32, #tpu.memory_space<hbm>>) dst(%dma_wait3A_282 : memref<128x128xf32, #tpu.memory_space<vmem>>)
          tpu.yield
        }) : () -> ()
        "tpu.trace_stop"() : () -> ()
        %ne3A_199 = arith.cmpi ne, %add3A_131, %add3A_149 : i32
        %or3A_200 = arith.constant false
        %or3A_201 = arith.ori %or3A_200, %ne3A_199 : i1
        %or3A_202 = arith.ori %or3A_201, %eq3A_130 : i1
        %convert_element_type3A_203 = arith.extui %or3A_202 : i1 to i32
        %cond3A_204 = arith.constant 0 : i32
        %cond3A_205 = arith.cmpi ne, %convert_element_type3A_203, %cond3A_204 : i32
        scf.if %cond3A_205 {
        } else {
        }
        %and3A_206 = arith.constant false
        %and3A_207 = arith.andi %or3A_202, %and3A_206 : i1
        %ne3A_208 = arith.cmpi ne, %add3A_131, %add3A_149 : i32
        %or3A_209 = arith.constant false
        %or3A_210 = arith.ori %or3A_209, %ne3A_208 : i1
        %or3A_211 = arith.constant false
        %or3A_212 = arith.ori %or3A_210, %or3A_211 : i1
        %or3A_213 = arith.ori %or3A_212, %eq3A_130 : i1
        %convert_element_type3A_214 = arith.extui %or3A_213 : i1 to i32
        %cond3A_215 = arith.constant 0 : i32
        %cond3A_216 = arith.cmpi ne, %convert_element_type3A_214, %cond3A_215 : i32
        scf.if %cond3A_216 {
          "tpu.trace_start"() <{level = 10 : i32, message = "ep_copy_out"}> : () -> ()
          %rem3A_264 = arith.constant 2 : i32
          %rem3A_265 = arith.remui %scan3A_124, %rem3A_264 : i32
          %mul3A_266 = arith.constant 128 : i32
          %mul3A_267 = arith.muli %mul3A_266, %add3A_131 : i32
          %dma_start3A_268 = arith.constant 0 : i32
          %dma_start3A_269 = arith.constant 0 : i32
          %dma_start3A_270 = tpu.memref_slice %run_scoped3A_8[%rem3A_265, %dma_start3A_268, %dma_start3A_269] : memref<2x128x128xf32, #tpu.memory_space<vmem>> -> memref<1x128x128xf32, #tpu.memory_space<vmem>>
          %dma_start3A_271 = tpu.memref_squeeze %dma_start3A_270 : memref<1x128x128xf32, #tpu.memory_space<vmem>> -> memref<128x128xf32, #tpu.memory_space<vmem>>
          %dma_start3A_272 = arith.constant 0 : i32
          %dma_start3A_273 = tpu.memref_slice %arg4[%mul3A_267, %dma_start3A_272] : memref<32768x128xf32, #tpu.memory_space<hbm>> -> memref<128x128xf32, #tpu.memory_space<hbm>>
          %dma_start3A_274 = tpu.memref_slice %run_scoped3A_9[%rem3A_265] : memref<2x!tpu.dma_semaphore, #tpu.memory_space<semaphore_mem>> -> memref<1x!tpu.dma_semaphore, #tpu.memory_space<semaphore_mem>>
          %dma_start3A_275 = tpu.memref_squeeze %dma_start3A_274 : memref<1x!tpu.dma_semaphore, #tpu.memory_space<semaphore_mem>> -> memref<!tpu.dma_semaphore, #tpu.memory_space<semaphore_mem>>
          %dma_start3A_276 = arith.constant 0 : i32
          %dma_start3A_277 = tpu.memref_slice %arg4[%mul3A_267, %dma_start3A_276] : memref<32768x128xf32, #tpu.memory_space<hbm>> -> memref<128x128xf32, #tpu.memory_space<hbm>>
          %dma_start3A_278 = arith.constant 0 : i32
          %dma_start3A_279 = arith.constant 0 : i32
          %dma_start3A_280 = tpu.memref_slice %run_scoped3A_8[%rem3A_265, %dma_start3A_278, %dma_start3A_279] : memref<2x128x128xf32, #tpu.memory_space<vmem>> -> memref<1x128x128xf32, #tpu.memory_space<vmem>>
          %dma_start3A_281 = tpu.memref_squeeze %dma_start3A_280 : memref<1x128x128xf32, #tpu.memory_space<vmem>> -> memref<128x128xf32, #tpu.memory_space<vmem>>
          tpu.enqueue_dma source(%dma_start3A_281 : memref<128x128xf32, #tpu.memory_space<vmem>>) target(%dma_start3A_277 : memref<128x128xf32, #tpu.memory_space<hbm>>) target_semaphore(%dma_start3A_275 : memref<!tpu.dma_semaphore, #tpu.memory_space<semaphore_mem>>)
          "tpu.trace_stop"() : () -> ()
        } else {
        }
        %and3A_217 = arith.constant true
        %and3A_218 = arith.andi %or3A_213, %and3A_217 : i1
        %add3A_219 = arith.constant 1 : i32
        %add3A_220 = arith.addi %scan3A_124, %add3A_219 : i32
        %select_n3A_221 = arith.select %and3A_218, %add3A_220, %scan3A_124 : i32
        %ne3A_222 = arith.cmpi ne, %add3A_131, %add3A_140 : i32
        %or3A_223 = arith.constant false
        %or3A_224 = arith.ori %or3A_223, %ne3A_222 : i1
        %not3A_225 = arith.constant true
        %not3A_226 = arith.xori %eq3A_128, %not3A_225 : i1
        %and3A_227 = arith.andi %or3A_224, %not3A_226 : i1
        %convert_element_type3A_228 = arith.extui %and3A_227 : i1 to i32
        %cond3A_229 = arith.constant 0 : i32
        %cond3A_230 = arith.cmpi ne, %convert_element_type3A_228, %cond3A_229 : i32
        scf.if %cond3A_230 {
        } else {
        }
        %and3A_231 = arith.constant false
        %and3A_232 = arith.andi %and3A_227, %and3A_231 : i1
        %ne3A_233 = arith.cmpi ne, %add3A_131, %add3A_140 : i32
        %or3A_234 = arith.constant false
        %or3A_235 = arith.ori %or3A_234, %ne3A_233 : i1
        %or3A_236 = arith.constant false
        %or3A_237 = arith.ori %or3A_235, %or3A_236 : i1
        %not3A_238 = arith.constant true
        %not3A_239 = arith.xori %eq3A_128, %not3A_238 : i1
        %and3A_240 = arith.andi %or3A_237, %not3A_239 : i1
        %convert_element_type3A_241 = arith.extui %and3A_240 : i1 to i32
        %cond3A_242 = arith.constant 0 : i32
        %cond3A_243 = arith.cmpi ne, %convert_element_type3A_241, %cond3A_242 : i32
        scf.if %cond3A_243 {
          "tpu.trace_start"() <{level = 10 : i32, message = "ep_wait_out"}> : () -> ()
          %rem3A_264 = arith.constant 2 : i32
          %rem3A_265 = arith.remui %scan3A_125, %rem3A_264 : i32
          %mul3A_266 = arith.constant 128 : i32
          %mul3A_267 = arith.muli %mul3A_266, %add3A_140 : i32
          %dma_wait3A_268 = arith.constant 0 : i32
          %dma_wait3A_269 = arith.constant 0 : i32
          %dma_wait3A_270 = tpu.memref_slice %run_scoped3A_8[%rem3A_265, %dma_wait3A_268, %dma_wait3A_269] : memref<2x128x128xf32, #tpu.memory_space<vmem>> -> memref<1x128x128xf32, #tpu.memory_space<vmem>>
          %dma_wait3A_271 = tpu.memref_squeeze %dma_wait3A_270 : memref<1x128x128xf32, #tpu.memory_space<vmem>> -> memref<128x128xf32, #tpu.memory_space<vmem>>
          %dma_wait3A_272 = arith.constant 0 : i32
          %dma_wait3A_273 = tpu.memref_slice %arg4[%mul3A_267, %dma_wait3A_272] : memref<32768x128xf32, #tpu.memory_space<hbm>> -> memref<128x128xf32, #tpu.memory_space<hbm>>
          %dma_wait3A_274 = tpu.memref_slice %run_scoped3A_9[%rem3A_265] : memref<2x!tpu.dma_semaphore, #tpu.memory_space<semaphore_mem>> -> memref<1x!tpu.dma_semaphore, #tpu.memory_space<semaphore_mem>>
          %dma_wait3A_275 = tpu.memref_squeeze %dma_wait3A_274 : memref<1x!tpu.dma_semaphore, #tpu.memory_space<semaphore_mem>> -> memref<!tpu.dma_semaphore, #tpu.memory_space<semaphore_mem>>
          %dma_wait3A_276 = arith.constant 0 : i32
          %dma_wait3A_277 = tpu.memref_slice %arg4[%mul3A_267, %dma_wait3A_276] : memref<32768x128xf32, #tpu.memory_space<hbm>> -> memref<128x128xf32, #tpu.memory_space<hbm>>
          %dma_wait3A_278 = arith.constant 0 : i32
          %dma_wait3A_279 = arith.constant 0 : i32
          %dma_wait3A_280 = tpu.memref_slice %run_scoped3A_8[%rem3A_265, %dma_wait3A_278, %dma_wait3A_279] : memref<2x128x128xf32, #tpu.memory_space<vmem>> -> memref<1x128x128xf32, #tpu.memory_space<vmem>>
          %dma_wait3A_281 = tpu.memref_squeeze %dma_wait3A_280 : memref<1x128x128xf32, #tpu.memory_space<vmem>> -> memref<128x128xf32, #tpu.memory_space<vmem>>
          tpu.wait_dma2 semaphore(%dma_wait3A_275 : memref<!tpu.dma_semaphore, #tpu.memory_space<semaphore_mem>>) src(%dma_wait3A_281 : memref<128x128xf32, #tpu.memory_space<vmem>>) dst(%dma_wait3A_277 : memref<128x128xf32, #tpu.memory_space<hbm>>)
          "tpu.trace_stop"() : () -> ()
        } else {
        }
        %and3A_244 = arith.constant true
        %and3A_245 = arith.andi %and3A_240, %and3A_244 : i1
        %add3A_246 = arith.constant 1 : i32
        %add3A_247 = arith.addi %scan3A_125, %add3A_246 : i32
        %select_n3A_248 = arith.select %and3A_245, %add3A_247, %scan3A_125 : i32
        %ne3A_249 = arith.cmpi ne, %add3A_131, %add3A_149 : i32
        %or3A_250 = arith.constant false
        %or3A_251 = arith.ori %or3A_250, %ne3A_249 : i1
        %or3A_252 = arith.ori %or3A_251, %eq3A_130 : i1
        %add3A_253 = arith.constant 1 : i32
        %add3A_254 = arith.addi %scan3A_123, %add3A_253 : i32
        %select_n3A_255 = arith.select %or3A_252, %add3A_254, %scan3A_123 : i32
        %add3A_256 = arith.constant 1 : i32
        %add3A_257 = arith.addi %scan3A_126, %add3A_256 : i32
        %select_n3A_258 = arith.constant true
        %select_n3A_259 = arith.select %select_n3A_258, %add3A_257, %scan3A_126 : i32
        %eq3A_260 = arith.constant 8 : i32
        %eq3A_261 = arith.cmpi eq, %select_n3A_259, %eq3A_260 : i32
        %select_n3A_262 = arith.constant 0 : i32
        %select_n3A_263 = arith.select %eq3A_261, %select_n3A_262, %select_n3A_259 : i32
        scf.yield %select_n3A_167, %select_n3A_255, %select_n3A_221, %select_n3A_248, %select_n3A_263 : i32, i32, i32, i32, i32
      }
      %scan3A_68 = arith.constant 8 : i32
      %sub3A = arith.constant 1 : i32
      %sub3A_69 = arith.subi %scan3A_67#4, %sub3A : i32
      %select_n3A_70 = arith.constant true
      %select_n3A_71 = arith.select %select_n3A_70, %sub3A_69, %scan3A_67#4 : i32
      %eq3A_72 = arith.constant -1 : i32
      %eq3A_73 = arith.cmpi eq, %select_n3A_71, %eq3A_72 : i32
      %select_n3A_74 = arith.constant 7 : i32
      %select_n3A_75 = arith.select %eq3A_73, %select_n3A_74, %select_n3A_71 : i32
      %add3A_76 = arith.addi %select_n3A_75, %mul3A_6 : i32
      %sub3A_77 = arith.constant 1 : i32
      %sub3A_78 = arith.subi %select_n3A_75, %sub3A_77 : i32
      %select_n3A_79 = arith.constant true
      %select_n3A_80 = arith.select %select_n3A_79, %sub3A_78, %select_n3A_75 : i32
      %eq3A_81 = arith.constant -1 : i32
      %eq3A_82 = arith.cmpi eq, %select_n3A_80, %eq3A_81 : i32
      %select_n3A_83 = arith.constant 7 : i32
      %select_n3A_84 = arith.select %eq3A_82, %select_n3A_83, %select_n3A_80 : i32
      %add3A_85 = arith.addi %select_n3A_84, %mul3A_6 : i32
      %add3A_86 = arith.constant 1 : i32
      %add3A_87 = arith.addi %select_n3A_75, %add3A_86 : i32
      %select_n3A_88 = arith.constant true
      %select_n3A_89 = arith.select %select_n3A_88, %add3A_87, %select_n3A_75 : i32
      %eq3A_90 = arith.constant 8 : i32
      %eq3A_91 = arith.cmpi eq, %select_n3A_89, %eq3A_90 : i32
      %select_n3A_92 = arith.constant 0 : i32
      %select_n3A_93 = arith.select %eq3A_91, %select_n3A_92, %select_n3A_89 : i32
      %add3A_94 = arith.addi %select_n3A_93, %mul3A_6 : i32
      %add3A_95 = arith.constant 1 : i32
      %add3A_96 = arith.addi %select_n3A_93, %add3A_95 : i32
      %select_n3A_97 = arith.constant true
      %select_n3A_98 = arith.select %select_n3A_97, %add3A_96, %select_n3A_93 : i32
      %eq3A_99 = arith.constant 8 : i32
      %eq3A_100 = arith.cmpi eq, %select_n3A_98, %eq3A_99 : i32
      %select_n3A_101 = arith.constant 0 : i32
      %select_n3A_102 = arith.select %eq3A_100, %select_n3A_101, %select_n3A_98 : i32
      %add3A_103 = arith.addi %select_n3A_102, %mul3A_6 : i32
      "tpu.trace_start"() <{level = 10 : i32, message = "ep_finalize"}> : () -> ()
      %rem3A_104 = arith.constant 2 : i32
      %rem3A_105 = arith.remui %scan3A_67#3, %rem3A_104 : i32
      %mul3A_106 = arith.constant 128 : i32
      %mul3A_107 = arith.muli %mul3A_106, %add3A_76 : i32
      %dma_wait3A = arith.constant 0 : i32
      %dma_wait3A_108 = arith.constant 0 : i32
      %dma_wait3A_109 = tpu.memref_slice %run_scoped3A_8[%rem3A_105, %dma_wait3A, %dma_wait3A_108] : memref<2x128x128xf32, #tpu.memory_space<vmem>> -> memref<1x128x128xf32, #tpu.memory_space<vmem>>
      %dma_wait3A_110 = tpu.memref_squeeze %dma_wait3A_109 : memref<1x128x128xf32, #tpu.memory_space<vmem>> -> memref<128x128xf32, #tpu.memory_space<vmem>>
      %dma_wait3A_111 = arith.constant 0 : i32
      %dma_wait3A_112 = tpu.memref_slice %arg4[%mul3A_107, %dma_wait3A_111] : memref<32768x128xf32, #tpu.memory_space<hbm>> -> memref<128x128xf32, #tpu.memory_space<hbm>>
      %dma_wait3A_113 = tpu.memref_slice %run_scoped3A_9[%rem3A_105] : memref<2x!tpu.dma_semaphore, #tpu.memory_space<semaphore_mem>> -> memref<1x!tpu.dma_semaphore, #tpu.memory_space<semaphore_mem>>
      %dma_wait3A_114 = tpu.memref_squeeze %dma_wait3A_113 : memref<1x!tpu.dma_semaphore, #tpu.memory_space<semaphore_mem>> -> memref<!tpu.dma_semaphore, #tpu.memory_space<semaphore_mem>>
      %dma_wait3A_115 = arith.constant 0 : i32
      %dma_wait3A_116 = tpu.memref_slice %arg4[%mul3A_107, %dma_wait3A_115] : memref<32768x128xf32, #tpu.memory_space<hbm>> -> memref<128x128xf32, #tpu.memory_space<hbm>>
      %dma_wait3A_117 = arith.constant 0 : i32
      %dma_wait3A_118 = arith.constant 0 : i32
      %dma_wait3A_119 = tpu.memref_slice %run_scoped3A_8[%rem3A_105, %dma_wait3A_117, %dma_wait3A_118] : memref<2x128x128xf32, #tpu.memory_space<vmem>> -> memref<1x128x128xf32, #tpu.memory_space<vmem>>
      %dma_wait3A_120 = tpu.memref_squeeze %dma_wait3A_119 : memref<1x128x128xf32, #tpu.memory_space<vmem>> -> memref<128x128xf32, #tpu.memory_space<vmem>>
      tpu.wait_dma2 semaphore(%dma_wait3A_114 : memref<!tpu.dma_semaphore, #tpu.memory_space<semaphore_mem>>) src(%dma_wait3A_120 : memref<128x128xf32, #tpu.memory_space<vmem>>) dst(%dma_wait3A_116 : memref<128x128xf32, #tpu.memory_space<hbm>>)
      "tpu.trace_stop"() : () -> ()
      tpu.yield
    }) : () -> ()
    return
  }
}

module attributes {stable_mosaic.version = 14 : i64} {
  func.func @_dist_body(%arg0: i32, %arg1: memref<512x64xf32, #tpu.memory_space<vmem>>, %arg2: memref<64x2048xf32, #tpu.memory_space<vmem>>, %arg3: memref<512x2048xf32, #tpu.memory_space<vmem>>, %arg4: memref<1x512x16xf32, #tpu.memory_space<vmem>>) attributes {dimension_semantics = [#tpu.dimension_semantics<arbitrary>], iteration_bounds = array<i64: 49>, scalar_prefetch = 0 : i64, scratch_operands = 0 : i64, tpu.core_type = #tpu.core_type<tc>, window_params = [{pipeline_mode = #tpu.pipeline_mode<synchronous>, transform_indices = @transform_0, window_bounds = array<i64: 512, 64>}, {transform_indices = @transform_1, window_bounds = array<i64: 64, 2048>}, {transform_indices = @transform_2, window_bounds = array<i64: 512, 2048>}, {transform_indices = @transform_3, window_bounds = array<i64: 1, 512, 16>}]} {
    %get3A = arith.constant 0 : index
    %get3A_0 = arith.constant 0 : index
    %get3A_1 = vector.load %arg1[%get3A, %get3A_0] : memref<512x64xf32, #tpu.memory_space<vmem>>, vector<512x64xf32>
    %get3A_2 = arith.constant 0 : index
    %get3A_3 = arith.constant 0 : index
    %get3A_4 = vector.load %arg2[%get3A_2, %get3A_3] : memref<64x2048xf32, #tpu.memory_space<vmem>>, vector<64x2048xf32>
    %dot_general3A = arith.constant dense<0.000000e+00> : vector<512x2048xf32>
    %dot_general3A_5 = tpu.matmul %get3A_1, %get3A_4, %dot_general3A {dimension_numbers = #tpu.dot_dimension_numbers<[1], [0], [0], [1], [0, 0, 1, 1], [], []>, transpose_lhs_hint = false} : vector<512x64xf32>, vector<64x2048xf32>, vector<512x2048xf32> -> vector<512x2048xf32>
    %mul3A = arith.mulf %get3A_1, %get3A_1 : vector<512x64xf32>
    %reduce_sum3A = arith.constant dense<0.000000e+00> : vector<512xf32>
    %reduce_sum3A_6 = vector.multi_reduction <add>, %mul3A, %reduce_sum3A [1] : vector<512x64xf32> to vector<512xf32>
    %broadcast_in_dim3A = vector.shape_cast %reduce_sum3A_6 : vector<512xf32> to vector<512x1xf32>
    %mul3A_7 = arith.mulf %get3A_4, %get3A_4 : vector<64x2048xf32>
    %reduce_sum3A_8 = arith.constant dense<0.000000e+00> : vector<2048xf32>
    %reduce_sum3A_9 = vector.multi_reduction <add>, %mul3A_7, %reduce_sum3A_8 [0] : vector<64x2048xf32> to vector<2048xf32>
    %broadcast_in_dim3A_10 = vector.shape_cast %reduce_sum3A_9 : vector<2048xf32> to vector<1x2048xf32>
    %mul3A_11 = arith.constant 2.000000e+00 : f32
    %mul3A_12 = vector.broadcast %mul3A_11 : f32 to vector<512x2048xf32>
    %mul3A_13 = arith.mulf %mul3A_12, %dot_general3A_5 : vector<512x2048xf32>
    %sub3A = vector.broadcast %broadcast_in_dim3A : vector<512x1xf32> to vector<512x2048xf32>
    %sub3A_14 = arith.subf %sub3A, %mul3A_13 : vector<512x2048xf32>
    %add3A = vector.broadcast %broadcast_in_dim3A_10 : vector<1x2048xf32> to vector<512x2048xf32>
    %add3A_15 = arith.addf %sub3A_14, %add3A : vector<512x2048xf32>
    %iota3A = tpu.iota {dimensions = array<i32: 1>} : vector<1x2048xi32>
    %mul3A_16 = arith.constant 2048 : i32
    %mul3A_17 = arith.muli %arg0, %mul3A_16 : i32
    %add3A_18 = vector.broadcast %mul3A_17 : i32 to vector<1x2048xi32>
    %add3A_19 = arith.addi %iota3A, %add3A_18 : vector<1x2048xi32>
    %lt3A = arith.constant 100000 : i32
    %lt3A_20 = vector.broadcast %lt3A : i32 to vector<1x2048xi32>
    %lt3A_21 = arith.cmpi slt, %add3A_19, %lt3A_20 : vector<1x2048xi32>
    %jit3A = arith.constant 0x7F800000 : f32
    %broadcast_in_dim3A_22 = vector.shape_cast %lt3A_21 : vector<1x2048xi1> to vector<1x2048xi1>
    %broadcast_in_dim3A_23 = vector.broadcast %broadcast_in_dim3A_22 : vector<1x2048xi1> to vector<512x2048xi1>
    %broadcast_in_dim3A_24 = vector.broadcast %jit3A : f32 to vector<512x2048xf32>
    %select_n3A = arith.select %broadcast_in_dim3A_23, %add3A_15, %broadcast_in_dim3A_24 : vector<512x2048xi1>, vector<512x2048xf32>
    %swap3A = arith.constant 0 : index
    %swap3A_25 = arith.constant 0 : index
    %swap3A_26 = vector.load %arg3[%swap3A, %swap3A_25] : memref<512x2048xf32, #tpu.memory_space<vmem>>, vector<512x2048xf32>
    tpu.vector_store %arg3[%swap3A, %swap3A_25], %select_n3A {strides = array<i32>} : memref<512x2048xf32, #tpu.memory_space<vmem>>, vector<512x2048xf32>,
    %reshape3A = vector.shape_cast %select_n3A : vector<512x2048xf32> to vector<512x16x128xf32>
    %reduce_min3A = arith.constant dense<0x7F800000> : vector<512x16xf32>
    %reduce_min3A_27 = vector.multi_reduction <minimumf>, %reshape3A, %reduce_min3A [2] : vector<512x16x128xf32> to vector<512x16xf32>
    %broadcast_in_dim3A_28 = vector.shape_cast %reduce_min3A_27 : vector<512x16xf32> to vector<1x512x16xf32>
    %swap3A_29 = arith.constant 0 : index
    %swap3A_30 = arith.constant 0 : index
    %swap3A_31 = arith.constant 0 : index
    %swap3A_32 = vector.load %arg4[%swap3A_29, %swap3A_30, %swap3A_31] : memref<1x512x16xf32, #tpu.memory_space<vmem>>, vector<1x512x16xf32>
    tpu.vector_store %arg4[%swap3A_29, %swap3A_30, %swap3A_31], %broadcast_in_dim3A_28 {strides = array<i32>} : memref<1x512x16xf32, #tpu.memory_space<vmem>>, vector<1x512x16xf32>,
    return
  }
  func.func @transform_0(%arg0: i32) -> (i32, i32) {
    %c0_i32 = arith.constant 0 : i32
    %c0_i32_0 = arith.constant 0 : i32
    %c0_i32_1 = arith.constant 0 : i32
    return %c0_i32, %c0_i32_0 : i32, i32
  }
  func.func @transform_1(%arg0: i32) -> (i32, i32) {
    %c0_i32 = arith.constant 0 : i32
    %c0_i32_0 = arith.constant 0 : i32
    return %c0_i32, %arg0 : i32, i32
  }
  func.func @transform_2(%arg0: i32) -> (i32, i32) {
    %c0_i32 = arith.constant 0 : i32
    %c0_i32_0 = arith.constant 0 : i32
    return %c0_i32, %arg0 : i32, i32
  }
  func.func @transform_3(%arg0: i32) -> (i32, i32, i32) {
    %c0_i32 = arith.constant 0 : i32
    %c0_i32_0 = arith.constant 0 : i32
    %c0_i32_1 = arith.constant 0 : i32
    return %arg0, %c0_i32, %c0_i32_0 : i32, i32, i32
  }
}

module attributes {stable_mosaic.version = 14 : i64} {
  func.func @_topk_body(%arg0: i32, %arg1: memref<1024x512xf32, #tpu.memory_space<vmem>>, %arg2: memref<1024x512xi32, #tpu.memory_space<vmem>>, %arg3: memref<64x512xi32, #tpu.memory_space<vmem>>) attributes {dimension_semantics = [#tpu.dimension_semantics<arbitrary>], iteration_bounds = array<i64: 1>, scalar_prefetch = 0 : i64, scratch_operands = 0 : i64, tpu.core_type = #tpu.core_type<tc>, window_params = [{transform_indices = @transform_0, window_bounds = array<i64: 1024, 512>}, {transform_indices = @transform_1, window_bounds = array<i64: 1024, 512>}, {transform_indices = @transform_2, window_bounds = array<i64: 64, 512>}]} {
    %broadcast_in_dim3A = arith.constant 0x7F800000 : f32
    %broadcast_in_dim3A_0 = vector.broadcast %broadcast_in_dim3A : f32 to vector<64x512xf32>
    %broadcast_in_dim3A_1 = arith.constant 1073741824 : i32
    %broadcast_in_dim3A_2 = vector.broadcast %broadcast_in_dim3A_1 : i32 to vector<64x512xi32>
    %scan3A = arith.constant 0 : i32
    %scan3A_3 = arith.constant 4 : i32
    %scan3A_4 = arith.addi %scan3A, %scan3A_3 : i32
    %scan3A_5 = arith.constant 1 : i32
    %scan3A_6:2 = scf.for %scan3A_10 = %scan3A to %scan3A_4 step %scan3A_5 iter_args(%scan3A_11 = %broadcast_in_dim3A_0, %scan3A_12 = %broadcast_in_dim3A_2) -> (vector<64x512xf32>, vector<64x512xi32>)  : i32 {
      %mul3A = arith.constant 256 : i32
      %mul3A_13 = arith.muli %scan3A_10, %mul3A : i32
      %get3A = arith.index_cast %mul3A_13 : i32 to index
      %get3A_14 = arith.constant 0 : index
      %get3A_15 = vector.load %arg1[%get3A, %get3A_14] : memref<1024x512xf32, #tpu.memory_space<vmem>>, vector<256x512xf32>
      %get3A_16 = arith.index_cast %mul3A_13 : i32 to index
      %get3A_17 = arith.constant 0 : index
      %get3A_18 = vector.load %arg2[%get3A_16, %get3A_17] : memref<1024x512xi32, #tpu.memory_space<vmem>>, vector<256x512xi32>
      %reshape3A = vector.shape_cast %get3A_15 : vector<256x512xf32> to vector<128x2x1x512xf32>
      %reshape3A_19 = vector.shape_cast %get3A_18 : vector<256x512xi32> to vector<128x2x1x512xi32>
      %slice3A = vector.extract_strided_slice %reshape3A {offsets = [0, 0, 0, 0], sizes = [128, 1, 1, 512], strides = [1, 1, 1, 1]} : vector<128x2x1x512xf32> to vector<128x1x1x512xf32>
      %squeeze3A = vector.shape_cast %slice3A : vector<128x1x1x512xf32> to vector<128x1x512xf32>
      %slice3A_20 = vector.extract_strided_slice %reshape3A {offsets = [0, 1, 0, 0], sizes = [128, 1, 1, 512], strides = [1, 1, 1, 1]} : vector<128x2x1x512xf32> to vector<128x1x1x512xf32>
      %squeeze3A_21 = vector.shape_cast %slice3A_20 : vector<128x1x1x512xf32> to vector<128x1x512xf32>
      %slice3A_22 = vector.extract_strided_slice %reshape3A_19 {offsets = [0, 0, 0, 0], sizes = [128, 1, 1, 512], strides = [1, 1, 1, 1]} : vector<128x2x1x512xi32> to vector<128x1x1x512xi32>
      %squeeze3A_23 = vector.shape_cast %slice3A_22 : vector<128x1x1x512xi32> to vector<128x1x512xi32>
      %slice3A_24 = vector.extract_strided_slice %reshape3A_19 {offsets = [0, 1, 0, 0], sizes = [128, 1, 1, 512], strides = [1, 1, 1, 1]} : vector<128x2x1x512xi32> to vector<128x1x1x512xi32>
      %squeeze3A_25 = vector.shape_cast %slice3A_24 : vector<128x1x1x512xi32> to vector<128x1x512xi32>
      %lt3A = arith.cmpf olt, %squeeze3A_21, %squeeze3A : vector<128x1x512xf32>
      %eq3A = arith.cmpf oeq, %squeeze3A_21, %squeeze3A : vector<128x1x512xf32>
      %lt3A_26 = arith.cmpi slt, %squeeze3A_25, %squeeze3A_23 : vector<128x1x512xi32>
      %and3A = arith.andi %eq3A, %lt3A_26 : vector<128x1x512xi1>
      %or3A = arith.ori %lt3A, %and3A : vector<128x1x512xi1>
      %select_n3A = arith.select %or3A, %squeeze3A_21, %squeeze3A : vector<128x1x512xi1>, vector<128x1x512xf32>
      %select_n3A_27 = arith.select %or3A, %squeeze3A_25, %squeeze3A_23 : vector<128x1x512xi1>, vector<128x1x512xi32>
      %select_n3A_28 = arith.select %or3A, %squeeze3A, %squeeze3A_21 : vector<128x1x512xi1>, vector<128x1x512xf32>
      %select_n3A_29 = arith.select %or3A, %squeeze3A_23, %squeeze3A_25 : vector<128x1x512xi1>, vector<128x1x512xi32>
      %reshape3A_30 = vector.shape_cast %select_n3A_28 : vector<128x1x512xf32> to vector<64x2x1x1x512xf32>
      %reshape3A_31 = vector.shape_cast %select_n3A : vector<128x1x512xf32> to vector<64x2x1x1x512xf32>
      %slice3A_32 = vector.extract_strided_slice %reshape3A_30 {offsets = [0, 0, 0, 0, 0], sizes = [64, 1, 1, 1, 512], strides = [1, 1, 1, 1, 1]} : vector<64x2x1x1x512xf32> to vector<64x1x1x1x512xf32>
      %slice3A_33 = vector.extract_strided_slice %reshape3A_31 {offsets = [0, 1, 0, 0, 0], sizes = [64, 1, 1, 1, 512], strides = [1, 1, 1, 1, 1]} : vector<64x2x1x1x512xf32> to vector<64x1x1x1x512xf32>
      %concatenate3A = tpu.concatenate %slice3A_32, %slice3A_33 in 1 : vector<64x1x1x1x512xf32>, vector<64x1x1x1x512xf32> -> vector<64x2x1x1x512xf32>
      %reshape3A_34 = vector.shape_cast %concatenate3A : vector<64x2x1x1x512xf32> to vector<128x1x512xf32>
      %reshape3A_35 = vector.shape_cast %select_n3A_29 : vector<128x1x512xi32> to vector<64x2x1x1x512xi32>
      %reshape3A_36 = vector.shape_cast %select_n3A_27 : vector<128x1x512xi32> to vector<64x2x1x1x512xi32>
      %slice3A_37 = vector.extract_strided_slice %reshape3A_35 {offsets = [0, 0, 0, 0, 0], sizes = [64, 1, 1, 1, 512], strides = [1, 1, 1, 1, 1]} : vector<64x2x1x1x512xi32> to vector<64x1x1x1x512xi32>
      %slice3A_38 = vector.extract_strided_slice %reshape3A_36 {offsets = [0, 1, 0, 0, 0], sizes = [64, 1, 1, 1, 512], strides = [1, 1, 1, 1, 1]} : vector<64x2x1x1x512xi32> to vector<64x1x1x1x512xi32>
      %concatenate3A_39 = tpu.concatenate %slice3A_37, %slice3A_38 in 1 : vector<64x1x1x1x512xi32>, vector<64x1x1x1x512xi32> -> vector<64x2x1x1x512xi32>
      %reshape3A_40 = vector.shape_cast %concatenate3A_39 : vector<64x2x1x1x512xi32> to vector<128x1x512xi32>
      %reshape3A_41 = vector.shape_cast %select_n3A : vector<128x1x512xf32> to vector<64x2x1x1x512xf32>
      %reshape3A_42 = vector.shape_cast %select_n3A_28 : vector<128x1x512xf32> to vector<64x2x1x1x512xf32>
      %slice3A_43 = vector.extract_strided_slice %reshape3A_41 {offsets = [0, 0, 0, 0, 0], sizes = [64, 1, 1, 1, 512], strides = [1, 1, 1, 1, 1]} : vector<64x2x1x1x512xf32> to vector<64x1x1x1x512xf32>
      %slice3A_44 = vector.extract_strided_slice %reshape3A_42 {offsets = [0, 1, 0, 0, 0], sizes = [64, 1, 1, 1, 512], strides = [1, 1, 1, 1, 1]} : vector<64x2x1x1x512xf32> to vector<64x1x1x1x512xf32>
      %concatenate3A_45 = tpu.concatenate %slice3A_43, %slice3A_44 in 1 : vector<64x1x1x1x512xf32>, vector<64x1x1x1x512xf32> -> vector<64x2x1x1x512xf32>
      %reshape3A_46 = vector.shape_cast %concatenate3A_45 : vector<64x2x1x1x512xf32> to vector<128x1x512xf32>
      %reshape3A_47 = vector.shape_cast %select_n3A_27 : vector<128x1x512xi32> to vector<64x2x1x1x512xi32>
      %reshape3A_48 = vector.shape_cast %select_n3A_29 : vector<128x1x512xi32> to vector<64x2x1x1x512xi32>
      %slice3A_49 = vector.extract_strided_slice %reshape3A_47 {offsets = [0, 0, 0, 0, 0], sizes = [64, 1, 1, 1, 512], strides = [1, 1, 1, 1, 1]} : vector<64x2x1x1x512xi32> to vector<64x1x1x1x512xi32>
      %slice3A_50 = vector.extract_strided_slice %reshape3A_48 {offsets = [0, 1, 0, 0, 0], sizes = [64, 1, 1, 1, 512], strides = [1, 1, 1, 1, 1]} : vector<64x2x1x1x512xi32> to vector<64x1x1x1x512xi32>
      %concatenate3A_51 = tpu.concatenate %slice3A_49, %slice3A_50 in 1 : vector<64x1x1x1x512xi32>, vector<64x1x1x1x512xi32> -> vector<64x2x1x1x512xi32>
      %reshape3A_52 = vector.shape_cast %concatenate3A_51 : vector<64x2x1x1x512xi32> to vector<128x1x512xi32>
      %reshape3A_53 = vector.shape_cast %reshape3A_34 : vector<128x1x512xf32> to vector<128x1x1x512xf32>
      %reshape3A_54 = vector.shape_cast %reshape3A_46 : vector<128x1x512xf32> to vector<128x1x1x512xf32>
      %concatenate3A_55 = tpu.concatenate %reshape3A_53, %reshape3A_54 in 1 : vector<128x1x1x512xf32>, vector<128x1x1x512xf32> -> vector<128x2x1x512xf32>
      %reshape3A_56 = vector.shape_cast %concatenate3A_55 : vector<128x2x1x512xf32> to vector<256x512xf32>
      %reshape3A_57 = vector.shape_cast %reshape3A_40 : vector<128x1x512xi32> to vector<128x1x1x512xi32>
      %reshape3A_58 = vector.shape_cast %reshape3A_52 : vector<128x1x512xi32> to vector<128x1x1x512xi32>
      %concatenate3A_59 = tpu.concatenate %reshape3A_57, %reshape3A_58 in 1 : vector<128x1x1x512xi32>, vector<128x1x1x512xi32> -> vector<128x2x1x512xi32>
      %reshape3A_60 = vector.shape_cast %concatenate3A_59 : vector<128x2x1x512xi32> to vector<256x512xi32>
      %reshape3A_61 = vector.shape_cast %reshape3A_56 : vector<256x512xf32> to vector<64x2x2x512xf32>
      %reshape3A_62 = vector.shape_cast %reshape3A_60 : vector<256x512xi32> to vector<64x2x2x512xi32>
      %slice3A_63 = vector.extract_strided_slice %reshape3A_61 {offsets = [0, 0, 0, 0], sizes = [64, 1, 2, 512], strides = [1, 1, 1, 1]} : vector<64x2x2x512xf32> to vector<64x1x2x512xf32>
      %squeeze3A_64 = vector.shape_cast %slice3A_63 : vector<64x1x2x512xf32> to vector<64x2x512xf32>
      %slice3A_65 = vector.extract_strided_slice %reshape3A_61 {offsets = [0, 1, 0, 0], sizes = [64, 1, 2, 512], strides = [1, 1, 1, 1]} : vector<64x2x2x512xf32> to vector<64x1x2x512xf32>
      %squeeze3A_66 = vector.shape_cast %slice3A_65 : vector<64x1x2x512xf32> to vector<64x2x512xf32>
      %slice3A_67 = vector.extract_strided_slice %reshape3A_62 {offsets = [0, 0, 0, 0], sizes = [64, 1, 2, 512], strides = [1, 1, 1, 1]} : vector<64x2x2x512xi32> to vector<64x1x2x512xi32>
      %squeeze3A_68 = vector.shape_cast %slice3A_67 : vector<64x1x2x512xi32> to vector<64x2x512xi32>
      %slice3A_69 = vector.extract_strided_slice %reshape3A_62 {offsets = [0, 1, 0, 0], sizes = [64, 1, 2, 512], strides = [1, 1, 1, 1]} : vector<64x2x2x512xi32> to vector<64x1x2x512xi32>
      %squeeze3A_70 = vector.shape_cast %slice3A_69 : vector<64x1x2x512xi32> to vector<64x2x512xi32>
      %lt3A_71 = arith.cmpf olt, %squeeze3A_66, %squeeze3A_64 : vector<64x2x512xf32>
      %eq3A_72 = arith.cmpf oeq, %squeeze3A_66, %squeeze3A_64 : vector<64x2x512xf32>
      %lt3A_73 = arith.cmpi slt, %squeeze3A_70, %squeeze3A_68 : vector<64x2x512xi32>
      %and3A_74 = arith.andi %eq3A_72, %lt3A_73 : vector<64x2x512xi1>
      %or3A_75 = arith.ori %lt3A_71, %and3A_74 : vector<64x2x512xi1>
      %select_n3A_76 = arith.select %or3A_75, %squeeze3A_66, %squeeze3A_64 : vector<64x2x512xi1>, vector<64x2x512xf32>
      %select_n3A_77 = arith.select %or3A_75, %squeeze3A_70, %squeeze3A_68 : vector<64x2x512xi1>, vector<64x2x512xi32>
      %select_n3A_78 = arith.select %or3A_75, %squeeze3A_64, %squeeze3A_66 : vector<64x2x512xi1>, vector<64x2x512xf32>
      %select_n3A_79 = arith.select %or3A_75, %squeeze3A_68, %squeeze3A_70 : vector<64x2x512xi1>, vector<64x2x512xi32>
      %reshape3A_80 = vector.shape_cast %select_n3A_78 : vector<64x2x512xf32> to vector<32x2x1x2x512xf32>
      %reshape3A_81 = vector.shape_cast %select_n3A_76 : vector<64x2x512xf32> to vector<32x2x1x2x512xf32>
      %slice3A_82 = vector.extract_strided_slice %reshape3A_80 {offsets = [0, 0, 0, 0, 0], sizes = [32, 1, 1, 2, 512], strides = [1, 1, 1, 1, 1]} : vector<32x2x1x2x512xf32> to vector<32x1x1x2x512xf32>
      %slice3A_83 = vector.extract_strided_slice %reshape3A_81 {offsets = [0, 1, 0, 0, 0], sizes = [32, 1, 1, 2, 512], strides = [1, 1, 1, 1, 1]} : vector<32x2x1x2x512xf32> to vector<32x1x1x2x512xf32>
      %concatenate3A_84 = tpu.concatenate %slice3A_82, %slice3A_83 in 1 : vector<32x1x1x2x512xf32>, vector<32x1x1x2x512xf32> -> vector<32x2x1x2x512xf32>
      %reshape3A_85 = vector.shape_cast %concatenate3A_84 : vector<32x2x1x2x512xf32> to vector<64x2x512xf32>
      %reshape3A_86 = vector.shape_cast %select_n3A_79 : vector<64x2x512xi32> to vector<32x2x1x2x512xi32>
      %reshape3A_87 = vector.shape_cast %select_n3A_77 : vector<64x2x512xi32> to vector<32x2x1x2x512xi32>
      %slice3A_88 = vector.extract_strided_slice %reshape3A_86 {offsets = [0, 0, 0, 0, 0], sizes = [32, 1, 1, 2, 512], strides = [1, 1, 1, 1, 1]} : vector<32x2x1x2x512xi32> to vector<32x1x1x2x512xi32>
      %slice3A_89 = vector.extract_strided_slice %reshape3A_87 {offsets = [0, 1, 0, 0, 0], sizes = [32, 1, 1, 2, 512], strides = [1, 1, 1, 1, 1]} : vector<32x2x1x2x512xi32> to vector<32x1x1x2x512xi32>
      %concatenate3A_90 = tpu.concatenate %slice3A_88, %slice3A_89 in 1 : vector<32x1x1x2x512xi32>, vector<32x1x1x2x512xi32> -> vector<32x2x1x2x512xi32>
      %reshape3A_91 = vector.shape_cast %concatenate3A_90 : vector<32x2x1x2x512xi32> to vector<64x2x512xi32>
      %reshape3A_92 = vector.shape_cast %select_n3A_76 : vector<64x2x512xf32> to vector<32x2x1x2x512xf32>
      %reshape3A_93 = vector.shape_cast %select_n3A_78 : vector<64x2x512xf32> to vector<32x2x1x2x512xf32>
      %slice3A_94 = vector.extract_strided_slice %reshape3A_92 {offsets = [0, 0, 0, 0, 0], sizes = [32, 1, 1, 2, 512], strides = [1, 1, 1, 1, 1]} : vector<32x2x1x2x512xf32> to vector<32x1x1x2x512xf32>
      %slice3A_95 = vector.extract_strided_slice %reshape3A_93 {offsets = [0, 1, 0, 0, 0], sizes = [32, 1, 1, 2, 512], strides = [1, 1, 1, 1, 1]} : vector<32x2x1x2x512xf32> to vector<32x1x1x2x512xf32>
      %concatenate3A_96 = tpu.concatenate %slice3A_94, %slice3A_95 in 1 : vector<32x1x1x2x512xf32>, vector<32x1x1x2x512xf32> -> vector<32x2x1x2x512xf32>
      %reshape3A_97 = vector.shape_cast %concatenate3A_96 : vector<32x2x1x2x512xf32> to vector<64x2x512xf32>
      %reshape3A_98 = vector.shape_cast %select_n3A_77 : vector<64x2x512xi32> to vector<32x2x1x2x512xi32>
      %reshape3A_99 = vector.shape_cast %select_n3A_79 : vector<64x2x512xi32> to vector<32x2x1x2x512xi32>
      %slice3A_100 = vector.extract_strided_slice %reshape3A_98 {offsets = [0, 0, 0, 0, 0], sizes = [32, 1, 1, 2, 512], strides = [1, 1, 1, 1, 1]} : vector<32x2x1x2x512xi32> to vector<32x1x1x2x512xi32>
      %slice3A_101 = vector.extract_strided_slice %reshape3A_99 {offsets = [0, 1, 0, 0, 0], sizes = [32, 1, 1, 2, 512], strides = [1, 1, 1, 1, 1]} : vector<32x2x1x2x512xi32> to vector<32x1x1x2x512xi32>
      %concatenate3A_102 = tpu.concatenate %slice3A_100, %slice3A_101 in 1 : vector<32x1x1x2x512xi32>, vector<32x1x1x2x512xi32> -> vector<32x2x1x2x512xi32>
      %reshape3A_103 = vector.shape_cast %concatenate3A_102 : vector<32x2x1x2x512xi32> to vector<64x2x512xi32>
      %reshape3A_104 = vector.shape_cast %reshape3A_85 : vector<64x2x512xf32> to vector<64x1x2x512xf32>
      %reshape3A_105 = vector.shape_cast %reshape3A_97 : vector<64x2x512xf32> to vector<64x1x2x512xf32>
      %concatenate3A_106 = tpu.concatenate %reshape3A_104, %reshape3A_105 in 1 : vector<64x1x2x512xf32>, vector<64x1x2x512xf32> -> vector<64x2x2x512xf32>
      %reshape3A_107 = vector.shape_cast %concatenate3A_106 : vector<64x2x2x512xf32> to vector<256x512xf32>
      %reshape3A_108 = vector.shape_cast %reshape3A_91 : vector<64x2x512xi32> to vector<64x1x2x512xi32>
      %reshape3A_109 = vector.shape_cast %reshape3A_103 : vector<64x2x512xi32> to vector<64x1x2x512xi32>
      %concatenate3A_110 = tpu.concatenate %reshape3A_108, %reshape3A_109 in 1 : vector<64x1x2x512xi32>, vector<64x1x2x512xi32> -> vector<64x2x2x512xi32>
      %reshape3A_111 = vector.shape_cast %concatenate3A_110 : vector<64x2x2x512xi32> to vector<256x512xi32>
      %reshape3A_112 = vector.shape_cast %reshape3A_107 : vector<256x512xf32> to vector<128x2x1x512xf32>
      %reshape3A_113 = vector.shape_cast %reshape3A_111 : vector<256x512xi32> to vector<128x2x1x512xi32>
      %slice3A_114 = vector.extract_strided_slice %reshape3A_112 {offsets = [0, 0, 0, 0], sizes = [128, 1, 1, 512], strides = [1, 1, 1, 1]} : vector<128x2x1x512xf32> to vector<128x1x1x512xf32>
      %squeeze3A_115 = vector.shape_cast %slice3A_114 : vector<128x1x1x512xf32> to vector<128x1x512xf32>
      %slice3A_116 = vector.extract_strided_slice %reshape3A_112 {offsets = [0, 1, 0, 0], sizes = [128, 1, 1, 512], strides = [1, 1, 1, 1]} : vector<128x2x1x512xf32> to vector<128x1x1x512xf32>
      %squeeze3A_117 = vector.shape_cast %slice3A_116 : vector<128x1x1x512xf32> to vector<128x1x512xf32>
      %slice3A_118 = vector.extract_strided_slice %reshape3A_113 {offsets = [0, 0, 0, 0], sizes = [128, 1, 1, 512], strides = [1, 1, 1, 1]} : vector<128x2x1x512xi32> to vector<128x1x1x512xi32>
      %squeeze3A_119 = vector.shape_cast %slice3A_118 : vector<128x1x1x512xi32> to vector<128x1x512xi32>
      %slice3A_120 = vector.extract_strided_slice %reshape3A_113 {offsets = [0, 1, 0, 0], sizes = [128, 1, 1, 512], strides = [1, 1, 1, 1]} : vector<128x2x1x512xi32> to vector<128x1x1x512xi32>
      %squeeze3A_121 = vector.shape_cast %slice3A_120 : vector<128x1x1x512xi32> to vector<128x1x512xi32>
      %lt3A_122 = arith.cmpf olt, %squeeze3A_117, %squeeze3A_115 : vector<128x1x512xf32>
      %eq3A_123 = arith.cmpf oeq, %squeeze3A_117, %squeeze3A_115 : vector<128x1x512xf32>
      %lt3A_124 = arith.cmpi slt, %squeeze3A_121, %squeeze3A_119 : vector<128x1x512xi32>
      %and3A_125 = arith.andi %eq3A_123, %lt3A_124 : vector<128x1x512xi1>
      %or3A_126 = arith.ori %lt3A_122, %and3A_125 : vector<128x1x512xi1>
      %select_n3A_127 = arith.select %or3A_126, %squeeze3A_117, %squeeze3A_115 : vector<128x1x512xi1>, vector<128x1x512xf32>
      %select_n3A_128 = arith.select %or3A_126, %squeeze3A_121, %squeeze3A_119 : vector<128x1x512xi1>, vector<128x1x512xi32>
      %select_n3A_129 = arith.select %or3A_126, %squeeze3A_115, %squeeze3A_117 : vector<128x1x512xi1>, vector<128x1x512xf32>
      %select_n3A_130 = arith.select %or3A_126, %squeeze3A_119, %squeeze3A_121 : vector<128x1x512xi1>, vector<128x1x512xi32>
      %reshape3A_131 = vector.shape_cast %select_n3A_129 : vector<128x1x512xf32> to vector<32x2x2x1x512xf32>
      %reshape3A_132 = vector.shape_cast %select_n3A_127 : vector<128x1x512xf32> to vector<32x2x2x1x512xf32>
      %slice3A_133 = vector.extract_strided_slice %reshape3A_131 {offsets = [0, 0, 0, 0, 0], sizes = [32, 1, 2, 1, 512], strides = [1, 1, 1, 1, 1]} : vector<32x2x2x1x512xf32> to vector<32x1x2x1x512xf32>
      %slice3A_134 = vector.extract_strided_slice %reshape3A_132 {offsets = [0, 1, 0, 0, 0], sizes = [32, 1, 2, 1, 512], strides = [1, 1, 1, 1, 1]} : vector<32x2x2x1x512xf32> to vector<32x1x2x1x512xf32>
      %concatenate3A_135 = tpu.concatenate %slice3A_133, %slice3A_134 in 1 : vector<32x1x2x1x512xf32>, vector<32x1x2x1x512xf32> -> vector<32x2x2x1x512xf32>
      %reshape3A_136 = vector.shape_cast %concatenate3A_135 : vector<32x2x2x1x512xf32> to vector<128x1x512xf32>
      %reshape3A_137 = vector.shape_cast %select_n3A_130 : vector<128x1x512xi32> to vector<32x2x2x1x512xi32>
      %reshape3A_138 = vector.shape_cast %select_n3A_128 : vector<128x1x512xi32> to vector<32x2x2x1x512xi32>
      %slice3A_139 = vector.extract_strided_slice %reshape3A_137 {offsets = [0, 0, 0, 0, 0], sizes = [32, 1, 2, 1, 512], strides = [1, 1, 1, 1, 1]} : vector<32x2x2x1x512xi32> to vector<32x1x2x1x512xi32>
      %slice3A_140 = vector.extract_strided_slice %reshape3A_138 {offsets = [0, 1, 0, 0, 0], sizes = [32, 1, 2, 1, 512], strides = [1, 1, 1, 1, 1]} : vector<32x2x2x1x512xi32> to vector<32x1x2x1x512xi32>
      %concatenate3A_141 = tpu.concatenate %slice3A_139, %slice3A_140 in 1 : vector<32x1x2x1x512xi32>, vector<32x1x2x1x512xi32> -> vector<32x2x2x1x512xi32>
      %reshape3A_142 = vector.shape_cast %concatenate3A_141 : vector<32x2x2x1x512xi32> to vector<128x1x512xi32>
      %reshape3A_143 = vector.shape_cast %select_n3A_127 : vector<128x1x512xf32> to vector<32x2x2x1x512xf32>
      %reshape3A_144 = vector.shape_cast %select_n3A_129 : vector<128x1x512xf32> to vector<32x2x2x1x512xf32>
      %slice3A_145 = vector.extract_strided_slice %reshape3A_143 {offsets = [0, 0, 0, 0, 0], sizes = [32, 1, 2, 1, 512], strides = [1, 1, 1, 1, 1]} : vector<32x2x2x1x512xf32> to vector<32x1x2x1x512xf32>
      %slice3A_146 = vector.extract_strided_slice %reshape3A_144 {offsets = [0, 1, 0, 0, 0], sizes = [32, 1, 2, 1, 512], strides = [1, 1, 1, 1, 1]} : vector<32x2x2x1x512xf32> to vector<32x1x2x1x512xf32>
      %concatenate3A_147 = tpu.concatenate %slice3A_145, %slice3A_146 in 1 : vector<32x1x2x1x512xf32>, vector<32x1x2x1x512xf32> -> vector<32x2x2x1x512xf32>
      %reshape3A_148 = vector.shape_cast %concatenate3A_147 : vector<32x2x2x1x512xf32> to vector<128x1x512xf32>
      %reshape3A_149 = vector.shape_cast %select_n3A_128 : vector<128x1x512xi32> to vector<32x2x2x1x512xi32>
      %reshape3A_150 = vector.shape_cast %select_n3A_130 : vector<128x1x512xi32> to vector<32x2x2x1x512xi32>
      %slice3A_151 = vector.extract_strided_slice %reshape3A_149 {offsets = [0, 0, 0, 0, 0], sizes = [32, 1, 2, 1, 512], strides = [1, 1, 1, 1, 1]} : vector<32x2x2x1x512xi32> to vector<32x1x2x1x512xi32>
      %slice3A_152 = vector.extract_strided_slice %reshape3A_150 {offsets = [0, 1, 0, 0, 0], sizes = [32, 1, 2, 1, 512], strides = [1, 1, 1, 1, 1]} : vector<32x2x2x1x512xi32> to vector<32x1x2x1x512xi32>
      %concatenate3A_153 = tpu.concatenate %slice3A_151, %slice3A_152 in 1 : vector<32x1x2x1x512xi32>, vector<32x1x2x1x512xi32> -> vector<32x2x2x1x512xi32>
      %reshape3A_154 = vector.shape_cast %concatenate3A_153 : vector<32x2x2x1x512xi32> to vector<128x1x512xi32>
      %reshape3A_155 = vector.shape_cast %reshape3A_136 : vector<128x1x512xf32> to vector<128x1x1x512xf32>
      %reshape3A_156 = vector.shape_cast %reshape3A_148 : vector<128x1x512xf32> to vector<128x1x1x512xf32>
      %concatenate3A_157 = tpu.concatenate %reshape3A_155, %reshape3A_156 in 1 : vector<128x1x1x512xf32>, vector<128x1x1x512xf32> -> vector<128x2x1x512xf32>
      %reshape3A_158 = vector.shape_cast %concatenate3A_157 : vector<128x2x1x512xf32> to vector<256x512xf32>
      %reshape3A_159 = vector.shape_cast %reshape3A_142 : vector<128x1x512xi32> to vector<128x1x1x512xi32>
      %reshape3A_160 = vector.shape_cast %reshape3A_154 : vector<128x1x512xi32> to vector<128x1x1x512xi32>
      %concatenate3A_161 = tpu.concatenate %reshape3A_159, %reshape3A_160 in 1 : vector<128x1x1x512xi32>, vector<128x1x1x512xi32> -> vector<128x2x1x512xi32>
      %reshape3A_162 = vector.shape_cast %concatenate3A_161 : vector<128x2x1x512xi32> to vector<256x512xi32>
      %reshape3A_163 = vector.shape_cast %reshape3A_158 : vector<256x512xf32> to vector<32x2x4x512xf32>
      %reshape3A_164 = vector.shape_cast %reshape3A_162 : vector<256x512xi32> to vector<32x2x4x512xi32>
      %slice3A_165 = vector.extract_strided_slice %reshape3A_163 {offsets = [0, 0, 0, 0], sizes = [32, 1, 4, 512], strides = [1, 1, 1, 1]} : vector<32x2x4x512xf32> to vector<32x1x4x512xf32>
      %squeeze3A_166 = vector.shape_cast %slice3A_165 : vector<32x1x4x512xf32> to vector<32x4x512xf32>
      %slice3A_167 = vector.extract_strided_slice %reshape3A_163 {offsets = [0, 1, 0, 0], sizes = [32, 1, 4, 512], strides = [1, 1, 1, 1]} : vector<32x2x4x512xf32> to vector<32x1x4x512xf32>
      %squeeze3A_168 = vector.shape_cast %slice3A_167 : vector<32x1x4x512xf32> to vector<32x4x512xf32>
      %slice3A_169 = vector.extract_strided_slice %reshape3A_164 {offsets = [0, 0, 0, 0], sizes = [32, 1, 4, 512], strides = [1, 1, 1, 1]} : vector<32x2x4x512xi32> to vector<32x1x4x512xi32>
      %squeeze3A_170 = vector.shape_cast %slice3A_169 : vector<32x1x4x512xi32> to vector<32x4x512xi32>
      %slice3A_171 = vector.extract_strided_slice %reshape3A_164 {offsets = [0, 1, 0, 0], sizes = [32, 1, 4, 512], strides = [1, 1, 1, 1]} : vector<32x2x4x512xi32> to vector<32x1x4x512xi32>
      %squeeze3A_172 = vector.shape_cast %slice3A_171 : vector<32x1x4x512xi32> to vector<32x4x512xi32>
      %lt3A_173 = arith.cmpf olt, %squeeze3A_168, %squeeze3A_166 : vector<32x4x512xf32>
      %eq3A_174 = arith.cmpf oeq, %squeeze3A_168, %squeeze3A_166 : vector<32x4x512xf32>
      %lt3A_175 = arith.cmpi slt, %squeeze3A_172, %squeeze3A_170 : vector<32x4x512xi32>
      %and3A_176 = arith.andi %eq3A_174, %lt3A_175 : vector<32x4x512xi1>
      %or3A_177 = arith.ori %lt3A_173, %and3A_176 : vector<32x4x512xi1>
      %select_n3A_178 = arith.select %or3A_177, %squeeze3A_168, %squeeze3A_166 : vector<32x4x512xi1>, vector<32x4x512xf32>
      %select_n3A_179 = arith.select %or3A_177, %squeeze3A_172, %squeeze3A_170 : vector<32x4x512xi1>, vector<32x4x512xi32>
      %select_n3A_180 = arith.select %or3A_177, %squeeze3A_166, %squeeze3A_168 : vector<32x4x512xi1>, vector<32x4x512xf32>
      %select_n3A_181 = arith.select %or3A_177, %squeeze3A_170, %squeeze3A_172 : vector<32x4x512xi1>, vector<32x4x512xi32>
      %reshape3A_182 = vector.shape_cast %select_n3A_180 : vector<32x4x512xf32> to vector<16x2x1x4x512xf32>
      %reshape3A_183 = vector.shape_cast %select_n3A_178 : vector<32x4x512xf32> to vector<16x2x1x4x512xf32>
      %slice3A_184 = vector.extract_strided_slice %reshape3A_182 {offsets = [0, 0, 0, 0, 0], sizes = [16, 1, 1, 4, 512], strides = [1, 1, 1, 1, 1]} : vector<16x2x1x4x512xf32> to vector<16x1x1x4x512xf32>
      %slice3A_185 = vector.extract_strided_slice %reshape3A_183 {offsets = [0, 1, 0, 0, 0], sizes = [16, 1, 1, 4, 512], strides = [1, 1, 1, 1, 1]} : vector<16x2x1x4x512xf32> to vector<16x1x1x4x512xf32>
      %concatenate3A_186 = tpu.concatenate %slice3A_184, %slice3A_185 in 1 : vector<16x1x1x4x512xf32>, vector<16x1x1x4x512xf32> -> vector<16x2x1x4x512xf32>
      %reshape3A_187 = vector.shape_cast %concatenate3A_186 : vector<16x2x1x4x512xf32> to vector<32x4x512xf32>
      %reshape3A_188 = vector.shape_cast %select_n3A_181 : vector<32x4x512xi32> to vector<16x2x1x4x512xi32>
      %reshape3A_189 = vector.shape_cast %select_n3A_179 : vector<32x4x512xi32> to vector<16x2x1x4x512xi32>
      %slice3A_190 = vector.extract_strided_slice %reshape3A_188 {offsets = [0, 0, 0, 0, 0], sizes = [16, 1, 1, 4, 512], strides = [1, 1, 1, 1, 1]} : vector<16x2x1x4x512xi32> to vector<16x1x1x4x512xi32>
      %slice3A_191 = vector.extract_strided_slice %reshape3A_189 {offsets = [0, 1, 0, 0, 0], sizes = [16, 1, 1, 4, 512], strides = [1, 1, 1, 1, 1]} : vector<16x2x1x4x512xi32> to vector<16x1x1x4x512xi32>
      %concatenate3A_192 = tpu.concatenate %slice3A_190, %slice3A_191 in 1 : vector<16x1x1x4x512xi32>, vector<16x1x1x4x512xi32> -> vector<16x2x1x4x512xi32>
      %reshape3A_193 = vector.shape_cast %concatenate3A_192 : vector<16x2x1x4x512xi32> to vector<32x4x512xi32>
      %reshape3A_194 = vector.shape_cast %select_n3A_178 : vector<32x4x512xf32> to vector<16x2x1x4x512xf32>
      %reshape3A_195 = vector.shape_cast %select_n3A_180 : vector<32x4x512xf32> to vector<16x2x1x4x512xf32>
      %slice3A_196 = vector.extract_strided_slice %reshape3A_194 {offsets = [0, 0, 0, 0, 0], sizes = [16, 1, 1, 4, 512], strides = [1, 1, 1, 1, 1]} : vector<16x2x1x4x512xf32> to vector<16x1x1x4x512xf32>
      %slice3A_197 = vector.extract_strided_slice %reshape3A_195 {offsets = [0, 1, 0, 0, 0], sizes = [16, 1, 1, 4, 512], strides = [1, 1, 1, 1, 1]} : vector<16x2x1x4x512xf32> to vector<16x1x1x4x512xf32>
      %concatenate3A_198 = tpu.concatenate %slice3A_196, %slice3A_197 in 1 : vector<16x1x1x4x512xf32>, vector<16x1x1x4x512xf32> -> vector<16x2x1x4x512xf32>
      %reshape3A_199 = vector.shape_cast %concatenate3A_198 : vector<16x2x1x4x512xf32> to vector<32x4x512xf32>
      %reshape3A_200 = vector.shape_cast %select_n3A_179 : vector<32x4x512xi32> to vector<16x2x1x4x512xi32>
      %reshape3A_201 = vector.shape_cast %select_n3A_181 : vector<32x4x512xi32> to vector<16x2x1x4x512xi32>
      %slice3A_202 = vector.extract_strided_slice %reshape3A_200 {offsets = [0, 0, 0, 0, 0], sizes = [16, 1, 1, 4, 512], strides = [1, 1, 1, 1, 1]} : vector<16x2x1x4x512xi32> to vector<16x1x1x4x512xi32>
      %slice3A_203 = vector.extract_strided_slice %reshape3A_201 {offsets = [0, 1, 0, 0, 0], sizes = [16, 1, 1, 4, 512], strides = [1, 1, 1, 1, 1]} : vector<16x2x1x4x512xi32> to vector<16x1x1x4x512xi32>
      %concatenate3A_204 = tpu.concatenate %slice3A_202, %slice3A_203 in 1 : vector<16x1x1x4x512xi32>, vector<16x1x1x4x512xi32> -> vector<16x2x1x4x512xi32>
      %reshape3A_205 = vector.shape_cast %concatenate3A_204 : vector<16x2x1x4x512xi32> to vector<32x4x512xi32>
      %reshape3A_206 = vector.shape_cast %reshape3A_187 : vector<32x4x512xf32> to vector<32x1x4x512xf32>
      %reshape3A_207 = vector.shape_cast %reshape3A_199 : vector<32x4x512xf32> to vector<32x1x4x512xf32>
      %concatenate3A_208 = tpu.concatenate %reshape3A_206, %reshape3A_207 in 1 : vector<32x1x4x512xf32>, vector<32x1x4x512xf32> -> vector<32x2x4x512xf32>
      %reshape3A_209 = vector.shape_cast %concatenate3A_208 : vector<32x2x4x512xf32> to vector<256x512xf32>
      %reshape3A_210 = vector.shape_cast %reshape3A_193 : vector<32x4x512xi32> to vector<32x1x4x512xi32>
      %reshape3A_211 = vector.shape_cast %reshape3A_205 : vector<32x4x512xi32> to vector<32x1x4x512xi32>
      %concatenate3A_212 = tpu.concatenate %reshape3A_210, %reshape3A_211 in 1 : vector<32x1x4x512xi32>, vector<32x1x4x512xi32> -> vector<32x2x4x512xi32>
      %reshape3A_213 = vector.shape_cast %concatenate3A_212 : vector<32x2x4x512xi32> to vector<256x512xi32>
      %reshape3A_214 = vector.shape_cast %reshape3A_209 : vector<256x512xf32> to vector<64x2x2x512xf32>
      %reshape3A_215 = vector.shape_cast %reshape3A_213 : vector<256x512xi32> to vector<64x2x2x512xi32>
      %slice3A_216 = vector.extract_strided_slice %reshape3A_214 {offsets = [0, 0, 0, 0], sizes = [64, 1, 2, 512], strides = [1, 1, 1, 1]} : vector<64x2x2x512xf32> to vector<64x1x2x512xf32>
      %squeeze3A_217 = vector.shape_cast %slice3A_216 : vector<64x1x2x512xf32> to vector<64x2x512xf32>
      %slice3A_218 = vector.extract_strided_slice %reshape3A_214 {offsets = [0, 1, 0, 0], sizes = [64, 1, 2, 512], strides = [1, 1, 1, 1]} : vector<64x2x2x512xf32> to vector<64x1x2x512xf32>
      %squeeze3A_219 = vector.shape_cast %slice3A_218 : vector<64x1x2x512xf32> to vector<64x2x512xf32>
      %slice3A_220 = vector.extract_strided_slice %reshape3A_215 {offsets = [0, 0, 0, 0], sizes = [64, 1, 2, 512], strides = [1, 1, 1, 1]} : vector<64x2x2x512xi32> to vector<64x1x2x512xi32>
      %squeeze3A_221 = vector.shape_cast %slice3A_220 : vector<64x1x2x512xi32> to vector<64x2x512xi32>
      %slice3A_222 = vector.extract_strided_slice %reshape3A_215 {offsets = [0, 1, 0, 0], sizes = [64, 1, 2, 512], strides = [1, 1, 1, 1]} : vector<64x2x2x512xi32> to vector<64x1x2x512xi32>
      %squeeze3A_223 = vector.shape_cast %slice3A_222 : vector<64x1x2x512xi32> to vector<64x2x512xi32>
      %lt3A_224 = arith.cmpf olt, %squeeze3A_219, %squeeze3A_217 : vector<64x2x512xf32>
      %eq3A_225 = arith.cmpf oeq, %squeeze3A_219, %squeeze3A_217 : vector<64x2x512xf32>
      %lt3A_226 = arith.cmpi slt, %squeeze3A_223, %squeeze3A_221 : vector<64x2x512xi32>
      %and3A_227 = arith.andi %eq3A_225, %lt3A_226 : vector<64x2x512xi1>
      %or3A_228 = arith.ori %lt3A_224, %and3A_227 : vector<64x2x512xi1>
      %select_n3A_229 = arith.select %or3A_228, %squeeze3A_219, %squeeze3A_217 : vector<64x2x512xi1>, vector<64x2x512xf32>
      %select_n3A_230 = arith.select %or3A_228, %squeeze3A_223, %squeeze3A_221 : vector<64x2x512xi1>, vector<64x2x512xi32>
      %select_n3A_231 = arith.select %or3A_228, %squeeze3A_217, %squeeze3A_219 : vector<64x2x512xi1>, vector<64x2x512xf32>
      %select_n3A_232 = arith.select %or3A_228, %squeeze3A_221, %squeeze3A_223 : vector<64x2x512xi1>, vector<64x2x512xi32>
      %reshape3A_233 = vector.shape_cast %select_n3A_231 : vector<64x2x512xf32> to vector<16x2x2x2x512xf32>
      %reshape3A_234 = vector.shape_cast %select_n3A_229 : vector<64x2x512xf32> to vector<16x2x2x2x512xf32>
      %slice3A_235 = vector.extract_strided_slice %reshape3A_233 {offsets = [0, 0, 0, 0, 0], sizes = [16, 1, 2, 2, 512], strides = [1, 1, 1, 1, 1]} : vector<16x2x2x2x512xf32> to vector<16x1x2x2x512xf32>
      %slice3A_236 = vector.extract_strided_slice %reshape3A_234 {offsets = [0, 1, 0, 0, 0], sizes = [16, 1, 2, 2, 512], strides = [1, 1, 1, 1, 1]} : vector<16x2x2x2x512xf32> to vector<16x1x2x2x512xf32>
      %concatenate3A_237 = tpu.concatenate %slice3A_235, %slice3A_236 in 1 : vector<16x1x2x2x512xf32>, vector<16x1x2x2x512xf32> -> vector<16x2x2x2x512xf32>
      %reshape3A_238 = vector.shape_cast %concatenate3A_237 : vector<16x2x2x2x512xf32> to vector<64x2x512xf32>
      %reshape3A_239 = vector.shape_cast %select_n3A_232 : vector<64x2x512xi32> to vector<16x2x2x2x512xi32>
      %reshape3A_240 = vector.shape_cast %select_n3A_230 : vector<64x2x512xi32> to vector<16x2x2x2x512xi32>
      %slice3A_241 = vector.extract_strided_slice %reshape3A_239 {offsets = [0, 0, 0, 0, 0], sizes = [16, 1, 2, 2, 512], strides = [1, 1, 1, 1, 1]} : vector<16x2x2x2x512xi32> to vector<16x1x2x2x512xi32>
      %slice3A_242 = vector.extract_strided_slice %reshape3A_240 {offsets = [0, 1, 0, 0, 0], sizes = [16, 1, 2, 2, 512], strides = [1, 1, 1, 1, 1]} : vector<16x2x2x2x512xi32> to vector<16x1x2x2x512xi32>
      %concatenate3A_243 = tpu.concatenate %slice3A_241, %slice3A_242 in 1 : vector<16x1x2x2x512xi32>, vector<16x1x2x2x512xi32> -> vector<16x2x2x2x512xi32>
      %reshape3A_244 = vector.shape_cast %concatenate3A_243 : vector<16x2x2x2x512xi32> to vector<64x2x512xi32>
      %reshape3A_245 = vector.shape_cast %select_n3A_229 : vector<64x2x512xf32> to vector<16x2x2x2x512xf32>
      %reshape3A_246 = vector.shape_cast %select_n3A_231 : vector<64x2x512xf32> to vector<16x2x2x2x512xf32>
      %slice3A_247 = vector.extract_strided_slice %reshape3A_245 {offsets = [0, 0, 0, 0, 0], sizes = [16, 1, 2, 2, 512], strides = [1, 1, 1, 1, 1]} : vector<16x2x2x2x512xf32> to vector<16x1x2x2x512xf32>
      %slice3A_248 = vector.extract_strided_slice %reshape3A_246 {offsets = [0, 1, 0, 0, 0], sizes = [16, 1, 2, 2, 512], strides = [1, 1, 1, 1, 1]} : vector<16x2x2x2x512xf32> to vector<16x1x2x2x512xf32>
      %concatenate3A_249 = tpu.concatenate %slice3A_247, %slice3A_248 in 1 : vector<16x1x2x2x512xf32>, vector<16x1x2x2x512xf32> -> vector<16x2x2x2x512xf32>
      %reshape3A_250 = vector.shape_cast %concatenate3A_249 : vector<16x2x2x2x512xf32> to vector<64x2x512xf32>
      %reshape3A_251 = vector.shape_cast %select_n3A_230 : vector<64x2x512xi32> to vector<16x2x2x2x512xi32>
      %reshape3A_252 = vector.shape_cast %select_n3A_232 : vector<64x2x512xi32> to vector<16x2x2x2x512xi32>
      %slice3A_253 = vector.extract_strided_slice %reshape3A_251 {offsets = [0, 0, 0, 0, 0], sizes = [16, 1, 2, 2, 512], strides = [1, 1, 1, 1, 1]} : vector<16x2x2x2x512xi32> to vector<16x1x2x2x512xi32>
      %slice3A_254 = vector.extract_strided_slice %reshape3A_252 {offsets = [0, 1, 0, 0, 0], sizes = [16, 1, 2, 2, 512], strides = [1, 1, 1, 1, 1]} : vector<16x2x2x2x512xi32> to vector<16x1x2x2x512xi32>
      %concatenate3A_255 = tpu.concatenate %slice3A_253, %slice3A_254 in 1 : vector<16x1x2x2x512xi32>, vector<16x1x2x2x512xi32> -> vector<16x2x2x2x512xi32>
      %reshape3A_256 = vector.shape_cast %concatenate3A_255 : vector<16x2x2x2x512xi32> to vector<64x2x512xi32>
      %reshape3A_257 = vector.shape_cast %reshape3A_238 : vector<64x2x512xf32> to vector<64x1x2x512xf32>
      %reshape3A_258 = vector.shape_cast %reshape3A_250 : vector<64x2x512xf32> to vector<64x1x2x512xf32>
      %concatenate3A_259 = tpu.concatenate %reshape3A_257, %reshape3A_258 in 1 : vector<64x1x2x512xf32>, vector<64x1x2x512xf32> -> vector<64x2x2x512xf32>
      %reshape3A_260 = vector.shape_cast %concatenate3A_259 : vector<64x2x2x512xf32> to vector<256x512xf32>
      %reshape3A_261 = vector.shape_cast %reshape3A_244 : vector<64x2x512xi32> to vector<64x1x2x512xi32>
      %reshape3A_262 = vector.shape_cast %reshape3A_256 : vector<64x2x512xi32> to vector<64x1x2x512xi32>
      %concatenate3A_263 = tpu.concatenate %reshape3A_261, %reshape3A_262 in 1 : vector<64x1x2x512xi32>, vector<64x1x2x512xi32> -> vector<64x2x2x512xi32>
      %reshape3A_264 = vector.shape_cast %concatenate3A_263 : vector<64x2x2x512xi32> to vector<256x512xi32>
      %reshape3A_265 = vector.shape_cast %reshape3A_260 : vector<256x512xf32> to vector<128x2x1x512xf32>
      %reshape3A_266 = vector.shape_cast %reshape3A_264 : vector<256x512xi32> to vector<128x2x1x512xi32>
      %slice3A_267 = vector.extract_strided_slice %reshape3A_265 {offsets = [0, 0, 0, 0], sizes = [128, 1, 1, 512], strides = [1, 1, 1, 1]} : vector<128x2x1x512xf32> to vector<128x1x1x512xf32>
      %squeeze3A_268 = vector.shape_cast %slice3A_267 : vector<128x1x1x512xf32> to vector<128x1x512xf32>
      %slice3A_269 = vector.extract_strided_slice %reshape3A_265 {offsets = [0, 1, 0, 0], sizes = [128, 1, 1, 512], strides = [1, 1, 1, 1]} : vector<128x2x1x512xf32> to vector<128x1x1x512xf32>
      %squeeze3A_270 = vector.shape_cast %slice3A_269 : vector<128x1x1x512xf32> to vector<128x1x512xf32>
      %slice3A_271 = vector.extract_strided_slice %reshape3A_266 {offsets = [0, 0, 0, 0], sizes = [128, 1, 1, 512], strides = [1, 1, 1, 1]} : vector<128x2x1x512xi32> to vector<128x1x1x512xi32>
      %squeeze3A_272 = vector.shape_cast %slice3A_271 : vector<128x1x1x512xi32> to vector<128x1x512xi32>
      %slice3A_273 = vector.extract_strided_slice %reshape3A_266 {offsets = [0, 1, 0, 0], sizes = [128, 1, 1, 512], strides = [1, 1, 1, 1]} : vector<128x2x1x512xi32> to vector<128x1x1x512xi32>
      %squeeze3A_274 = vector.shape_cast %slice3A_273 : vector<128x1x1x512xi32> to vector<128x1x512xi32>
      %lt3A_275 = arith.cmpf olt, %squeeze3A_270, %squeeze3A_268 : vector<128x1x512xf32>
      %eq3A_276 = arith.cmpf oeq, %squeeze3A_270, %squeeze3A_268 : vector<128x1x512xf32>
      %lt3A_277 = arith.cmpi slt, %squeeze3A_274, %squeeze3A_272 : vector<128x1x512xi32>
      %and3A_278 = arith.andi %eq3A_276, %lt3A_277 : vector<128x1x512xi1>
      %or3A_279 = arith.ori %lt3A_275, %and3A_278 : vector<128x1x512xi1>
      %select_n3A_280 = arith.select %or3A_279, %squeeze3A_270, %squeeze3A_268 : vector<128x1x512xi1>, vector<128x1x512xf32>
      %select_n3A_281 = arith.select %or3A_279, %squeeze3A_274, %squeeze3A_272 : vector<128x1x512xi1>, vector<128x1x512xi32>
      %select_n3A_282 = arith.select %or3A_279, %squeeze3A_268, %squeeze3A_270 : vector<128x1x512xi1>, vector<128x1x512xf32>
      %select_n3A_283 = arith.select %or3A_279, %squeeze3A_272, %squeeze3A_274 : vector<128x1x512xi1>, vector<128x1x512xi32>
      %reshape3A_284 = vector.shape_cast %select_n3A_282 : vector<128x1x512xf32> to vector<16x2x4x1x512xf32>
      %reshape3A_285 = vector.shape_cast %select_n3A_280 : vector<128x1x512xf32> to vector<16x2x4x1x512xf32>
      %slice3A_286 = vector.extract_strided_slice %reshape3A_284 {offsets = [0, 0, 0, 0, 0], sizes = [16, 1, 4, 1, 512], strides = [1, 1, 1, 1, 1]} : vector<16x2x4x1x512xf32> to vector<16x1x4x1x512xf32>
      %slice3A_287 = vector.extract_strided_slice %reshape3A_285 {offsets = [0, 1, 0, 0, 0], sizes = [16, 1, 4, 1, 512], strides = [1, 1, 1, 1, 1]} : vector<16x2x4x1x512xf32> to vector<16x1x4x1x512xf32>
      %concatenate3A_288 = tpu.concatenate %slice3A_286, %slice3A_287 in 1 : vector<16x1x4x1x512xf32>, vector<16x1x4x1x512xf32> -> vector<16x2x4x1x512xf32>
      %reshape3A_289 = vector.shape_cast %concatenate3A_288 : vector<16x2x4x1x512xf32> to vector<128x1x512xf32>
      %reshape3A_290 = vector.shape_cast %select_n3A_283 : vector<128x1x512xi32> to vector<16x2x4x1x512xi32>
      %reshape3A_291 = vector.shape_cast %select_n3A_281 : vector<128x1x512xi32> to vector<16x2x4x1x512xi32>
      %slice3A_292 = vector.extract_strided_slice %reshape3A_290 {offsets = [0, 0, 0, 0, 0], sizes = [16, 1, 4, 1, 512], strides = [1, 1, 1, 1, 1]} : vector<16x2x4x1x512xi32> to vector<16x1x4x1x512xi32>
      %slice3A_293 = vector.extract_strided_slice %reshape3A_291 {offsets = [0, 1, 0, 0, 0], sizes = [16, 1, 4, 1, 512], strides = [1, 1, 1, 1, 1]} : vector<16x2x4x1x512xi32> to vector<16x1x4x1x512xi32>
      %concatenate3A_294 = tpu.concatenate %slice3A_292, %slice3A_293 in 1 : vector<16x1x4x1x512xi32>, vector<16x1x4x1x512xi32> -> vector<16x2x4x1x512xi32>
      %reshape3A_295 = vector.shape_cast %concatenate3A_294 : vector<16x2x4x1x512xi32> to vector<128x1x512xi32>
      %reshape3A_296 = vector.shape_cast %select_n3A_280 : vector<128x1x512xf32> to vector<16x2x4x1x512xf32>
      %reshape3A_297 = vector.shape_cast %select_n3A_282 : vector<128x1x512xf32> to vector<16x2x4x1x512xf32>
      %slice3A_298 = vector.extract_strided_slice %reshape3A_296 {offsets = [0, 0, 0, 0, 0], sizes = [16, 1, 4, 1, 512], strides = [1, 1, 1, 1, 1]} : vector<16x2x4x1x512xf32> to vector<16x1x4x1x512xf32>
      %slice3A_299 = vector.extract_strided_slice %reshape3A_297 {offsets = [0, 1, 0, 0, 0], sizes = [16, 1, 4, 1, 512], strides = [1, 1, 1, 1, 1]} : vector<16x2x4x1x512xf32> to vector<16x1x4x1x512xf32>
      %concatenate3A_300 = tpu.concatenate %slice3A_298, %slice3A_299 in 1 : vector<16x1x4x1x512xf32>, vector<16x1x4x1x512xf32> -> vector<16x2x4x1x512xf32>
      %reshape3A_301 = vector.shape_cast %concatenate3A_300 : vector<16x2x4x1x512xf32> to vector<128x1x512xf32>
      %reshape3A_302 = vector.shape_cast %select_n3A_281 : vector<128x1x512xi32> to vector<16x2x4x1x512xi32>
      %reshape3A_303 = vector.shape_cast %select_n3A_283 : vector<128x1x512xi32> to vector<16x2x4x1x512xi32>
      %slice3A_304 = vector.extract_strided_slice %reshape3A_302 {offsets = [0, 0, 0, 0, 0], sizes = [16, 1, 4, 1, 512], strides = [1, 1, 1, 1, 1]} : vector<16x2x4x1x512xi32> to vector<16x1x4x1x512xi32>
      %slice3A_305 = vector.extract_strided_slice %reshape3A_303 {offsets = [0, 1, 0, 0, 0], sizes = [16, 1, 4, 1, 512], strides = [1, 1, 1, 1, 1]} : vector<16x2x4x1x512xi32> to vector<16x1x4x1x512xi32>
      %concatenate3A_306 = tpu.concatenate %slice3A_304, %slice3A_305 in 1 : vector<16x1x4x1x512xi32>, vector<16x1x4x1x512xi32> -> vector<16x2x4x1x512xi32>
      %reshape3A_307 = vector.shape_cast %concatenate3A_306 : vector<16x2x4x1x512xi32> to vector<128x1x512xi32>
      %reshape3A_308 = vector.shape_cast %reshape3A_289 : vector<128x1x512xf32> to vector<128x1x1x512xf32>
      %reshape3A_309 = vector.shape_cast %reshape3A_301 : vector<128x1x512xf32> to vector<128x1x1x512xf32>
      %concatenate3A_310 = tpu.concatenate %reshape3A_308, %reshape3A_309 in 1 : vector<128x1x1x512xf32>, vector<128x1x1x512xf32> -> vector<128x2x1x512xf32>
      %reshape3A_311 = vector.shape_cast %concatenate3A_310 : vector<128x2x1x512xf32> to vector<256x512xf32>
      %reshape3A_312 = vector.shape_cast %reshape3A_295 : vector<128x1x512xi32> to vector<128x1x1x512xi32>
      %reshape3A_313 = vector.shape_cast %reshape3A_307 : vector<128x1x512xi32> to vector<128x1x1x512xi32>
      %concatenate3A_314 = tpu.concatenate %reshape3A_312, %reshape3A_313 in 1 : vector<128x1x1x512xi32>, vector<128x1x1x512xi32> -> vector<128x2x1x512xi32>
      %reshape3A_315 = vector.shape_cast %concatenate3A_314 : vector<128x2x1x512xi32> to vector<256x512xi32>
      %reshape3A_316 = vector.shape_cast %reshape3A_311 : vector<256x512xf32> to vector<16x2x8x512xf32>
      %reshape3A_317 = vector.shape_cast %reshape3A_315 : vector<256x512xi32> to vector<16x2x8x512xi32>
      %slice3A_318 = vector.extract_strided_slice %reshape3A_316 {offsets = [0, 0, 0, 0], sizes = [16, 1, 8, 512], strides = [1, 1, 1, 1]} : vector<16x2x8x512xf32> to vector<16x1x8x512xf32>
      %squeeze3A_319 = vector.shape_cast %slice3A_318 : vector<16x1x8x512xf32> to vector<16x8x512xf32>
      %slice3A_320 = vector.extract_strided_slice %reshape3A_316 {offsets = [0, 1, 0, 0], sizes = [16, 1, 8, 512], strides = [1, 1, 1, 1]} : vector<16x2x8x512xf32> to vector<16x1x8x512xf32>
      %squeeze3A_321 = vector.shape_cast %slice3A_320 : vector<16x1x8x512xf32> to vector<16x8x512xf32>
      %slice3A_322 = vector.extract_strided_slice %reshape3A_317 {offsets = [0, 0, 0, 0], sizes = [16, 1, 8, 512], strides = [1, 1, 1, 1]} : vector<16x2x8x512xi32> to vector<16x1x8x512xi32>
      %squeeze3A_323 = vector.shape_cast %slice3A_322 : vector<16x1x8x512xi32> to vector<16x8x512xi32>
      %slice3A_324 = vector.extract_strided_slice %reshape3A_317 {offsets = [0, 1, 0, 0], sizes = [16, 1, 8, 512], strides = [1, 1, 1, 1]} : vector<16x2x8x512xi32> to vector<16x1x8x512xi32>
      %squeeze3A_325 = vector.shape_cast %slice3A_324 : vector<16x1x8x512xi32> to vector<16x8x512xi32>
      %lt3A_326 = arith.cmpf olt, %squeeze3A_321, %squeeze3A_319 : vector<16x8x512xf32>
      %eq3A_327 = arith.cmpf oeq, %squeeze3A_321, %squeeze3A_319 : vector<16x8x512xf32>
      %lt3A_328 = arith.cmpi slt, %squeeze3A_325, %squeeze3A_323 : vector<16x8x512xi32>
      %and3A_329 = arith.andi %eq3A_327, %lt3A_328 : vector<16x8x512xi1>
      %or3A_330 = arith.ori %lt3A_326, %and3A_329 : vector<16x8x512xi1>
      %select_n3A_331 = arith.select %or3A_330, %squeeze3A_321, %squeeze3A_319 : vector<16x8x512xi1>, vector<16x8x512xf32>
      %select_n3A_332 = arith.select %or3A_330, %squeeze3A_325, %squeeze3A_323 : vector<16x8x512xi1>, vector<16x8x512xi32>
      %select_n3A_333 = arith.select %or3A_330, %squeeze3A_319, %squeeze3A_321 : vector<16x8x512xi1>, vector<16x8x512xf32>
      %select_n3A_334 = arith.select %or3A_330, %squeeze3A_323, %squeeze3A_325 : vector<16x8x512xi1>, vector<16x8x512xi32>
      %reshape3A_335 = vector.shape_cast %select_n3A_333 : vector<16x8x512xf32> to vector<8x2x1x8x512xf32>
      %reshape3A_336 = vector.shape_cast %select_n3A_331 : vector<16x8x512xf32> to vector<8x2x1x8x512xf32>
      %slice3A_337 = vector.extract_strided_slice %reshape3A_335 {offsets = [0, 0, 0, 0, 0], sizes = [8, 1, 1, 8, 512], strides = [1, 1, 1, 1, 1]} : vector<8x2x1x8x512xf32> to vector<8x1x1x8x512xf32>
      %slice3A_338 = vector.extract_strided_slice %reshape3A_336 {offsets = [0, 1, 0, 0, 0], sizes = [8, 1, 1, 8, 512], strides = [1, 1, 1, 1, 1]} : vector<8x2x1x8x512xf32> to vector<8x1x1x8x512xf32>
      %concatenate3A_339 = tpu.concatenate %slice3A_337, %slice3A_338 in 1 : vector<8x1x1x8x512xf32>, vector<8x1x1x8x512xf32> -> vector<8x2x1x8x512xf32>
      %reshape3A_340 = vector.shape_cast %concatenate3A_339 : vector<8x2x1x8x512xf32> to vector<16x8x512xf32>
      %reshape3A_341 = vector.shape_cast %select_n3A_334 : vector<16x8x512xi32> to vector<8x2x1x8x512xi32>
      %reshape3A_342 = vector.shape_cast %select_n3A_332 : vector<16x8x512xi32> to vector<8x2x1x8x512xi32>
      %slice3A_343 = vector.extract_strided_slice %reshape3A_341 {offsets = [0, 0, 0, 0, 0], sizes = [8, 1, 1, 8, 512], strides = [1, 1, 1, 1, 1]} : vector<8x2x1x8x512xi32> to vector<8x1x1x8x512xi32>
      %slice3A_344 = vector.extract_strided_slice %reshape3A_342 {offsets = [0, 1, 0, 0, 0], sizes = [8, 1, 1, 8, 512], strides = [1, 1, 1, 1, 1]} : vector<8x2x1x8x512xi32> to vector<8x1x1x8x512xi32>
      %concatenate3A_345 = tpu.concatenate %slice3A_343, %slice3A_344 in 1 : vector<8x1x1x8x512xi32>, vector<8x1x1x8x512xi32> -> vector<8x2x1x8x512xi32>
      %reshape3A_346 = vector.shape_cast %concatenate3A_345 : vector<8x2x1x8x512xi32> to vector<16x8x512xi32>
      %reshape3A_347 = vector.shape_cast %select_n3A_331 : vector<16x8x512xf32> to vector<8x2x1x8x512xf32>
      %reshape3A_348 = vector.shape_cast %select_n3A_333 : vector<16x8x512xf32> to vector<8x2x1x8x512xf32>
      %slice3A_349 = vector.extract_strided_slice %reshape3A_347 {offsets = [0, 0, 0, 0, 0], sizes = [8, 1, 1, 8, 512], strides = [1, 1, 1, 1, 1]} : vector<8x2x1x8x512xf32> to vector<8x1x1x8x512xf32>
      %slice3A_350 = vector.extract_strided_slice %reshape3A_348 {offsets = [0, 1, 0, 0, 0], sizes = [8, 1, 1, 8, 512], strides = [1, 1, 1, 1, 1]} : vector<8x2x1x8x512xf32> to vector<8x1x1x8x512xf32>
      %concatenate3A_351 = tpu.concatenate %slice3A_349, %slice3A_350 in 1 : vector<8x1x1x8x512xf32>, vector<8x1x1x8x512xf32> -> vector<8x2x1x8x512xf32>
      %reshape3A_352 = vector.shape_cast %concatenate3A_351 : vector<8x2x1x8x512xf32> to vector<16x8x512xf32>
      %reshape3A_353 = vector.shape_cast %select_n3A_332 : vector<16x8x512xi32> to vector<8x2x1x8x512xi32>
      %reshape3A_354 = vector.shape_cast %select_n3A_334 : vector<16x8x512xi32> to vector<8x2x1x8x512xi32>
      %slice3A_355 = vector.extract_strided_slice %reshape3A_353 {offsets = [0, 0, 0, 0, 0], sizes = [8, 1, 1, 8, 512], strides = [1, 1, 1, 1, 1]} : vector<8x2x1x8x512xi32> to vector<8x1x1x8x512xi32>
      %slice3A_356 = vector.extract_strided_slice %reshape3A_354 {offsets = [0, 1, 0, 0, 0], sizes = [8, 1, 1, 8, 512], strides = [1, 1, 1, 1, 1]} : vector<8x2x1x8x512xi32> to vector<8x1x1x8x512xi32>
      %concatenate3A_357 = tpu.concatenate %slice3A_355, %slice3A_356 in 1 : vector<8x1x1x8x512xi32>, vector<8x1x1x8x512xi32> -> vector<8x2x1x8x512xi32>
      %reshape3A_358 = vector.shape_cast %concatenate3A_357 : vector<8x2x1x8x512xi32> to vector<16x8x512xi32>
      %reshape3A_359 = vector.shape_cast %reshape3A_340 : vector<16x8x512xf32> to vector<16x1x8x512xf32>
      %reshape3A_360 = vector.shape_cast %reshape3A_352 : vector<16x8x512xf32> to vector<16x1x8x512xf32>
      %concatenate3A_361 = tpu.concatenate %reshape3A_359, %reshape3A_360 in 1 : vector<16x1x8x512xf32>, vector<16x1x8x512xf32> -> vector<16x2x8x512xf32>
      %reshape3A_362 = vector.shape_cast %concatenate3A_361 : vector<16x2x8x512xf32> to vector<256x512xf32>
      %reshape3A_363 = vector.shape_cast %reshape3A_346 : vector<16x8x512xi32> to vector<16x1x8x512xi32>
      %reshape3A_364 = vector.shape_cast %reshape3A_358 : vector<16x8x512xi32> to vector<16x1x8x512xi32>
      %concatenate3A_365 = tpu.concatenate %reshape3A_363, %reshape3A_364 in 1 : vector<16x1x8x512xi32>, vector<16x1x8x512xi32> -> vector<16x2x8x512xi32>
      %reshape3A_366 = vector.shape_cast %concatenate3A_365 : vector<16x2x8x512xi32> to vector<256x512xi32>
      %reshape3A_367 = vector.shape_cast %reshape3A_362 : vector<256x512xf32> to vector<32x2x4x512xf32>
      %reshape3A_368 = vector.shape_cast %reshape3A_366 : vector<256x512xi32> to vector<32x2x4x512xi32>
      %slice3A_369 = vector.extract_strided_slice %reshape3A_367 {offsets = [0, 0, 0, 0], sizes = [32, 1, 4, 512], strides = [1, 1, 1, 1]} : vector<32x2x4x512xf32> to vector<32x1x4x512xf32>
      %squeeze3A_370 = vector.shape_cast %slice3A_369 : vector<32x1x4x512xf32> to vector<32x4x512xf32>
      %slice3A_371 = vector.extract_strided_slice %reshape3A_367 {offsets = [0, 1, 0, 0], sizes = [32, 1, 4, 512], strides = [1, 1, 1, 1]} : vector<32x2x4x512xf32> to vector<32x1x4x512xf32>
      %squeeze3A_372 = vector.shape_cast %slice3A_371 : vector<32x1x4x512xf32> to vector<32x4x512xf32>
      %slice3A_373 = vector.extract_strided_slice %reshape3A_368 {offsets = [0, 0, 0, 0], sizes = [32, 1, 4, 512], strides = [1, 1, 1, 1]} : vector<32x2x4x512xi32> to vector<32x1x4x512xi32>
      %squeeze3A_374 = vector.shape_cast %slice3A_373 : vector<32x1x4x512xi32> to vector<32x4x512xi32>
      %slice3A_375 = vector.extract_strided_slice %reshape3A_368 {offsets = [0, 1, 0, 0], sizes = [32, 1, 4, 512], strides = [1, 1, 1, 1]} : vector<32x2x4x512xi32> to vector<32x1x4x512xi32>
      %squeeze3A_376 = vector.shape_cast %slice3A_375 : vector<32x1x4x512xi32> to vector<32x4x512xi32>
      %lt3A_377 = arith.cmpf olt, %squeeze3A_372, %squeeze3A_370 : vector<32x4x512xf32>
      %eq3A_378 = arith.cmpf oeq, %squeeze3A_372, %squeeze3A_370 : vector<32x4x512xf32>
      %lt3A_379 = arith.cmpi slt, %squeeze3A_376, %squeeze3A_374 : vector<32x4x512xi32>
      %and3A_380 = arith.andi %eq3A_378, %lt3A_379 : vector<32x4x512xi1>
      %or3A_381 = arith.ori %lt3A_377, %and3A_380 : vector<32x4x512xi1>
      %select_n3A_382 = arith.select %or3A_381, %squeeze3A_372, %squeeze3A_370 : vector<32x4x512xi1>, vector<32x4x512xf32>
      %select_n3A_383 = arith.select %or3A_381, %squeeze3A_376, %squeeze3A_374 : vector<32x4x512xi1>, vector<32x4x512xi32>
      %select_n3A_384 = arith.select %or3A_381, %squeeze3A_370, %squeeze3A_372 : vector<32x4x512xi1>, vector<32x4x512xf32>
      %select_n3A_385 = arith.select %or3A_381, %squeeze3A_374, %squeeze3A_376 : vector<32x4x512xi1>, vector<32x4x512xi32>
      %reshape3A_386 = vector.shape_cast %select_n3A_384 : vector<32x4x512xf32> to vector<8x2x2x4x512xf32>
      %reshape3A_387 = vector.shape_cast %select_n3A_382 : vector<32x4x512xf32> to vector<8x2x2x4x512xf32>
      %slice3A_388 = vector.extract_strided_slice %reshape3A_386 {offsets = [0, 0, 0, 0, 0], sizes = [8, 1, 2, 4, 512], strides = [1, 1, 1, 1, 1]} : vector<8x2x2x4x512xf32> to vector<8x1x2x4x512xf32>
      %slice3A_389 = vector.extract_strided_slice %reshape3A_387 {offsets = [0, 1, 0, 0, 0], sizes = [8, 1, 2, 4, 512], strides = [1, 1, 1, 1, 1]} : vector<8x2x2x4x512xf32> to vector<8x1x2x4x512xf32>
      %concatenate3A_390 = tpu.concatenate %slice3A_388, %slice3A_389 in 1 : vector<8x1x2x4x512xf32>, vector<8x1x2x4x512xf32> -> vector<8x2x2x4x512xf32>
      %reshape3A_391 = vector.shape_cast %concatenate3A_390 : vector<8x2x2x4x512xf32> to vector<32x4x512xf32>
      %reshape3A_392 = vector.shape_cast %select_n3A_385 : vector<32x4x512xi32> to vector<8x2x2x4x512xi32>
      %reshape3A_393 = vector.shape_cast %select_n3A_383 : vector<32x4x512xi32> to vector<8x2x2x4x512xi32>
      %slice3A_394 = vector.extract_strided_slice %reshape3A_392 {offsets = [0, 0, 0, 0, 0], sizes = [8, 1, 2, 4, 512], strides = [1, 1, 1, 1, 1]} : vector<8x2x2x4x512xi32> to vector<8x1x2x4x512xi32>
      %slice3A_395 = vector.extract_strided_slice %reshape3A_393 {offsets = [0, 1, 0, 0, 0], sizes = [8, 1, 2, 4, 512], strides = [1, 1, 1, 1, 1]} : vector<8x2x2x4x512xi32> to vector<8x1x2x4x512xi32>
      %concatenate3A_396 = tpu.concatenate %slice3A_394, %slice3A_395 in 1 : vector<8x1x2x4x512xi32>, vector<8x1x2x4x512xi32> -> vector<8x2x2x4x512xi32>
      %reshape3A_397 = vector.shape_cast %concatenate3A_396 : vector<8x2x2x4x512xi32> to vector<32x4x512xi32>
      %reshape3A_398 = vector.shape_cast %select_n3A_382 : vector<32x4x512xf32> to vector<8x2x2x4x512xf32>
      %reshape3A_399 = vector.shape_cast %select_n3A_384 : vector<32x4x512xf32> to vector<8x2x2x4x512xf32>
      %slice3A_400 = vector.extract_strided_slice %reshape3A_398 {offsets = [0, 0, 0, 0, 0], sizes = [8, 1, 2, 4, 512], strides = [1, 1, 1, 1, 1]} : vector<8x2x2x4x512xf32> to vector<8x1x2x4x512xf32>
      %slice3A_401 = vector.extract_strided_slice %reshape3A_399 {offsets = [0, 1, 0, 0, 0], sizes = [8, 1, 2, 4, 512], strides = [1, 1, 1, 1, 1]} : vector<8x2x2x4x512xf32> to vector<8x1x2x4x512xf32>
      %concatenate3A_402 = tpu.concatenate %slice3A_400, %slice3A_401 in 1 : vector<8x1x2x4x512xf32>, vector<8x1x2x4x512xf32> -> vector<8x2x2x4x512xf32>
      %reshape3A_403 = vector.shape_cast %concatenate3A_402 : vector<8x2x2x4x512xf32> to vector<32x4x512xf32>
      %reshape3A_404 = vector.shape_cast %select_n3A_383 : vector<32x4x512xi32> to vector<8x2x2x4x512xi32>
      %reshape3A_405 = vector.shape_cast %select_n3A_385 : vector<32x4x512xi32> to vector<8x2x2x4x512xi32>
      %slice3A_406 = vector.extract_strided_slice %reshape3A_404 {offsets = [0, 0, 0, 0, 0], sizes = [8, 1, 2, 4, 512], strides = [1, 1, 1, 1, 1]} : vector<8x2x2x4x512xi32> to vector<8x1x2x4x512xi32>
      %slice3A_407 = vector.extract_strided_slice %reshape3A_405 {offsets = [0, 1, 0, 0, 0], sizes = [8, 1, 2, 4, 512], strides = [1, 1, 1, 1, 1]} : vector<8x2x2x4x512xi32> to vector<8x1x2x4x512xi32>
      %concatenate3A_408 = tpu.concatenate %slice3A_406, %slice3A_407 in 1 : vector<8x1x2x4x512xi32>, vector<8x1x2x4x512xi32> -> vector<8x2x2x4x512xi32>
      %reshape3A_409 = vector.shape_cast %concatenate3A_408 : vector<8x2x2x4x512xi32> to vector<32x4x512xi32>
      %reshape3A_410 = vector.shape_cast %reshape3A_391 : vector<32x4x512xf32> to vector<32x1x4x512xf32>
      %reshape3A_411 = vector.shape_cast %reshape3A_403 : vector<32x4x512xf32> to vector<32x1x4x512xf32>
      %concatenate3A_412 = tpu.concatenate %reshape3A_410, %reshape3A_411 in 1 : vector<32x1x4x512xf32>, vector<32x1x4x512xf32> -> vector<32x2x4x512xf32>
      %reshape3A_413 = vector.shape_cast %concatenate3A_412 : vector<32x2x4x512xf32> to vector<256x512xf32>
      %reshape3A_414 = vector.shape_cast %reshape3A_397 : vector<32x4x512xi32> to vector<32x1x4x512xi32>
      %reshape3A_415 = vector.shape_cast %reshape3A_409 : vector<32x4x512xi32> to vector<32x1x4x512xi32>
      %concatenate3A_416 = tpu.concatenate %reshape3A_414, %reshape3A_415 in 1 : vector<32x1x4x512xi32>, vector<32x1x4x512xi32> -> vector<32x2x4x512xi32>
      %reshape3A_417 = vector.shape_cast %concatenate3A_416 : vector<32x2x4x512xi32> to vector<256x512xi32>
      %reshape3A_418 = vector.shape_cast %reshape3A_413 : vector<256x512xf32> to vector<64x2x2x512xf32>
      %reshape3A_419 = vector.shape_cast %reshape3A_417 : vector<256x512xi32> to vector<64x2x2x512xi32>
      %slice3A_420 = vector.extract_strided_slice %reshape3A_418 {offsets = [0, 0, 0, 0], sizes = [64, 1, 2, 512], strides = [1, 1, 1, 1]} : vector<64x2x2x512xf32> to vector<64x1x2x512xf32>
      %squeeze3A_421 = vector.shape_cast %slice3A_420 : vector<64x1x2x512xf32> to vector<64x2x512xf32>
      %slice3A_422 = vector.extract_strided_slice %reshape3A_418 {offsets = [0, 1, 0, 0], sizes = [64, 1, 2, 512], strides = [1, 1, 1, 1]} : vector<64x2x2x512xf32> to vector<64x1x2x512xf32>
      %squeeze3A_423 = vector.shape_cast %slice3A_422 : vector<64x1x2x512xf32> to vector<64x2x512xf32>
      %slice3A_424 = vector.extract_strided_slice %reshape3A_419 {offsets = [0, 0, 0, 0], sizes = [64, 1, 2, 512], strides = [1, 1, 1, 1]} : vector<64x2x2x512xi32> to vector<64x1x2x512xi32>
      %squeeze3A_425 = vector.shape_cast %slice3A_424 : vector<64x1x2x512xi32> to vector<64x2x512xi32>
      %slice3A_426 = vector.extract_strided_slice %reshape3A_419 {offsets = [0, 1, 0, 0], sizes = [64, 1, 2, 512], strides = [1, 1, 1, 1]} : vector<64x2x2x512xi32> to vector<64x1x2x512xi32>
      %squeeze3A_427 = vector.shape_cast %slice3A_426 : vector<64x1x2x512xi32> to vector<64x2x512xi32>
      %lt3A_428 = arith.cmpf olt, %squeeze3A_423, %squeeze3A_421 : vector<64x2x512xf32>
      %eq3A_429 = arith.cmpf oeq, %squeeze3A_423, %squeeze3A_421 : vector<64x2x512xf32>
      %lt3A_430 = arith.cmpi slt, %squeeze3A_427, %squeeze3A_425 : vector<64x2x512xi32>
      %and3A_431 = arith.andi %eq3A_429, %lt3A_430 : vector<64x2x512xi1>
      %or3A_432 = arith.ori %lt3A_428, %and3A_431 : vector<64x2x512xi1>
      %select_n3A_433 = arith.select %or3A_432, %squeeze3A_423, %squeeze3A_421 : vector<64x2x512xi1>, vector<64x2x512xf32>
      %select_n3A_434 = arith.select %or3A_432, %squeeze3A_427, %squeeze3A_425 : vector<64x2x512xi1>, vector<64x2x512xi32>
      %select_n3A_435 = arith.select %or3A_432, %squeeze3A_421, %squeeze3A_423 : vector<64x2x512xi1>, vector<64x2x512xf32>
      %select_n3A_436 = arith.select %or3A_432, %squeeze3A_425, %squeeze3A_427 : vector<64x2x512xi1>, vector<64x2x512xi32>
      %reshape3A_437 = vector.shape_cast %select_n3A_435 : vector<64x2x512xf32> to vector<8x2x4x2x512xf32>
      %reshape3A_438 = vector.shape_cast %select_n3A_433 : vector<64x2x512xf32> to vector<8x2x4x2x512xf32>
      %slice3A_439 = vector.extract_strided_slice %reshape3A_437 {offsets = [0, 0, 0, 0, 0], sizes = [8, 1, 4, 2, 512], strides = [1, 1, 1, 1, 1]} : vector<8x2x4x2x512xf32> to vector<8x1x4x2x512xf32>
      %slice3A_440 = vector.extract_strided_slice %reshape3A_438 {offsets = [0, 1, 0, 0, 0], sizes = [8, 1, 4, 2, 512], strides = [1, 1, 1, 1, 1]} : vector<8x2x4x2x512xf32> to vector<8x1x4x2x512xf32>
      %concatenate3A_441 = tpu.concatenate %slice3A_439, %slice3A_440 in 1 : vector<8x1x4x2x512xf32>, vector<8x1x4x2x512xf32> -> vector<8x2x4x2x512xf32>
      %reshape3A_442 = vector.shape_cast %concatenate3A_441 : vector<8x2x4x2x512xf32> to vector<64x2x512xf32>
      %reshape3A_443 = vector.shape_cast %select_n3A_436 : vector<64x2x512xi32> to vector<8x2x4x2x512xi32>
      %reshape3A_444 = vector.shape_cast %select_n3A_434 : vector<64x2x512xi32> to vector<8x2x4x2x512xi32>
      %slice3A_445 = vector.extract_strided_slice %reshape3A_443 {offsets = [0, 0, 0, 0, 0], sizes = [8, 1, 4, 2, 512], strides = [1, 1, 1, 1, 1]} : vector<8x2x4x2x512xi32> to vector<8x1x4x2x512xi32>
      %slice3A_446 = vector.extract_strided_slice %reshape3A_444 {offsets = [0, 1, 0, 0, 0], sizes = [8, 1, 4, 2, 512], strides = [1, 1, 1, 1, 1]} : vector<8x2x4x2x512xi32> to vector<8x1x4x2x512xi32>
      %concatenate3A_447 = tpu.concatenate %slice3A_445, %slice3A_446 in 1 : vector<8x1x4x2x512xi32>, vector<8x1x4x2x512xi32> -> vector<8x2x4x2x512xi32>
      %reshape3A_448 = vector.shape_cast %concatenate3A_447 : vector<8x2x4x2x512xi32> to vector<64x2x512xi32>
      %reshape3A_449 = vector.shape_cast %select_n3A_433 : vector<64x2x512xf32> to vector<8x2x4x2x512xf32>
      %reshape3A_450 = vector.shape_cast %select_n3A_435 : vector<64x2x512xf32> to vector<8x2x4x2x512xf32>
      %slice3A_451 = vector.extract_strided_slice %reshape3A_449 {offsets = [0, 0, 0, 0, 0], sizes = [8, 1, 4, 2, 512], strides = [1, 1, 1, 1, 1]} : vector<8x2x4x2x512xf32> to vector<8x1x4x2x512xf32>
      %slice3A_452 = vector.extract_strided_slice %reshape3A_450 {offsets = [0, 1, 0, 0, 0], sizes = [8, 1, 4, 2, 512], strides = [1, 1, 1, 1, 1]} : vector<8x2x4x2x512xf32> to vector<8x1x4x2x512xf32>
      %concatenate3A_453 = tpu.concatenate %slice3A_451, %slice3A_452 in 1 : vector<8x1x4x2x512xf32>, vector<8x1x4x2x512xf32> -> vector<8x2x4x2x512xf32>
      %reshape3A_454 = vector.shape_cast %concatenate3A_453 : vector<8x2x4x2x512xf32> to vector<64x2x512xf32>
      %reshape3A_455 = vector.shape_cast %select_n3A_434 : vector<64x2x512xi32> to vector<8x2x4x2x512xi32>
      %reshape3A_456 = vector.shape_cast %select_n3A_436 : vector<64x2x512xi32> to vector<8x2x4x2x512xi32>
      %slice3A_457 = vector.extract_strided_slice %reshape3A_455 {offsets = [0, 0, 0, 0, 0], sizes = [8, 1, 4, 2, 512], strides = [1, 1, 1, 1, 1]} : vector<8x2x4x2x512xi32> to vector<8x1x4x2x512xi32>
      %slice3A_458 = vector.extract_strided_slice %reshape3A_456 {offsets = [0, 1, 0, 0, 0], sizes = [8, 1, 4, 2, 512], strides = [1, 1, 1, 1, 1]} : vector<8x2x4x2x512xi32> to vector<8x1x4x2x512xi32>
      %concatenate3A_459 = tpu.concatenate %slice3A_457, %slice3A_458 in 1 : vector<8x1x4x2x512xi32>, vector<8x1x4x2x512xi32> -> vector<8x2x4x2x512xi32>
      %reshape3A_460 = vector.shape_cast %concatenate3A_459 : vector<8x2x4x2x512xi32> to vector<64x2x512xi32>
      %reshape3A_461 = vector.shape_cast %reshape3A_442 : vector<64x2x512xf32> to vector<64x1x2x512xf32>
      %reshape3A_462 = vector.shape_cast %reshape3A_454 : vector<64x2x512xf32> to vector<64x1x2x512xf32>
      %concatenate3A_463 = tpu.concatenate %reshape3A_461, %reshape3A_462 in 1 : vector<64x1x2x512xf32>, vector<64x1x2x512xf32> -> vector<64x2x2x512xf32>
      %reshape3A_464 = vector.shape_cast %concatenate3A_463 : vector<64x2x2x512xf32> to vector<256x512xf32>
      %reshape3A_465 = vector.shape_cast %reshape3A_448 : vector<64x2x512xi32> to vector<64x1x2x512xi32>
      %reshape3A_466 = vector.shape_cast %reshape3A_460 : vector<64x2x512xi32> to vector<64x1x2x512xi32>
      %concatenate3A_467 = tpu.concatenate %reshape3A_465, %reshape3A_466 in 1 : vector<64x1x2x512xi32>, vector<64x1x2x512xi32> -> vector<64x2x2x512xi32>
      %reshape3A_468 = vector.shape_cast %concatenate3A_467 : vector<64x2x2x512xi32> to vector<256x512xi32>
      %reshape3A_469 = vector.shape_cast %reshape3A_464 : vector<256x512xf32> to vector<128x2x1x512xf32>
      %reshape3A_470 = vector.shape_cast %reshape3A_468 : vector<256x512xi32> to vector<128x2x1x512xi32>
      %slice3A_471 = vector.extract_strided_slice %reshape3A_469 {offsets = [0, 0, 0, 0], sizes = [128, 1, 1, 512], strides = [1, 1, 1, 1]} : vector<128x2x1x512xf32> to vector<128x1x1x512xf32>
      %squeeze3A_472 = vector.shape_cast %slice3A_471 : vector<128x1x1x512xf32> to vector<128x1x512xf32>
      %slice3A_473 = vector.extract_strided_slice %reshape3A_469 {offsets = [0, 1, 0, 0], sizes = [128, 1, 1, 512], strides = [1, 1, 1, 1]} : vector<128x2x1x512xf32> to vector<128x1x1x512xf32>
      %squeeze3A_474 = vector.shape_cast %slice3A_473 : vector<128x1x1x512xf32> to vector<128x1x512xf32>
      %slice3A_475 = vector.extract_strided_slice %reshape3A_470 {offsets = [0, 0, 0, 0], sizes = [128, 1, 1, 512], strides = [1, 1, 1, 1]} : vector<128x2x1x512xi32> to vector<128x1x1x512xi32>
      %squeeze3A_476 = vector.shape_cast %slice3A_475 : vector<128x1x1x512xi32> to vector<128x1x512xi32>
      %slice3A_477 = vector.extract_strided_slice %reshape3A_470 {offsets = [0, 1, 0, 0], sizes = [128, 1, 1, 512], strides = [1, 1, 1, 1]} : vector<128x2x1x512xi32> to vector<128x1x1x512xi32>
      %squeeze3A_478 = vector.shape_cast %slice3A_477 : vector<128x1x1x512xi32> to vector<128x1x512xi32>
      %lt3A_479 = arith.cmpf olt, %squeeze3A_474, %squeeze3A_472 : vector<128x1x512xf32>
      %eq3A_480 = arith.cmpf oeq, %squeeze3A_474, %squeeze3A_472 : vector<128x1x512xf32>
      %lt3A_481 = arith.cmpi slt, %squeeze3A_478, %squeeze3A_476 : vector<128x1x512xi32>
      %and3A_482 = arith.andi %eq3A_480, %lt3A_481 : vector<128x1x512xi1>
      %or3A_483 = arith.ori %lt3A_479, %and3A_482 : vector<128x1x512xi1>
      %select_n3A_484 = arith.select %or3A_483, %squeeze3A_474, %squeeze3A_472 : vector<128x1x512xi1>, vector<128x1x512xf32>
      %select_n3A_485 = arith.select %or3A_483, %squeeze3A_478, %squeeze3A_476 : vector<128x1x512xi1>, vector<128x1x512xi32>
      %select_n3A_486 = arith.select %or3A_483, %squeeze3A_472, %squeeze3A_474 : vector<128x1x512xi1>, vector<128x1x512xf32>
      %select_n3A_487 = arith.select %or3A_483, %squeeze3A_476, %squeeze3A_478 : vector<128x1x512xi1>, vector<128x1x512xi32>
      %reshape3A_488 = vector.shape_cast %select_n3A_486 : vector<128x1x512xf32> to vector<8x2x8x1x512xf32>
      %reshape3A_489 = vector.shape_cast %select_n3A_484 : vector<128x1x512xf32> to vector<8x2x8x1x512xf32>
      %slice3A_490 = vector.extract_strided_slice %reshape3A_488 {offsets = [0, 0, 0, 0, 0], sizes = [8, 1, 8, 1, 512], strides = [1, 1, 1, 1, 1]} : vector<8x2x8x1x512xf32> to vector<8x1x8x1x512xf32>
      %slice3A_491 = vector.extract_strided_slice %reshape3A_489 {offsets = [0, 1, 0, 0, 0], sizes = [8, 1, 8, 1, 512], strides = [1, 1, 1, 1, 1]} : vector<8x2x8x1x512xf32> to vector<8x1x8x1x512xf32>
      %concatenate3A_492 = tpu.concatenate %slice3A_490, %slice3A_491 in 1 : vector<8x1x8x1x512xf32>, vector<8x1x8x1x512xf32> -> vector<8x2x8x1x512xf32>
      %reshape3A_493 = vector.shape_cast %concatenate3A_492 : vector<8x2x8x1x512xf32> to vector<128x1x512xf32>
      %reshape3A_494 = vector.shape_cast %select_n3A_487 : vector<128x1x512xi32> to vector<8x2x8x1x512xi32>
      %reshape3A_495 = vector.shape_cast %select_n3A_485 : vector<128x1x512xi32> to vector<8x2x8x1x512xi32>
      %slice3A_496 = vector.extract_strided_slice %reshape3A_494 {offsets = [0, 0, 0, 0, 0], sizes = [8, 1, 8, 1, 512], strides = [1, 1, 1, 1, 1]} : vector<8x2x8x1x512xi32> to vector<8x1x8x1x512xi32>
      %slice3A_497 = vector.extract_strided_slice %reshape3A_495 {offsets = [0, 1, 0, 0, 0], sizes = [8, 1, 8, 1, 512], strides = [1, 1, 1, 1, 1]} : vector<8x2x8x1x512xi32> to vector<8x1x8x1x512xi32>
      %concatenate3A_498 = tpu.concatenate %slice3A_496, %slice3A_497 in 1 : vector<8x1x8x1x512xi32>, vector<8x1x8x1x512xi32> -> vector<8x2x8x1x512xi32>
      %reshape3A_499 = vector.shape_cast %concatenate3A_498 : vector<8x2x8x1x512xi32> to vector<128x1x512xi32>
      %reshape3A_500 = vector.shape_cast %select_n3A_484 : vector<128x1x512xf32> to vector<8x2x8x1x512xf32>
      %reshape3A_501 = vector.shape_cast %select_n3A_486 : vector<128x1x512xf32> to vector<8x2x8x1x512xf32>
      %slice3A_502 = vector.extract_strided_slice %reshape3A_500 {offsets = [0, 0, 0, 0, 0], sizes = [8, 1, 8, 1, 512], strides = [1, 1, 1, 1, 1]} : vector<8x2x8x1x512xf32> to vector<8x1x8x1x512xf32>
      %slice3A_503 = vector.extract_strided_slice %reshape3A_501 {offsets = [0, 1, 0, 0, 0], sizes = [8, 1, 8, 1, 512], strides = [1, 1, 1, 1, 1]} : vector<8x2x8x1x512xf32> to vector<8x1x8x1x512xf32>
      %concatenate3A_504 = tpu.concatenate %slice3A_502, %slice3A_503 in 1 : vector<8x1x8x1x512xf32>, vector<8x1x8x1x512xf32> -> vector<8x2x8x1x512xf32>
      %reshape3A_505 = vector.shape_cast %concatenate3A_504 : vector<8x2x8x1x512xf32> to vector<128x1x512xf32>
      %reshape3A_506 = vector.shape_cast %select_n3A_485 : vector<128x1x512xi32> to vector<8x2x8x1x512xi32>
      %reshape3A_507 = vector.shape_cast %select_n3A_487 : vector<128x1x512xi32> to vector<8x2x8x1x512xi32>
      %slice3A_508 = vector.extract_strided_slice %reshape3A_506 {offsets = [0, 0, 0, 0, 0], sizes = [8, 1, 8, 1, 512], strides = [1, 1, 1, 1, 1]} : vector<8x2x8x1x512xi32> to vector<8x1x8x1x512xi32>
      %slice3A_509 = vector.extract_strided_slice %reshape3A_507 {offsets = [0, 1, 0, 0, 0], sizes = [8, 1, 8, 1, 512], strides = [1, 1, 1, 1, 1]} : vector<8x2x8x1x512xi32> to vector<8x1x8x1x512xi32>
      %concatenate3A_510 = tpu.concatenate %slice3A_508, %slice3A_509 in 1 : vector<8x1x8x1x512xi32>, vector<8x1x8x1x512xi32> -> vector<8x2x8x1x512xi32>
      %reshape3A_511 = vector.shape_cast %concatenate3A_510 : vector<8x2x8x1x512xi32> to vector<128x1x512xi32>
      %reshape3A_512 = vector.shape_cast %reshape3A_493 : vector<128x1x512xf32> to vector<128x1x1x512xf32>
      %reshape3A_513 = vector.shape_cast %reshape3A_505 : vector<128x1x512xf32> to vector<128x1x1x512xf32>
      %concatenate3A_514 = tpu.concatenate %reshape3A_512, %reshape3A_513 in 1 : vector<128x1x1x512xf32>, vector<128x1x1x512xf32> -> vector<128x2x1x512xf32>
      %reshape3A_515 = vector.shape_cast %concatenate3A_514 : vector<128x2x1x512xf32> to vector<256x512xf32>
      %reshape3A_516 = vector.shape_cast %reshape3A_499 : vector<128x1x512xi32> to vector<128x1x1x512xi32>
      %reshape3A_517 = vector.shape_cast %reshape3A_511 : vector<128x1x512xi32> to vector<128x1x1x512xi32>
      %concatenate3A_518 = tpu.concatenate %reshape3A_516, %reshape3A_517 in 1 : vector<128x1x1x512xi32>, vector<128x1x1x512xi32> -> vector<128x2x1x512xi32>
      %reshape3A_519 = vector.shape_cast %concatenate3A_518 : vector<128x2x1x512xi32> to vector<256x512xi32>
      %reshape3A_520 = vector.shape_cast %reshape3A_515 : vector<256x512xf32> to vector<8x2x16x512xf32>
      %reshape3A_521 = vector.shape_cast %reshape3A_519 : vector<256x512xi32> to vector<8x2x16x512xi32>
      %slice3A_522 = vector.extract_strided_slice %reshape3A_520 {offsets = [0, 0, 0, 0], sizes = [8, 1, 16, 512], strides = [1, 1, 1, 1]} : vector<8x2x16x512xf32> to vector<8x1x16x512xf32>
      %squeeze3A_523 = vector.shape_cast %slice3A_522 : vector<8x1x16x512xf32> to vector<8x16x512xf32>
      %slice3A_524 = vector.extract_strided_slice %reshape3A_520 {offsets = [0, 1, 0, 0], sizes = [8, 1, 16, 512], strides = [1, 1, 1, 1]} : vector<8x2x16x512xf32> to vector<8x1x16x512xf32>
      %squeeze3A_525 = vector.shape_cast %slice3A_524 : vector<8x1x16x512xf32> to vector<8x16x512xf32>
      %slice3A_526 = vector.extract_strided_slice %reshape3A_521 {offsets = [0, 0, 0, 0], sizes = [8, 1, 16, 512], strides = [1, 1, 1, 1]} : vector<8x2x16x512xi32> to vector<8x1x16x512xi32>
      %squeeze3A_527 = vector.shape_cast %slice3A_526 : vector<8x1x16x512xi32> to vector<8x16x512xi32>
      %slice3A_528 = vector.extract_strided_slice %reshape3A_521 {offsets = [0, 1, 0, 0], sizes = [8, 1, 16, 512], strides = [1, 1, 1, 1]} : vector<8x2x16x512xi32> to vector<8x1x16x512xi32>
      %squeeze3A_529 = vector.shape_cast %slice3A_528 : vector<8x1x16x512xi32> to vector<8x16x512xi32>
      %lt3A_530 = arith.cmpf olt, %squeeze3A_525, %squeeze3A_523 : vector<8x16x512xf32>
      %eq3A_531 = arith.cmpf oeq, %squeeze3A_525, %squeeze3A_523 : vector<8x16x512xf32>
      %lt3A_532 = arith.cmpi slt, %squeeze3A_529, %squeeze3A_527 : vector<8x16x512xi32>
      %and3A_533 = arith.andi %eq3A_531, %lt3A_532 : vector<8x16x512xi1>
      %or3A_534 = arith.ori %lt3A_530, %and3A_533 : vector<8x16x512xi1>
      %select_n3A_535 = arith.select %or3A_534, %squeeze3A_525, %squeeze3A_523 : vector<8x16x512xi1>, vector<8x16x512xf32>
      %select_n3A_536 = arith.select %or3A_534, %squeeze3A_529, %squeeze3A_527 : vector<8x16x512xi1>, vector<8x16x512xi32>
      %select_n3A_537 = arith.select %or3A_534, %squeeze3A_523, %squeeze3A_525 : vector<8x16x512xi1>, vector<8x16x512xf32>
      %select_n3A_538 = arith.select %or3A_534, %squeeze3A_527, %squeeze3A_529 : vector<8x16x512xi1>, vector<8x16x512xi32>
      %reshape3A_539 = vector.shape_cast %select_n3A_537 : vector<8x16x512xf32> to vector<4x2x1x16x512xf32>
      %reshape3A_540 = vector.shape_cast %select_n3A_535 : vector<8x16x512xf32> to vector<4x2x1x16x512xf32>
      %slice3A_541 = vector.extract_strided_slice %reshape3A_539 {offsets = [0, 0, 0, 0, 0], sizes = [4, 1, 1, 16, 512], strides = [1, 1, 1, 1, 1]} : vector<4x2x1x16x512xf32> to vector<4x1x1x16x512xf32>
      %slice3A_542 = vector.extract_strided_slice %reshape3A_540 {offsets = [0, 1, 0, 0, 0], sizes = [4, 1, 1, 16, 512], strides = [1, 1, 1, 1, 1]} : vector<4x2x1x16x512xf32> to vector<4x1x1x16x512xf32>
      %concatenate3A_543 = tpu.concatenate %slice3A_541, %slice3A_542 in 1 : vector<4x1x1x16x512xf32>, vector<4x1x1x16x512xf32> -> vector<4x2x1x16x512xf32>
      %reshape3A_544 = vector.shape_cast %concatenate3A_543 : vector<4x2x1x16x512xf32> to vector<8x16x512xf32>
      %reshape3A_545 = vector.shape_cast %select_n3A_538 : vector<8x16x512xi32> to vector<4x2x1x16x512xi32>
      %reshape3A_546 = vector.shape_cast %select_n3A_536 : vector<8x16x512xi32> to vector<4x2x1x16x512xi32>
      %slice3A_547 = vector.extract_strided_slice %reshape3A_545 {offsets = [0, 0, 0, 0, 0], sizes = [4, 1, 1, 16, 512], strides = [1, 1, 1, 1, 1]} : vector<4x2x1x16x512xi32> to vector<4x1x1x16x512xi32>
      %slice3A_548 = vector.extract_strided_slice %reshape3A_546 {offsets = [0, 1, 0, 0, 0], sizes = [4, 1, 1, 16, 512], strides = [1, 1, 1, 1, 1]} : vector<4x2x1x16x512xi32> to vector<4x1x1x16x512xi32>
      %concatenate3A_549 = tpu.concatenate %slice3A_547, %slice3A_548 in 1 : vector<4x1x1x16x512xi32>, vector<4x1x1x16x512xi32> -> vector<4x2x1x16x512xi32>
      %reshape3A_550 = vector.shape_cast %concatenate3A_549 : vector<4x2x1x16x512xi32> to vector<8x16x512xi32>
      %reshape3A_551 = vector.shape_cast %select_n3A_535 : vector<8x16x512xf32> to vector<4x2x1x16x512xf32>
      %reshape3A_552 = vector.shape_cast %select_n3A_537 : vector<8x16x512xf32> to vector<4x2x1x16x512xf32>
      %slice3A_553 = vector.extract_strided_slice %reshape3A_551 {offsets = [0, 0, 0, 0, 0], sizes = [4, 1, 1, 16, 512], strides = [1, 1, 1, 1, 1]} : vector<4x2x1x16x512xf32> to vector<4x1x1x16x512xf32>
      %slice3A_554 = vector.extract_strided_slice %reshape3A_552 {offsets = [0, 1, 0, 0, 0], sizes = [4, 1, 1, 16, 512], strides = [1, 1, 1, 1, 1]} : vector<4x2x1x16x512xf32> to vector<4x1x1x16x512xf32>
      %concatenate3A_555 = tpu.concatenate %slice3A_553, %slice3A_554 in 1 : vector<4x1x1x16x512xf32>, vector<4x1x1x16x512xf32> -> vector<4x2x1x16x512xf32>
      %reshape3A_556 = vector.shape_cast %concatenate3A_555 : vector<4x2x1x16x512xf32> to vector<8x16x512xf32>
      %reshape3A_557 = vector.shape_cast %select_n3A_536 : vector<8x16x512xi32> to vector<4x2x1x16x512xi32>
      %reshape3A_558 = vector.shape_cast %select_n3A_538 : vector<8x16x512xi32> to vector<4x2x1x16x512xi32>
      %slice3A_559 = vector.extract_strided_slice %reshape3A_557 {offsets = [0, 0, 0, 0, 0], sizes = [4, 1, 1, 16, 512], strides = [1, 1, 1, 1, 1]} : vector<4x2x1x16x512xi32> to vector<4x1x1x16x512xi32>
      %slice3A_560 = vector.extract_strided_slice %reshape3A_558 {offsets = [0, 1, 0, 0, 0], sizes = [4, 1, 1, 16, 512], strides = [1, 1, 1, 1, 1]} : vector<4x2x1x16x512xi32> to vector<4x1x1x16x512xi32>
      %concatenate3A_561 = tpu.concatenate %slice3A_559, %slice3A_560 in 1 : vector<4x1x1x16x512xi32>, vector<4x1x1x16x512xi32> -> vector<4x2x1x16x512xi32>
      %reshape3A_562 = vector.shape_cast %concatenate3A_561 : vector<4x2x1x16x512xi32> to vector<8x16x512xi32>
      %reshape3A_563 = vector.shape_cast %reshape3A_544 : vector<8x16x512xf32> to vector<8x1x16x512xf32>
      %reshape3A_564 = vector.shape_cast %reshape3A_556 : vector<8x16x512xf32> to vector<8x1x16x512xf32>
      %concatenate3A_565 = tpu.concatenate %reshape3A_563, %reshape3A_564 in 1 : vector<8x1x16x512xf32>, vector<8x1x16x512xf32> -> vector<8x2x16x512xf32>
      %reshape3A_566 = vector.shape_cast %concatenate3A_565 : vector<8x2x16x512xf32> to vector<256x512xf32>
      %reshape3A_567 = vector.shape_cast %reshape3A_550 : vector<8x16x512xi32> to vector<8x1x16x512xi32>
      %reshape3A_568 = vector.shape_cast %reshape3A_562 : vector<8x16x512xi32> to vector<8x1x16x512xi32>
      %concatenate3A_569 = tpu.concatenate %reshape3A_567, %reshape3A_568 in 1 : vector<8x1x16x512xi32>, vector<8x1x16x512xi32> -> vector<8x2x16x512xi32>
      %reshape3A_570 = vector.shape_cast %concatenate3A_569 : vector<8x2x16x512xi32> to vector<256x512xi32>
      %reshape3A_571 = vector.shape_cast %reshape3A_566 : vector<256x512xf32> to vector<16x2x8x512xf32>
      %reshape3A_572 = vector.shape_cast %reshape3A_570 : vector<256x512xi32> to vector<16x2x8x512xi32>
      %slice3A_573 = vector.extract_strided_slice %reshape3A_571 {offsets = [0, 0, 0, 0], sizes = [16, 1, 8, 512], strides = [1, 1, 1, 1]} : vector<16x2x8x512xf32> to vector<16x1x8x512xf32>
      %squeeze3A_574 = vector.shape_cast %slice3A_573 : vector<16x1x8x512xf32> to vector<16x8x512xf32>
      %slice3A_575 = vector.extract_strided_slice %reshape3A_571 {offsets = [0, 1, 0, 0], sizes = [16, 1, 8, 512], strides = [1, 1, 1, 1]} : vector<16x2x8x512xf32> to vector<16x1x8x512xf32>
      %squeeze3A_576 = vector.shape_cast %slice3A_575 : vector<16x1x8x512xf32> to vector<16x8x512xf32>
      %slice3A_577 = vector.extract_strided_slice %reshape3A_572 {offsets = [0, 0, 0, 0], sizes = [16, 1, 8, 512], strides = [1, 1, 1, 1]} : vector<16x2x8x512xi32> to vector<16x1x8x512xi32>
      %squeeze3A_578 = vector.shape_cast %slice3A_577 : vector<16x1x8x512xi32> to vector<16x8x512xi32>
      %slice3A_579 = vector.extract_strided_slice %reshape3A_572 {offsets = [0, 1, 0, 0], sizes = [16, 1, 8, 512], strides = [1, 1, 1, 1]} : vector<16x2x8x512xi32> to vector<16x1x8x512xi32>
      %squeeze3A_580 = vector.shape_cast %slice3A_579 : vector<16x1x8x512xi32> to vector<16x8x512xi32>
      %lt3A_581 = arith.cmpf olt, %squeeze3A_576, %squeeze3A_574 : vector<16x8x512xf32>
      %eq3A_582 = arith.cmpf oeq, %squeeze3A_576, %squeeze3A_574 : vector<16x8x512xf32>
      %lt3A_583 = arith.cmpi slt, %squeeze3A_580, %squeeze3A_578 : vector<16x8x512xi32>
      %and3A_584 = arith.andi %eq3A_582, %lt3A_583 : vector<16x8x512xi1>
      %or3A_585 = arith.ori %lt3A_581, %and3A_584 : vector<16x8x512xi1>
      %select_n3A_586 = arith.select %or3A_585, %squeeze3A_576, %squeeze3A_574 : vector<16x8x512xi1>, vector<16x8x512xf32>
      %select_n3A_587 = arith.select %or3A_585, %squeeze3A_580, %squeeze3A_578 : vector<16x8x512xi1>, vector<16x8x512xi32>
      %select_n3A_588 = arith.select %or3A_585, %squeeze3A_574, %squeeze3A_576 : vector<16x8x512xi1>, vector<16x8x512xf32>
      %select_n3A_589 = arith.select %or3A_585, %squeeze3A_578, %squeeze3A_580 : vector<16x8x512xi1>, vector<16x8x512xi32>
      %reshape3A_590 = vector.shape_cast %select_n3A_588 : vector<16x8x512xf32> to vector<4x2x2x8x512xf32>
      %reshape3A_591 = vector.shape_cast %select_n3A_586 : vector<16x8x512xf32> to vector<4x2x2x8x512xf32>
      %slice3A_592 = vector.extract_strided_slice %reshape3A_590 {offsets = [0, 0, 0, 0, 0], sizes = [4, 1, 2, 8, 512], strides = [1, 1, 1, 1, 1]} : vector<4x2x2x8x512xf32> to vector<4x1x2x8x512xf32>
      %slice3A_593 = vector.extract_strided_slice %reshape3A_591 {offsets = [0, 1, 0, 0, 0], sizes = [4, 1, 2, 8, 512], strides = [1, 1, 1, 1, 1]} : vector<4x2x2x8x512xf32> to vector<4x1x2x8x512xf32>
      %concatenate3A_594 = tpu.concatenate %slice3A_592, %slice3A_593 in 1 : vector<4x1x2x8x512xf32>, vector<4x1x2x8x512xf32> -> vector<4x2x2x8x512xf32>
      %reshape3A_595 = vector.shape_cast %concatenate3A_594 : vector<4x2x2x8x512xf32> to vector<16x8x512xf32>
      %reshape3A_596 = vector.shape_cast %select_n3A_589 : vector<16x8x512xi32> to vector<4x2x2x8x512xi32>
      %reshape3A_597 = vector.shape_cast %select_n3A_587 : vector<16x8x512xi32> to vector<4x2x2x8x512xi32>
      %slice3A_598 = vector.extract_strided_slice %reshape3A_596 {offsets = [0, 0, 0, 0, 0], sizes = [4, 1, 2, 8, 512], strides = [1, 1, 1, 1, 1]} : vector<4x2x2x8x512xi32> to vector<4x1x2x8x512xi32>
      %slice3A_599 = vector.extract_strided_slice %reshape3A_597 {offsets = [0, 1, 0, 0, 0], sizes = [4, 1, 2, 8, 512], strides = [1, 1, 1, 1, 1]} : vector<4x2x2x8x512xi32> to vector<4x1x2x8x512xi32>
      %concatenate3A_600 = tpu.concatenate %slice3A_598, %slice3A_599 in 1 : vector<4x1x2x8x512xi32>, vector<4x1x2x8x512xi32> -> vector<4x2x2x8x512xi32>
      %reshape3A_601 = vector.shape_cast %concatenate3A_600 : vector<4x2x2x8x512xi32> to vector<16x8x512xi32>
      %reshape3A_602 = vector.shape_cast %select_n3A_586 : vector<16x8x512xf32> to vector<4x2x2x8x512xf32>
      %reshape3A_603 = vector.shape_cast %select_n3A_588 : vector<16x8x512xf32> to vector<4x2x2x8x512xf32>
      %slice3A_604 = vector.extract_strided_slice %reshape3A_602 {offsets = [0, 0, 0, 0, 0], sizes = [4, 1, 2, 8, 512], strides = [1, 1, 1, 1, 1]} : vector<4x2x2x8x512xf32> to vector<4x1x2x8x512xf32>
      %slice3A_605 = vector.extract_strided_slice %reshape3A_603 {offsets = [0, 1, 0, 0, 0], sizes = [4, 1, 2, 8, 512], strides = [1, 1, 1, 1, 1]} : vector<4x2x2x8x512xf32> to vector<4x1x2x8x512xf32>
      %concatenate3A_606 = tpu.concatenate %slice3A_604, %slice3A_605 in 1 : vector<4x1x2x8x512xf32>, vector<4x1x2x8x512xf32> -> vector<4x2x2x8x512xf32>
      %reshape3A_607 = vector.shape_cast %concatenate3A_606 : vector<4x2x2x8x512xf32> to vector<16x8x512xf32>
      %reshape3A_608 = vector.shape_cast %select_n3A_587 : vector<16x8x512xi32> to vector<4x2x2x8x512xi32>
      %reshape3A_609 = vector.shape_cast %select_n3A_589 : vector<16x8x512xi32> to vector<4x2x2x8x512xi32>
      %slice3A_610 = vector.extract_strided_slice %reshape3A_608 {offsets = [0, 0, 0, 0, 0], sizes = [4, 1, 2, 8, 512], strides = [1, 1, 1, 1, 1]} : vector<4x2x2x8x512xi32> to vector<4x1x2x8x512xi32>
      %slice3A_611 = vector.extract_strided_slice %reshape3A_609 {offsets = [0, 1, 0, 0, 0], sizes = [4, 1, 2, 8, 512], strides = [1, 1, 1, 1, 1]} : vector<4x2x2x8x512xi32> to vector<4x1x2x8x512xi32>
      %concatenate3A_612 = tpu.concatenate %slice3A_610, %slice3A_611 in 1 : vector<4x1x2x8x512xi32>, vector<4x1x2x8x512xi32> -> vector<4x2x2x8x512xi32>
      %reshape3A_613 = vector.shape_cast %concatenate3A_612 : vector<4x2x2x8x512xi32> to vector<16x8x512xi32>
      %reshape3A_614 = vector.shape_cast %reshape3A_595 : vector<16x8x512xf32> to vector<16x1x8x512xf32>
      %reshape3A_615 = vector.shape_cast %reshape3A_607 : vector<16x8x512xf32> to vector<16x1x8x512xf32>
      %concatenate3A_616 = tpu.concatenate %reshape3A_614, %reshape3A_615 in 1 : vector<16x1x8x512xf32>, vector<16x1x8x512xf32> -> vector<16x2x8x512xf32>
      %reshape3A_617 = vector.shape_cast %concatenate3A_616 : vector<16x2x8x512xf32> to vector<256x512xf32>
      %reshape3A_618 = vector.shape_cast %reshape3A_601 : vector<16x8x512xi32> to vector<16x1x8x512xi32>
      %reshape3A_619 = vector.shape_cast %reshape3A_613 : vector<16x8x512xi32> to vector<16x1x8x512xi32>
      %concatenate3A_620 = tpu.concatenate %reshape3A_618, %reshape3A_619 in 1 : vector<16x1x8x512xi32>, vector<16x1x8x512xi32> -> vector<16x2x8x512xi32>
      %reshape3A_621 = vector.shape_cast %concatenate3A_620 : vector<16x2x8x512xi32> to vector<256x512xi32>
      %reshape3A_622 = vector.shape_cast %reshape3A_617 : vector<256x512xf32> to vector<32x2x4x512xf32>
      %reshape3A_623 = vector.shape_cast %reshape3A_621 : vector<256x512xi32> to vector<32x2x4x512xi32>
      %slice3A_624 = vector.extract_strided_slice %reshape3A_622 {offsets = [0, 0, 0, 0], sizes = [32, 1, 4, 512], strides = [1, 1, 1, 1]} : vector<32x2x4x512xf32> to vector<32x1x4x512xf32>
      %squeeze3A_625 = vector.shape_cast %slice3A_624 : vector<32x1x4x512xf32> to vector<32x4x512xf32>
      %slice3A_626 = vector.extract_strided_slice %reshape3A_622 {offsets = [0, 1, 0, 0], sizes = [32, 1, 4, 512], strides = [1, 1, 1, 1]} : vector<32x2x4x512xf32> to vector<32x1x4x512xf32>
      %squeeze3A_627 = vector.shape_cast %slice3A_626 : vector<32x1x4x512xf32> to vector<32x4x512xf32>
      %slice3A_628 = vector.extract_strided_slice %reshape3A_623 {offsets = [0, 0, 0, 0], sizes = [32, 1, 4, 512], strides = [1, 1, 1, 1]} : vector<32x2x4x512xi32> to vector<32x1x4x512xi32>
      %squeeze3A_629 = vector.shape_cast %slice3A_628 : vector<32x1x4x512xi32> to vector<32x4x512xi32>
      %slice3A_630 = vector.extract_strided_slice %reshape3A_623 {offsets = [0, 1, 0, 0], sizes = [32, 1, 4, 512], strides = [1, 1, 1, 1]} : vector<32x2x4x512xi32> to vector<32x1x4x512xi32>
      %squeeze3A_631 = vector.shape_cast %slice3A_630 : vector<32x1x4x512xi32> to vector<32x4x512xi32>
      %lt3A_632 = arith.cmpf olt, %squeeze3A_627, %squeeze3A_625 : vector<32x4x512xf32>
      %eq3A_633 = arith.cmpf oeq, %squeeze3A_627, %squeeze3A_625 : vector<32x4x512xf32>
      %lt3A_634 = arith.cmpi slt, %squeeze3A_631, %squeeze3A_629 : vector<32x4x512xi32>
      %and3A_635 = arith.andi %eq3A_633, %lt3A_634 : vector<32x4x512xi1>
      %or3A_636 = arith.ori %lt3A_632, %and3A_635 : vector<32x4x512xi1>
      %select_n3A_637 = arith.select %or3A_636, %squeeze3A_627, %squeeze3A_625 : vector<32x4x512xi1>, vector<32x4x512xf32>
      %select_n3A_638 = arith.select %or3A_636, %squeeze3A_631, %squeeze3A_629 : vector<32x4x512xi1>, vector<32x4x512xi32>
      %select_n3A_639 = arith.select %or3A_636, %squeeze3A_625, %squeeze3A_627 : vector<32x4x512xi1>, vector<32x4x512xf32>
      %select_n3A_640 = arith.select %or3A_636, %squeeze3A_629, %squeeze3A_631 : vector<32x4x512xi1>, vector<32x4x512xi32>
      %reshape3A_641 = vector.shape_cast %select_n3A_639 : vector<32x4x512xf32> to vector<4x2x4x4x512xf32>
      %reshape3A_642 = vector.shape_cast %select_n3A_637 : vector<32x4x512xf32> to vector<4x2x4x4x512xf32>
      %slice3A_643 = vector.extract_strided_slice %reshape3A_641 {offsets = [0, 0, 0, 0, 0], sizes = [4, 1, 4, 4, 512], strides = [1, 1, 1, 1, 1]} : vector<4x2x4x4x512xf32> to vector<4x1x4x4x512xf32>
      %slice3A_644 = vector.extract_strided_slice %reshape3A_642 {offsets = [0, 1, 0, 0, 0], sizes = [4, 1, 4, 4, 512], strides = [1, 1, 1, 1, 1]} : vector<4x2x4x4x512xf32> to vector<4x1x4x4x512xf32>
      %concatenate3A_645 = tpu.concatenate %slice3A_643, %slice3A_644 in 1 : vector<4x1x4x4x512xf32>, vector<4x1x4x4x512xf32> -> vector<4x2x4x4x512xf32>
      %reshape3A_646 = vector.shape_cast %concatenate3A_645 : vector<4x2x4x4x512xf32> to vector<32x4x512xf32>
      %reshape3A_647 = vector.shape_cast %select_n3A_640 : vector<32x4x512xi32> to vector<4x2x4x4x512xi32>
      %reshape3A_648 = vector.shape_cast %select_n3A_638 : vector<32x4x512xi32> to vector<4x2x4x4x512xi32>
      %slice3A_649 = vector.extract_strided_slice %reshape3A_647 {offsets = [0, 0, 0, 0, 0], sizes = [4, 1, 4, 4, 512], strides = [1, 1, 1, 1, 1]} : vector<4x2x4x4x512xi32> to vector<4x1x4x4x512xi32>
      %slice3A_650 = vector.extract_strided_slice %reshape3A_648 {offsets = [0, 1, 0, 0, 0], sizes = [4, 1, 4, 4, 512], strides = [1, 1, 1, 1, 1]} : vector<4x2x4x4x512xi32> to vector<4x1x4x4x512xi32>
      %concatenate3A_651 = tpu.concatenate %slice3A_649, %slice3A_650 in 1 : vector<4x1x4x4x512xi32>, vector<4x1x4x4x512xi32> -> vector<4x2x4x4x512xi32>
      %reshape3A_652 = vector.shape_cast %concatenate3A_651 : vector<4x2x4x4x512xi32> to vector<32x4x512xi32>
      %reshape3A_653 = vector.shape_cast %select_n3A_637 : vector<32x4x512xf32> to vector<4x2x4x4x512xf32>
      %reshape3A_654 = vector.shape_cast %select_n3A_639 : vector<32x4x512xf32> to vector<4x2x4x4x512xf32>
      %slice3A_655 = vector.extract_strided_slice %reshape3A_653 {offsets = [0, 0, 0, 0, 0], sizes = [4, 1, 4, 4, 512], strides = [1, 1, 1, 1, 1]} : vector<4x2x4x4x512xf32> to vector<4x1x4x4x512xf32>
      %slice3A_656 = vector.extract_strided_slice %reshape3A_654 {offsets = [0, 1, 0, 0, 0], sizes = [4, 1, 4, 4, 512], strides = [1, 1, 1, 1, 1]} : vector<4x2x4x4x512xf32> to vector<4x1x4x4x512xf32>
      %concatenate3A_657 = tpu.concatenate %slice3A_655, %slice3A_656 in 1 : vector<4x1x4x4x512xf32>, vector<4x1x4x4x512xf32> -> vector<4x2x4x4x512xf32>
      %reshape3A_658 = vector.shape_cast %concatenate3A_657 : vector<4x2x4x4x512xf32> to vector<32x4x512xf32>
      %reshape3A_659 = vector.shape_cast %select_n3A_638 : vector<32x4x512xi32> to vector<4x2x4x4x512xi32>
      %reshape3A_660 = vector.shape_cast %select_n3A_640 : vector<32x4x512xi32> to vector<4x2x4x4x512xi32>
      %slice3A_661 = vector.extract_strided_slice %reshape3A_659 {offsets = [0, 0, 0, 0, 0], sizes = [4, 1, 4, 4, 512], strides = [1, 1, 1, 1, 1]} : vector<4x2x4x4x512xi32> to vector<4x1x4x4x512xi32>
      %slice3A_662 = vector.extract_strided_slice %reshape3A_660 {offsets = [0, 1, 0, 0, 0], sizes = [4, 1, 4, 4, 512], strides = [1, 1, 1, 1, 1]} : vector<4x2x4x4x512xi32> to vector<4x1x4x4x512xi32>
      %concatenate3A_663 = tpu.concatenate %slice3A_661, %slice3A_662 in 1 : vector<4x1x4x4x512xi32>, vector<4x1x4x4x512xi32> -> vector<4x2x4x4x512xi32>
      %reshape3A_664 = vector.shape_cast %concatenate3A_663 : vector<4x2x4x4x512xi32> to vector<32x4x512xi32>
      %reshape3A_665 = vector.shape_cast %reshape3A_646 : vector<32x4x512xf32> to vector<32x1x4x512xf32>
      %reshape3A_666 = vector.shape_cast %reshape3A_658 : vector<32x4x512xf32> to vector<32x1x4x512xf32>
      %concatenate3A_667 = tpu.concatenate %reshape3A_665, %reshape3A_666 in 1 : vector<32x1x4x512xf32>, vector<32x1x4x512xf32> -> vector<32x2x4x512xf32>
      %reshape3A_668 = vector.shape_cast %concatenate3A_667 : vector<32x2x4x512xf32> to vector<256x512xf32>
      %reshape3A_669 = vector.shape_cast %reshape3A_652 : vector<32x4x512xi32> to vector<32x1x4x512xi32>
      %reshape3A_670 = vector.shape_cast %reshape3A_664 : vector<32x4x512xi32> to vector<32x1x4x512xi32>
      %concatenate3A_671 = tpu.concatenate %reshape3A_669, %reshape3A_670 in 1 : vector<32x1x4x512xi32>, vector<32x1x4x512xi32> -> vector<32x2x4x512xi32>
      %reshape3A_672 = vector.shape_cast %concatenate3A_671 : vector<32x2x4x512xi32> to vector<256x512xi32>
      %reshape3A_673 = vector.shape_cast %reshape3A_668 : vector<256x512xf32> to vector<64x2x2x512xf32>
      %reshape3A_674 = vector.shape_cast %reshape3A_672 : vector<256x512xi32> to vector<64x2x2x512xi32>
      %slice3A_675 = vector.extract_strided_slice %reshape3A_673 {offsets = [0, 0, 0, 0], sizes = [64, 1, 2, 512], strides = [1, 1, 1, 1]} : vector<64x2x2x512xf32> to vector<64x1x2x512xf32>
      %squeeze3A_676 = vector.shape_cast %slice3A_675 : vector<64x1x2x512xf32> to vector<64x2x512xf32>
      %slice3A_677 = vector.extract_strided_slice %reshape3A_673 {offsets = [0, 1, 0, 0], sizes = [64, 1, 2, 512], strides = [1, 1, 1, 1]} : vector<64x2x2x512xf32> to vector<64x1x2x512xf32>
      %squeeze3A_678 = vector.shape_cast %slice3A_677 : vector<64x1x2x512xf32> to vector<64x2x512xf32>
      %slice3A_679 = vector.extract_strided_slice %reshape3A_674 {offsets = [0, 0, 0, 0], sizes = [64, 1, 2, 512], strides = [1, 1, 1, 1]} : vector<64x2x2x512xi32> to vector<64x1x2x512xi32>
      %squeeze3A_680 = vector.shape_cast %slice3A_679 : vector<64x1x2x512xi32> to vector<64x2x512xi32>
      %slice3A_681 = vector.extract_strided_slice %reshape3A_674 {offsets = [0, 1, 0, 0], sizes = [64, 1, 2, 512], strides = [1, 1, 1, 1]} : vector<64x2x2x512xi32> to vector<64x1x2x512xi32>
      %squeeze3A_682 = vector.shape_cast %slice3A_681 : vector<64x1x2x512xi32> to vector<64x2x512xi32>
      %lt3A_683 = arith.cmpf olt, %squeeze3A_678, %squeeze3A_676 : vector<64x2x512xf32>
      %eq3A_684 = arith.cmpf oeq, %squeeze3A_678, %squeeze3A_676 : vector<64x2x512xf32>
      %lt3A_685 = arith.cmpi slt, %squeeze3A_682, %squeeze3A_680 : vector<64x2x512xi32>
      %and3A_686 = arith.andi %eq3A_684, %lt3A_685 : vector<64x2x512xi1>
      %or3A_687 = arith.ori %lt3A_683, %and3A_686 : vector<64x2x512xi1>
      %select_n3A_688 = arith.select %or3A_687, %squeeze3A_678, %squeeze3A_676 : vector<64x2x512xi1>, vector<64x2x512xf32>
      %select_n3A_689 = arith.select %or3A_687, %squeeze3A_682, %squeeze3A_680 : vector<64x2x512xi1>, vector<64x2x512xi32>
      %select_n3A_690 = arith.select %or3A_687, %squeeze3A_676, %squeeze3A_678 : vector<64x2x512xi1>, vector<64x2x512xf32>
      %select_n3A_691 = arith.select %or3A_687, %squeeze3A_680, %squeeze3A_682 : vector<64x2x512xi1>, vector<64x2x512xi32>
      %reshape3A_692 = vector.shape_cast %select_n3A_690 : vector<64x2x512xf32> to vector<4x2x8x2x512xf32>
      %reshape3A_693 = vector.shape_cast %select_n3A_688 : vector<64x2x512xf32> to vector<4x2x8x2x512xf32>
      %slice3A_694 = vector.extract_strided_slice %reshape3A_692 {offsets = [0, 0, 0, 0, 0], sizes = [4, 1, 8, 2, 512], strides = [1, 1, 1, 1, 1]} : vector<4x2x8x2x512xf32> to vector<4x1x8x2x512xf32>
      %slice3A_695 = vector.extract_strided_slice %reshape3A_693 {offsets = [0, 1, 0, 0, 0], sizes = [4, 1, 8, 2, 512], strides = [1, 1, 1, 1, 1]} : vector<4x2x8x2x512xf32> to vector<4x1x8x2x512xf32>
      %concatenate3A_696 = tpu.concatenate %slice3A_694, %slice3A_695 in 1 : vector<4x1x8x2x512xf32>, vector<4x1x8x2x512xf32> -> vector<4x2x8x2x512xf32>
      %reshape3A_697 = vector.shape_cast %concatenate3A_696 : vector<4x2x8x2x512xf32> to vector<64x2x512xf32>
      %reshape3A_698 = vector.shape_cast %select_n3A_691 : vector<64x2x512xi32> to vector<4x2x8x2x512xi32>
      %reshape3A_699 = vector.shape_cast %select_n3A_689 : vector<64x2x512xi32> to vector<4x2x8x2x512xi32>
      %slice3A_700 = vector.extract_strided_slice %reshape3A_698 {offsets = [0, 0, 0, 0, 0], sizes = [4, 1, 8, 2, 512], strides = [1, 1, 1, 1, 1]} : vector<4x2x8x2x512xi32> to vector<4x1x8x2x512xi32>
      %slice3A_701 = vector.extract_strided_slice %reshape3A_699 {offsets = [0, 1, 0, 0, 0], sizes = [4, 1, 8, 2, 512], strides = [1, 1, 1, 1, 1]} : vector<4x2x8x2x512xi32> to vector<4x1x8x2x512xi32>
      %concatenate3A_702 = tpu.concatenate %slice3A_700, %slice3A_701 in 1 : vector<4x1x8x2x512xi32>, vector<4x1x8x2x512xi32> -> vector<4x2x8x2x512xi32>
      %reshape3A_703 = vector.shape_cast %concatenate3A_702 : vector<4x2x8x2x512xi32> to vector<64x2x512xi32>
      %reshape3A_704 = vector.shape_cast %select_n3A_688 : vector<64x2x512xf32> to vector<4x2x8x2x512xf32>
      %reshape3A_705 = vector.shape_cast %select_n3A_690 : vector<64x2x512xf32> to vector<4x2x8x2x512xf32>
      %slice3A_706 = vector.extract_strided_slice %reshape3A_704 {offsets = [0, 0, 0, 0, 0], sizes = [4, 1, 8, 2, 512], strides = [1, 1, 1, 1, 1]} : vector<4x2x8x2x512xf32> to vector<4x1x8x2x512xf32>
      %slice3A_707 = vector.extract_strided_slice %reshape3A_705 {offsets = [0, 1, 0, 0, 0], sizes = [4, 1, 8, 2, 512], strides = [1, 1, 1, 1, 1]} : vector<4x2x8x2x512xf32> to vector<4x1x8x2x512xf32>
      %concatenate3A_708 = tpu.concatenate %slice3A_706, %slice3A_707 in 1 : vector<4x1x8x2x512xf32>, vector<4x1x8x2x512xf32> -> vector<4x2x8x2x512xf32>
      %reshape3A_709 = vector.shape_cast %concatenate3A_708 : vector<4x2x8x2x512xf32> to vector<64x2x512xf32>
      %reshape3A_710 = vector.shape_cast %select_n3A_689 : vector<64x2x512xi32> to vector<4x2x8x2x512xi32>
      %reshape3A_711 = vector.shape_cast %select_n3A_691 : vector<64x2x512xi32> to vector<4x2x8x2x512xi32>
      %slice3A_712 = vector.extract_strided_slice %reshape3A_710 {offsets = [0, 0, 0, 0, 0], sizes = [4, 1, 8, 2, 512], strides = [1, 1, 1, 1, 1]} : vector<4x2x8x2x512xi32> to vector<4x1x8x2x512xi32>
      %slice3A_713 = vector.extract_strided_slice %reshape3A_711 {offsets = [0, 1, 0, 0, 0], sizes = [4, 1, 8, 2, 512], strides = [1, 1, 1, 1, 1]} : vector<4x2x8x2x512xi32> to vector<4x1x8x2x512xi32>
      %concatenate3A_714 = tpu.concatenate %slice3A_712, %slice3A_713 in 1 : vector<4x1x8x2x512xi32>, vector<4x1x8x2x512xi32> -> vector<4x2x8x2x512xi32>
      %reshape3A_715 = vector.shape_cast %concatenate3A_714 : vector<4x2x8x2x512xi32> to vector<64x2x512xi32>
      %reshape3A_716 = vector.shape_cast %reshape3A_697 : vector<64x2x512xf32> to vector<64x1x2x512xf32>
      %reshape3A_717 = vector.shape_cast %reshape3A_709 : vector<64x2x512xf32> to vector<64x1x2x512xf32>
      %concatenate3A_718 = tpu.concatenate %reshape3A_716, %reshape3A_717 in 1 : vector<64x1x2x512xf32>, vector<64x1x2x512xf32> -> vector<64x2x2x512xf32>
      %reshape3A_719 = vector.shape_cast %concatenate3A_718 : vector<64x2x2x512xf32> to vector<256x512xf32>
      %reshape3A_720 = vector.shape_cast %reshape3A_703 : vector<64x2x512xi32> to vector<64x1x2x512xi32>
      %reshape3A_721 = vector.shape_cast %reshape3A_715 : vector<64x2x512xi32> to vector<64x1x2x512xi32>
      %concatenate3A_722 = tpu.concatenate %reshape3A_720, %reshape3A_721 in 1 : vector<64x1x2x512xi32>, vector<64x1x2x512xi32> -> vector<64x2x2x512xi32>
      %reshape3A_723 = vector.shape_cast %concatenate3A_722 : vector<64x2x2x512xi32> to vector<256x512xi32>
      %reshape3A_724 = vector.shape_cast %reshape3A_719 : vector<256x512xf32> to vector<128x2x1x512xf32>
      %reshape3A_725 = vector.shape_cast %reshape3A_723 : vector<256x512xi32> to vector<128x2x1x512xi32>
      %slice3A_726 = vector.extract_strided_slice %reshape3A_724 {offsets = [0, 0, 0, 0], sizes = [128, 1, 1, 512], strides = [1, 1, 1, 1]} : vector<128x2x1x512xf32> to vector<128x1x1x512xf32>
      %squeeze3A_727 = vector.shape_cast %slice3A_726 : vector<128x1x1x512xf32> to vector<128x1x512xf32>
      %slice3A_728 = vector.extract_strided_slice %reshape3A_724 {offsets = [0, 1, 0, 0], sizes = [128, 1, 1, 512], strides = [1, 1, 1, 1]} : vector<128x2x1x512xf32> to vector<128x1x1x512xf32>
      %squeeze3A_729 = vector.shape_cast %slice3A_728 : vector<128x1x1x512xf32> to vector<128x1x512xf32>
      %slice3A_730 = vector.extract_strided_slice %reshape3A_725 {offsets = [0, 0, 0, 0], sizes = [128, 1, 1, 512], strides = [1, 1, 1, 1]} : vector<128x2x1x512xi32> to vector<128x1x1x512xi32>
      %squeeze3A_731 = vector.shape_cast %slice3A_730 : vector<128x1x1x512xi32> to vector<128x1x512xi32>
      %slice3A_732 = vector.extract_strided_slice %reshape3A_725 {offsets = [0, 1, 0, 0], sizes = [128, 1, 1, 512], strides = [1, 1, 1, 1]} : vector<128x2x1x512xi32> to vector<128x1x1x512xi32>
      %squeeze3A_733 = vector.shape_cast %slice3A_732 : vector<128x1x1x512xi32> to vector<128x1x512xi32>
      %lt3A_734 = arith.cmpf olt, %squeeze3A_729, %squeeze3A_727 : vector<128x1x512xf32>
      %eq3A_735 = arith.cmpf oeq, %squeeze3A_729, %squeeze3A_727 : vector<128x1x512xf32>
      %lt3A_736 = arith.cmpi slt, %squeeze3A_733, %squeeze3A_731 : vector<128x1x512xi32>
      %and3A_737 = arith.andi %eq3A_735, %lt3A_736 : vector<128x1x512xi1>
      %or3A_738 = arith.ori %lt3A_734, %and3A_737 : vector<128x1x512xi1>
      %select_n3A_739 = arith.select %or3A_738, %squeeze3A_729, %squeeze3A_727 : vector<128x1x512xi1>, vector<128x1x512xf32>
      %select_n3A_740 = arith.select %or3A_738, %squeeze3A_733, %squeeze3A_731 : vector<128x1x512xi1>, vector<128x1x512xi32>
      %select_n3A_741 = arith.select %or3A_738, %squeeze3A_727, %squeeze3A_729 : vector<128x1x512xi1>, vector<128x1x512xf32>
      %select_n3A_742 = arith.select %or3A_738, %squeeze3A_731, %squeeze3A_733 : vector<128x1x512xi1>, vector<128x1x512xi32>
      %reshape3A_743 = vector.shape_cast %select_n3A_741 : vector<128x1x512xf32> to vector<4x2x16x1x512xf32>
      %reshape3A_744 = vector.shape_cast %select_n3A_739 : vector<128x1x512xf32> to vector<4x2x16x1x512xf32>
      %slice3A_745 = vector.extract_strided_slice %reshape3A_743 {offsets = [0, 0, 0, 0, 0], sizes = [4, 1, 16, 1, 512], strides = [1, 1, 1, 1, 1]} : vector<4x2x16x1x512xf32> to vector<4x1x16x1x512xf32>
      %slice3A_746 = vector.extract_strided_slice %reshape3A_744 {offsets = [0, 1, 0, 0, 0], sizes = [4, 1, 16, 1, 512], strides = [1, 1, 1, 1, 1]} : vector<4x2x16x1x512xf32> to vector<4x1x16x1x512xf32>
      %concatenate3A_747 = tpu.concatenate %slice3A_745, %slice3A_746 in 1 : vector<4x1x16x1x512xf32>, vector<4x1x16x1x512xf32> -> vector<4x2x16x1x512xf32>
      %reshape3A_748 = vector.shape_cast %concatenate3A_747 : vector<4x2x16x1x512xf32> to vector<128x1x512xf32>
      %reshape3A_749 = vector.shape_cast %select_n3A_742 : vector<128x1x512xi32> to vector<4x2x16x1x512xi32>
      %reshape3A_750 = vector.shape_cast %select_n3A_740 : vector<128x1x512xi32> to vector<4x2x16x1x512xi32>
      %slice3A_751 = vector.extract_strided_slice %reshape3A_749 {offsets = [0, 0, 0, 0, 0], sizes = [4, 1, 16, 1, 512], strides = [1, 1, 1, 1, 1]} : vector<4x2x16x1x512xi32> to vector<4x1x16x1x512xi32>
      %slice3A_752 = vector.extract_strided_slice %reshape3A_750 {offsets = [0, 1, 0, 0, 0], sizes = [4, 1, 16, 1, 512], strides = [1, 1, 1, 1, 1]} : vector<4x2x16x1x512xi32> to vector<4x1x16x1x512xi32>
      %concatenate3A_753 = tpu.concatenate %slice3A_751, %slice3A_752 in 1 : vector<4x1x16x1x512xi32>, vector<4x1x16x1x512xi32> -> vector<4x2x16x1x512xi32>
      %reshape3A_754 = vector.shape_cast %concatenate3A_753 : vector<4x2x16x1x512xi32> to vector<128x1x512xi32>
      %reshape3A_755 = vector.shape_cast %select_n3A_739 : vector<128x1x512xf32> to vector<4x2x16x1x512xf32>
      %reshape3A_756 = vector.shape_cast %select_n3A_741 : vector<128x1x512xf32> to vector<4x2x16x1x512xf32>
      %slice3A_757 = vector.extract_strided_slice %reshape3A_755 {offsets = [0, 0, 0, 0, 0], sizes = [4, 1, 16, 1, 512], strides = [1, 1, 1, 1, 1]} : vector<4x2x16x1x512xf32> to vector<4x1x16x1x512xf32>
      %slice3A_758 = vector.extract_strided_slice %reshape3A_756 {offsets = [0, 1, 0, 0, 0], sizes = [4, 1, 16, 1, 512], strides = [1, 1, 1, 1, 1]} : vector<4x2x16x1x512xf32> to vector<4x1x16x1x512xf32>
      %concatenate3A_759 = tpu.concatenate %slice3A_757, %slice3A_758 in 1 : vector<4x1x16x1x512xf32>, vector<4x1x16x1x512xf32> -> vector<4x2x16x1x512xf32>
      %reshape3A_760 = vector.shape_cast %concatenate3A_759 : vector<4x2x16x1x512xf32> to vector<128x1x512xf32>
      %reshape3A_761 = vector.shape_cast %select_n3A_740 : vector<128x1x512xi32> to vector<4x2x16x1x512xi32>
      %reshape3A_762 = vector.shape_cast %select_n3A_742 : vector<128x1x512xi32> to vector<4x2x16x1x512xi32>
      %slice3A_763 = vector.extract_strided_slice %reshape3A_761 {offsets = [0, 0, 0, 0, 0], sizes = [4, 1, 16, 1, 512], strides = [1, 1, 1, 1, 1]} : vector<4x2x16x1x512xi32> to vector<4x1x16x1x512xi32>
      %slice3A_764 = vector.extract_strided_slice %reshape3A_762 {offsets = [0, 1, 0, 0, 0], sizes = [4, 1, 16, 1, 512], strides = [1, 1, 1, 1, 1]} : vector<4x2x16x1x512xi32> to vector<4x1x16x1x512xi32>
      %concatenate3A_765 = tpu.concatenate %slice3A_763, %slice3A_764 in 1 : vector<4x1x16x1x512xi32>, vector<4x1x16x1x512xi32> -> vector<4x2x16x1x512xi32>
      %reshape3A_766 = vector.shape_cast %concatenate3A_765 : vector<4x2x16x1x512xi32> to vector<128x1x512xi32>
      %reshape3A_767 = vector.shape_cast %reshape3A_748 : vector<128x1x512xf32> to vector<128x1x1x512xf32>
      %reshape3A_768 = vector.shape_cast %reshape3A_760 : vector<128x1x512xf32> to vector<128x1x1x512xf32>
      %concatenate3A_769 = tpu.concatenate %reshape3A_767, %reshape3A_768 in 1 : vector<128x1x1x512xf32>, vector<128x1x1x512xf32> -> vector<128x2x1x512xf32>
      %reshape3A_770 = vector.shape_cast %concatenate3A_769 : vector<128x2x1x512xf32> to vector<256x512xf32>
      %reshape3A_771 = vector.shape_cast %reshape3A_754 : vector<128x1x512xi32> to vector<128x1x1x512xi32>
      %reshape3A_772 = vector.shape_cast %reshape3A_766 : vector<128x1x512xi32> to vector<128x1x1x512xi32>
      %concatenate3A_773 = tpu.concatenate %reshape3A_771, %reshape3A_772 in 1 : vector<128x1x1x512xi32>, vector<128x1x1x512xi32> -> vector<128x2x1x512xi32>
      %reshape3A_774 = vector.shape_cast %concatenate3A_773 : vector<128x2x1x512xi32> to vector<256x512xi32>
      %reshape3A_775 = vector.shape_cast %reshape3A_770 : vector<256x512xf32> to vector<4x2x32x512xf32>
      %reshape3A_776 = vector.shape_cast %reshape3A_774 : vector<256x512xi32> to vector<4x2x32x512xi32>
      %slice3A_777 = vector.extract_strided_slice %reshape3A_775 {offsets = [0, 0, 0, 0], sizes = [4, 1, 32, 512], strides = [1, 1, 1, 1]} : vector<4x2x32x512xf32> to vector<4x1x32x512xf32>
      %squeeze3A_778 = vector.shape_cast %slice3A_777 : vector<4x1x32x512xf32> to vector<4x32x512xf32>
      %slice3A_779 = vector.extract_strided_slice %reshape3A_775 {offsets = [0, 1, 0, 0], sizes = [4, 1, 32, 512], strides = [1, 1, 1, 1]} : vector<4x2x32x512xf32> to vector<4x1x32x512xf32>
      %squeeze3A_780 = vector.shape_cast %slice3A_779 : vector<4x1x32x512xf32> to vector<4x32x512xf32>
      %slice3A_781 = vector.extract_strided_slice %reshape3A_776 {offsets = [0, 0, 0, 0], sizes = [4, 1, 32, 512], strides = [1, 1, 1, 1]} : vector<4x2x32x512xi32> to vector<4x1x32x512xi32>
      %squeeze3A_782 = vector.shape_cast %slice3A_781 : vector<4x1x32x512xi32> to vector<4x32x512xi32>
      %slice3A_783 = vector.extract_strided_slice %reshape3A_776 {offsets = [0, 1, 0, 0], sizes = [4, 1, 32, 512], strides = [1, 1, 1, 1]} : vector<4x2x32x512xi32> to vector<4x1x32x512xi32>
      %squeeze3A_784 = vector.shape_cast %slice3A_783 : vector<4x1x32x512xi32> to vector<4x32x512xi32>
      %lt3A_785 = arith.cmpf olt, %squeeze3A_780, %squeeze3A_778 : vector<4x32x512xf32>
      %eq3A_786 = arith.cmpf oeq, %squeeze3A_780, %squeeze3A_778 : vector<4x32x512xf32>
      %lt3A_787 = arith.cmpi slt, %squeeze3A_784, %squeeze3A_782 : vector<4x32x512xi32>
      %and3A_788 = arith.andi %eq3A_786, %lt3A_787 : vector<4x32x512xi1>
      %or3A_789 = arith.ori %lt3A_785, %and3A_788 : vector<4x32x512xi1>
      %select_n3A_790 = arith.select %or3A_789, %squeeze3A_780, %squeeze3A_778 : vector<4x32x512xi1>, vector<4x32x512xf32>
      %select_n3A_791 = arith.select %or3A_789, %squeeze3A_784, %squeeze3A_782 : vector<4x32x512xi1>, vector<4x32x512xi32>
      %select_n3A_792 = arith.select %or3A_789, %squeeze3A_778, %squeeze3A_780 : vector<4x32x512xi1>, vector<4x32x512xf32>
      %select_n3A_793 = arith.select %or3A_789, %squeeze3A_782, %squeeze3A_784 : vector<4x32x512xi1>, vector<4x32x512xi32>
      %reshape3A_794 = vector.shape_cast %select_n3A_792 : vector<4x32x512xf32> to vector<4x1x32x512xf32>
      %reshape3A_795 = vector.shape_cast %select_n3A_790 : vector<4x32x512xf32> to vector<4x1x32x512xf32>
      %concatenate3A_796 = tpu.concatenate %reshape3A_794, %reshape3A_795 in 1 : vector<4x1x32x512xf32>, vector<4x1x32x512xf32> -> vector<4x2x32x512xf32>
      %reshape3A_797 = vector.shape_cast %concatenate3A_796 : vector<4x2x32x512xf32> to vector<256x512xf32>
      %reshape3A_798 = vector.shape_cast %select_n3A_793 : vector<4x32x512xi32> to vector<4x1x32x512xi32>
      %reshape3A_799 = vector.shape_cast %select_n3A_791 : vector<4x32x512xi32> to vector<4x1x32x512xi32>
      %concatenate3A_800 = tpu.concatenate %reshape3A_798, %reshape3A_799 in 1 : vector<4x1x32x512xi32>, vector<4x1x32x512xi32> -> vector<4x2x32x512xi32>
      %reshape3A_801 = vector.shape_cast %concatenate3A_800 : vector<4x2x32x512xi32> to vector<256x512xi32>
      %reshape3A_802 = vector.shape_cast %reshape3A_797 : vector<256x512xf32> to vector<8x2x16x512xf32>
      %reshape3A_803 = vector.shape_cast %reshape3A_801 : vector<256x512xi32> to vector<8x2x16x512xi32>
      %slice3A_804 = vector.extract_strided_slice %reshape3A_802 {offsets = [0, 0, 0, 0], sizes = [8, 1, 16, 512], strides = [1, 1, 1, 1]} : vector<8x2x16x512xf32> to vector<8x1x16x512xf32>
      %squeeze3A_805 = vector.shape_cast %slice3A_804 : vector<8x1x16x512xf32> to vector<8x16x512xf32>
      %slice3A_806 = vector.extract_strided_slice %reshape3A_802 {offsets = [0, 1, 0, 0], sizes = [8, 1, 16, 512], strides = [1, 1, 1, 1]} : vector<8x2x16x512xf32> to vector<8x1x16x512xf32>
      %squeeze3A_807 = vector.shape_cast %slice3A_806 : vector<8x1x16x512xf32> to vector<8x16x512xf32>
      %slice3A_808 = vector.extract_strided_slice %reshape3A_803 {offsets = [0, 0, 0, 0], sizes = [8, 1, 16, 512], strides = [1, 1, 1, 1]} : vector<8x2x16x512xi32> to vector<8x1x16x512xi32>
      %squeeze3A_809 = vector.shape_cast %slice3A_808 : vector<8x1x16x512xi32> to vector<8x16x512xi32>
      %slice3A_810 = vector.extract_strided_slice %reshape3A_803 {offsets = [0, 1, 0, 0], sizes = [8, 1, 16, 512], strides = [1, 1, 1, 1]} : vector<8x2x16x512xi32> to vector<8x1x16x512xi32>
      %squeeze3A_811 = vector.shape_cast %slice3A_810 : vector<8x1x16x512xi32> to vector<8x16x512xi32>
      %lt3A_812 = arith.cmpf olt, %squeeze3A_807, %squeeze3A_805 : vector<8x16x512xf32>
      %eq3A_813 = arith.cmpf oeq, %squeeze3A_807, %squeeze3A_805 : vector<8x16x512xf32>
      %lt3A_814 = arith.cmpi slt, %squeeze3A_811, %squeeze3A_809 : vector<8x16x512xi32>
      %and3A_815 = arith.andi %eq3A_813, %lt3A_814 : vector<8x16x512xi1>
      %or3A_816 = arith.ori %lt3A_812, %and3A_815 : vector<8x16x512xi1>
      %select_n3A_817 = arith.select %or3A_816, %squeeze3A_807, %squeeze3A_805 : vector<8x16x512xi1>, vector<8x16x512xf32>
      %select_n3A_818 = arith.select %or3A_816, %squeeze3A_811, %squeeze3A_809 : vector<8x16x512xi1>, vector<8x16x512xi32>
      %select_n3A_819 = arith.select %or3A_816, %squeeze3A_805, %squeeze3A_807 : vector<8x16x512xi1>, vector<8x16x512xf32>
      %select_n3A_820 = arith.select %or3A_816, %squeeze3A_809, %squeeze3A_811 : vector<8x16x512xi1>, vector<8x16x512xi32>
      %reshape3A_821 = vector.shape_cast %select_n3A_819 : vector<8x16x512xf32> to vector<8x1x16x512xf32>
      %reshape3A_822 = vector.shape_cast %select_n3A_817 : vector<8x16x512xf32> to vector<8x1x16x512xf32>
      %concatenate3A_823 = tpu.concatenate %reshape3A_821, %reshape3A_822 in 1 : vector<8x1x16x512xf32>, vector<8x1x16x512xf32> -> vector<8x2x16x512xf32>
      %reshape3A_824 = vector.shape_cast %concatenate3A_823 : vector<8x2x16x512xf32> to vector<256x512xf32>
      %reshape3A_825 = vector.shape_cast %select_n3A_820 : vector<8x16x512xi32> to vector<8x1x16x512xi32>
      %reshape3A_826 = vector.shape_cast %select_n3A_818 : vector<8x16x512xi32> to vector<8x1x16x512xi32>
      %concatenate3A_827 = tpu.concatenate %reshape3A_825, %reshape3A_826 in 1 : vector<8x1x16x512xi32>, vector<8x1x16x512xi32> -> vector<8x2x16x512xi32>
      %reshape3A_828 = vector.shape_cast %concatenate3A_827 : vector<8x2x16x512xi32> to vector<256x512xi32>
      %reshape3A_829 = vector.shape_cast %reshape3A_824 : vector<256x512xf32> to vector<16x2x8x512xf32>
      %reshape3A_830 = vector.shape_cast %reshape3A_828 : vector<256x512xi32> to vector<16x2x8x512xi32>
      %slice3A_831 = vector.extract_strided_slice %reshape3A_829 {offsets = [0, 0, 0, 0], sizes = [16, 1, 8, 512], strides = [1, 1, 1, 1]} : vector<16x2x8x512xf32> to vector<16x1x8x512xf32>
      %squeeze3A_832 = vector.shape_cast %slice3A_831 : vector<16x1x8x512xf32> to vector<16x8x512xf32>
      %slice3A_833 = vector.extract_strided_slice %reshape3A_829 {offsets = [0, 1, 0, 0], sizes = [16, 1, 8, 512], strides = [1, 1, 1, 1]} : vector<16x2x8x512xf32> to vector<16x1x8x512xf32>
      %squeeze3A_834 = vector.shape_cast %slice3A_833 : vector<16x1x8x512xf32> to vector<16x8x512xf32>
      %slice3A_835 = vector.extract_strided_slice %reshape3A_830 {offsets = [0, 0, 0, 0], sizes = [16, 1, 8, 512], strides = [1, 1, 1, 1]} : vector<16x2x8x512xi32> to vector<16x1x8x512xi32>
      %squeeze3A_836 = vector.shape_cast %slice3A_835 : vector<16x1x8x512xi32> to vector<16x8x512xi32>
      %slice3A_837 = vector.extract_strided_slice %reshape3A_830 {offsets = [0, 1, 0, 0], sizes = [16, 1, 8, 512], strides = [1, 1, 1, 1]} : vector<16x2x8x512xi32> to vector<16x1x8x512xi32>
      %squeeze3A_838 = vector.shape_cast %slice3A_837 : vector<16x1x8x512xi32> to vector<16x8x512xi32>
      %lt3A_839 = arith.cmpf olt, %squeeze3A_834, %squeeze3A_832 : vector<16x8x512xf32>
      %eq3A_840 = arith.cmpf oeq, %squeeze3A_834, %squeeze3A_832 : vector<16x8x512xf32>
      %lt3A_841 = arith.cmpi slt, %squeeze3A_838, %squeeze3A_836 : vector<16x8x512xi32>
      %and3A_842 = arith.andi %eq3A_840, %lt3A_841 : vector<16x8x512xi1>
      %or3A_843 = arith.ori %lt3A_839, %and3A_842 : vector<16x8x512xi1>
      %select_n3A_844 = arith.select %or3A_843, %squeeze3A_834, %squeeze3A_832 : vector<16x8x512xi1>, vector<16x8x512xf32>
      %select_n3A_845 = arith.select %or3A_843, %squeeze3A_838, %squeeze3A_836 : vector<16x8x512xi1>, vector<16x8x512xi32>
      %select_n3A_846 = arith.select %or3A_843, %squeeze3A_832, %squeeze3A_834 : vector<16x8x512xi1>, vector<16x8x512xf32>
      %select_n3A_847 = arith.select %or3A_843, %squeeze3A_836, %squeeze3A_838 : vector<16x8x512xi1>, vector<16x8x512xi32>
      %reshape3A_848 = vector.shape_cast %select_n3A_846 : vector<16x8x512xf32> to vector<16x1x8x512xf32>
      %reshape3A_849 = vector.shape_cast %select_n3A_844 : vector<16x8x512xf32> to vector<16x1x8x512xf32>
      %concatenate3A_850 = tpu.concatenate %reshape3A_848, %reshape3A_849 in 1 : vector<16x1x8x512xf32>, vector<16x1x8x512xf32> -> vector<16x2x8x512xf32>
      %reshape3A_851 = vector.shape_cast %concatenate3A_850 : vector<16x2x8x512xf32> to vector<256x512xf32>
      %reshape3A_852 = vector.shape_cast %select_n3A_847 : vector<16x8x512xi32> to vector<16x1x8x512xi32>
      %reshape3A_853 = vector.shape_cast %select_n3A_845 : vector<16x8x512xi32> to vector<16x1x8x512xi32>
      %concatenate3A_854 = tpu.concatenate %reshape3A_852, %reshape3A_853 in 1 : vector<16x1x8x512xi32>, vector<16x1x8x512xi32> -> vector<16x2x8x512xi32>
      %reshape3A_855 = vector.shape_cast %concatenate3A_854 : vector<16x2x8x512xi32> to vector<256x512xi32>
      %reshape3A_856 = vector.shape_cast %reshape3A_851 : vector<256x512xf32> to vector<32x2x4x512xf32>
      %reshape3A_857 = vector.shape_cast %reshape3A_855 : vector<256x512xi32> to vector<32x2x4x512xi32>
      %slice3A_858 = vector.extract_strided_slice %reshape3A_856 {offsets = [0, 0, 0, 0], sizes = [32, 1, 4, 512], strides = [1, 1, 1, 1]} : vector<32x2x4x512xf32> to vector<32x1x4x512xf32>
      %squeeze3A_859 = vector.shape_cast %slice3A_858 : vector<32x1x4x512xf32> to vector<32x4x512xf32>
      %slice3A_860 = vector.extract_strided_slice %reshape3A_856 {offsets = [0, 1, 0, 0], sizes = [32, 1, 4, 512], strides = [1, 1, 1, 1]} : vector<32x2x4x512xf32> to vector<32x1x4x512xf32>
      %squeeze3A_861 = vector.shape_cast %slice3A_860 : vector<32x1x4x512xf32> to vector<32x4x512xf32>
      %slice3A_862 = vector.extract_strided_slice %reshape3A_857 {offsets = [0, 0, 0, 0], sizes = [32, 1, 4, 512], strides = [1, 1, 1, 1]} : vector<32x2x4x512xi32> to vector<32x1x4x512xi32>
      %squeeze3A_863 = vector.shape_cast %slice3A_862 : vector<32x1x4x512xi32> to vector<32x4x512xi32>
      %slice3A_864 = vector.extract_strided_slice %reshape3A_857 {offsets = [0, 1, 0, 0], sizes = [32, 1, 4, 512], strides = [1, 1, 1, 1]} : vector<32x2x4x512xi32> to vector<32x1x4x512xi32>
      %squeeze3A_865 = vector.shape_cast %slice3A_864 : vector<32x1x4x512xi32> to vector<32x4x512xi32>
      %lt3A_866 = arith.cmpf olt, %squeeze3A_861, %squeeze3A_859 : vector<32x4x512xf32>
      %eq3A_867 = arith.cmpf oeq, %squeeze3A_861, %squeeze3A_859 : vector<32x4x512xf32>
      %lt3A_868 = arith.cmpi slt, %squeeze3A_865, %squeeze3A_863 : vector<32x4x512xi32>
      %and3A_869 = arith.andi %eq3A_867, %lt3A_868 : vector<32x4x512xi1>
      %or3A_870 = arith.ori %lt3A_866, %and3A_869 : vector<32x4x512xi1>
      %select_n3A_871 = arith.select %or3A_870, %squeeze3A_861, %squeeze3A_859 : vector<32x4x512xi1>, vector<32x4x512xf32>
      %select_n3A_872 = arith.select %or3A_870, %squeeze3A_865, %squeeze3A_863 : vector<32x4x512xi1>, vector<32x4x512xi32>
      %select_n3A_873 = arith.select %or3A_870, %squeeze3A_859, %squeeze3A_861 : vector<32x4x512xi1>, vector<32x4x512xf32>
      %select_n3A_874 = arith.select %or3A_870, %squeeze3A_863, %squeeze3A_865 : vector<32x4x512xi1>, vector<32x4x512xi32>
      %reshape3A_875 = vector.shape_cast %select_n3A_873 : vector<32x4x512xf32> to vector<32x1x4x512xf32>
      %reshape3A_876 = vector.shape_cast %select_n3A_871 : vector<32x4x512xf32> to vector<32x1x4x512xf32>
      %concatenate3A_877 = tpu.concatenate %reshape3A_875, %reshape3A_876 in 1 : vector<32x1x4x512xf32>, vector<32x1x4x512xf32> -> vector<32x2x4x512xf32>
      %reshape3A_878 = vector.shape_cast %concatenate3A_877 : vector<32x2x4x512xf32> to vector<256x512xf32>
      %reshape3A_879 = vector.shape_cast %select_n3A_874 : vector<32x4x512xi32> to vector<32x1x4x512xi32>
      %reshape3A_880 = vector.shape_cast %select_n3A_872 : vector<32x4x512xi32> to vector<32x1x4x512xi32>
      %concatenate3A_881 = tpu.concatenate %reshape3A_879, %reshape3A_880 in 1 : vector<32x1x4x512xi32>, vector<32x1x4x512xi32> -> vector<32x2x4x512xi32>
      %reshape3A_882 = vector.shape_cast %concatenate3A_881 : vector<32x2x4x512xi32> to vector<256x512xi32>
      %reshape3A_883 = vector.shape_cast %reshape3A_878 : vector<256x512xf32> to vector<64x2x2x512xf32>
      %reshape3A_884 = vector.shape_cast %reshape3A_882 : vector<256x512xi32> to vector<64x2x2x512xi32>
      %slice3A_885 = vector.extract_strided_slice %reshape3A_883 {offsets = [0, 0, 0, 0], sizes = [64, 1, 2, 512], strides = [1, 1, 1, 1]} : vector<64x2x2x512xf32> to vector<64x1x2x512xf32>
      %squeeze3A_886 = vector.shape_cast %slice3A_885 : vector<64x1x2x512xf32> to vector<64x2x512xf32>
      %slice3A_887 = vector.extract_strided_slice %reshape3A_883 {offsets = [0, 1, 0, 0], sizes = [64, 1, 2, 512], strides = [1, 1, 1, 1]} : vector<64x2x2x512xf32> to vector<64x1x2x512xf32>
      %squeeze3A_888 = vector.shape_cast %slice3A_887 : vector<64x1x2x512xf32> to vector<64x2x512xf32>
      %slice3A_889 = vector.extract_strided_slice %reshape3A_884 {offsets = [0, 0, 0, 0], sizes = [64, 1, 2, 512], strides = [1, 1, 1, 1]} : vector<64x2x2x512xi32> to vector<64x1x2x512xi32>
      %squeeze3A_890 = vector.shape_cast %slice3A_889 : vector<64x1x2x512xi32> to vector<64x2x512xi32>
      %slice3A_891 = vector.extract_strided_slice %reshape3A_884 {offsets = [0, 1, 0, 0], sizes = [64, 1, 2, 512], strides = [1, 1, 1, 1]} : vector<64x2x2x512xi32> to vector<64x1x2x512xi32>
      %squeeze3A_892 = vector.shape_cast %slice3A_891 : vector<64x1x2x512xi32> to vector<64x2x512xi32>
      %lt3A_893 = arith.cmpf olt, %squeeze3A_888, %squeeze3A_886 : vector<64x2x512xf32>
      %eq3A_894 = arith.cmpf oeq, %squeeze3A_888, %squeeze3A_886 : vector<64x2x512xf32>
      %lt3A_895 = arith.cmpi slt, %squeeze3A_892, %squeeze3A_890 : vector<64x2x512xi32>
      %and3A_896 = arith.andi %eq3A_894, %lt3A_895 : vector<64x2x512xi1>
      %or3A_897 = arith.ori %lt3A_893, %and3A_896 : vector<64x2x512xi1>
      %select_n3A_898 = arith.select %or3A_897, %squeeze3A_888, %squeeze3A_886 : vector<64x2x512xi1>, vector<64x2x512xf32>
      %select_n3A_899 = arith.select %or3A_897, %squeeze3A_892, %squeeze3A_890 : vector<64x2x512xi1>, vector<64x2x512xi32>
      %select_n3A_900 = arith.select %or3A_897, %squeeze3A_886, %squeeze3A_888 : vector<64x2x512xi1>, vector<64x2x512xf32>
      %select_n3A_901 = arith.select %or3A_897, %squeeze3A_890, %squeeze3A_892 : vector<64x2x512xi1>, vector<64x2x512xi32>
      %reshape3A_902 = vector.shape_cast %select_n3A_900 : vector<64x2x512xf32> to vector<64x1x2x512xf32>
      %reshape3A_903 = vector.shape_cast %select_n3A_898 : vector<64x2x512xf32> to vector<64x1x2x512xf32>
      %concatenate3A_904 = tpu.concatenate %reshape3A_902, %reshape3A_903 in 1 : vector<64x1x2x512xf32>, vector<64x1x2x512xf32> -> vector<64x2x2x512xf32>
      %reshape3A_905 = vector.shape_cast %concatenate3A_904 : vector<64x2x2x512xf32> to vector<256x512xf32>
      %reshape3A_906 = vector.shape_cast %select_n3A_901 : vector<64x2x512xi32> to vector<64x1x2x512xi32>
      %reshape3A_907 = vector.shape_cast %select_n3A_899 : vector<64x2x512xi32> to vector<64x1x2x512xi32>
      %concatenate3A_908 = tpu.concatenate %reshape3A_906, %reshape3A_907 in 1 : vector<64x1x2x512xi32>, vector<64x1x2x512xi32> -> vector<64x2x2x512xi32>
      %reshape3A_909 = vector.shape_cast %concatenate3A_908 : vector<64x2x2x512xi32> to vector<256x512xi32>
      %reshape3A_910 = vector.shape_cast %reshape3A_905 : vector<256x512xf32> to vector<128x2x1x512xf32>
      %reshape3A_911 = vector.shape_cast %reshape3A_909 : vector<256x512xi32> to vector<128x2x1x512xi32>
      %slice3A_912 = vector.extract_strided_slice %reshape3A_910 {offsets = [0, 0, 0, 0], sizes = [128, 1, 1, 512], strides = [1, 1, 1, 1]} : vector<128x2x1x512xf32> to vector<128x1x1x512xf32>
      %squeeze3A_913 = vector.shape_cast %slice3A_912 : vector<128x1x1x512xf32> to vector<128x1x512xf32>
      %slice3A_914 = vector.extract_strided_slice %reshape3A_910 {offsets = [0, 1, 0, 0], sizes = [128, 1, 1, 512], strides = [1, 1, 1, 1]} : vector<128x2x1x512xf32> to vector<128x1x1x512xf32>
      %squeeze3A_915 = vector.shape_cast %slice3A_914 : vector<128x1x1x512xf32> to vector<128x1x512xf32>
      %slice3A_916 = vector.extract_strided_slice %reshape3A_911 {offsets = [0, 0, 0, 0], sizes = [128, 1, 1, 512], strides = [1, 1, 1, 1]} : vector<128x2x1x512xi32> to vector<128x1x1x512xi32>
      %squeeze3A_917 = vector.shape_cast %slice3A_916 : vector<128x1x1x512xi32> to vector<128x1x512xi32>
      %slice3A_918 = vector.extract_strided_slice %reshape3A_911 {offsets = [0, 1, 0, 0], sizes = [128, 1, 1, 512], strides = [1, 1, 1, 1]} : vector<128x2x1x512xi32> to vector<128x1x1x512xi32>
      %squeeze3A_919 = vector.shape_cast %slice3A_918 : vector<128x1x1x512xi32> to vector<128x1x512xi32>
      %lt3A_920 = arith.cmpf olt, %squeeze3A_915, %squeeze3A_913 : vector<128x1x512xf32>
      %eq3A_921 = arith.cmpf oeq, %squeeze3A_915, %squeeze3A_913 : vector<128x1x512xf32>
      %lt3A_922 = arith.cmpi slt, %squeeze3A_919, %squeeze3A_917 : vector<128x1x512xi32>
      %and3A_923 = arith.andi %eq3A_921, %lt3A_922 : vector<128x1x512xi1>
      %or3A_924 = arith.ori %lt3A_920, %and3A_923 : vector<128x1x512xi1>
      %select_n3A_925 = arith.select %or3A_924, %squeeze3A_915, %squeeze3A_913 : vector<128x1x512xi1>, vector<128x1x512xf32>
      %select_n3A_926 = arith.select %or3A_924, %squeeze3A_919, %squeeze3A_917 : vector<128x1x512xi1>, vector<128x1x512xi32>
      %select_n3A_927 = arith.select %or3A_924, %squeeze3A_913, %squeeze3A_915 : vector<128x1x512xi1>, vector<128x1x512xf32>
      %select_n3A_928 = arith.select %or3A_924, %squeeze3A_917, %squeeze3A_919 : vector<128x1x512xi1>, vector<128x1x512xi32>
      %reshape3A_929 = vector.shape_cast %select_n3A_927 : vector<128x1x512xf32> to vector<128x1x1x512xf32>
      %reshape3A_930 = vector.shape_cast %select_n3A_925 : vector<128x1x512xf32> to vector<128x1x1x512xf32>
      %concatenate3A_931 = tpu.concatenate %reshape3A_929, %reshape3A_930 in 1 : vector<128x1x1x512xf32>, vector<128x1x1x512xf32> -> vector<128x2x1x512xf32>
      %reshape3A_932 = vector.shape_cast %concatenate3A_931 : vector<128x2x1x512xf32> to vector<256x512xf32>
      %reshape3A_933 = vector.shape_cast %select_n3A_928 : vector<128x1x512xi32> to vector<128x1x1x512xi32>
      %reshape3A_934 = vector.shape_cast %select_n3A_926 : vector<128x1x512xi32> to vector<128x1x1x512xi32>
      %concatenate3A_935 = tpu.concatenate %reshape3A_933, %reshape3A_934 in 1 : vector<128x1x1x512xi32>, vector<128x1x1x512xi32> -> vector<128x2x1x512xi32>
      %reshape3A_936 = vector.shape_cast %concatenate3A_935 : vector<128x2x1x512xi32> to vector<256x512xi32>
      %slice3A_937 = vector.extract_strided_slice %reshape3A_932 {offsets = [0, 0], sizes = [64, 512], strides = [1, 1]} : vector<256x512xf32> to vector<64x512xf32>
      %slice3A_938 = vector.extract_strided_slice %reshape3A_936 {offsets = [0, 0], sizes = [64, 512], strides = [1, 1]} : vector<256x512xi32> to vector<64x512xi32>
      %lt3A_939 = arith.cmpf olt, %slice3A_937, %scan3A_11 : vector<64x512xf32>
      %eq3A_940 = arith.cmpf oeq, %slice3A_937, %scan3A_11 : vector<64x512xf32>
      %lt3A_941 = arith.cmpi slt, %slice3A_938, %scan3A_12 : vector<64x512xi32>
      %and3A_942 = arith.andi %eq3A_940, %lt3A_941 : vector<64x512xi1>
      %or3A_943 = arith.ori %lt3A_939, %and3A_942 : vector<64x512xi1>
      %select_n3A_944 = arith.select %or3A_943, %slice3A_937, %scan3A_11 : vector<64x512xi1>, vector<64x512xf32>
      %select_n3A_945 = arith.select %or3A_943, %slice3A_938, %scan3A_12 : vector<64x512xi1>, vector<64x512xi32>
      %reshape3A_946 = vector.shape_cast %select_n3A_944 : vector<64x512xf32> to vector<1x2x32x512xf32>
      %reshape3A_947 = vector.shape_cast %select_n3A_945 : vector<64x512xi32> to vector<1x2x32x512xi32>
      %slice3A_948 = vector.extract_strided_slice %reshape3A_946 {offsets = [0, 0, 0, 0], sizes = [1, 1, 32, 512], strides = [1, 1, 1, 1]} : vector<1x2x32x512xf32> to vector<1x1x32x512xf32>
      %squeeze3A_949 = vector.shape_cast %slice3A_948 : vector<1x1x32x512xf32> to vector<1x32x512xf32>
      %slice3A_950 = vector.extract_strided_slice %reshape3A_946 {offsets = [0, 1, 0, 0], sizes = [1, 1, 32, 512], strides = [1, 1, 1, 1]} : vector<1x2x32x512xf32> to vector<1x1x32x512xf32>
      %squeeze3A_951 = vector.shape_cast %slice3A_950 : vector<1x1x32x512xf32> to vector<1x32x512xf32>
      %slice3A_952 = vector.extract_strided_slice %reshape3A_947 {offsets = [0, 0, 0, 0], sizes = [1, 1, 32, 512], strides = [1, 1, 1, 1]} : vector<1x2x32x512xi32> to vector<1x1x32x512xi32>
      %squeeze3A_953 = vector.shape_cast %slice3A_952 : vector<1x1x32x512xi32> to vector<1x32x512xi32>
      %slice3A_954 = vector.extract_strided_slice %reshape3A_947 {offsets = [0, 1, 0, 0], sizes = [1, 1, 32, 512], strides = [1, 1, 1, 1]} : vector<1x2x32x512xi32> to vector<1x1x32x512xi32>
      %squeeze3A_955 = vector.shape_cast %slice3A_954 : vector<1x1x32x512xi32> to vector<1x32x512xi32>
      %lt3A_956 = arith.cmpf olt, %squeeze3A_951, %squeeze3A_949 : vector<1x32x512xf32>
      %eq3A_957 = arith.cmpf oeq, %squeeze3A_951, %squeeze3A_949 : vector<1x32x512xf32>
      %lt3A_958 = arith.cmpi slt, %squeeze3A_955, %squeeze3A_953 : vector<1x32x512xi32>
      %and3A_959 = arith.andi %eq3A_957, %lt3A_958 : vector<1x32x512xi1>
      %or3A_960 = arith.ori %lt3A_956, %and3A_959 : vector<1x32x512xi1>
      %select_n3A_961 = arith.select %or3A_960, %squeeze3A_951, %squeeze3A_949 : vector<1x32x512xi1>, vector<1x32x512xf32>
      %select_n3A_962 = arith.select %or3A_960, %squeeze3A_955, %squeeze3A_953 : vector<1x32x512xi1>, vector<1x32x512xi32>
      %select_n3A_963 = arith.select %or3A_960, %squeeze3A_949, %squeeze3A_951 : vector<1x32x512xi1>, vector<1x32x512xf32>
      %select_n3A_964 = arith.select %or3A_960, %squeeze3A_953, %squeeze3A_955 : vector<1x32x512xi1>, vector<1x32x512xi32>
      %reshape3A_965 = vector.shape_cast %select_n3A_961 : vector<1x32x512xf32> to vector<1x1x32x512xf32>
      %reshape3A_966 = vector.shape_cast %select_n3A_963 : vector<1x32x512xf32> to vector<1x1x32x512xf32>
      %concatenate3A_967 = tpu.concatenate %reshape3A_965, %reshape3A_966 in 1 : vector<1x1x32x512xf32>, vector<1x1x32x512xf32> -> vector<1x2x32x512xf32>
      %reshape3A_968 = vector.shape_cast %concatenate3A_967 : vector<1x2x32x512xf32> to vector<64x512xf32>
      %reshape3A_969 = vector.shape_cast %select_n3A_962 : vector<1x32x512xi32> to vector<1x1x32x512xi32>
      %reshape3A_970 = vector.shape_cast %select_n3A_964 : vector<1x32x512xi32> to vector<1x1x32x512xi32>
      %concatenate3A_971 = tpu.concatenate %reshape3A_969, %reshape3A_970 in 1 : vector<1x1x32x512xi32>, vector<1x1x32x512xi32> -> vector<1x2x32x512xi32>
      %reshape3A_972 = vector.shape_cast %concatenate3A_971 : vector<1x2x32x512xi32> to vector<64x512xi32>
      %reshape3A_973 = vector.shape_cast %reshape3A_968 : vector<64x512xf32> to vector<2x2x16x512xf32>
      %reshape3A_974 = vector.shape_cast %reshape3A_972 : vector<64x512xi32> to vector<2x2x16x512xi32>
      %slice3A_975 = vector.extract_strided_slice %reshape3A_973 {offsets = [0, 0, 0, 0], sizes = [2, 1, 16, 512], strides = [1, 1, 1, 1]} : vector<2x2x16x512xf32> to vector<2x1x16x512xf32>
      %squeeze3A_976 = vector.shape_cast %slice3A_975 : vector<2x1x16x512xf32> to vector<2x16x512xf32>
      %slice3A_977 = vector.extract_strided_slice %reshape3A_973 {offsets = [0, 1, 0, 0], sizes = [2, 1, 16, 512], strides = [1, 1, 1, 1]} : vector<2x2x16x512xf32> to vector<2x1x16x512xf32>
      %squeeze3A_978 = vector.shape_cast %slice3A_977 : vector<2x1x16x512xf32> to vector<2x16x512xf32>
      %slice3A_979 = vector.extract_strided_slice %reshape3A_974 {offsets = [0, 0, 0, 0], sizes = [2, 1, 16, 512], strides = [1, 1, 1, 1]} : vector<2x2x16x512xi32> to vector<2x1x16x512xi32>
      %squeeze3A_980 = vector.shape_cast %slice3A_979 : vector<2x1x16x512xi32> to vector<2x16x512xi32>
      %slice3A_981 = vector.extract_strided_slice %reshape3A_974 {offsets = [0, 1, 0, 0], sizes = [2, 1, 16, 512], strides = [1, 1, 1, 1]} : vector<2x2x16x512xi32> to vector<2x1x16x512xi32>
      %squeeze3A_982 = vector.shape_cast %slice3A_981 : vector<2x1x16x512xi32> to vector<2x16x512xi32>
      %lt3A_983 = arith.cmpf olt, %squeeze3A_978, %squeeze3A_976 : vector<2x16x512xf32>
      %eq3A_984 = arith.cmpf oeq, %squeeze3A_978, %squeeze3A_976 : vector<2x16x512xf32>
      %lt3A_985 = arith.cmpi slt, %squeeze3A_982, %squeeze3A_980 : vector<2x16x512xi32>
      %and3A_986 = arith.andi %eq3A_984, %lt3A_985 : vector<2x16x512xi1>
      %or3A_987 = arith.ori %lt3A_983, %and3A_986 : vector<2x16x512xi1>
      %select_n3A_988 = arith.select %or3A_987, %squeeze3A_978, %squeeze3A_976 : vector<2x16x512xi1>, vector<2x16x512xf32>
      %select_n3A_989 = arith.select %or3A_987, %squeeze3A_982, %squeeze3A_980 : vector<2x16x512xi1>, vector<2x16x512xi32>
      %select_n3A_990 = arith.select %or3A_987, %squeeze3A_976, %squeeze3A_978 : vector<2x16x512xi1>, vector<2x16x512xf32>
      %select_n3A_991 = arith.select %or3A_987, %squeeze3A_980, %squeeze3A_982 : vector<2x16x512xi1>, vector<2x16x512xi32>
      %reshape3A_992 = vector.shape_cast %select_n3A_988 : vector<2x16x512xf32> to vector<2x1x16x512xf32>
      %reshape3A_993 = vector.shape_cast %select_n3A_990 : vector<2x16x512xf32> to vector<2x1x16x512xf32>
      %concatenate3A_994 = tpu.concatenate %reshape3A_992, %reshape3A_993 in 1 : vector<2x1x16x512xf32>, vector<2x1x16x512xf32> -> vector<2x2x16x512xf32>
      %reshape3A_995 = vector.shape_cast %concatenate3A_994 : vector<2x2x16x512xf32> to vector<64x512xf32>
      %reshape3A_996 = vector.shape_cast %select_n3A_989 : vector<2x16x512xi32> to vector<2x1x16x512xi32>
      %reshape3A_997 = vector.shape_cast %select_n3A_991 : vector<2x16x512xi32> to vector<2x1x16x512xi32>
      %concatenate3A_998 = tpu.concatenate %reshape3A_996, %reshape3A_997 in 1 : vector<2x1x16x512xi32>, vector<2x1x16x512xi32> -> vector<2x2x16x512xi32>
      %reshape3A_999 = vector.shape_cast %concatenate3A_998 : vector<2x2x16x512xi32> to vector<64x512xi32>
      %reshape3A_1000 = vector.shape_cast %reshape3A_995 : vector<64x512xf32> to vector<4x2x8x512xf32>
      %reshape3A_1001 = vector.shape_cast %reshape3A_999 : vector<64x512xi32> to vector<4x2x8x512xi32>
      %slice3A_1002 = vector.extract_strided_slice %reshape3A_1000 {offsets = [0, 0, 0, 0], sizes = [4, 1, 8, 512], strides = [1, 1, 1, 1]} : vector<4x2x8x512xf32> to vector<4x1x8x512xf32>
      %squeeze3A_1003 = vector.shape_cast %slice3A_1002 : vector<4x1x8x512xf32> to vector<4x8x512xf32>
      %slice3A_1004 = vector.extract_strided_slice %reshape3A_1000 {offsets = [0, 1, 0, 0], sizes = [4, 1, 8, 512], strides = [1, 1, 1, 1]} : vector<4x2x8x512xf32> to vector<4x1x8x512xf32>
      %squeeze3A_1005 = vector.shape_cast %slice3A_1004 : vector<4x1x8x512xf32> to vector<4x8x512xf32>
      %slice3A_1006 = vector.extract_strided_slice %reshape3A_1001 {offsets = [0, 0, 0, 0], sizes = [4, 1, 8, 512], strides = [1, 1, 1, 1]} : vector<4x2x8x512xi32> to vector<4x1x8x512xi32>
      %squeeze3A_1007 = vector.shape_cast %slice3A_1006 : vector<4x1x8x512xi32> to vector<4x8x512xi32>
      %slice3A_1008 = vector.extract_strided_slice %reshape3A_1001 {offsets = [0, 1, 0, 0], sizes = [4, 1, 8, 512], strides = [1, 1, 1, 1]} : vector<4x2x8x512xi32> to vector<4x1x8x512xi32>
      %squeeze3A_1009 = vector.shape_cast %slice3A_1008 : vector<4x1x8x512xi32> to vector<4x8x512xi32>
      %lt3A_1010 = arith.cmpf olt, %squeeze3A_1005, %squeeze3A_1003 : vector<4x8x512xf32>
      %eq3A_1011 = arith.cmpf oeq, %squeeze3A_1005, %squeeze3A_1003 : vector<4x8x512xf32>
      %lt3A_1012 = arith.cmpi slt, %squeeze3A_1009, %squeeze3A_1007 : vector<4x8x512xi32>
      %and3A_1013 = arith.andi %eq3A_1011, %lt3A_1012 : vector<4x8x512xi1>
      %or3A_1014 = arith.ori %lt3A_1010, %and3A_1013 : vector<4x8x512xi1>
      %select_n3A_1015 = arith.select %or3A_1014, %squeeze3A_1005, %squeeze3A_1003 : vector<4x8x512xi1>, vector<4x8x512xf32>
      %select_n3A_1016 = arith.select %or3A_1014, %squeeze3A_1009, %squeeze3A_1007 : vector<4x8x512xi1>, vector<4x8x512xi32>
      %select_n3A_1017 = arith.select %or3A_1014, %squeeze3A_1003, %squeeze3A_1005 : vector<4x8x512xi1>, vector<4x8x512xf32>
      %select_n3A_1018 = arith.select %or3A_1014, %squeeze3A_1007, %squeeze3A_1009 : vector<4x8x512xi1>, vector<4x8x512xi32>
      %reshape3A_1019 = vector.shape_cast %select_n3A_1015 : vector<4x8x512xf32> to vector<4x1x8x512xf32>
      %reshape3A_1020 = vector.shape_cast %select_n3A_1017 : vector<4x8x512xf32> to vector<4x1x8x512xf32>
      %concatenate3A_1021 = tpu.concatenate %reshape3A_1019, %reshape3A_1020 in 1 : vector<4x1x8x512xf32>, vector<4x1x8x512xf32> -> vector<4x2x8x512xf32>
      %reshape3A_1022 = vector.shape_cast %concatenate3A_1021 : vector<4x2x8x512xf32> to vector<64x512xf32>
      %reshape3A_1023 = vector.shape_cast %select_n3A_1016 : vector<4x8x512xi32> to vector<4x1x8x512xi32>
      %reshape3A_1024 = vector.shape_cast %select_n3A_1018 : vector<4x8x512xi32> to vector<4x1x8x512xi32>
      %concatenate3A_1025 = tpu.concatenate %reshape3A_1023, %reshape3A_1024 in 1 : vector<4x1x8x512xi32>, vector<4x1x8x512xi32> -> vector<4x2x8x512xi32>
      %reshape3A_1026 = vector.shape_cast %concatenate3A_1025 : vector<4x2x8x512xi32> to vector<64x512xi32>
      %reshape3A_1027 = vector.shape_cast %reshape3A_1022 : vector<64x512xf32> to vector<8x2x4x512xf32>
      %reshape3A_1028 = vector.shape_cast %reshape3A_1026 : vector<64x512xi32> to vector<8x2x4x512xi32>
      %slice3A_1029 = vector.extract_strided_slice %reshape3A_1027 {offsets = [0, 0, 0, 0], sizes = [8, 1, 4, 512], strides = [1, 1, 1, 1]} : vector<8x2x4x512xf32> to vector<8x1x4x512xf32>
      %squeeze3A_1030 = vector.shape_cast %slice3A_1029 : vector<8x1x4x512xf32> to vector<8x4x512xf32>
      %slice3A_1031 = vector.extract_strided_slice %reshape3A_1027 {offsets = [0, 1, 0, 0], sizes = [8, 1, 4, 512], strides = [1, 1, 1, 1]} : vector<8x2x4x512xf32> to vector<8x1x4x512xf32>
      %squeeze3A_1032 = vector.shape_cast %slice3A_1031 : vector<8x1x4x512xf32> to vector<8x4x512xf32>
      %slice3A_1033 = vector.extract_strided_slice %reshape3A_1028 {offsets = [0, 0, 0, 0], sizes = [8, 1, 4, 512], strides = [1, 1, 1, 1]} : vector<8x2x4x512xi32> to vector<8x1x4x512xi32>
      %squeeze3A_1034 = vector.shape_cast %slice3A_1033 : vector<8x1x4x512xi32> to vector<8x4x512xi32>
      %slice3A_1035 = vector.extract_strided_slice %reshape3A_1028 {offsets = [0, 1, 0, 0], sizes = [8, 1, 4, 512], strides = [1, 1, 1, 1]} : vector<8x2x4x512xi32> to vector<8x1x4x512xi32>
      %squeeze3A_1036 = vector.shape_cast %slice3A_1035 : vector<8x1x4x512xi32> to vector<8x4x512xi32>
      %lt3A_1037 = arith.cmpf olt, %squeeze3A_1032, %squeeze3A_1030 : vector<8x4x512xf32>
      %eq3A_1038 = arith.cmpf oeq, %squeeze3A_1032, %squeeze3A_1030 : vector<8x4x512xf32>
      %lt3A_1039 = arith.cmpi slt, %squeeze3A_1036, %squeeze3A_1034 : vector<8x4x512xi32>
      %and3A_1040 = arith.andi %eq3A_1038, %lt3A_1039 : vector<8x4x512xi1>
      %or3A_1041 = arith.ori %lt3A_1037, %and3A_1040 : vector<8x4x512xi1>
      %select_n3A_1042 = arith.select %or3A_1041, %squeeze3A_1032, %squeeze3A_1030 : vector<8x4x512xi1>, vector<8x4x512xf32>
      %select_n3A_1043 = arith.select %or3A_1041, %squeeze3A_1036, %squeeze3A_1034 : vector<8x4x512xi1>, vector<8x4x512xi32>
      %select_n3A_1044 = arith.select %or3A_1041, %squeeze3A_1030, %squeeze3A_1032 : vector<8x4x512xi1>, vector<8x4x512xf32>
      %select_n3A_1045 = arith.select %or3A_1041, %squeeze3A_1034, %squeeze3A_1036 : vector<8x4x512xi1>, vector<8x4x512xi32>
      %reshape3A_1046 = vector.shape_cast %select_n3A_1042 : vector<8x4x512xf32> to vector<8x1x4x512xf32>
      %reshape3A_1047 = vector.shape_cast %select_n3A_1044 : vector<8x4x512xf32> to vector<8x1x4x512xf32>
      %concatenate3A_1048 = tpu.concatenate %reshape3A_1046, %reshape3A_1047 in 1 : vector<8x1x4x512xf32>, vector<8x1x4x512xf32> -> vector<8x2x4x512xf32>
      %reshape3A_1049 = vector.shape_cast %concatenate3A_1048 : vector<8x2x4x512xf32> to vector<64x512xf32>
      %reshape3A_1050 = vector.shape_cast %select_n3A_1043 : vector<8x4x512xi32> to vector<8x1x4x512xi32>
      %reshape3A_1051 = vector.shape_cast %select_n3A_1045 : vector<8x4x512xi32> to vector<8x1x4x512xi32>
      %concatenate3A_1052 = tpu.concatenate %reshape3A_1050, %reshape3A_1051 in 1 : vector<8x1x4x512xi32>, vector<8x1x4x512xi32> -> vector<8x2x4x512xi32>
      %reshape3A_1053 = vector.shape_cast %concatenate3A_1052 : vector<8x2x4x512xi32> to vector<64x512xi32>
      %reshape3A_1054 = vector.shape_cast %reshape3A_1049 : vector<64x512xf32> to vector<16x2x2x512xf32>
      %reshape3A_1055 = vector.shape_cast %reshape3A_1053 : vector<64x512xi32> to vector<16x2x2x512xi32>
      %slice3A_1056 = vector.extract_strided_slice %reshape3A_1054 {offsets = [0, 0, 0, 0], sizes = [16, 1, 2, 512], strides = [1, 1, 1, 1]} : vector<16x2x2x512xf32> to vector<16x1x2x512xf32>
      %squeeze3A_1057 = vector.shape_cast %slice3A_1056 : vector<16x1x2x512xf32> to vector<16x2x512xf32>
      %slice3A_1058 = vector.extract_strided_slice %reshape3A_1054 {offsets = [0, 1, 0, 0], sizes = [16, 1, 2, 512], strides = [1, 1, 1, 1]} : vector<16x2x2x512xf32> to vector<16x1x2x512xf32>
      %squeeze3A_1059 = vector.shape_cast %slice3A_1058 : vector<16x1x2x512xf32> to vector<16x2x512xf32>
      %slice3A_1060 = vector.extract_strided_slice %reshape3A_1055 {offsets = [0, 0, 0, 0], sizes = [16, 1, 2, 512], strides = [1, 1, 1, 1]} : vector<16x2x2x512xi32> to vector<16x1x2x512xi32>
      %squeeze3A_1061 = vector.shape_cast %slice3A_1060 : vector<16x1x2x512xi32> to vector<16x2x512xi32>
      %slice3A_1062 = vector.extract_strided_slice %reshape3A_1055 {offsets = [0, 1, 0, 0], sizes = [16, 1, 2, 512], strides = [1, 1, 1, 1]} : vector<16x2x2x512xi32> to vector<16x1x2x512xi32>
      %squeeze3A_1063 = vector.shape_cast %slice3A_1062 : vector<16x1x2x512xi32> to vector<16x2x512xi32>
      %lt3A_1064 = arith.cmpf olt, %squeeze3A_1059, %squeeze3A_1057 : vector<16x2x512xf32>
      %eq3A_1065 = arith.cmpf oeq, %squeeze3A_1059, %squeeze3A_1057 : vector<16x2x512xf32>
      %lt3A_1066 = arith.cmpi slt, %squeeze3A_1063, %squeeze3A_1061 : vector<16x2x512xi32>
      %and3A_1067 = arith.andi %eq3A_1065, %lt3A_1066 : vector<16x2x512xi1>
      %or3A_1068 = arith.ori %lt3A_1064, %and3A_1067 : vector<16x2x512xi1>
      %select_n3A_1069 = arith.select %or3A_1068, %squeeze3A_1059, %squeeze3A_1057 : vector<16x2x512xi1>, vector<16x2x512xf32>
      %select_n3A_1070 = arith.select %or3A_1068, %squeeze3A_1063, %squeeze3A_1061 : vector<16x2x512xi1>, vector<16x2x512xi32>
      %select_n3A_1071 = arith.select %or3A_1068, %squeeze3A_1057, %squeeze3A_1059 : vector<16x2x512xi1>, vector<16x2x512xf32>
      %select_n3A_1072 = arith.select %or3A_1068, %squeeze3A_1061, %squeeze3A_1063 : vector<16x2x512xi1>, vector<16x2x512xi32>
      %reshape3A_1073 = vector.shape_cast %select_n3A_1069 : vector<16x2x512xf32> to vector<16x1x2x512xf32>
      %reshape3A_1074 = vector.shape_cast %select_n3A_1071 : vector<16x2x512xf32> to vector<16x1x2x512xf32>
      %concatenate3A_1075 = tpu.concatenate %reshape3A_1073, %reshape3A_1074 in 1 : vector<16x1x2x512xf32>, vector<16x1x2x512xf32> -> vector<16x2x2x512xf32>
      %reshape3A_1076 = vector.shape_cast %concatenate3A_1075 : vector<16x2x2x512xf32> to vector<64x512xf32>
      %reshape3A_1077 = vector.shape_cast %select_n3A_1070 : vector<16x2x512xi32> to vector<16x1x2x512xi32>
      %reshape3A_1078 = vector.shape_cast %select_n3A_1072 : vector<16x2x512xi32> to vector<16x1x2x512xi32>
      %concatenate3A_1079 = tpu.concatenate %reshape3A_1077, %reshape3A_1078 in 1 : vector<16x1x2x512xi32>, vector<16x1x2x512xi32> -> vector<16x2x2x512xi32>
      %reshape3A_1080 = vector.shape_cast %concatenate3A_1079 : vector<16x2x2x512xi32> to vector<64x512xi32>
      %reshape3A_1081 = vector.shape_cast %reshape3A_1076 : vector<64x512xf32> to vector<32x2x1x512xf32>
      %reshape3A_1082 = vector.shape_cast %reshape3A_1080 : vector<64x512xi32> to vector<32x2x1x512xi32>
      %slice3A_1083 = vector.extract_strided_slice %reshape3A_1081 {offsets = [0, 0, 0, 0], sizes = [32, 1, 1, 512], strides = [1, 1, 1, 1]} : vector<32x2x1x512xf32> to vector<32x1x1x512xf32>
      %squeeze3A_1084 = vector.shape_cast %slice3A_1083 : vector<32x1x1x512xf32> to vector<32x1x512xf32>
      %slice3A_1085 = vector.extract_strided_slice %reshape3A_1081 {offsets = [0, 1, 0, 0], sizes = [32, 1, 1, 512], strides = [1, 1, 1, 1]} : vector<32x2x1x512xf32> to vector<32x1x1x512xf32>
      %squeeze3A_1086 = vector.shape_cast %slice3A_1085 : vector<32x1x1x512xf32> to vector<32x1x512xf32>
      %slice3A_1087 = vector.extract_strided_slice %reshape3A_1082 {offsets = [0, 0, 0, 0], sizes = [32, 1, 1, 512], strides = [1, 1, 1, 1]} : vector<32x2x1x512xi32> to vector<32x1x1x512xi32>
      %squeeze3A_1088 = vector.shape_cast %slice3A_1087 : vector<32x1x1x512xi32> to vector<32x1x512xi32>
      %slice3A_1089 = vector.extract_strided_slice %reshape3A_1082 {offsets = [0, 1, 0, 0], sizes = [32, 1, 1, 512], strides = [1, 1, 1, 1]} : vector<32x2x1x512xi32> to vector<32x1x1x512xi32>
      %squeeze3A_1090 = vector.shape_cast %slice3A_1089 : vector<32x1x1x512xi32> to vector<32x1x512xi32>
      %lt3A_1091 = arith.cmpf olt, %squeeze3A_1086, %squeeze3A_1084 : vector<32x1x512xf32>
      %eq3A_1092 = arith.cmpf oeq, %squeeze3A_1086, %squeeze3A_1084 : vector<32x1x512xf32>
      %lt3A_1093 = arith.cmpi slt, %squeeze3A_1090, %squeeze3A_1088 : vector<32x1x512xi32>
      %and3A_1094 = arith.andi %eq3A_1092, %lt3A_1093 : vector<32x1x512xi1>
      %or3A_1095 = arith.ori %lt3A_1091, %and3A_1094 : vector<32x1x512xi1>
      %select_n3A_1096 = arith.select %or3A_1095, %squeeze3A_1086, %squeeze3A_1084 : vector<32x1x512xi1>, vector<32x1x512xf32>
      %select_n3A_1097 = arith.select %or3A_1095, %squeeze3A_1090, %squeeze3A_1088 : vector<32x1x512xi1>, vector<32x1x512xi32>
      %select_n3A_1098 = arith.select %or3A_1095, %squeeze3A_1084, %squeeze3A_1086 : vector<32x1x512xi1>, vector<32x1x512xf32>
      %select_n3A_1099 = arith.select %or3A_1095, %squeeze3A_1088, %squeeze3A_1090 : vector<32x1x512xi1>, vector<32x1x512xi32>
      %reshape3A_1100 = vector.shape_cast %select_n3A_1096 : vector<32x1x512xf32> to vector<32x1x1x512xf32>
      %reshape3A_1101 = vector.shape_cast %select_n3A_1098 : vector<32x1x512xf32> to vector<32x1x1x512xf32>
      %concatenate3A_1102 = tpu.concatenate %reshape3A_1100, %reshape3A_1101 in 1 : vector<32x1x1x512xf32>, vector<32x1x1x512xf32> -> vector<32x2x1x512xf32>
      %reshape3A_1103 = vector.shape_cast %concatenate3A_1102 : vector<32x2x1x512xf32> to vector<64x512xf32>
      %reshape3A_1104 = vector.shape_cast %select_n3A_1097 : vector<32x1x512xi32> to vector<32x1x1x512xi32>
      %reshape3A_1105 = vector.shape_cast %select_n3A_1099 : vector<32x1x512xi32> to vector<32x1x1x512xi32>
      %concatenate3A_1106 = tpu.concatenate %reshape3A_1104, %reshape3A_1105 in 1 : vector<32x1x1x512xi32>, vector<32x1x1x512xi32> -> vector<32x2x1x512xi32>
      %reshape3A_1107 = vector.shape_cast %concatenate3A_1106 : vector<32x2x1x512xi32> to vector<64x512xi32>
      %slice3A_1108 = vector.extract_strided_slice %reshape3A_932 {offsets = [64, 0], sizes = [64, 512], strides = [1, 1]} : vector<256x512xf32> to vector<64x512xf32>
      %slice3A_1109 = vector.extract_strided_slice %reshape3A_936 {offsets = [64, 0], sizes = [64, 512], strides = [1, 1]} : vector<256x512xi32> to vector<64x512xi32>
      %lt3A_1110 = arith.cmpf olt, %slice3A_1108, %reshape3A_1103 : vector<64x512xf32>
      %eq3A_1111 = arith.cmpf oeq, %slice3A_1108, %reshape3A_1103 : vector<64x512xf32>
      %lt3A_1112 = arith.cmpi slt, %slice3A_1109, %reshape3A_1107 : vector<64x512xi32>
      %and3A_1113 = arith.andi %eq3A_1111, %lt3A_1112 : vector<64x512xi1>
      %or3A_1114 = arith.ori %lt3A_1110, %and3A_1113 : vector<64x512xi1>
      %select_n3A_1115 = arith.select %or3A_1114, %slice3A_1108, %reshape3A_1103 : vector<64x512xi1>, vector<64x512xf32>
      %select_n3A_1116 = arith.select %or3A_1114, %slice3A_1109, %reshape3A_1107 : vector<64x512xi1>, vector<64x512xi32>
      %reshape3A_1117 = vector.shape_cast %select_n3A_1115 : vector<64x512xf32> to vector<1x2x32x512xf32>
      %reshape3A_1118 = vector.shape_cast %select_n3A_1116 : vector<64x512xi32> to vector<1x2x32x512xi32>
      %slice3A_1119 = vector.extract_strided_slice %reshape3A_1117 {offsets = [0, 0, 0, 0], sizes = [1, 1, 32, 512], strides = [1, 1, 1, 1]} : vector<1x2x32x512xf32> to vector<1x1x32x512xf32>
      %squeeze3A_1120 = vector.shape_cast %slice3A_1119 : vector<1x1x32x512xf32> to vector<1x32x512xf32>
      %slice3A_1121 = vector.extract_strided_slice %reshape3A_1117 {offsets = [0, 1, 0, 0], sizes = [1, 1, 32, 512], strides = [1, 1, 1, 1]} : vector<1x2x32x512xf32> to vector<1x1x32x512xf32>
      %squeeze3A_1122 = vector.shape_cast %slice3A_1121 : vector<1x1x32x512xf32> to vector<1x32x512xf32>
      %slice3A_1123 = vector.extract_strided_slice %reshape3A_1118 {offsets = [0, 0, 0, 0], sizes = [1, 1, 32, 512], strides = [1, 1, 1, 1]} : vector<1x2x32x512xi32> to vector<1x1x32x512xi32>
      %squeeze3A_1124 = vector.shape_cast %slice3A_1123 : vector<1x1x32x512xi32> to vector<1x32x512xi32>
      %slice3A_1125 = vector.extract_strided_slice %reshape3A_1118 {offsets = [0, 1, 0, 0], sizes = [1, 1, 32, 512], strides = [1, 1, 1, 1]} : vector<1x2x32x512xi32> to vector<1x1x32x512xi32>
      %squeeze3A_1126 = vector.shape_cast %slice3A_1125 : vector<1x1x32x512xi32> to vector<1x32x512xi32>
      %lt3A_1127 = arith.cmpf olt, %squeeze3A_1122, %squeeze3A_1120 : vector<1x32x512xf32>
      %eq3A_1128 = arith.cmpf oeq, %squeeze3A_1122, %squeeze3A_1120 : vector<1x32x512xf32>
      %lt3A_1129 = arith.cmpi slt, %squeeze3A_1126, %squeeze3A_1124 : vector<1x32x512xi32>
      %and3A_1130 = arith.andi %eq3A_1128, %lt3A_1129 : vector<1x32x512xi1>
      %or3A_1131 = arith.ori %lt3A_1127, %and3A_1130 : vector<1x32x512xi1>
      %select_n3A_1132 = arith.select %or3A_1131, %squeeze3A_1122, %squeeze3A_1120 : vector<1x32x512xi1>, vector<1x32x512xf32>
      %select_n3A_1133 = arith.select %or3A_1131, %squeeze3A_1126, %squeeze3A_1124 : vector<1x32x512xi1>, vector<1x32x512xi32>
      %select_n3A_1134 = arith.select %or3A_1131, %squeeze3A_1120, %squeeze3A_1122 : vector<1x32x512xi1>, vector<1x32x512xf32>
      %select_n3A_1135 = arith.select %or3A_1131, %squeeze3A_1124, %squeeze3A_1126 : vector<1x32x512xi1>, vector<1x32x512xi32>
      %reshape3A_1136 = vector.shape_cast %select_n3A_1132 : vector<1x32x512xf32> to vector<1x1x32x512xf32>
      %reshape3A_1137 = vector.shape_cast %select_n3A_1134 : vector<1x32x512xf32> to vector<1x1x32x512xf32>
      %concatenate3A_1138 = tpu.concatenate %reshape3A_1136, %reshape3A_1137 in 1 : vector<1x1x32x512xf32>, vector<1x1x32x512xf32> -> vector<1x2x32x512xf32>
      %reshape3A_1139 = vector.shape_cast %concatenate3A_1138 : vector<1x2x32x512xf32> to vector<64x512xf32>
      %reshape3A_1140 = vector.shape_cast %select_n3A_1133 : vector<1x32x512xi32> to vector<1x1x32x512xi32>
      %reshape3A_1141 = vector.shape_cast %select_n3A_1135 : vector<1x32x512xi32> to vector<1x1x32x512xi32>
      %concatenate3A_1142 = tpu.concatenate %reshape3A_1140, %reshape3A_1141 in 1 : vector<1x1x32x512xi32>, vector<1x1x32x512xi32> -> vector<1x2x32x512xi32>
      %reshape3A_1143 = vector.shape_cast %concatenate3A_1142 : vector<1x2x32x512xi32> to vector<64x512xi32>
      %reshape3A_1144 = vector.shape_cast %reshape3A_1139 : vector<64x512xf32> to vector<2x2x16x512xf32>
      %reshape3A_1145 = vector.shape_cast %reshape3A_1143 : vector<64x512xi32> to vector<2x2x16x512xi32>
      %slice3A_1146 = vector.extract_strided_slice %reshape3A_1144 {offsets = [0, 0, 0, 0], sizes = [2, 1, 16, 512], strides = [1, 1, 1, 1]} : vector<2x2x16x512xf32> to vector<2x1x16x512xf32>
      %squeeze3A_1147 = vector.shape_cast %slice3A_1146 : vector<2x1x16x512xf32> to vector<2x16x512xf32>
      %slice3A_1148 = vector.extract_strided_slice %reshape3A_1144 {offsets = [0, 1, 0, 0], sizes = [2, 1, 16, 512], strides = [1, 1, 1, 1]} : vector<2x2x16x512xf32> to vector<2x1x16x512xf32>
      %squeeze3A_1149 = vector.shape_cast %slice3A_1148 : vector<2x1x16x512xf32> to vector<2x16x512xf32>
      %slice3A_1150 = vector.extract_strided_slice %reshape3A_1145 {offsets = [0, 0, 0, 0], sizes = [2, 1, 16, 512], strides = [1, 1, 1, 1]} : vector<2x2x16x512xi32> to vector<2x1x16x512xi32>
      %squeeze3A_1151 = vector.shape_cast %slice3A_1150 : vector<2x1x16x512xi32> to vector<2x16x512xi32>
      %slice3A_1152 = vector.extract_strided_slice %reshape3A_1145 {offsets = [0, 1, 0, 0], sizes = [2, 1, 16, 512], strides = [1, 1, 1, 1]} : vector<2x2x16x512xi32> to vector<2x1x16x512xi32>
      %squeeze3A_1153 = vector.shape_cast %slice3A_1152 : vector<2x1x16x512xi32> to vector<2x16x512xi32>
      %lt3A_1154 = arith.cmpf olt, %squeeze3A_1149, %squeeze3A_1147 : vector<2x16x512xf32>
      %eq3A_1155 = arith.cmpf oeq, %squeeze3A_1149, %squeeze3A_1147 : vector<2x16x512xf32>
      %lt3A_1156 = arith.cmpi slt, %squeeze3A_1153, %squeeze3A_1151 : vector<2x16x512xi32>
      %and3A_1157 = arith.andi %eq3A_1155, %lt3A_1156 : vector<2x16x512xi1>
      %or3A_1158 = arith.ori %lt3A_1154, %and3A_1157 : vector<2x16x512xi1>
      %select_n3A_1159 = arith.select %or3A_1158, %squeeze3A_1149, %squeeze3A_1147 : vector<2x16x512xi1>, vector<2x16x512xf32>
      %select_n3A_1160 = arith.select %or3A_1158, %squeeze3A_1153, %squeeze3A_1151 : vector<2x16x512xi1>, vector<2x16x512xi32>
      %select_n3A_1161 = arith.select %or3A_1158, %squeeze3A_1147, %squeeze3A_1149 : vector<2x16x512xi1>, vector<2x16x512xf32>
      %select_n3A_1162 = arith.select %or3A_1158, %squeeze3A_1151, %squeeze3A_1153 : vector<2x16x512xi1>, vector<2x16x512xi32>
      %reshape3A_1163 = vector.shape_cast %select_n3A_1159 : vector<2x16x512xf32> to vector<2x1x16x512xf32>
      %reshape3A_1164 = vector.shape_cast %select_n3A_1161 : vector<2x16x512xf32> to vector<2x1x16x512xf32>
      %concatenate3A_1165 = tpu.concatenate %reshape3A_1163, %reshape3A_1164 in 1 : vector<2x1x16x512xf32>, vector<2x1x16x512xf32> -> vector<2x2x16x512xf32>
      %reshape3A_1166 = vector.shape_cast %concatenate3A_1165 : vector<2x2x16x512xf32> to vector<64x512xf32>
      %reshape3A_1167 = vector.shape_cast %select_n3A_1160 : vector<2x16x512xi32> to vector<2x1x16x512xi32>
      %reshape3A_1168 = vector.shape_cast %select_n3A_1162 : vector<2x16x512xi32> to vector<2x1x16x512xi32>
      %concatenate3A_1169 = tpu.concatenate %reshape3A_1167, %reshape3A_1168 in 1 : vector<2x1x16x512xi32>, vector<2x1x16x512xi32> -> vector<2x2x16x512xi32>
      %reshape3A_1170 = vector.shape_cast %concatenate3A_1169 : vector<2x2x16x512xi32> to vector<64x512xi32>
      %reshape3A_1171 = vector.shape_cast %reshape3A_1166 : vector<64x512xf32> to vector<4x2x8x512xf32>
      %reshape3A_1172 = vector.shape_cast %reshape3A_1170 : vector<64x512xi32> to vector<4x2x8x512xi32>
      %slice3A_1173 = vector.extract_strided_slice %reshape3A_1171 {offsets = [0, 0, 0, 0], sizes = [4, 1, 8, 512], strides = [1, 1, 1, 1]} : vector<4x2x8x512xf32> to vector<4x1x8x512xf32>
      %squeeze3A_1174 = vector.shape_cast %slice3A_1173 : vector<4x1x8x512xf32> to vector<4x8x512xf32>
      %slice3A_1175 = vector.extract_strided_slice %reshape3A_1171 {offsets = [0, 1, 0, 0], sizes = [4, 1, 8, 512], strides = [1, 1, 1, 1]} : vector<4x2x8x512xf32> to vector<4x1x8x512xf32>
      %squeeze3A_1176 = vector.shape_cast %slice3A_1175 : vector<4x1x8x512xf32> to vector<4x8x512xf32>
      %slice3A_1177 = vector.extract_strided_slice %reshape3A_1172 {offsets = [0, 0, 0, 0], sizes = [4, 1, 8, 512], strides = [1, 1, 1, 1]} : vector<4x2x8x512xi32> to vector<4x1x8x512xi32>
      %squeeze3A_1178 = vector.shape_cast %slice3A_1177 : vector<4x1x8x512xi32> to vector<4x8x512xi32>
      %slice3A_1179 = vector.extract_strided_slice %reshape3A_1172 {offsets = [0, 1, 0, 0], sizes = [4, 1, 8, 512], strides = [1, 1, 1, 1]} : vector<4x2x8x512xi32> to vector<4x1x8x512xi32>
      %squeeze3A_1180 = vector.shape_cast %slice3A_1179 : vector<4x1x8x512xi32> to vector<4x8x512xi32>
      %lt3A_1181 = arith.cmpf olt, %squeeze3A_1176, %squeeze3A_1174 : vector<4x8x512xf32>
      %eq3A_1182 = arith.cmpf oeq, %squeeze3A_1176, %squeeze3A_1174 : vector<4x8x512xf32>
      %lt3A_1183 = arith.cmpi slt, %squeeze3A_1180, %squeeze3A_1178 : vector<4x8x512xi32>
      %and3A_1184 = arith.andi %eq3A_1182, %lt3A_1183 : vector<4x8x512xi1>
      %or3A_1185 = arith.ori %lt3A_1181, %and3A_1184 : vector<4x8x512xi1>
      %select_n3A_1186 = arith.select %or3A_1185, %squeeze3A_1176, %squeeze3A_1174 : vector<4x8x512xi1>, vector<4x8x512xf32>
      %select_n3A_1187 = arith.select %or3A_1185, %squeeze3A_1180, %squeeze3A_1178 : vector<4x8x512xi1>, vector<4x8x512xi32>
      %select_n3A_1188 = arith.select %or3A_1185, %squeeze3A_1174, %squeeze3A_1176 : vector<4x8x512xi1>, vector<4x8x512xf32>
      %select_n3A_1189 = arith.select %or3A_1185, %squeeze3A_1178, %squeeze3A_1180 : vector<4x8x512xi1>, vector<4x8x512xi32>
      %reshape3A_1190 = vector.shape_cast %select_n3A_1186 : vector<4x8x512xf32> to vector<4x1x8x512xf32>
      %reshape3A_1191 = vector.shape_cast %select_n3A_1188 : vector<4x8x512xf32> to vector<4x1x8x512xf32>
      %concatenate3A_1192 = tpu.concatenate %reshape3A_1190, %reshape3A_1191 in 1 : vector<4x1x8x512xf32>, vector<4x1x8x512xf32> -> vector<4x2x8x512xf32>
      %reshape3A_1193 = vector.shape_cast %concatenate3A_1192 : vector<4x2x8x512xf32> to vector<64x512xf32>
      %reshape3A_1194 = vector.shape_cast %select_n3A_1187 : vector<4x8x512xi32> to vector<4x1x8x512xi32>
      %reshape3A_1195 = vector.shape_cast %select_n3A_1189 : vector<4x8x512xi32> to vector<4x1x8x512xi32>
      %concatenate3A_1196 = tpu.concatenate %reshape3A_1194, %reshape3A_1195 in 1 : vector<4x1x8x512xi32>, vector<4x1x8x512xi32> -> vector<4x2x8x512xi32>
      %reshape3A_1197 = vector.shape_cast %concatenate3A_1196 : vector<4x2x8x512xi32> to vector<64x512xi32>
      %reshape3A_1198 = vector.shape_cast %reshape3A_1193 : vector<64x512xf32> to vector<8x2x4x512xf32>
      %reshape3A_1199 = vector.shape_cast %reshape3A_1197 : vector<64x512xi32> to vector<8x2x4x512xi32>
      %slice3A_1200 = vector.extract_strided_slice %reshape3A_1198 {offsets = [0, 0, 0, 0], sizes = [8, 1, 4, 512], strides = [1, 1, 1, 1]} : vector<8x2x4x512xf32> to vector<8x1x4x512xf32>
      %squeeze3A_1201 = vector.shape_cast %slice3A_1200 : vector<8x1x4x512xf32> to vector<8x4x512xf32>
      %slice3A_1202 = vector.extract_strided_slice %reshape3A_1198 {offsets = [0, 1, 0, 0], sizes = [8, 1, 4, 512], strides = [1, 1, 1, 1]} : vector<8x2x4x512xf32> to vector<8x1x4x512xf32>
      %squeeze3A_1203 = vector.shape_cast %slice3A_1202 : vector<8x1x4x512xf32> to vector<8x4x512xf32>
      %slice3A_1204 = vector.extract_strided_slice %reshape3A_1199 {offsets = [0, 0, 0, 0], sizes = [8, 1, 4, 512], strides = [1, 1, 1, 1]} : vector<8x2x4x512xi32> to vector<8x1x4x512xi32>
      %squeeze3A_1205 = vector.shape_cast %slice3A_1204 : vector<8x1x4x512xi32> to vector<8x4x512xi32>
      %slice3A_1206 = vector.extract_strided_slice %reshape3A_1199 {offsets = [0, 1, 0, 0], sizes = [8, 1, 4, 512], strides = [1, 1, 1, 1]} : vector<8x2x4x512xi32> to vector<8x1x4x512xi32>
      %squeeze3A_1207 = vector.shape_cast %slice3A_1206 : vector<8x1x4x512xi32> to vector<8x4x512xi32>
      %lt3A_1208 = arith.cmpf olt, %squeeze3A_1203, %squeeze3A_1201 : vector<8x4x512xf32>
      %eq3A_1209 = arith.cmpf oeq, %squeeze3A_1203, %squeeze3A_1201 : vector<8x4x512xf32>
      %lt3A_1210 = arith.cmpi slt, %squeeze3A_1207, %squeeze3A_1205 : vector<8x4x512xi32>
      %and3A_1211 = arith.andi %eq3A_1209, %lt3A_1210 : vector<8x4x512xi1>
      %or3A_1212 = arith.ori %lt3A_1208, %and3A_1211 : vector<8x4x512xi1>
      %select_n3A_1213 = arith.select %or3A_1212, %squeeze3A_1203, %squeeze3A_1201 : vector<8x4x512xi1>, vector<8x4x512xf32>
      %select_n3A_1214 = arith.select %or3A_1212, %squeeze3A_1207, %squeeze3A_1205 : vector<8x4x512xi1>, vector<8x4x512xi32>
      %select_n3A_1215 = arith.select %or3A_1212, %squeeze3A_1201, %squeeze3A_1203 : vector<8x4x512xi1>, vector<8x4x512xf32>
      %select_n3A_1216 = arith.select %or3A_1212, %squeeze3A_1205, %squeeze3A_1207 : vector<8x4x512xi1>, vector<8x4x512xi32>
      %reshape3A_1217 = vector.shape_cast %select_n3A_1213 : vector<8x4x512xf32> to vector<8x1x4x512xf32>
      %reshape3A_1218 = vector.shape_cast %select_n3A_1215 : vector<8x4x512xf32> to vector<8x1x4x512xf32>
      %concatenate3A_1219 = tpu.concatenate %reshape3A_1217, %reshape3A_1218 in 1 : vector<8x1x4x512xf32>, vector<8x1x4x512xf32> -> vector<8x2x4x512xf32>
      %reshape3A_1220 = vector.shape_cast %concatenate3A_1219 : vector<8x2x4x512xf32> to vector<64x512xf32>
      %reshape3A_1221 = vector.shape_cast %select_n3A_1214 : vector<8x4x512xi32> to vector<8x1x4x512xi32>
      %reshape3A_1222 = vector.shape_cast %select_n3A_1216 : vector<8x4x512xi32> to vector<8x1x4x512xi32>
      %concatenate3A_1223 = tpu.concatenate %reshape3A_1221, %reshape3A_1222 in 1 : vector<8x1x4x512xi32>, vector<8x1x4x512xi32> -> vector<8x2x4x512xi32>
      %reshape3A_1224 = vector.shape_cast %concatenate3A_1223 : vector<8x2x4x512xi32> to vector<64x512xi32>
      %reshape3A_1225 = vector.shape_cast %reshape3A_1220 : vector<64x512xf32> to vector<16x2x2x512xf32>
      %reshape3A_1226 = vector.shape_cast %reshape3A_1224 : vector<64x512xi32> to vector<16x2x2x512xi32>
      %slice3A_1227 = vector.extract_strided_slice %reshape3A_1225 {offsets = [0, 0, 0, 0], sizes = [16, 1, 2, 512], strides = [1, 1, 1, 1]} : vector<16x2x2x512xf32> to vector<16x1x2x512xf32>
      %squeeze3A_1228 = vector.shape_cast %slice3A_1227 : vector<16x1x2x512xf32> to vector<16x2x512xf32>
      %slice3A_1229 = vector.extract_strided_slice %reshape3A_1225 {offsets = [0, 1, 0, 0], sizes = [16, 1, 2, 512], strides = [1, 1, 1, 1]} : vector<16x2x2x512xf32> to vector<16x1x2x512xf32>
      %squeeze3A_1230 = vector.shape_cast %slice3A_1229 : vector<16x1x2x512xf32> to vector<16x2x512xf32>
      %slice3A_1231 = vector.extract_strided_slice %reshape3A_1226 {offsets = [0, 0, 0, 0], sizes = [16, 1, 2, 512], strides = [1, 1, 1, 1]} : vector<16x2x2x512xi32> to vector<16x1x2x512xi32>
      %squeeze3A_1232 = vector.shape_cast %slice3A_1231 : vector<16x1x2x512xi32> to vector<16x2x512xi32>
      %slice3A_1233 = vector.extract_strided_slice %reshape3A_1226 {offsets = [0, 1, 0, 0], sizes = [16, 1, 2, 512], strides = [1, 1, 1, 1]} : vector<16x2x2x512xi32> to vector<16x1x2x512xi32>
      %squeeze3A_1234 = vector.shape_cast %slice3A_1233 : vector<16x1x2x512xi32> to vector<16x2x512xi32>
      %lt3A_1235 = arith.cmpf olt, %squeeze3A_1230, %squeeze3A_1228 : vector<16x2x512xf32>
      %eq3A_1236 = arith.cmpf oeq, %squeeze3A_1230, %squeeze3A_1228 : vector<16x2x512xf32>
      %lt3A_1237 = arith.cmpi slt, %squeeze3A_1234, %squeeze3A_1232 : vector<16x2x512xi32>
      %and3A_1238 = arith.andi %eq3A_1236, %lt3A_1237 : vector<16x2x512xi1>
      %or3A_1239 = arith.ori %lt3A_1235, %and3A_1238 : vector<16x2x512xi1>
      %select_n3A_1240 = arith.select %or3A_1239, %squeeze3A_1230, %squeeze3A_1228 : vector<16x2x512xi1>, vector<16x2x512xf32>
      %select_n3A_1241 = arith.select %or3A_1239, %squeeze3A_1234, %squeeze3A_1232 : vector<16x2x512xi1>, vector<16x2x512xi32>
      %select_n3A_1242 = arith.select %or3A_1239, %squeeze3A_1228, %squeeze3A_1230 : vector<16x2x512xi1>, vector<16x2x512xf32>
      %select_n3A_1243 = arith.select %or3A_1239, %squeeze3A_1232, %squeeze3A_1234 : vector<16x2x512xi1>, vector<16x2x512xi32>
      %reshape3A_1244 = vector.shape_cast %select_n3A_1240 : vector<16x2x512xf32> to vector<16x1x2x512xf32>
      %reshape3A_1245 = vector.shape_cast %select_n3A_1242 : vector<16x2x512xf32> to vector<16x1x2x512xf32>
      %concatenate3A_1246 = tpu.concatenate %reshape3A_1244, %reshape3A_1245 in 1 : vector<16x1x2x512xf32>, vector<16x1x2x512xf32> -> vector<16x2x2x512xf32>
      %reshape3A_1247 = vector.shape_cast %concatenate3A_1246 : vector<16x2x2x512xf32> to vector<64x512xf32>
      %reshape3A_1248 = vector.shape_cast %select_n3A_1241 : vector<16x2x512xi32> to vector<16x1x2x512xi32>
      %reshape3A_1249 = vector.shape_cast %select_n3A_1243 : vector<16x2x512xi32> to vector<16x1x2x512xi32>
      %concatenate3A_1250 = tpu.concatenate %reshape3A_1248, %reshape3A_1249 in 1 : vector<16x1x2x512xi32>, vector<16x1x2x512xi32> -> vector<16x2x2x512xi32>
      %reshape3A_1251 = vector.shape_cast %concatenate3A_1250 : vector<16x2x2x512xi32> to vector<64x512xi32>
      %reshape3A_1252 = vector.shape_cast %reshape3A_1247 : vector<64x512xf32> to vector<32x2x1x512xf32>
      %reshape3A_1253 = vector.shape_cast %reshape3A_1251 : vector<64x512xi32> to vector<32x2x1x512xi32>
      %slice3A_1254 = vector.extract_strided_slice %reshape3A_1252 {offsets = [0, 0, 0, 0], sizes = [32, 1, 1, 512], strides = [1, 1, 1, 1]} : vector<32x2x1x512xf32> to vector<32x1x1x512xf32>
      %squeeze3A_1255 = vector.shape_cast %slice3A_1254 : vector<32x1x1x512xf32> to vector<32x1x512xf32>
      %slice3A_1256 = vector.extract_strided_slice %reshape3A_1252 {offsets = [0, 1, 0, 0], sizes = [32, 1, 1, 512], strides = [1, 1, 1, 1]} : vector<32x2x1x512xf32> to vector<32x1x1x512xf32>
      %squeeze3A_1257 = vector.shape_cast %slice3A_1256 : vector<32x1x1x512xf32> to vector<32x1x512xf32>
      %slice3A_1258 = vector.extract_strided_slice %reshape3A_1253 {offsets = [0, 0, 0, 0], sizes = [32, 1, 1, 512], strides = [1, 1, 1, 1]} : vector<32x2x1x512xi32> to vector<32x1x1x512xi32>
      %squeeze3A_1259 = vector.shape_cast %slice3A_1258 : vector<32x1x1x512xi32> to vector<32x1x512xi32>
      %slice3A_1260 = vector.extract_strided_slice %reshape3A_1253 {offsets = [0, 1, 0, 0], sizes = [32, 1, 1, 512], strides = [1, 1, 1, 1]} : vector<32x2x1x512xi32> to vector<32x1x1x512xi32>
      %squeeze3A_1261 = vector.shape_cast %slice3A_1260 : vector<32x1x1x512xi32> to vector<32x1x512xi32>
      %lt3A_1262 = arith.cmpf olt, %squeeze3A_1257, %squeeze3A_1255 : vector<32x1x512xf32>
      %eq3A_1263 = arith.cmpf oeq, %squeeze3A_1257, %squeeze3A_1255 : vector<32x1x512xf32>
      %lt3A_1264 = arith.cmpi slt, %squeeze3A_1261, %squeeze3A_1259 : vector<32x1x512xi32>
      %and3A_1265 = arith.andi %eq3A_1263, %lt3A_1264 : vector<32x1x512xi1>
      %or3A_1266 = arith.ori %lt3A_1262, %and3A_1265 : vector<32x1x512xi1>
      %select_n3A_1267 = arith.select %or3A_1266, %squeeze3A_1257, %squeeze3A_1255 : vector<32x1x512xi1>, vector<32x1x512xf32>
      %select_n3A_1268 = arith.select %or3A_1266, %squeeze3A_1261, %squeeze3A_1259 : vector<32x1x512xi1>, vector<32x1x512xi32>
      %select_n3A_1269 = arith.select %or3A_1266, %squeeze3A_1255, %squeeze3A_1257 : vector<32x1x512xi1>, vector<32x1x512xf32>
      %select_n3A_1270 = arith.select %or3A_1266, %squeeze3A_1259, %squeeze3A_1261 : vector<32x1x512xi1>, vector<32x1x512xi32>
      %reshape3A_1271 = vector.shape_cast %select_n3A_1267 : vector<32x1x512xf32> to vector<32x1x1x512xf32>
      %reshape3A_1272 = vector.shape_cast %select_n3A_1269 : vector<32x1x512xf32> to vector<32x1x1x512xf32>
      %concatenate3A_1273 = tpu.concatenate %reshape3A_1271, %reshape3A_1272 in 1 : vector<32x1x1x512xf32>, vector<32x1x1x512xf32> -> vector<32x2x1x512xf32>
      %reshape3A_1274 = vector.shape_cast %concatenate3A_1273 : vector<32x2x1x512xf32> to vector<64x512xf32>
      %reshape3A_1275 = vector.shape_cast %select_n3A_1268 : vector<32x1x512xi32> to vector<32x1x1x512xi32>
      %reshape3A_1276 = vector.shape_cast %select_n3A_1270 : vector<32x1x512xi32> to vector<32x1x1x512xi32>
      %concatenate3A_1277 = tpu.concatenate %reshape3A_1275, %reshape3A_1276 in 1 : vector<32x1x1x512xi32>, vector<32x1x1x512xi32> -> vector<32x2x1x512xi32>
      %reshape3A_1278 = vector.shape_cast %concatenate3A_1277 : vector<32x2x1x512xi32> to vector<64x512xi32>
      %slice3A_1279 = vector.extract_strided_slice %reshape3A_932 {offsets = [128, 0], sizes = [64, 512], strides = [1, 1]} : vector<256x512xf32> to vector<64x512xf32>
      %slice3A_1280 = vector.extract_strided_slice %reshape3A_936 {offsets = [128, 0], sizes = [64, 512], strides = [1, 1]} : vector<256x512xi32> to vector<64x512xi32>
      %lt3A_1281 = arith.cmpf olt, %slice3A_1279, %reshape3A_1274 : vector<64x512xf32>
      %eq3A_1282 = arith.cmpf oeq, %slice3A_1279, %reshape3A_1274 : vector<64x512xf32>
      %lt3A_1283 = arith.cmpi slt, %slice3A_1280, %reshape3A_1278 : vector<64x512xi32>
      %and3A_1284 = arith.andi %eq3A_1282, %lt3A_1283 : vector<64x512xi1>
      %or3A_1285 = arith.ori %lt3A_1281, %and3A_1284 : vector<64x512xi1>
      %select_n3A_1286 = arith.select %or3A_1285, %slice3A_1279, %reshape3A_1274 : vector<64x512xi1>, vector<64x512xf32>
      %select_n3A_1287 = arith.select %or3A_1285, %slice3A_1280, %reshape3A_1278 : vector<64x512xi1>, vector<64x512xi32>
      %reshape3A_1288 = vector.shape_cast %select_n3A_1286 : vector<64x512xf32> to vector<1x2x32x512xf32>
      %reshape3A_1289 = vector.shape_cast %select_n3A_1287 : vector<64x512xi32> to vector<1x2x32x512xi32>
      %slice3A_1290 = vector.extract_strided_slice %reshape3A_1288 {offsets = [0, 0, 0, 0], sizes = [1, 1, 32, 512], strides = [1, 1, 1, 1]} : vector<1x2x32x512xf32> to vector<1x1x32x512xf32>
      %squeeze3A_1291 = vector.shape_cast %slice3A_1290 : vector<1x1x32x512xf32> to vector<1x32x512xf32>
      %slice3A_1292 = vector.extract_strided_slice %reshape3A_1288 {offsets = [0, 1, 0, 0], sizes = [1, 1, 32, 512], strides = [1, 1, 1, 1]} : vector<1x2x32x512xf32> to vector<1x1x32x512xf32>
      %squeeze3A_1293 = vector.shape_cast %slice3A_1292 : vector<1x1x32x512xf32> to vector<1x32x512xf32>
      %slice3A_1294 = vector.extract_strided_slice %reshape3A_1289 {offsets = [0, 0, 0, 0], sizes = [1, 1, 32, 512], strides = [1, 1, 1, 1]} : vector<1x2x32x512xi32> to vector<1x1x32x512xi32>
      %squeeze3A_1295 = vector.shape_cast %slice3A_1294 : vector<1x1x32x512xi32> to vector<1x32x512xi32>
      %slice3A_1296 = vector.extract_strided_slice %reshape3A_1289 {offsets = [0, 1, 0, 0], sizes = [1, 1, 32, 512], strides = [1, 1, 1, 1]} : vector<1x2x32x512xi32> to vector<1x1x32x512xi32>
      %squeeze3A_1297 = vector.shape_cast %slice3A_1296 : vector<1x1x32x512xi32> to vector<1x32x512xi32>
      %lt3A_1298 = arith.cmpf olt, %squeeze3A_1293, %squeeze3A_1291 : vector<1x32x512xf32>
      %eq3A_1299 = arith.cmpf oeq, %squeeze3A_1293, %squeeze3A_1291 : vector<1x32x512xf32>
      %lt3A_1300 = arith.cmpi slt, %squeeze3A_1297, %squeeze3A_1295 : vector<1x32x512xi32>
      %and3A_1301 = arith.andi %eq3A_1299, %lt3A_1300 : vector<1x32x512xi1>
      %or3A_1302 = arith.ori %lt3A_1298, %and3A_1301 : vector<1x32x512xi1>
      %select_n3A_1303 = arith.select %or3A_1302, %squeeze3A_1293, %squeeze3A_1291 : vector<1x32x512xi1>, vector<1x32x512xf32>
      %select_n3A_1304 = arith.select %or3A_1302, %squeeze3A_1297, %squeeze3A_1295 : vector<1x32x512xi1>, vector<1x32x512xi32>
      %select_n3A_1305 = arith.select %or3A_1302, %squeeze3A_1291, %squeeze3A_1293 : vector<1x32x512xi1>, vector<1x32x512xf32>
      %select_n3A_1306 = arith.select %or3A_1302, %squeeze3A_1295, %squeeze3A_1297 : vector<1x32x512xi1>, vector<1x32x512xi32>
      %reshape3A_1307 = vector.shape_cast %select_n3A_1303 : vector<1x32x512xf32> to vector<1x1x32x512xf32>
      %reshape3A_1308 = vector.shape_cast %select_n3A_1305 : vector<1x32x512xf32> to vector<1x1x32x512xf32>
      %concatenate3A_1309 = tpu.concatenate %reshape3A_1307, %reshape3A_1308 in 1 : vector<1x1x32x512xf32>, vector<1x1x32x512xf32> -> vector<1x2x32x512xf32>
      %reshape3A_1310 = vector.shape_cast %concatenate3A_1309 : vector<1x2x32x512xf32> to vector<64x512xf32>
      %reshape3A_1311 = vector.shape_cast %select_n3A_1304 : vector<1x32x512xi32> to vector<1x1x32x512xi32>
      %reshape3A_1312 = vector.shape_cast %select_n3A_1306 : vector<1x32x512xi32> to vector<1x1x32x512xi32>
      %concatenate3A_1313 = tpu.concatenate %reshape3A_1311, %reshape3A_1312 in 1 : vector<1x1x32x512xi32>, vector<1x1x32x512xi32> -> vector<1x2x32x512xi32>
      %reshape3A_1314 = vector.shape_cast %concatenate3A_1313 : vector<1x2x32x512xi32> to vector<64x512xi32>
      %reshape3A_1315 = vector.shape_cast %reshape3A_1310 : vector<64x512xf32> to vector<2x2x16x512xf32>
      %reshape3A_1316 = vector.shape_cast %reshape3A_1314 : vector<64x512xi32> to vector<2x2x16x512xi32>
      %slice3A_1317 = vector.extract_strided_slice %reshape3A_1315 {offsets = [0, 0, 0, 0], sizes = [2, 1, 16, 512], strides = [1, 1, 1, 1]} : vector<2x2x16x512xf32> to vector<2x1x16x512xf32>
      %squeeze3A_1318 = vector.shape_cast %slice3A_1317 : vector<2x1x16x512xf32> to vector<2x16x512xf32>
      %slice3A_1319 = vector.extract_strided_slice %reshape3A_1315 {offsets = [0, 1, 0, 0], sizes = [2, 1, 16, 512], strides = [1, 1, 1, 1]} : vector<2x2x16x512xf32> to vector<2x1x16x512xf32>
      %squeeze3A_1320 = vector.shape_cast %slice3A_1319 : vector<2x1x16x512xf32> to vector<2x16x512xf32>
      %slice3A_1321 = vector.extract_strided_slice %reshape3A_1316 {offsets = [0, 0, 0, 0], sizes = [2, 1, 16, 512], strides = [1, 1, 1, 1]} : vector<2x2x16x512xi32> to vector<2x1x16x512xi32>
      %squeeze3A_1322 = vector.shape_cast %slice3A_1321 : vector<2x1x16x512xi32> to vector<2x16x512xi32>
      %slice3A_1323 = vector.extract_strided_slice %reshape3A_1316 {offsets = [0, 1, 0, 0], sizes = [2, 1, 16, 512], strides = [1, 1, 1, 1]} : vector<2x2x16x512xi32> to vector<2x1x16x512xi32>
      %squeeze3A_1324 = vector.shape_cast %slice3A_1323 : vector<2x1x16x512xi32> to vector<2x16x512xi32>
      %lt3A_1325 = arith.cmpf olt, %squeeze3A_1320, %squeeze3A_1318 : vector<2x16x512xf32>
      %eq3A_1326 = arith.cmpf oeq, %squeeze3A_1320, %squeeze3A_1318 : vector<2x16x512xf32>
      %lt3A_1327 = arith.cmpi slt, %squeeze3A_1324, %squeeze3A_1322 : vector<2x16x512xi32>
      %and3A_1328 = arith.andi %eq3A_1326, %lt3A_1327 : vector<2x16x512xi1>
      %or3A_1329 = arith.ori %lt3A_1325, %and3A_1328 : vector<2x16x512xi1>
      %select_n3A_1330 = arith.select %or3A_1329, %squeeze3A_1320, %squeeze3A_1318 : vector<2x16x512xi1>, vector<2x16x512xf32>
      %select_n3A_1331 = arith.select %or3A_1329, %squeeze3A_1324, %squeeze3A_1322 : vector<2x16x512xi1>, vector<2x16x512xi32>
      %select_n3A_1332 = arith.select %or3A_1329, %squeeze3A_1318, %squeeze3A_1320 : vector<2x16x512xi1>, vector<2x16x512xf32>
      %select_n3A_1333 = arith.select %or3A_1329, %squeeze3A_1322, %squeeze3A_1324 : vector<2x16x512xi1>, vector<2x16x512xi32>
      %reshape3A_1334 = vector.shape_cast %select_n3A_1330 : vector<2x16x512xf32> to vector<2x1x16x512xf32>
      %reshape3A_1335 = vector.shape_cast %select_n3A_1332 : vector<2x16x512xf32> to vector<2x1x16x512xf32>
      %concatenate3A_1336 = tpu.concatenate %reshape3A_1334, %reshape3A_1335 in 1 : vector<2x1x16x512xf32>, vector<2x1x16x512xf32> -> vector<2x2x16x512xf32>
      %reshape3A_1337 = vector.shape_cast %concatenate3A_1336 : vector<2x2x16x512xf32> to vector<64x512xf32>
      %reshape3A_1338 = vector.shape_cast %select_n3A_1331 : vector<2x16x512xi32> to vector<2x1x16x512xi32>
      %reshape3A_1339 = vector.shape_cast %select_n3A_1333 : vector<2x16x512xi32> to vector<2x1x16x512xi32>
      %concatenate3A_1340 = tpu.concatenate %reshape3A_1338, %reshape3A_1339 in 1 : vector<2x1x16x512xi32>, vector<2x1x16x512xi32> -> vector<2x2x16x512xi32>
      %reshape3A_1341 = vector.shape_cast %concatenate3A_1340 : vector<2x2x16x512xi32> to vector<64x512xi32>
      %reshape3A_1342 = vector.shape_cast %reshape3A_1337 : vector<64x512xf32> to vector<4x2x8x512xf32>
      %reshape3A_1343 = vector.shape_cast %reshape3A_1341 : vector<64x512xi32> to vector<4x2x8x512xi32>
      %slice3A_1344 = vector.extract_strided_slice %reshape3A_1342 {offsets = [0, 0, 0, 0], sizes = [4, 1, 8, 512], strides = [1, 1, 1, 1]} : vector<4x2x8x512xf32> to vector<4x1x8x512xf32>
      %squeeze3A_1345 = vector.shape_cast %slice3A_1344 : vector<4x1x8x512xf32> to vector<4x8x512xf32>
      %slice3A_1346 = vector.extract_strided_slice %reshape3A_1342 {offsets = [0, 1, 0, 0], sizes = [4, 1, 8, 512], strides = [1, 1, 1, 1]} : vector<4x2x8x512xf32> to vector<4x1x8x512xf32>
      %squeeze3A_1347 = vector.shape_cast %slice3A_1346 : vector<4x1x8x512xf32> to vector<4x8x512xf32>
      %slice3A_1348 = vector.extract_strided_slice %reshape3A_1343 {offsets = [0, 0, 0, 0], sizes = [4, 1, 8, 512], strides = [1, 1, 1, 1]} : vector<4x2x8x512xi32> to vector<4x1x8x512xi32>
      %squeeze3A_1349 = vector.shape_cast %slice3A_1348 : vector<4x1x8x512xi32> to vector<4x8x512xi32>
      %slice3A_1350 = vector.extract_strided_slice %reshape3A_1343 {offsets = [0, 1, 0, 0], sizes = [4, 1, 8, 512], strides = [1, 1, 1, 1]} : vector<4x2x8x512xi32> to vector<4x1x8x512xi32>
      %squeeze3A_1351 = vector.shape_cast %slice3A_1350 : vector<4x1x8x512xi32> to vector<4x8x512xi32>
      %lt3A_1352 = arith.cmpf olt, %squeeze3A_1347, %squeeze3A_1345 : vector<4x8x512xf32>
      %eq3A_1353 = arith.cmpf oeq, %squeeze3A_1347, %squeeze3A_1345 : vector<4x8x512xf32>
      %lt3A_1354 = arith.cmpi slt, %squeeze3A_1351, %squeeze3A_1349 : vector<4x8x512xi32>
      %and3A_1355 = arith.andi %eq3A_1353, %lt3A_1354 : vector<4x8x512xi1>
      %or3A_1356 = arith.ori %lt3A_1352, %and3A_1355 : vector<4x8x512xi1>
      %select_n3A_1357 = arith.select %or3A_1356, %squeeze3A_1347, %squeeze3A_1345 : vector<4x8x512xi1>, vector<4x8x512xf32>
      %select_n3A_1358 = arith.select %or3A_1356, %squeeze3A_1351, %squeeze3A_1349 : vector<4x8x512xi1>, vector<4x8x512xi32>
      %select_n3A_1359 = arith.select %or3A_1356, %squeeze3A_1345, %squeeze3A_1347 : vector<4x8x512xi1>, vector<4x8x512xf32>
      %select_n3A_1360 = arith.select %or3A_1356, %squeeze3A_1349, %squeeze3A_1351 : vector<4x8x512xi1>, vector<4x8x512xi32>
      %reshape3A_1361 = vector.shape_cast %select_n3A_1357 : vector<4x8x512xf32> to vector<4x1x8x512xf32>
      %reshape3A_1362 = vector.shape_cast %select_n3A_1359 : vector<4x8x512xf32> to vector<4x1x8x512xf32>
      %concatenate3A_1363 = tpu.concatenate %reshape3A_1361, %reshape3A_1362 in 1 : vector<4x1x8x512xf32>, vector<4x1x8x512xf32> -> vector<4x2x8x512xf32>
      %reshape3A_1364 = vector.shape_cast %concatenate3A_1363 : vector<4x2x8x512xf32> to vector<64x512xf32>
      %reshape3A_1365 = vector.shape_cast %select_n3A_1358 : vector<4x8x512xi32> to vector<4x1x8x512xi32>
      %reshape3A_1366 = vector.shape_cast %select_n3A_1360 : vector<4x8x512xi32> to vector<4x1x8x512xi32>
      %concatenate3A_1367 = tpu.concatenate %reshape3A_1365, %reshape3A_1366 in 1 : vector<4x1x8x512xi32>, vector<4x1x8x512xi32> -> vector<4x2x8x512xi32>
      %reshape3A_1368 = vector.shape_cast %concatenate3A_1367 : vector<4x2x8x512xi32> to vector<64x512xi32>
      %reshape3A_1369 = vector.shape_cast %reshape3A_1364 : vector<64x512xf32> to vector<8x2x4x512xf32>
      %reshape3A_1370 = vector.shape_cast %reshape3A_1368 : vector<64x512xi32> to vector<8x2x4x512xi32>
      %slice3A_1371 = vector.extract_strided_slice %reshape3A_1369 {offsets = [0, 0, 0, 0], sizes = [8, 1, 4, 512], strides = [1, 1, 1, 1]} : vector<8x2x4x512xf32> to vector<8x1x4x512xf32>
      %squeeze3A_1372 = vector.shape_cast %slice3A_1371 : vector<8x1x4x512xf32> to vector<8x4x512xf32>
      %slice3A_1373 = vector.extract_strided_slice %reshape3A_1369 {offsets = [0, 1, 0, 0], sizes = [8, 1, 4, 512], strides = [1, 1, 1, 1]} : vector<8x2x4x512xf32> to vector<8x1x4x512xf32>
      %squeeze3A_1374 = vector.shape_cast %slice3A_1373 : vector<8x1x4x512xf32> to vector<8x4x512xf32>
      %slice3A_1375 = vector.extract_strided_slice %reshape3A_1370 {offsets = [0, 0, 0, 0], sizes = [8, 1, 4, 512], strides = [1, 1, 1, 1]} : vector<8x2x4x512xi32> to vector<8x1x4x512xi32>
      %squeeze3A_1376 = vector.shape_cast %slice3A_1375 : vector<8x1x4x512xi32> to vector<8x4x512xi32>
      %slice3A_1377 = vector.extract_strided_slice %reshape3A_1370 {offsets = [0, 1, 0, 0], sizes = [8, 1, 4, 512], strides = [1, 1, 1, 1]} : vector<8x2x4x512xi32> to vector<8x1x4x512xi32>
      %squeeze3A_1378 = vector.shape_cast %slice3A_1377 : vector<8x1x4x512xi32> to vector<8x4x512xi32>
      %lt3A_1379 = arith.cmpf olt, %squeeze3A_1374, %squeeze3A_1372 : vector<8x4x512xf32>
      %eq3A_1380 = arith.cmpf oeq, %squeeze3A_1374, %squeeze3A_1372 : vector<8x4x512xf32>
      %lt3A_1381 = arith.cmpi slt, %squeeze3A_1378, %squeeze3A_1376 : vector<8x4x512xi32>
      %and3A_1382 = arith.andi %eq3A_1380, %lt3A_1381 : vector<8x4x512xi1>
      %or3A_1383 = arith.ori %lt3A_1379, %and3A_1382 : vector<8x4x512xi1>
      %select_n3A_1384 = arith.select %or3A_1383, %squeeze3A_1374, %squeeze3A_1372 : vector<8x4x512xi1>, vector<8x4x512xf32>
      %select_n3A_1385 = arith.select %or3A_1383, %squeeze3A_1378, %squeeze3A_1376 : vector<8x4x512xi1>, vector<8x4x512xi32>
      %select_n3A_1386 = arith.select %or3A_1383, %squeeze3A_1372, %squeeze3A_1374 : vector<8x4x512xi1>, vector<8x4x512xf32>
      %select_n3A_1387 = arith.select %or3A_1383, %squeeze3A_1376, %squeeze3A_1378 : vector<8x4x512xi1>, vector<8x4x512xi32>
      %reshape3A_1388 = vector.shape_cast %select_n3A_1384 : vector<8x4x512xf32> to vector<8x1x4x512xf32>
      %reshape3A_1389 = vector.shape_cast %select_n3A_1386 : vector<8x4x512xf32> to vector<8x1x4x512xf32>
      %concatenate3A_1390 = tpu.concatenate %reshape3A_1388, %reshape3A_1389 in 1 : vector<8x1x4x512xf32>, vector<8x1x4x512xf32> -> vector<8x2x4x512xf32>
      %reshape3A_1391 = vector.shape_cast %concatenate3A_1390 : vector<8x2x4x512xf32> to vector<64x512xf32>
      %reshape3A_1392 = vector.shape_cast %select_n3A_1385 : vector<8x4x512xi32> to vector<8x1x4x512xi32>
      %reshape3A_1393 = vector.shape_cast %select_n3A_1387 : vector<8x4x512xi32> to vector<8x1x4x512xi32>
      %concatenate3A_1394 = tpu.concatenate %reshape3A_1392, %reshape3A_1393 in 1 : vector<8x1x4x512xi32>, vector<8x1x4x512xi32> -> vector<8x2x4x512xi32>
      %reshape3A_1395 = vector.shape_cast %concatenate3A_1394 : vector<8x2x4x512xi32> to vector<64x512xi32>
      %reshape3A_1396 = vector.shape_cast %reshape3A_1391 : vector<64x512xf32> to vector<16x2x2x512xf32>
      %reshape3A_1397 = vector.shape_cast %reshape3A_1395 : vector<64x512xi32> to vector<16x2x2x512xi32>
      %slice3A_1398 = vector.extract_strided_slice %reshape3A_1396 {offsets = [0, 0, 0, 0], sizes = [16, 1, 2, 512], strides = [1, 1, 1, 1]} : vector<16x2x2x512xf32> to vector<16x1x2x512xf32>
      %squeeze3A_1399 = vector.shape_cast %slice3A_1398 : vector<16x1x2x512xf32> to vector<16x2x512xf32>
      %slice3A_1400 = vector.extract_strided_slice %reshape3A_1396 {offsets = [0, 1, 0, 0], sizes = [16, 1, 2, 512], strides = [1, 1, 1, 1]} : vector<16x2x2x512xf32> to vector<16x1x2x512xf32>
      %squeeze3A_1401 = vector.shape_cast %slice3A_1400 : vector<16x1x2x512xf32> to vector<16x2x512xf32>
      %slice3A_1402 = vector.extract_strided_slice %reshape3A_1397 {offsets = [0, 0, 0, 0], sizes = [16, 1, 2, 512], strides = [1, 1, 1, 1]} : vector<16x2x2x512xi32> to vector<16x1x2x512xi32>
      %squeeze3A_1403 = vector.shape_cast %slice3A_1402 : vector<16x1x2x512xi32> to vector<16x2x512xi32>
      %slice3A_1404 = vector.extract_strided_slice %reshape3A_1397 {offsets = [0, 1, 0, 0], sizes = [16, 1, 2, 512], strides = [1, 1, 1, 1]} : vector<16x2x2x512xi32> to vector<16x1x2x512xi32>
      %squeeze3A_1405 = vector.shape_cast %slice3A_1404 : vector<16x1x2x512xi32> to vector<16x2x512xi32>
      %lt3A_1406 = arith.cmpf olt, %squeeze3A_1401, %squeeze3A_1399 : vector<16x2x512xf32>
      %eq3A_1407 = arith.cmpf oeq, %squeeze3A_1401, %squeeze3A_1399 : vector<16x2x512xf32>
      %lt3A_1408 = arith.cmpi slt, %squeeze3A_1405, %squeeze3A_1403 : vector<16x2x512xi32>
      %and3A_1409 = arith.andi %eq3A_1407, %lt3A_1408 : vector<16x2x512xi1>
      %or3A_1410 = arith.ori %lt3A_1406, %and3A_1409 : vector<16x2x512xi1>
      %select_n3A_1411 = arith.select %or3A_1410, %squeeze3A_1401, %squeeze3A_1399 : vector<16x2x512xi1>, vector<16x2x512xf32>
      %select_n3A_1412 = arith.select %or3A_1410, %squeeze3A_1405, %squeeze3A_1403 : vector<16x2x512xi1>, vector<16x2x512xi32>
      %select_n3A_1413 = arith.select %or3A_1410, %squeeze3A_1399, %squeeze3A_1401 : vector<16x2x512xi1>, vector<16x2x512xf32>
      %select_n3A_1414 = arith.select %or3A_1410, %squeeze3A_1403, %squeeze3A_1405 : vector<16x2x512xi1>, vector<16x2x512xi32>
      %reshape3A_1415 = vector.shape_cast %select_n3A_1411 : vector<16x2x512xf32> to vector<16x1x2x512xf32>
      %reshape3A_1416 = vector.shape_cast %select_n3A_1413 : vector<16x2x512xf32> to vector<16x1x2x512xf32>
      %concatenate3A_1417 = tpu.concatenate %reshape3A_1415, %reshape3A_1416 in 1 : vector<16x1x2x512xf32>, vector<16x1x2x512xf32> -> vector<16x2x2x512xf32>
      %reshape3A_1418 = vector.shape_cast %concatenate3A_1417 : vector<16x2x2x512xf32> to vector<64x512xf32>
      %reshape3A_1419 = vector.shape_cast %select_n3A_1412 : vector<16x2x512xi32> to vector<16x1x2x512xi32>
      %reshape3A_1420 = vector.shape_cast %select_n3A_1414 : vector<16x2x512xi32> to vector<16x1x2x512xi32>
      %concatenate3A_1421 = tpu.concatenate %reshape3A_1419, %reshape3A_1420 in 1 : vector<16x1x2x512xi32>, vector<16x1x2x512xi32> -> vector<16x2x2x512xi32>
      %reshape3A_1422 = vector.shape_cast %concatenate3A_1421 : vector<16x2x2x512xi32> to vector<64x512xi32>
      %reshape3A_1423 = vector.shape_cast %reshape3A_1418 : vector<64x512xf32> to vector<32x2x1x512xf32>
      %reshape3A_1424 = vector.shape_cast %reshape3A_1422 : vector<64x512xi32> to vector<32x2x1x512xi32>
      %slice3A_1425 = vector.extract_strided_slice %reshape3A_1423 {offsets = [0, 0, 0, 0], sizes = [32, 1, 1, 512], strides = [1, 1, 1, 1]} : vector<32x2x1x512xf32> to vector<32x1x1x512xf32>
      %squeeze3A_1426 = vector.shape_cast %slice3A_1425 : vector<32x1x1x512xf32> to vector<32x1x512xf32>
      %slice3A_1427 = vector.extract_strided_slice %reshape3A_1423 {offsets = [0, 1, 0, 0], sizes = [32, 1, 1, 512], strides = [1, 1, 1, 1]} : vector<32x2x1x512xf32> to vector<32x1x1x512xf32>
      %squeeze3A_1428 = vector.shape_cast %slice3A_1427 : vector<32x1x1x512xf32> to vector<32x1x512xf32>
      %slice3A_1429 = vector.extract_strided_slice %reshape3A_1424 {offsets = [0, 0, 0, 0], sizes = [32, 1, 1, 512], strides = [1, 1, 1, 1]} : vector<32x2x1x512xi32> to vector<32x1x1x512xi32>
      %squeeze3A_1430 = vector.shape_cast %slice3A_1429 : vector<32x1x1x512xi32> to vector<32x1x512xi32>
      %slice3A_1431 = vector.extract_strided_slice %reshape3A_1424 {offsets = [0, 1, 0, 0], sizes = [32, 1, 1, 512], strides = [1, 1, 1, 1]} : vector<32x2x1x512xi32> to vector<32x1x1x512xi32>
      %squeeze3A_1432 = vector.shape_cast %slice3A_1431 : vector<32x1x1x512xi32> to vector<32x1x512xi32>
      %lt3A_1433 = arith.cmpf olt, %squeeze3A_1428, %squeeze3A_1426 : vector<32x1x512xf32>
      %eq3A_1434 = arith.cmpf oeq, %squeeze3A_1428, %squeeze3A_1426 : vector<32x1x512xf32>
      %lt3A_1435 = arith.cmpi slt, %squeeze3A_1432, %squeeze3A_1430 : vector<32x1x512xi32>
      %and3A_1436 = arith.andi %eq3A_1434, %lt3A_1435 : vector<32x1x512xi1>
      %or3A_1437 = arith.ori %lt3A_1433, %and3A_1436 : vector<32x1x512xi1>
      %select_n3A_1438 = arith.select %or3A_1437, %squeeze3A_1428, %squeeze3A_1426 : vector<32x1x512xi1>, vector<32x1x512xf32>
      %select_n3A_1439 = arith.select %or3A_1437, %squeeze3A_1432, %squeeze3A_1430 : vector<32x1x512xi1>, vector<32x1x512xi32>
      %select_n3A_1440 = arith.select %or3A_1437, %squeeze3A_1426, %squeeze3A_1428 : vector<32x1x512xi1>, vector<32x1x512xf32>
      %select_n3A_1441 = arith.select %or3A_1437, %squeeze3A_1430, %squeeze3A_1432 : vector<32x1x512xi1>, vector<32x1x512xi32>
      %reshape3A_1442 = vector.shape_cast %select_n3A_1438 : vector<32x1x512xf32> to vector<32x1x1x512xf32>
      %reshape3A_1443 = vector.shape_cast %select_n3A_1440 : vector<32x1x512xf32> to vector<32x1x1x512xf32>
      %concatenate3A_1444 = tpu.concatenate %reshape3A_1442, %reshape3A_1443 in 1 : vector<32x1x1x512xf32>, vector<32x1x1x512xf32> -> vector<32x2x1x512xf32>
      %reshape3A_1445 = vector.shape_cast %concatenate3A_1444 : vector<32x2x1x512xf32> to vector<64x512xf32>
      %reshape3A_1446 = vector.shape_cast %select_n3A_1439 : vector<32x1x512xi32> to vector<32x1x1x512xi32>
      %reshape3A_1447 = vector.shape_cast %select_n3A_1441 : vector<32x1x512xi32> to vector<32x1x1x512xi32>
      %concatenate3A_1448 = tpu.concatenate %reshape3A_1446, %reshape3A_1447 in 1 : vector<32x1x1x512xi32>, vector<32x1x1x512xi32> -> vector<32x2x1x512xi32>
      %reshape3A_1449 = vector.shape_cast %concatenate3A_1448 : vector<32x2x1x512xi32> to vector<64x512xi32>
      %slice3A_1450 = vector.extract_strided_slice %reshape3A_932 {offsets = [192, 0], sizes = [64, 512], strides = [1, 1]} : vector<256x512xf32> to vector<64x512xf32>
      %slice3A_1451 = vector.extract_strided_slice %reshape3A_936 {offsets = [192, 0], sizes = [64, 512], strides = [1, 1]} : vector<256x512xi32> to vector<64x512xi32>
      %lt3A_1452 = arith.cmpf olt, %slice3A_1450, %reshape3A_1445 : vector<64x512xf32>
      %eq3A_1453 = arith.cmpf oeq, %slice3A_1450, %reshape3A_1445 : vector<64x512xf32>
      %lt3A_1454 = arith.cmpi slt, %slice3A_1451, %reshape3A_1449 : vector<64x512xi32>
      %and3A_1455 = arith.andi %eq3A_1453, %lt3A_1454 : vector<64x512xi1>
      %or3A_1456 = arith.ori %lt3A_1452, %and3A_1455 : vector<64x512xi1>
      %select_n3A_1457 = arith.select %or3A_1456, %slice3A_1450, %reshape3A_1445 : vector<64x512xi1>, vector<64x512xf32>
      %select_n3A_1458 = arith.select %or3A_1456, %slice3A_1451, %reshape3A_1449 : vector<64x512xi1>, vector<64x512xi32>
      %reshape3A_1459 = vector.shape_cast %select_n3A_1457 : vector<64x512xf32> to vector<1x2x32x512xf32>
      %reshape3A_1460 = vector.shape_cast %select_n3A_1458 : vector<64x512xi32> to vector<1x2x32x512xi32>
      %slice3A_1461 = vector.extract_strided_slice %reshape3A_1459 {offsets = [0, 0, 0, 0], sizes = [1, 1, 32, 512], strides = [1, 1, 1, 1]} : vector<1x2x32x512xf32> to vector<1x1x32x512xf32>
      %squeeze3A_1462 = vector.shape_cast %slice3A_1461 : vector<1x1x32x512xf32> to vector<1x32x512xf32>
      %slice3A_1463 = vector.extract_strided_slice %reshape3A_1459 {offsets = [0, 1, 0, 0], sizes = [1, 1, 32, 512], strides = [1, 1, 1, 1]} : vector<1x2x32x512xf32> to vector<1x1x32x512xf32>
      %squeeze3A_1464 = vector.shape_cast %slice3A_1463 : vector<1x1x32x512xf32> to vector<1x32x512xf32>
      %slice3A_1465 = vector.extract_strided_slice %reshape3A_1460 {offsets = [0, 0, 0, 0], sizes = [1, 1, 32, 512], strides = [1, 1, 1, 1]} : vector<1x2x32x512xi32> to vector<1x1x32x512xi32>
      %squeeze3A_1466 = vector.shape_cast %slice3A_1465 : vector<1x1x32x512xi32> to vector<1x32x512xi32>
      %slice3A_1467 = vector.extract_strided_slice %reshape3A_1460 {offsets = [0, 1, 0, 0], sizes = [1, 1, 32, 512], strides = [1, 1, 1, 1]} : vector<1x2x32x512xi32> to vector<1x1x32x512xi32>
      %squeeze3A_1468 = vector.shape_cast %slice3A_1467 : vector<1x1x32x512xi32> to vector<1x32x512xi32>
      %lt3A_1469 = arith.cmpf olt, %squeeze3A_1464, %squeeze3A_1462 : vector<1x32x512xf32>
      %eq3A_1470 = arith.cmpf oeq, %squeeze3A_1464, %squeeze3A_1462 : vector<1x32x512xf32>
      %lt3A_1471 = arith.cmpi slt, %squeeze3A_1468, %squeeze3A_1466 : vector<1x32x512xi32>
      %and3A_1472 = arith.andi %eq3A_1470, %lt3A_1471 : vector<1x32x512xi1>
      %or3A_1473 = arith.ori %lt3A_1469, %and3A_1472 : vector<1x32x512xi1>
      %select_n3A_1474 = arith.select %or3A_1473, %squeeze3A_1464, %squeeze3A_1462 : vector<1x32x512xi1>, vector<1x32x512xf32>
      %select_n3A_1475 = arith.select %or3A_1473, %squeeze3A_1468, %squeeze3A_1466 : vector<1x32x512xi1>, vector<1x32x512xi32>
      %select_n3A_1476 = arith.select %or3A_1473, %squeeze3A_1462, %squeeze3A_1464 : vector<1x32x512xi1>, vector<1x32x512xf32>
      %select_n3A_1477 = arith.select %or3A_1473, %squeeze3A_1466, %squeeze3A_1468 : vector<1x32x512xi1>, vector<1x32x512xi32>
      %reshape3A_1478 = vector.shape_cast %select_n3A_1474 : vector<1x32x512xf32> to vector<1x1x32x512xf32>
      %reshape3A_1479 = vector.shape_cast %select_n3A_1476 : vector<1x32x512xf32> to vector<1x1x32x512xf32>
      %concatenate3A_1480 = tpu.concatenate %reshape3A_1478, %reshape3A_1479 in 1 : vector<1x1x32x512xf32>, vector<1x1x32x512xf32> -> vector<1x2x32x512xf32>
      %reshape3A_1481 = vector.shape_cast %concatenate3A_1480 : vector<1x2x32x512xf32> to vector<64x512xf32>
      %reshape3A_1482 = vector.shape_cast %select_n3A_1475 : vector<1x32x512xi32> to vector<1x1x32x512xi32>
      %reshape3A_1483 = vector.shape_cast %select_n3A_1477 : vector<1x32x512xi32> to vector<1x1x32x512xi32>
      %concatenate3A_1484 = tpu.concatenate %reshape3A_1482, %reshape3A_1483 in 1 : vector<1x1x32x512xi32>, vector<1x1x32x512xi32> -> vector<1x2x32x512xi32>
      %reshape3A_1485 = vector.shape_cast %concatenate3A_1484 : vector<1x2x32x512xi32> to vector<64x512xi32>
      %reshape3A_1486 = vector.shape_cast %reshape3A_1481 : vector<64x512xf32> to vector<2x2x16x512xf32>
      %reshape3A_1487 = vector.shape_cast %reshape3A_1485 : vector<64x512xi32> to vector<2x2x16x512xi32>
      %slice3A_1488 = vector.extract_strided_slice %reshape3A_1486 {offsets = [0, 0, 0, 0], sizes = [2, 1, 16, 512], strides = [1, 1, 1, 1]} : vector<2x2x16x512xf32> to vector<2x1x16x512xf32>
      %squeeze3A_1489 = vector.shape_cast %slice3A_1488 : vector<2x1x16x512xf32> to vector<2x16x512xf32>
      %slice3A_1490 = vector.extract_strided_slice %reshape3A_1486 {offsets = [0, 1, 0, 0], sizes = [2, 1, 16, 512], strides = [1, 1, 1, 1]} : vector<2x2x16x512xf32> to vector<2x1x16x512xf32>
      %squeeze3A_1491 = vector.shape_cast %slice3A_1490 : vector<2x1x16x512xf32> to vector<2x16x512xf32>
      %slice3A_1492 = vector.extract_strided_slice %reshape3A_1487 {offsets = [0, 0, 0, 0], sizes = [2, 1, 16, 512], strides = [1, 1, 1, 1]} : vector<2x2x16x512xi32> to vector<2x1x16x512xi32>
      %squeeze3A_1493 = vector.shape_cast %slice3A_1492 : vector<2x1x16x512xi32> to vector<2x16x512xi32>
      %slice3A_1494 = vector.extract_strided_slice %reshape3A_1487 {offsets = [0, 1, 0, 0], sizes = [2, 1, 16, 512], strides = [1, 1, 1, 1]} : vector<2x2x16x512xi32> to vector<2x1x16x512xi32>
      %squeeze3A_1495 = vector.shape_cast %slice3A_1494 : vector<2x1x16x512xi32> to vector<2x16x512xi32>
      %lt3A_1496 = arith.cmpf olt, %squeeze3A_1491, %squeeze3A_1489 : vector<2x16x512xf32>
      %eq3A_1497 = arith.cmpf oeq, %squeeze3A_1491, %squeeze3A_1489 : vector<2x16x512xf32>
      %lt3A_1498 = arith.cmpi slt, %squeeze3A_1495, %squeeze3A_1493 : vector<2x16x512xi32>
      %and3A_1499 = arith.andi %eq3A_1497, %lt3A_1498 : vector<2x16x512xi1>
      %or3A_1500 = arith.ori %lt3A_1496, %and3A_1499 : vector<2x16x512xi1>
      %select_n3A_1501 = arith.select %or3A_1500, %squeeze3A_1491, %squeeze3A_1489 : vector<2x16x512xi1>, vector<2x16x512xf32>
      %select_n3A_1502 = arith.select %or3A_1500, %squeeze3A_1495, %squeeze3A_1493 : vector<2x16x512xi1>, vector<2x16x512xi32>
      %select_n3A_1503 = arith.select %or3A_1500, %squeeze3A_1489, %squeeze3A_1491 : vector<2x16x512xi1>, vector<2x16x512xf32>
      %select_n3A_1504 = arith.select %or3A_1500, %squeeze3A_1493, %squeeze3A_1495 : vector<2x16x512xi1>, vector<2x16x512xi32>
      %reshape3A_1505 = vector.shape_cast %select_n3A_1501 : vector<2x16x512xf32> to vector<2x1x16x512xf32>
      %reshape3A_1506 = vector.shape_cast %select_n3A_1503 : vector<2x16x512xf32> to vector<2x1x16x512xf32>
      %concatenate3A_1507 = tpu.concatenate %reshape3A_1505, %reshape3A_1506 in 1 : vector<2x1x16x512xf32>, vector<2x1x16x512xf32> -> vector<2x2x16x512xf32>
      %reshape3A_1508 = vector.shape_cast %concatenate3A_1507 : vector<2x2x16x512xf32> to vector<64x512xf32>
      %reshape3A_1509 = vector.shape_cast %select_n3A_1502 : vector<2x16x512xi32> to vector<2x1x16x512xi32>
      %reshape3A_1510 = vector.shape_cast %select_n3A_1504 : vector<2x16x512xi32> to vector<2x1x16x512xi32>
      %concatenate3A_1511 = tpu.concatenate %reshape3A_1509, %reshape3A_1510 in 1 : vector<2x1x16x512xi32>, vector<2x1x16x512xi32> -> vector<2x2x16x512xi32>
      %reshape3A_1512 = vector.shape_cast %concatenate3A_1511 : vector<2x2x16x512xi32> to vector<64x512xi32>
      %reshape3A_1513 = vector.shape_cast %reshape3A_1508 : vector<64x512xf32> to vector<4x2x8x512xf32>
      %reshape3A_1514 = vector.shape_cast %reshape3A_1512 : vector<64x512xi32> to vector<4x2x8x512xi32>
      %slice3A_1515 = vector.extract_strided_slice %reshape3A_1513 {offsets = [0, 0, 0, 0], sizes = [4, 1, 8, 512], strides = [1, 1, 1, 1]} : vector<4x2x8x512xf32> to vector<4x1x8x512xf32>
      %squeeze3A_1516 = vector.shape_cast %slice3A_1515 : vector<4x1x8x512xf32> to vector<4x8x512xf32>
      %slice3A_1517 = vector.extract_strided_slice %reshape3A_1513 {offsets = [0, 1, 0, 0], sizes = [4, 1, 8, 512], strides = [1, 1, 1, 1]} : vector<4x2x8x512xf32> to vector<4x1x8x512xf32>
      %squeeze3A_1518 = vector.shape_cast %slice3A_1517 : vector<4x1x8x512xf32> to vector<4x8x512xf32>
      %slice3A_1519 = vector.extract_strided_slice %reshape3A_1514 {offsets = [0, 0, 0, 0], sizes = [4, 1, 8, 512], strides = [1, 1, 1, 1]} : vector<4x2x8x512xi32> to vector<4x1x8x512xi32>
      %squeeze3A_1520 = vector.shape_cast %slice3A_1519 : vector<4x1x8x512xi32> to vector<4x8x512xi32>
      %slice3A_1521 = vector.extract_strided_slice %reshape3A_1514 {offsets = [0, 1, 0, 0], sizes = [4, 1, 8, 512], strides = [1, 1, 1, 1]} : vector<4x2x8x512xi32> to vector<4x1x8x512xi32>
      %squeeze3A_1522 = vector.shape_cast %slice3A_1521 : vector<4x1x8x512xi32> to vector<4x8x512xi32>
      %lt3A_1523 = arith.cmpf olt, %squeeze3A_1518, %squeeze3A_1516 : vector<4x8x512xf32>
      %eq3A_1524 = arith.cmpf oeq, %squeeze3A_1518, %squeeze3A_1516 : vector<4x8x512xf32>
      %lt3A_1525 = arith.cmpi slt, %squeeze3A_1522, %squeeze3A_1520 : vector<4x8x512xi32>
      %and3A_1526 = arith.andi %eq3A_1524, %lt3A_1525 : vector<4x8x512xi1>
      %or3A_1527 = arith.ori %lt3A_1523, %and3A_1526 : vector<4x8x512xi1>
      %select_n3A_1528 = arith.select %or3A_1527, %squeeze3A_1518, %squeeze3A_1516 : vector<4x8x512xi1>, vector<4x8x512xf32>
      %select_n3A_1529 = arith.select %or3A_1527, %squeeze3A_1522, %squeeze3A_1520 : vector<4x8x512xi1>, vector<4x8x512xi32>
      %select_n3A_1530 = arith.select %or3A_1527, %squeeze3A_1516, %squeeze3A_1518 : vector<4x8x512xi1>, vector<4x8x512xf32>
      %select_n3A_1531 = arith.select %or3A_1527, %squeeze3A_1520, %squeeze3A_1522 : vector<4x8x512xi1>, vector<4x8x512xi32>
      %reshape3A_1532 = vector.shape_cast %select_n3A_1528 : vector<4x8x512xf32> to vector<4x1x8x512xf32>
      %reshape3A_1533 = vector.shape_cast %select_n3A_1530 : vector<4x8x512xf32> to vector<4x1x8x512xf32>
      %concatenate3A_1534 = tpu.concatenate %reshape3A_1532, %reshape3A_1533 in 1 : vector<4x1x8x512xf32>, vector<4x1x8x512xf32> -> vector<4x2x8x512xf32>
      %reshape3A_1535 = vector.shape_cast %concatenate3A_1534 : vector<4x2x8x512xf32> to vector<64x512xf32>
      %reshape3A_1536 = vector.shape_cast %select_n3A_1529 : vector<4x8x512xi32> to vector<4x1x8x512xi32>
      %reshape3A_1537 = vector.shape_cast %select_n3A_1531 : vector<4x8x512xi32> to vector<4x1x8x512xi32>
      %concatenate3A_1538 = tpu.concatenate %reshape3A_1536, %reshape3A_1537 in 1 : vector<4x1x8x512xi32>, vector<4x1x8x512xi32> -> vector<4x2x8x512xi32>
      %reshape3A_1539 = vector.shape_cast %concatenate3A_1538 : vector<4x2x8x512xi32> to vector<64x512xi32>
      %reshape3A_1540 = vector.shape_cast %reshape3A_1535 : vector<64x512xf32> to vector<8x2x4x512xf32>
      %reshape3A_1541 = vector.shape_cast %reshape3A_1539 : vector<64x512xi32> to vector<8x2x4x512xi32>
      %slice3A_1542 = vector.extract_strided_slice %reshape3A_1540 {offsets = [0, 0, 0, 0], sizes = [8, 1, 4, 512], strides = [1, 1, 1, 1]} : vector<8x2x4x512xf32> to vector<8x1x4x512xf32>
      %squeeze3A_1543 = vector.shape_cast %slice3A_1542 : vector<8x1x4x512xf32> to vector<8x4x512xf32>
      %slice3A_1544 = vector.extract_strided_slice %reshape3A_1540 {offsets = [0, 1, 0, 0], sizes = [8, 1, 4, 512], strides = [1, 1, 1, 1]} : vector<8x2x4x512xf32> to vector<8x1x4x512xf32>
      %squeeze3A_1545 = vector.shape_cast %slice3A_1544 : vector<8x1x4x512xf32> to vector<8x4x512xf32>
      %slice3A_1546 = vector.extract_strided_slice %reshape3A_1541 {offsets = [0, 0, 0, 0], sizes = [8, 1, 4, 512], strides = [1, 1, 1, 1]} : vector<8x2x4x512xi32> to vector<8x1x4x512xi32>
      %squeeze3A_1547 = vector.shape_cast %slice3A_1546 : vector<8x1x4x512xi32> to vector<8x4x512xi32>
      %slice3A_1548 = vector.extract_strided_slice %reshape3A_1541 {offsets = [0, 1, 0, 0], sizes = [8, 1, 4, 512], strides = [1, 1, 1, 1]} : vector<8x2x4x512xi32> to vector<8x1x4x512xi32>
      %squeeze3A_1549 = vector.shape_cast %slice3A_1548 : vector<8x1x4x512xi32> to vector<8x4x512xi32>
      %lt3A_1550 = arith.cmpf olt, %squeeze3A_1545, %squeeze3A_1543 : vector<8x4x512xf32>
      %eq3A_1551 = arith.cmpf oeq, %squeeze3A_1545, %squeeze3A_1543 : vector<8x4x512xf32>
      %lt3A_1552 = arith.cmpi slt, %squeeze3A_1549, %squeeze3A_1547 : vector<8x4x512xi32>
      %and3A_1553 = arith.andi %eq3A_1551, %lt3A_1552 : vector<8x4x512xi1>
      %or3A_1554 = arith.ori %lt3A_1550, %and3A_1553 : vector<8x4x512xi1>
      %select_n3A_1555 = arith.select %or3A_1554, %squeeze3A_1545, %squeeze3A_1543 : vector<8x4x512xi1>, vector<8x4x512xf32>
      %select_n3A_1556 = arith.select %or3A_1554, %squeeze3A_1549, %squeeze3A_1547 : vector<8x4x512xi1>, vector<8x4x512xi32>
      %select_n3A_1557 = arith.select %or3A_1554, %squeeze3A_1543, %squeeze3A_1545 : vector<8x4x512xi1>, vector<8x4x512xf32>
      %select_n3A_1558 = arith.select %or3A_1554, %squeeze3A_1547, %squeeze3A_1549 : vector<8x4x512xi1>, vector<8x4x512xi32>
      %reshape3A_1559 = vector.shape_cast %select_n3A_1555 : vector<8x4x512xf32> to vector<8x1x4x512xf32>
      %reshape3A_1560 = vector.shape_cast %select_n3A_1557 : vector<8x4x512xf32> to vector<8x1x4x512xf32>
      %concatenate3A_1561 = tpu.concatenate %reshape3A_1559, %reshape3A_1560 in 1 : vector<8x1x4x512xf32>, vector<8x1x4x512xf32> -> vector<8x2x4x512xf32>
      %reshape3A_1562 = vector.shape_cast %concatenate3A_1561 : vector<8x2x4x512xf32> to vector<64x512xf32>
      %reshape3A_1563 = vector.shape_cast %select_n3A_1556 : vector<8x4x512xi32> to vector<8x1x4x512xi32>
      %reshape3A_1564 = vector.shape_cast %select_n3A_1558 : vector<8x4x512xi32> to vector<8x1x4x512xi32>
      %concatenate3A_1565 = tpu.concatenate %reshape3A_1563, %reshape3A_1564 in 1 : vector<8x1x4x512xi32>, vector<8x1x4x512xi32> -> vector<8x2x4x512xi32>
      %reshape3A_1566 = vector.shape_cast %concatenate3A_1565 : vector<8x2x4x512xi32> to vector<64x512xi32>
      %reshape3A_1567 = vector.shape_cast %reshape3A_1562 : vector<64x512xf32> to vector<16x2x2x512xf32>
      %reshape3A_1568 = vector.shape_cast %reshape3A_1566 : vector<64x512xi32> to vector<16x2x2x512xi32>
      %slice3A_1569 = vector.extract_strided_slice %reshape3A_1567 {offsets = [0, 0, 0, 0], sizes = [16, 1, 2, 512], strides = [1, 1, 1, 1]} : vector<16x2x2x512xf32> to vector<16x1x2x512xf32>
      %squeeze3A_1570 = vector.shape_cast %slice3A_1569 : vector<16x1x2x512xf32> to vector<16x2x512xf32>
      %slice3A_1571 = vector.extract_strided_slice %reshape3A_1567 {offsets = [0, 1, 0, 0], sizes = [16, 1, 2, 512], strides = [1, 1, 1, 1]} : vector<16x2x2x512xf32> to vector<16x1x2x512xf32>
      %squeeze3A_1572 = vector.shape_cast %slice3A_1571 : vector<16x1x2x512xf32> to vector<16x2x512xf32>
      %slice3A_1573 = vector.extract_strided_slice %reshape3A_1568 {offsets = [0, 0, 0, 0], sizes = [16, 1, 2, 512], strides = [1, 1, 1, 1]} : vector<16x2x2x512xi32> to vector<16x1x2x512xi32>
      %squeeze3A_1574 = vector.shape_cast %slice3A_1573 : vector<16x1x2x512xi32> to vector<16x2x512xi32>
      %slice3A_1575 = vector.extract_strided_slice %reshape3A_1568 {offsets = [0, 1, 0, 0], sizes = [16, 1, 2, 512], strides = [1, 1, 1, 1]} : vector<16x2x2x512xi32> to vector<16x1x2x512xi32>
      %squeeze3A_1576 = vector.shape_cast %slice3A_1575 : vector<16x1x2x512xi32> to vector<16x2x512xi32>
      %lt3A_1577 = arith.cmpf olt, %squeeze3A_1572, %squeeze3A_1570 : vector<16x2x512xf32>
      %eq3A_1578 = arith.cmpf oeq, %squeeze3A_1572, %squeeze3A_1570 : vector<16x2x512xf32>
      %lt3A_1579 = arith.cmpi slt, %squeeze3A_1576, %squeeze3A_1574 : vector<16x2x512xi32>
      %and3A_1580 = arith.andi %eq3A_1578, %lt3A_1579 : vector<16x2x512xi1>
      %or3A_1581 = arith.ori %lt3A_1577, %and3A_1580 : vector<16x2x512xi1>
      %select_n3A_1582 = arith.select %or3A_1581, %squeeze3A_1572, %squeeze3A_1570 : vector<16x2x512xi1>, vector<16x2x512xf32>
      %select_n3A_1583 = arith.select %or3A_1581, %squeeze3A_1576, %squeeze3A_1574 : vector<16x2x512xi1>, vector<16x2x512xi32>
      %select_n3A_1584 = arith.select %or3A_1581, %squeeze3A_1570, %squeeze3A_1572 : vector<16x2x512xi1>, vector<16x2x512xf32>
      %select_n3A_1585 = arith.select %or3A_1581, %squeeze3A_1574, %squeeze3A_1576 : vector<16x2x512xi1>, vector<16x2x512xi32>
      %reshape3A_1586 = vector.shape_cast %select_n3A_1582 : vector<16x2x512xf32> to vector<16x1x2x512xf32>
      %reshape3A_1587 = vector.shape_cast %select_n3A_1584 : vector<16x2x512xf32> to vector<16x1x2x512xf32>
      %concatenate3A_1588 = tpu.concatenate %reshape3A_1586, %reshape3A_1587 in 1 : vector<16x1x2x512xf32>, vector<16x1x2x512xf32> -> vector<16x2x2x512xf32>
      %reshape3A_1589 = vector.shape_cast %concatenate3A_1588 : vector<16x2x2x512xf32> to vector<64x512xf32>
      %reshape3A_1590 = vector.shape_cast %select_n3A_1583 : vector<16x2x512xi32> to vector<16x1x2x512xi32>
      %reshape3A_1591 = vector.shape_cast %select_n3A_1585 : vector<16x2x512xi32> to vector<16x1x2x512xi32>
      %concatenate3A_1592 = tpu.concatenate %reshape3A_1590, %reshape3A_1591 in 1 : vector<16x1x2x512xi32>, vector<16x1x2x512xi32> -> vector<16x2x2x512xi32>
      %reshape3A_1593 = vector.shape_cast %concatenate3A_1592 : vector<16x2x2x512xi32> to vector<64x512xi32>
      %reshape3A_1594 = vector.shape_cast %reshape3A_1589 : vector<64x512xf32> to vector<32x2x1x512xf32>
      %reshape3A_1595 = vector.shape_cast %reshape3A_1593 : vector<64x512xi32> to vector<32x2x1x512xi32>
      %slice3A_1596 = vector.extract_strided_slice %reshape3A_1594 {offsets = [0, 0, 0, 0], sizes = [32, 1, 1, 512], strides = [1, 1, 1, 1]} : vector<32x2x1x512xf32> to vector<32x1x1x512xf32>
      %squeeze3A_1597 = vector.shape_cast %slice3A_1596 : vector<32x1x1x512xf32> to vector<32x1x512xf32>
      %slice3A_1598 = vector.extract_strided_slice %reshape3A_1594 {offsets = [0, 1, 0, 0], sizes = [32, 1, 1, 512], strides = [1, 1, 1, 1]} : vector<32x2x1x512xf32> to vector<32x1x1x512xf32>
      %squeeze3A_1599 = vector.shape_cast %slice3A_1598 : vector<32x1x1x512xf32> to vector<32x1x512xf32>
      %slice3A_1600 = vector.extract_strided_slice %reshape3A_1595 {offsets = [0, 0, 0, 0], sizes = [32, 1, 1, 512], strides = [1, 1, 1, 1]} : vector<32x2x1x512xi32> to vector<32x1x1x512xi32>
      %squeeze3A_1601 = vector.shape_cast %slice3A_1600 : vector<32x1x1x512xi32> to vector<32x1x512xi32>
      %slice3A_1602 = vector.extract_strided_slice %reshape3A_1595 {offsets = [0, 1, 0, 0], sizes = [32, 1, 1, 512], strides = [1, 1, 1, 1]} : vector<32x2x1x512xi32> to vector<32x1x1x512xi32>
      %squeeze3A_1603 = vector.shape_cast %slice3A_1602 : vector<32x1x1x512xi32> to vector<32x1x512xi32>
      %lt3A_1604 = arith.cmpf olt, %squeeze3A_1599, %squeeze3A_1597 : vector<32x1x512xf32>
      %eq3A_1605 = arith.cmpf oeq, %squeeze3A_1599, %squeeze3A_1597 : vector<32x1x512xf32>
      %lt3A_1606 = arith.cmpi slt, %squeeze3A_1603, %squeeze3A_1601 : vector<32x1x512xi32>
      %and3A_1607 = arith.andi %eq3A_1605, %lt3A_1606 : vector<32x1x512xi1>
      %or3A_1608 = arith.ori %lt3A_1604, %and3A_1607 : vector<32x1x512xi1>
      %select_n3A_1609 = arith.select %or3A_1608, %squeeze3A_1599, %squeeze3A_1597 : vector<32x1x512xi1>, vector<32x1x512xf32>
      %select_n3A_1610 = arith.select %or3A_1608, %squeeze3A_1603, %squeeze3A_1601 : vector<32x1x512xi1>, vector<32x1x512xi32>
      %select_n3A_1611 = arith.select %or3A_1608, %squeeze3A_1597, %squeeze3A_1599 : vector<32x1x512xi1>, vector<32x1x512xf32>
      %select_n3A_1612 = arith.select %or3A_1608, %squeeze3A_1601, %squeeze3A_1603 : vector<32x1x512xi1>, vector<32x1x512xi32>
      %reshape3A_1613 = vector.shape_cast %select_n3A_1609 : vector<32x1x512xf32> to vector<32x1x1x512xf32>
      %reshape3A_1614 = vector.shape_cast %select_n3A_1611 : vector<32x1x512xf32> to vector<32x1x1x512xf32>
      %concatenate3A_1615 = tpu.concatenate %reshape3A_1613, %reshape3A_1614 in 1 : vector<32x1x1x512xf32>, vector<32x1x1x512xf32> -> vector<32x2x1x512xf32>
      %reshape3A_1616 = vector.shape_cast %concatenate3A_1615 : vector<32x2x1x512xf32> to vector<64x512xf32>
      %reshape3A_1617 = vector.shape_cast %select_n3A_1610 : vector<32x1x512xi32> to vector<32x1x1x512xi32>
      %reshape3A_1618 = vector.shape_cast %select_n3A_1612 : vector<32x1x512xi32> to vector<32x1x1x512xi32>
      %concatenate3A_1619 = tpu.concatenate %reshape3A_1617, %reshape3A_1618 in 1 : vector<32x1x1x512xi32>, vector<32x1x1x512xi32> -> vector<32x2x1x512xi32>
      %reshape3A_1620 = vector.shape_cast %concatenate3A_1619 : vector<32x2x1x512xi32> to vector<64x512xi32>
      scf.yield %reshape3A_1616, %reshape3A_1620 : vector<64x512xf32>, vector<64x512xi32>
    }
    %scan3A_7 = arith.constant 4 : i32
    %swap3A = arith.constant 0 : index
    %swap3A_8 = arith.constant 0 : index
    %swap3A_9 = vector.load %arg3[%swap3A, %swap3A_8] : memref<64x512xi32, #tpu.memory_space<vmem>>, vector<64x512xi32>
    tpu.vector_store %arg3[%swap3A, %swap3A_8], %scan3A_6#1 {strides = array<i32>} : memref<64x512xi32, #tpu.memory_space<vmem>>, vector<64x512xi32>,
    return
  }
  func.func @transform_0(%arg0: i32) -> (i32, i32) {
    %c0_i32 = arith.constant 0 : i32
    %c0_i32_0 = arith.constant 0 : i32
    return %c0_i32, %arg0 : i32, i32
  }
  func.func @transform_1(%arg0: i32) -> (i32, i32) {
    %c0_i32 = arith.constant 0 : i32
    %c0_i32_0 = arith.constant 0 : i32
    return %c0_i32, %arg0 : i32, i32
  }
  func.func @transform_2(%arg0: i32) -> (i32, i32) {
    %c0_i32 = arith.constant 0 : i32
    %c0_i32_0 = arith.constant 0 : i32
    return %c0_i32, %arg0 : i32, i32
  }
}

module attributes {stable_mosaic.version = 14 : i64} {
  func.func @_topk_body(%arg0: i32, %arg1: memref<8192x512xf32, #tpu.memory_space<vmem>>, %arg2: memref<8192x512xi32, #tpu.memory_space<vmem>>, %arg3: memref<64x512xi32, #tpu.memory_space<vmem>>) attributes {dimension_semantics = [#tpu.dimension_semantics<arbitrary>], iteration_bounds = array<i64: 1>, scalar_prefetch = 0 : i64, scratch_operands = 0 : i64, tpu.core_type = #tpu.core_type<tc>, window_params = [{transform_indices = @transform_0, window_bounds = array<i64: 8192, 512>}, {transform_indices = @transform_1, window_bounds = array<i64: 8192, 512>}, {transform_indices = @transform_2, window_bounds = array<i64: 64, 512>}]} {
    %broadcast_in_dim3A = arith.constant 0x7F800000 : f32
    %broadcast_in_dim3A_0 = vector.broadcast %broadcast_in_dim3A : f32 to vector<64x512xf32>
    %broadcast_in_dim3A_1 = arith.constant 1073741824 : i32
    %broadcast_in_dim3A_2 = vector.broadcast %broadcast_in_dim3A_1 : i32 to vector<64x512xi32>
    %scan3A = arith.constant 0 : i32
    %scan3A_3 = arith.constant 32 : i32
    %scan3A_4 = arith.addi %scan3A, %scan3A_3 : i32
    %scan3A_5 = arith.constant 1 : i32
    %scan3A_6:2 = scf.for %scan3A_10 = %scan3A to %scan3A_4 step %scan3A_5 iter_args(%scan3A_11 = %broadcast_in_dim3A_0, %scan3A_12 = %broadcast_in_dim3A_2) -> (vector<64x512xf32>, vector<64x512xi32>)  : i32 {
      %mul3A = arith.constant 256 : i32
      %mul3A_13 = arith.muli %scan3A_10, %mul3A : i32
      %get3A = arith.index_cast %mul3A_13 : i32 to index
      %get3A_14 = arith.constant 0 : index
      %get3A_15 = vector.load %arg1[%get3A, %get3A_14] : memref<8192x512xf32, #tpu.memory_space<vmem>>, vector<256x512xf32>
      %get3A_16 = arith.index_cast %mul3A_13 : i32 to index
      %get3A_17 = arith.constant 0 : index
      %get3A_18 = vector.load %arg2[%get3A_16, %get3A_17] : memref<8192x512xi32, #tpu.memory_space<vmem>>, vector<256x512xi32>
      %reshape3A = vector.shape_cast %get3A_15 : vector<256x512xf32> to vector<128x2x1x512xf32>
      %reshape3A_19 = vector.shape_cast %get3A_18 : vector<256x512xi32> to vector<128x2x1x512xi32>
      %slice3A = vector.extract_strided_slice %reshape3A {offsets = [0, 0, 0, 0], sizes = [128, 1, 1, 512], strides = [1, 1, 1, 1]} : vector<128x2x1x512xf32> to vector<128x1x1x512xf32>
      %squeeze3A = vector.shape_cast %slice3A : vector<128x1x1x512xf32> to vector<128x1x512xf32>
      %slice3A_20 = vector.extract_strided_slice %reshape3A {offsets = [0, 1, 0, 0], sizes = [128, 1, 1, 512], strides = [1, 1, 1, 1]} : vector<128x2x1x512xf32> to vector<128x1x1x512xf32>
      %squeeze3A_21 = vector.shape_cast %slice3A_20 : vector<128x1x1x512xf32> to vector<128x1x512xf32>
      %slice3A_22 = vector.extract_strided_slice %reshape3A_19 {offsets = [0, 0, 0, 0], sizes = [128, 1, 1, 512], strides = [1, 1, 1, 1]} : vector<128x2x1x512xi32> to vector<128x1x1x512xi32>
      %squeeze3A_23 = vector.shape_cast %slice3A_22 : vector<128x1x1x512xi32> to vector<128x1x512xi32>
      %slice3A_24 = vector.extract_strided_slice %reshape3A_19 {offsets = [0, 1, 0, 0], sizes = [128, 1, 1, 512], strides = [1, 1, 1, 1]} : vector<128x2x1x512xi32> to vector<128x1x1x512xi32>
      %squeeze3A_25 = vector.shape_cast %slice3A_24 : vector<128x1x1x512xi32> to vector<128x1x512xi32>
      %lt3A = arith.cmpf olt, %squeeze3A_21, %squeeze3A : vector<128x1x512xf32>
      %eq3A = arith.cmpf oeq, %squeeze3A_21, %squeeze3A : vector<128x1x512xf32>
      %lt3A_26 = arith.cmpi slt, %squeeze3A_25, %squeeze3A_23 : vector<128x1x512xi32>
      %and3A = arith.andi %eq3A, %lt3A_26 : vector<128x1x512xi1>
      %or3A = arith.ori %lt3A, %and3A : vector<128x1x512xi1>
      %select_n3A = arith.select %or3A, %squeeze3A_21, %squeeze3A : vector<128x1x512xi1>, vector<128x1x512xf32>
      %select_n3A_27 = arith.select %or3A, %squeeze3A_25, %squeeze3A_23 : vector<128x1x512xi1>, vector<128x1x512xi32>
      %select_n3A_28 = arith.select %or3A, %squeeze3A, %squeeze3A_21 : vector<128x1x512xi1>, vector<128x1x512xf32>
      %select_n3A_29 = arith.select %or3A, %squeeze3A_23, %squeeze3A_25 : vector<128x1x512xi1>, vector<128x1x512xi32>
      %reshape3A_30 = vector.shape_cast %select_n3A_28 : vector<128x1x512xf32> to vector<64x2x1x1x512xf32>
      %reshape3A_31 = vector.shape_cast %select_n3A : vector<128x1x512xf32> to vector<64x2x1x1x512xf32>
      %slice3A_32 = vector.extract_strided_slice %reshape3A_30 {offsets = [0, 0, 0, 0, 0], sizes = [64, 1, 1, 1, 512], strides = [1, 1, 1, 1, 1]} : vector<64x2x1x1x512xf32> to vector<64x1x1x1x512xf32>
      %slice3A_33 = vector.extract_strided_slice %reshape3A_31 {offsets = [0, 1, 0, 0, 0], sizes = [64, 1, 1, 1, 512], strides = [1, 1, 1, 1, 1]} : vector<64x2x1x1x512xf32> to vector<64x1x1x1x512xf32>
      %concatenate3A = tpu.concatenate %slice3A_32, %slice3A_33 in 1 : vector<64x1x1x1x512xf32>, vector<64x1x1x1x512xf32> -> vector<64x2x1x1x512xf32>
      %reshape3A_34 = vector.shape_cast %concatenate3A : vector<64x2x1x1x512xf32> to vector<128x1x512xf32>
      %reshape3A_35 = vector.shape_cast %select_n3A_29 : vector<128x1x512xi32> to vector<64x2x1x1x512xi32>
      %reshape3A_36 = vector.shape_cast %select_n3A_27 : vector<128x1x512xi32> to vector<64x2x1x1x512xi32>
      %slice3A_37 = vector.extract_strided_slice %reshape3A_35 {offsets = [0, 0, 0, 0, 0], sizes = [64, 1, 1, 1, 512], strides = [1, 1, 1, 1, 1]} : vector<64x2x1x1x512xi32> to vector<64x1x1x1x512xi32>
      %slice3A_38 = vector.extract_strided_slice %reshape3A_36 {offsets = [0, 1, 0, 0, 0], sizes = [64, 1, 1, 1, 512], strides = [1, 1, 1, 1, 1]} : vector<64x2x1x1x512xi32> to vector<64x1x1x1x512xi32>
      %concatenate3A_39 = tpu.concatenate %slice3A_37, %slice3A_38 in 1 : vector<64x1x1x1x512xi32>, vector<64x1x1x1x512xi32> -> vector<64x2x1x1x512xi32>
      %reshape3A_40 = vector.shape_cast %concatenate3A_39 : vector<64x2x1x1x512xi32> to vector<128x1x512xi32>
      %reshape3A_41 = vector.shape_cast %select_n3A : vector<128x1x512xf32> to vector<64x2x1x1x512xf32>
      %reshape3A_42 = vector.shape_cast %select_n3A_28 : vector<128x1x512xf32> to vector<64x2x1x1x512xf32>
      %slice3A_43 = vector.extract_strided_slice %reshape3A_41 {offsets = [0, 0, 0, 0, 0], sizes = [64, 1, 1, 1, 512], strides = [1, 1, 1, 1, 1]} : vector<64x2x1x1x512xf32> to vector<64x1x1x1x512xf32>
      %slice3A_44 = vector.extract_strided_slice %reshape3A_42 {offsets = [0, 1, 0, 0, 0], sizes = [64, 1, 1, 1, 512], strides = [1, 1, 1, 1, 1]} : vector<64x2x1x1x512xf32> to vector<64x1x1x1x512xf32>
      %concatenate3A_45 = tpu.concatenate %slice3A_43, %slice3A_44 in 1 : vector<64x1x1x1x512xf32>, vector<64x1x1x1x512xf32> -> vector<64x2x1x1x512xf32>
      %reshape3A_46 = vector.shape_cast %concatenate3A_45 : vector<64x2x1x1x512xf32> to vector<128x1x512xf32>
      %reshape3A_47 = vector.shape_cast %select_n3A_27 : vector<128x1x512xi32> to vector<64x2x1x1x512xi32>
      %reshape3A_48 = vector.shape_cast %select_n3A_29 : vector<128x1x512xi32> to vector<64x2x1x1x512xi32>
      %slice3A_49 = vector.extract_strided_slice %reshape3A_47 {offsets = [0, 0, 0, 0, 0], sizes = [64, 1, 1, 1, 512], strides = [1, 1, 1, 1, 1]} : vector<64x2x1x1x512xi32> to vector<64x1x1x1x512xi32>
      %slice3A_50 = vector.extract_strided_slice %reshape3A_48 {offsets = [0, 1, 0, 0, 0], sizes = [64, 1, 1, 1, 512], strides = [1, 1, 1, 1, 1]} : vector<64x2x1x1x512xi32> to vector<64x1x1x1x512xi32>
      %concatenate3A_51 = tpu.concatenate %slice3A_49, %slice3A_50 in 1 : vector<64x1x1x1x512xi32>, vector<64x1x1x1x512xi32> -> vector<64x2x1x1x512xi32>
      %reshape3A_52 = vector.shape_cast %concatenate3A_51 : vector<64x2x1x1x512xi32> to vector<128x1x512xi32>
      %reshape3A_53 = vector.shape_cast %reshape3A_34 : vector<128x1x512xf32> to vector<128x1x1x512xf32>
      %reshape3A_54 = vector.shape_cast %reshape3A_46 : vector<128x1x512xf32> to vector<128x1x1x512xf32>
      %concatenate3A_55 = tpu.concatenate %reshape3A_53, %reshape3A_54 in 1 : vector<128x1x1x512xf32>, vector<128x1x1x512xf32> -> vector<128x2x1x512xf32>
      %reshape3A_56 = vector.shape_cast %concatenate3A_55 : vector<128x2x1x512xf32> to vector<256x512xf32>
      %reshape3A_57 = vector.shape_cast %reshape3A_40 : vector<128x1x512xi32> to vector<128x1x1x512xi32>
      %reshape3A_58 = vector.shape_cast %reshape3A_52 : vector<128x1x512xi32> to vector<128x1x1x512xi32>
      %concatenate3A_59 = tpu.concatenate %reshape3A_57, %reshape3A_58 in 1 : vector<128x1x1x512xi32>, vector<128x1x1x512xi32> -> vector<128x2x1x512xi32>
      %reshape3A_60 = vector.shape_cast %concatenate3A_59 : vector<128x2x1x512xi32> to vector<256x512xi32>
      %reshape3A_61 = vector.shape_cast %reshape3A_56 : vector<256x512xf32> to vector<64x2x2x512xf32>
      %reshape3A_62 = vector.shape_cast %reshape3A_60 : vector<256x512xi32> to vector<64x2x2x512xi32>
      %slice3A_63 = vector.extract_strided_slice %reshape3A_61 {offsets = [0, 0, 0, 0], sizes = [64, 1, 2, 512], strides = [1, 1, 1, 1]} : vector<64x2x2x512xf32> to vector<64x1x2x512xf32>
      %squeeze3A_64 = vector.shape_cast %slice3A_63 : vector<64x1x2x512xf32> to vector<64x2x512xf32>
      %slice3A_65 = vector.extract_strided_slice %reshape3A_61 {offsets = [0, 1, 0, 0], sizes = [64, 1, 2, 512], strides = [1, 1, 1, 1]} : vector<64x2x2x512xf32> to vector<64x1x2x512xf32>
      %squeeze3A_66 = vector.shape_cast %slice3A_65 : vector<64x1x2x512xf32> to vector<64x2x512xf32>
      %slice3A_67 = vector.extract_strided_slice %reshape3A_62 {offsets = [0, 0, 0, 0], sizes = [64, 1, 2, 512], strides = [1, 1, 1, 1]} : vector<64x2x2x512xi32> to vector<64x1x2x512xi32>
      %squeeze3A_68 = vector.shape_cast %slice3A_67 : vector<64x1x2x512xi32> to vector<64x2x512xi32>
      %slice3A_69 = vector.extract_strided_slice %reshape3A_62 {offsets = [0, 1, 0, 0], sizes = [64, 1, 2, 512], strides = [1, 1, 1, 1]} : vector<64x2x2x512xi32> to vector<64x1x2x512xi32>
      %squeeze3A_70 = vector.shape_cast %slice3A_69 : vector<64x1x2x512xi32> to vector<64x2x512xi32>
      %lt3A_71 = arith.cmpf olt, %squeeze3A_66, %squeeze3A_64 : vector<64x2x512xf32>
      %eq3A_72 = arith.cmpf oeq, %squeeze3A_66, %squeeze3A_64 : vector<64x2x512xf32>
      %lt3A_73 = arith.cmpi slt, %squeeze3A_70, %squeeze3A_68 : vector<64x2x512xi32>
      %and3A_74 = arith.andi %eq3A_72, %lt3A_73 : vector<64x2x512xi1>
      %or3A_75 = arith.ori %lt3A_71, %and3A_74 : vector<64x2x512xi1>
      %select_n3A_76 = arith.select %or3A_75, %squeeze3A_66, %squeeze3A_64 : vector<64x2x512xi1>, vector<64x2x512xf32>
      %select_n3A_77 = arith.select %or3A_75, %squeeze3A_70, %squeeze3A_68 : vector<64x2x512xi1>, vector<64x2x512xi32>
      %select_n3A_78 = arith.select %or3A_75, %squeeze3A_64, %squeeze3A_66 : vector<64x2x512xi1>, vector<64x2x512xf32>
      %select_n3A_79 = arith.select %or3A_75, %squeeze3A_68, %squeeze3A_70 : vector<64x2x512xi1>, vector<64x2x512xi32>
      %reshape3A_80 = vector.shape_cast %select_n3A_78 : vector<64x2x512xf32> to vector<32x2x1x2x512xf32>
      %reshape3A_81 = vector.shape_cast %select_n3A_76 : vector<64x2x512xf32> to vector<32x2x1x2x512xf32>
      %slice3A_82 = vector.extract_strided_slice %reshape3A_80 {offsets = [0, 0, 0, 0, 0], sizes = [32, 1, 1, 2, 512], strides = [1, 1, 1, 1, 1]} : vector<32x2x1x2x512xf32> to vector<32x1x1x2x512xf32>
      %slice3A_83 = vector.extract_strided_slice %reshape3A_81 {offsets = [0, 1, 0, 0, 0], sizes = [32, 1, 1, 2, 512], strides = [1, 1, 1, 1, 1]} : vector<32x2x1x2x512xf32> to vector<32x1x1x2x512xf32>
      %concatenate3A_84 = tpu.concatenate %slice3A_82, %slice3A_83 in 1 : vector<32x1x1x2x512xf32>, vector<32x1x1x2x512xf32> -> vector<32x2x1x2x512xf32>
      %reshape3A_85 = vector.shape_cast %concatenate3A_84 : vector<32x2x1x2x512xf32> to vector<64x2x512xf32>
      %reshape3A_86 = vector.shape_cast %select_n3A_79 : vector<64x2x512xi32> to vector<32x2x1x2x512xi32>
      %reshape3A_87 = vector.shape_cast %select_n3A_77 : vector<64x2x512xi32> to vector<32x2x1x2x512xi32>
      %slice3A_88 = vector.extract_strided_slice %reshape3A_86 {offsets = [0, 0, 0, 0, 0], sizes = [32, 1, 1, 2, 512], strides = [1, 1, 1, 1, 1]} : vector<32x2x1x2x512xi32> to vector<32x1x1x2x512xi32>
      %slice3A_89 = vector.extract_strided_slice %reshape3A_87 {offsets = [0, 1, 0, 0, 0], sizes = [32, 1, 1, 2, 512], strides = [1, 1, 1, 1, 1]} : vector<32x2x1x2x512xi32> to vector<32x1x1x2x512xi32>
      %concatenate3A_90 = tpu.concatenate %slice3A_88, %slice3A_89 in 1 : vector<32x1x1x2x512xi32>, vector<32x1x1x2x512xi32> -> vector<32x2x1x2x512xi32>
      %reshape3A_91 = vector.shape_cast %concatenate3A_90 : vector<32x2x1x2x512xi32> to vector<64x2x512xi32>
      %reshape3A_92 = vector.shape_cast %select_n3A_76 : vector<64x2x512xf32> to vector<32x2x1x2x512xf32>
      %reshape3A_93 = vector.shape_cast %select_n3A_78 : vector<64x2x512xf32> to vector<32x2x1x2x512xf32>
      %slice3A_94 = vector.extract_strided_slice %reshape3A_92 {offsets = [0, 0, 0, 0, 0], sizes = [32, 1, 1, 2, 512], strides = [1, 1, 1, 1, 1]} : vector<32x2x1x2x512xf32> to vector<32x1x1x2x512xf32>
      %slice3A_95 = vector.extract_strided_slice %reshape3A_93 {offsets = [0, 1, 0, 0, 0], sizes = [32, 1, 1, 2, 512], strides = [1, 1, 1, 1, 1]} : vector<32x2x1x2x512xf32> to vector<32x1x1x2x512xf32>
      %concatenate3A_96 = tpu.concatenate %slice3A_94, %slice3A_95 in 1 : vector<32x1x1x2x512xf32>, vector<32x1x1x2x512xf32> -> vector<32x2x1x2x512xf32>
      %reshape3A_97 = vector.shape_cast %concatenate3A_96 : vector<32x2x1x2x512xf32> to vector<64x2x512xf32>
      %reshape3A_98 = vector.shape_cast %select_n3A_77 : vector<64x2x512xi32> to vector<32x2x1x2x512xi32>
      %reshape3A_99 = vector.shape_cast %select_n3A_79 : vector<64x2x512xi32> to vector<32x2x1x2x512xi32>
      %slice3A_100 = vector.extract_strided_slice %reshape3A_98 {offsets = [0, 0, 0, 0, 0], sizes = [32, 1, 1, 2, 512], strides = [1, 1, 1, 1, 1]} : vector<32x2x1x2x512xi32> to vector<32x1x1x2x512xi32>
      %slice3A_101 = vector.extract_strided_slice %reshape3A_99 {offsets = [0, 1, 0, 0, 0], sizes = [32, 1, 1, 2, 512], strides = [1, 1, 1, 1, 1]} : vector<32x2x1x2x512xi32> to vector<32x1x1x2x512xi32>
      %concatenate3A_102 = tpu.concatenate %slice3A_100, %slice3A_101 in 1 : vector<32x1x1x2x512xi32>, vector<32x1x1x2x512xi32> -> vector<32x2x1x2x512xi32>
      %reshape3A_103 = vector.shape_cast %concatenate3A_102 : vector<32x2x1x2x512xi32> to vector<64x2x512xi32>
      %reshape3A_104 = vector.shape_cast %reshape3A_85 : vector<64x2x512xf32> to vector<64x1x2x512xf32>
      %reshape3A_105 = vector.shape_cast %reshape3A_97 : vector<64x2x512xf32> to vector<64x1x2x512xf32>
      %concatenate3A_106 = tpu.concatenate %reshape3A_104, %reshape3A_105 in 1 : vector<64x1x2x512xf32>, vector<64x1x2x512xf32> -> vector<64x2x2x512xf32>
      %reshape3A_107 = vector.shape_cast %concatenate3A_106 : vector<64x2x2x512xf32> to vector<256x512xf32>
      %reshape3A_108 = vector.shape_cast %reshape3A_91 : vector<64x2x512xi32> to vector<64x1x2x512xi32>
      %reshape3A_109 = vector.shape_cast %reshape3A_103 : vector<64x2x512xi32> to vector<64x1x2x512xi32>
      %concatenate3A_110 = tpu.concatenate %reshape3A_108, %reshape3A_109 in 1 : vector<64x1x2x512xi32>, vector<64x1x2x512xi32> -> vector<64x2x2x512xi32>
      %reshape3A_111 = vector.shape_cast %concatenate3A_110 : vector<64x2x2x512xi32> to vector<256x512xi32>
      %reshape3A_112 = vector.shape_cast %reshape3A_107 : vector<256x512xf32> to vector<128x2x1x512xf32>
      %reshape3A_113 = vector.shape_cast %reshape3A_111 : vector<256x512xi32> to vector<128x2x1x512xi32>
      %slice3A_114 = vector.extract_strided_slice %reshape3A_112 {offsets = [0, 0, 0, 0], sizes = [128, 1, 1, 512], strides = [1, 1, 1, 1]} : vector<128x2x1x512xf32> to vector<128x1x1x512xf32>
      %squeeze3A_115 = vector.shape_cast %slice3A_114 : vector<128x1x1x512xf32> to vector<128x1x512xf32>
      %slice3A_116 = vector.extract_strided_slice %reshape3A_112 {offsets = [0, 1, 0, 0], sizes = [128, 1, 1, 512], strides = [1, 1, 1, 1]} : vector<128x2x1x512xf32> to vector<128x1x1x512xf32>
      %squeeze3A_117 = vector.shape_cast %slice3A_116 : vector<128x1x1x512xf32> to vector<128x1x512xf32>
      %slice3A_118 = vector.extract_strided_slice %reshape3A_113 {offsets = [0, 0, 0, 0], sizes = [128, 1, 1, 512], strides = [1, 1, 1, 1]} : vector<128x2x1x512xi32> to vector<128x1x1x512xi32>
      %squeeze3A_119 = vector.shape_cast %slice3A_118 : vector<128x1x1x512xi32> to vector<128x1x512xi32>
      %slice3A_120 = vector.extract_strided_slice %reshape3A_113 {offsets = [0, 1, 0, 0], sizes = [128, 1, 1, 512], strides = [1, 1, 1, 1]} : vector<128x2x1x512xi32> to vector<128x1x1x512xi32>
      %squeeze3A_121 = vector.shape_cast %slice3A_120 : vector<128x1x1x512xi32> to vector<128x1x512xi32>
      %lt3A_122 = arith.cmpf olt, %squeeze3A_117, %squeeze3A_115 : vector<128x1x512xf32>
      %eq3A_123 = arith.cmpf oeq, %squeeze3A_117, %squeeze3A_115 : vector<128x1x512xf32>
      %lt3A_124 = arith.cmpi slt, %squeeze3A_121, %squeeze3A_119 : vector<128x1x512xi32>
      %and3A_125 = arith.andi %eq3A_123, %lt3A_124 : vector<128x1x512xi1>
      %or3A_126 = arith.ori %lt3A_122, %and3A_125 : vector<128x1x512xi1>
      %select_n3A_127 = arith.select %or3A_126, %squeeze3A_117, %squeeze3A_115 : vector<128x1x512xi1>, vector<128x1x512xf32>
      %select_n3A_128 = arith.select %or3A_126, %squeeze3A_121, %squeeze3A_119 : vector<128x1x512xi1>, vector<128x1x512xi32>
      %select_n3A_129 = arith.select %or3A_126, %squeeze3A_115, %squeeze3A_117 : vector<128x1x512xi1>, vector<128x1x512xf32>
      %select_n3A_130 = arith.select %or3A_126, %squeeze3A_119, %squeeze3A_121 : vector<128x1x512xi1>, vector<128x1x512xi32>
      %reshape3A_131 = vector.shape_cast %select_n3A_129 : vector<128x1x512xf32> to vector<32x2x2x1x512xf32>
      %reshape3A_132 = vector.shape_cast %select_n3A_127 : vector<128x1x512xf32> to vector<32x2x2x1x512xf32>
      %slice3A_133 = vector.extract_strided_slice %reshape3A_131 {offsets = [0, 0, 0, 0, 0], sizes = [32, 1, 2, 1, 512], strides = [1, 1, 1, 1, 1]} : vector<32x2x2x1x512xf32> to vector<32x1x2x1x512xf32>
      %slice3A_134 = vector.extract_strided_slice %reshape3A_132 {offsets = [0, 1, 0, 0, 0], sizes = [32, 1, 2, 1, 512], strides = [1, 1, 1, 1, 1]} : vector<32x2x2x1x512xf32> to vector<32x1x2x1x512xf32>
      %concatenate3A_135 = tpu.concatenate %slice3A_133, %slice3A_134 in 1 : vector<32x1x2x1x512xf32>, vector<32x1x2x1x512xf32> -> vector<32x2x2x1x512xf32>
      %reshape3A_136 = vector.shape_cast %concatenate3A_135 : vector<32x2x2x1x512xf32> to vector<128x1x512xf32>
      %reshape3A_137 = vector.shape_cast %select_n3A_130 : vector<128x1x512xi32> to vector<32x2x2x1x512xi32>
      %reshape3A_138 = vector.shape_cast %select_n3A_128 : vector<128x1x512xi32> to vector<32x2x2x1x512xi32>
      %slice3A_139 = vector.extract_strided_slice %reshape3A_137 {offsets = [0, 0, 0, 0, 0], sizes = [32, 1, 2, 1, 512], strides = [1, 1, 1, 1, 1]} : vector<32x2x2x1x512xi32> to vector<32x1x2x1x512xi32>
      %slice3A_140 = vector.extract_strided_slice %reshape3A_138 {offsets = [0, 1, 0, 0, 0], sizes = [32, 1, 2, 1, 512], strides = [1, 1, 1, 1, 1]} : vector<32x2x2x1x512xi32> to vector<32x1x2x1x512xi32>
      %concatenate3A_141 = tpu.concatenate %slice3A_139, %slice3A_140 in 1 : vector<32x1x2x1x512xi32>, vector<32x1x2x1x512xi32> -> vector<32x2x2x1x512xi32>
      %reshape3A_142 = vector.shape_cast %concatenate3A_141 : vector<32x2x2x1x512xi32> to vector<128x1x512xi32>
      %reshape3A_143 = vector.shape_cast %select_n3A_127 : vector<128x1x512xf32> to vector<32x2x2x1x512xf32>
      %reshape3A_144 = vector.shape_cast %select_n3A_129 : vector<128x1x512xf32> to vector<32x2x2x1x512xf32>
      %slice3A_145 = vector.extract_strided_slice %reshape3A_143 {offsets = [0, 0, 0, 0, 0], sizes = [32, 1, 2, 1, 512], strides = [1, 1, 1, 1, 1]} : vector<32x2x2x1x512xf32> to vector<32x1x2x1x512xf32>
      %slice3A_146 = vector.extract_strided_slice %reshape3A_144 {offsets = [0, 1, 0, 0, 0], sizes = [32, 1, 2, 1, 512], strides = [1, 1, 1, 1, 1]} : vector<32x2x2x1x512xf32> to vector<32x1x2x1x512xf32>
      %concatenate3A_147 = tpu.concatenate %slice3A_145, %slice3A_146 in 1 : vector<32x1x2x1x512xf32>, vector<32x1x2x1x512xf32> -> vector<32x2x2x1x512xf32>
      %reshape3A_148 = vector.shape_cast %concatenate3A_147 : vector<32x2x2x1x512xf32> to vector<128x1x512xf32>
      %reshape3A_149 = vector.shape_cast %select_n3A_128 : vector<128x1x512xi32> to vector<32x2x2x1x512xi32>
      %reshape3A_150 = vector.shape_cast %select_n3A_130 : vector<128x1x512xi32> to vector<32x2x2x1x512xi32>
      %slice3A_151 = vector.extract_strided_slice %reshape3A_149 {offsets = [0, 0, 0, 0, 0], sizes = [32, 1, 2, 1, 512], strides = [1, 1, 1, 1, 1]} : vector<32x2x2x1x512xi32> to vector<32x1x2x1x512xi32>
      %slice3A_152 = vector.extract_strided_slice %reshape3A_150 {offsets = [0, 1, 0, 0, 0], sizes = [32, 1, 2, 1, 512], strides = [1, 1, 1, 1, 1]} : vector<32x2x2x1x512xi32> to vector<32x1x2x1x512xi32>
      %concatenate3A_153 = tpu.concatenate %slice3A_151, %slice3A_152 in 1 : vector<32x1x2x1x512xi32>, vector<32x1x2x1x512xi32> -> vector<32x2x2x1x512xi32>
      %reshape3A_154 = vector.shape_cast %concatenate3A_153 : vector<32x2x2x1x512xi32> to vector<128x1x512xi32>
      %reshape3A_155 = vector.shape_cast %reshape3A_136 : vector<128x1x512xf32> to vector<128x1x1x512xf32>
      %reshape3A_156 = vector.shape_cast %reshape3A_148 : vector<128x1x512xf32> to vector<128x1x1x512xf32>
      %concatenate3A_157 = tpu.concatenate %reshape3A_155, %reshape3A_156 in 1 : vector<128x1x1x512xf32>, vector<128x1x1x512xf32> -> vector<128x2x1x512xf32>
      %reshape3A_158 = vector.shape_cast %concatenate3A_157 : vector<128x2x1x512xf32> to vector<256x512xf32>
      %reshape3A_159 = vector.shape_cast %reshape3A_142 : vector<128x1x512xi32> to vector<128x1x1x512xi32>
      %reshape3A_160 = vector.shape_cast %reshape3A_154 : vector<128x1x512xi32> to vector<128x1x1x512xi32>
      %concatenate3A_161 = tpu.concatenate %reshape3A_159, %reshape3A_160 in 1 : vector<128x1x1x512xi32>, vector<128x1x1x512xi32> -> vector<128x2x1x512xi32>
      %reshape3A_162 = vector.shape_cast %concatenate3A_161 : vector<128x2x1x512xi32> to vector<256x512xi32>
      %reshape3A_163 = vector.shape_cast %reshape3A_158 : vector<256x512xf32> to vector<32x2x4x512xf32>
      %reshape3A_164 = vector.shape_cast %reshape3A_162 : vector<256x512xi32> to vector<32x2x4x512xi32>
      %slice3A_165 = vector.extract_strided_slice %reshape3A_163 {offsets = [0, 0, 0, 0], sizes = [32, 1, 4, 512], strides = [1, 1, 1, 1]} : vector<32x2x4x512xf32> to vector<32x1x4x512xf32>
      %squeeze3A_166 = vector.shape_cast %slice3A_165 : vector<32x1x4x512xf32> to vector<32x4x512xf32>
      %slice3A_167 = vector.extract_strided_slice %reshape3A_163 {offsets = [0, 1, 0, 0], sizes = [32, 1, 4, 512], strides = [1, 1, 1, 1]} : vector<32x2x4x512xf32> to vector<32x1x4x512xf32>
      %squeeze3A_168 = vector.shape_cast %slice3A_167 : vector<32x1x4x512xf32> to vector<32x4x512xf32>
      %slice3A_169 = vector.extract_strided_slice %reshape3A_164 {offsets = [0, 0, 0, 0], sizes = [32, 1, 4, 512], strides = [1, 1, 1, 1]} : vector<32x2x4x512xi32> to vector<32x1x4x512xi32>
      %squeeze3A_170 = vector.shape_cast %slice3A_169 : vector<32x1x4x512xi32> to vector<32x4x512xi32>
      %slice3A_171 = vector.extract_strided_slice %reshape3A_164 {offsets = [0, 1, 0, 0], sizes = [32, 1, 4, 512], strides = [1, 1, 1, 1]} : vector<32x2x4x512xi32> to vector<32x1x4x512xi32>
      %squeeze3A_172 = vector.shape_cast %slice3A_171 : vector<32x1x4x512xi32> to vector<32x4x512xi32>
      %lt3A_173 = arith.cmpf olt, %squeeze3A_168, %squeeze3A_166 : vector<32x4x512xf32>
      %eq3A_174 = arith.cmpf oeq, %squeeze3A_168, %squeeze3A_166 : vector<32x4x512xf32>
      %lt3A_175 = arith.cmpi slt, %squeeze3A_172, %squeeze3A_170 : vector<32x4x512xi32>
      %and3A_176 = arith.andi %eq3A_174, %lt3A_175 : vector<32x4x512xi1>
      %or3A_177 = arith.ori %lt3A_173, %and3A_176 : vector<32x4x512xi1>
      %select_n3A_178 = arith.select %or3A_177, %squeeze3A_168, %squeeze3A_166 : vector<32x4x512xi1>, vector<32x4x512xf32>
      %select_n3A_179 = arith.select %or3A_177, %squeeze3A_172, %squeeze3A_170 : vector<32x4x512xi1>, vector<32x4x512xi32>
      %select_n3A_180 = arith.select %or3A_177, %squeeze3A_166, %squeeze3A_168 : vector<32x4x512xi1>, vector<32x4x512xf32>
      %select_n3A_181 = arith.select %or3A_177, %squeeze3A_170, %squeeze3A_172 : vector<32x4x512xi1>, vector<32x4x512xi32>
      %reshape3A_182 = vector.shape_cast %select_n3A_180 : vector<32x4x512xf32> to vector<16x2x1x4x512xf32>
      %reshape3A_183 = vector.shape_cast %select_n3A_178 : vector<32x4x512xf32> to vector<16x2x1x4x512xf32>
      %slice3A_184 = vector.extract_strided_slice %reshape3A_182 {offsets = [0, 0, 0, 0, 0], sizes = [16, 1, 1, 4, 512], strides = [1, 1, 1, 1, 1]} : vector<16x2x1x4x512xf32> to vector<16x1x1x4x512xf32>
      %slice3A_185 = vector.extract_strided_slice %reshape3A_183 {offsets = [0, 1, 0, 0, 0], sizes = [16, 1, 1, 4, 512], strides = [1, 1, 1, 1, 1]} : vector<16x2x1x4x512xf32> to vector<16x1x1x4x512xf32>
      %concatenate3A_186 = tpu.concatenate %slice3A_184, %slice3A_185 in 1 : vector<16x1x1x4x512xf32>, vector<16x1x1x4x512xf32> -> vector<16x2x1x4x512xf32>
      %reshape3A_187 = vector.shape_cast %concatenate3A_186 : vector<16x2x1x4x512xf32> to vector<32x4x512xf32>
      %reshape3A_188 = vector.shape_cast %select_n3A_181 : vector<32x4x512xi32> to vector<16x2x1x4x512xi32>
      %reshape3A_189 = vector.shape_cast %select_n3A_179 : vector<32x4x512xi32> to vector<16x2x1x4x512xi32>
      %slice3A_190 = vector.extract_strided_slice %reshape3A_188 {offsets = [0, 0, 0, 0, 0], sizes = [16, 1, 1, 4, 512], strides = [1, 1, 1, 1, 1]} : vector<16x2x1x4x512xi32> to vector<16x1x1x4x512xi32>
      %slice3A_191 = vector.extract_strided_slice %reshape3A_189 {offsets = [0, 1, 0, 0, 0], sizes = [16, 1, 1, 4, 512], strides = [1, 1, 1, 1, 1]} : vector<16x2x1x4x512xi32> to vector<16x1x1x4x512xi32>
      %concatenate3A_192 = tpu.concatenate %slice3A_190, %slice3A_191 in 1 : vector<16x1x1x4x512xi32>, vector<16x1x1x4x512xi32> -> vector<16x2x1x4x512xi32>
      %reshape3A_193 = vector.shape_cast %concatenate3A_192 : vector<16x2x1x4x512xi32> to vector<32x4x512xi32>
      %reshape3A_194 = vector.shape_cast %select_n3A_178 : vector<32x4x512xf32> to vector<16x2x1x4x512xf32>
      %reshape3A_195 = vector.shape_cast %select_n3A_180 : vector<32x4x512xf32> to vector<16x2x1x4x512xf32>
      %slice3A_196 = vector.extract_strided_slice %reshape3A_194 {offsets = [0, 0, 0, 0, 0], sizes = [16, 1, 1, 4, 512], strides = [1, 1, 1, 1, 1]} : vector<16x2x1x4x512xf32> to vector<16x1x1x4x512xf32>
      %slice3A_197 = vector.extract_strided_slice %reshape3A_195 {offsets = [0, 1, 0, 0, 0], sizes = [16, 1, 1, 4, 512], strides = [1, 1, 1, 1, 1]} : vector<16x2x1x4x512xf32> to vector<16x1x1x4x512xf32>
      %concatenate3A_198 = tpu.concatenate %slice3A_196, %slice3A_197 in 1 : vector<16x1x1x4x512xf32>, vector<16x1x1x4x512xf32> -> vector<16x2x1x4x512xf32>
      %reshape3A_199 = vector.shape_cast %concatenate3A_198 : vector<16x2x1x4x512xf32> to vector<32x4x512xf32>
      %reshape3A_200 = vector.shape_cast %select_n3A_179 : vector<32x4x512xi32> to vector<16x2x1x4x512xi32>
      %reshape3A_201 = vector.shape_cast %select_n3A_181 : vector<32x4x512xi32> to vector<16x2x1x4x512xi32>
      %slice3A_202 = vector.extract_strided_slice %reshape3A_200 {offsets = [0, 0, 0, 0, 0], sizes = [16, 1, 1, 4, 512], strides = [1, 1, 1, 1, 1]} : vector<16x2x1x4x512xi32> to vector<16x1x1x4x512xi32>
      %slice3A_203 = vector.extract_strided_slice %reshape3A_201 {offsets = [0, 1, 0, 0, 0], sizes = [16, 1, 1, 4, 512], strides = [1, 1, 1, 1, 1]} : vector<16x2x1x4x512xi32> to vector<16x1x1x4x512xi32>
      %concatenate3A_204 = tpu.concatenate %slice3A_202, %slice3A_203 in 1 : vector<16x1x1x4x512xi32>, vector<16x1x1x4x512xi32> -> vector<16x2x1x4x512xi32>
      %reshape3A_205 = vector.shape_cast %concatenate3A_204 : vector<16x2x1x4x512xi32> to vector<32x4x512xi32>
      %reshape3A_206 = vector.shape_cast %reshape3A_187 : vector<32x4x512xf32> to vector<32x1x4x512xf32>
      %reshape3A_207 = vector.shape_cast %reshape3A_199 : vector<32x4x512xf32> to vector<32x1x4x512xf32>
      %concatenate3A_208 = tpu.concatenate %reshape3A_206, %reshape3A_207 in 1 : vector<32x1x4x512xf32>, vector<32x1x4x512xf32> -> vector<32x2x4x512xf32>
      %reshape3A_209 = vector.shape_cast %concatenate3A_208 : vector<32x2x4x512xf32> to vector<256x512xf32>
      %reshape3A_210 = vector.shape_cast %reshape3A_193 : vector<32x4x512xi32> to vector<32x1x4x512xi32>
      %reshape3A_211 = vector.shape_cast %reshape3A_205 : vector<32x4x512xi32> to vector<32x1x4x512xi32>
      %concatenate3A_212 = tpu.concatenate %reshape3A_210, %reshape3A_211 in 1 : vector<32x1x4x512xi32>, vector<32x1x4x512xi32> -> vector<32x2x4x512xi32>
      %reshape3A_213 = vector.shape_cast %concatenate3A_212 : vector<32x2x4x512xi32> to vector<256x512xi32>
      %reshape3A_214 = vector.shape_cast %reshape3A_209 : vector<256x512xf32> to vector<64x2x2x512xf32>
      %reshape3A_215 = vector.shape_cast %reshape3A_213 : vector<256x512xi32> to vector<64x2x2x512xi32>
      %slice3A_216 = vector.extract_strided_slice %reshape3A_214 {offsets = [0, 0, 0, 0], sizes = [64, 1, 2, 512], strides = [1, 1, 1, 1]} : vector<64x2x2x512xf32> to vector<64x1x2x512xf32>
      %squeeze3A_217 = vector.shape_cast %slice3A_216 : vector<64x1x2x512xf32> to vector<64x2x512xf32>
      %slice3A_218 = vector.extract_strided_slice %reshape3A_214 {offsets = [0, 1, 0, 0], sizes = [64, 1, 2, 512], strides = [1, 1, 1, 1]} : vector<64x2x2x512xf32> to vector<64x1x2x512xf32>
      %squeeze3A_219 = vector.shape_cast %slice3A_218 : vector<64x1x2x512xf32> to vector<64x2x512xf32>
      %slice3A_220 = vector.extract_strided_slice %reshape3A_215 {offsets = [0, 0, 0, 0], sizes = [64, 1, 2, 512], strides = [1, 1, 1, 1]} : vector<64x2x2x512xi32> to vector<64x1x2x512xi32>
      %squeeze3A_221 = vector.shape_cast %slice3A_220 : vector<64x1x2x512xi32> to vector<64x2x512xi32>
      %slice3A_222 = vector.extract_strided_slice %reshape3A_215 {offsets = [0, 1, 0, 0], sizes = [64, 1, 2, 512], strides = [1, 1, 1, 1]} : vector<64x2x2x512xi32> to vector<64x1x2x512xi32>
      %squeeze3A_223 = vector.shape_cast %slice3A_222 : vector<64x1x2x512xi32> to vector<64x2x512xi32>
      %lt3A_224 = arith.cmpf olt, %squeeze3A_219, %squeeze3A_217 : vector<64x2x512xf32>
      %eq3A_225 = arith.cmpf oeq, %squeeze3A_219, %squeeze3A_217 : vector<64x2x512xf32>
      %lt3A_226 = arith.cmpi slt, %squeeze3A_223, %squeeze3A_221 : vector<64x2x512xi32>
      %and3A_227 = arith.andi %eq3A_225, %lt3A_226 : vector<64x2x512xi1>
      %or3A_228 = arith.ori %lt3A_224, %and3A_227 : vector<64x2x512xi1>
      %select_n3A_229 = arith.select %or3A_228, %squeeze3A_219, %squeeze3A_217 : vector<64x2x512xi1>, vector<64x2x512xf32>
      %select_n3A_230 = arith.select %or3A_228, %squeeze3A_223, %squeeze3A_221 : vector<64x2x512xi1>, vector<64x2x512xi32>
      %select_n3A_231 = arith.select %or3A_228, %squeeze3A_217, %squeeze3A_219 : vector<64x2x512xi1>, vector<64x2x512xf32>
      %select_n3A_232 = arith.select %or3A_228, %squeeze3A_221, %squeeze3A_223 : vector<64x2x512xi1>, vector<64x2x512xi32>
      %reshape3A_233 = vector.shape_cast %select_n3A_231 : vector<64x2x512xf32> to vector<16x2x2x2x512xf32>
      %reshape3A_234 = vector.shape_cast %select_n3A_229 : vector<64x2x512xf32> to vector<16x2x2x2x512xf32>
      %slice3A_235 = vector.extract_strided_slice %reshape3A_233 {offsets = [0, 0, 0, 0, 0], sizes = [16, 1, 2, 2, 512], strides = [1, 1, 1, 1, 1]} : vector<16x2x2x2x512xf32> to vector<16x1x2x2x512xf32>
      %slice3A_236 = vector.extract_strided_slice %reshape3A_234 {offsets = [0, 1, 0, 0, 0], sizes = [16, 1, 2, 2, 512], strides = [1, 1, 1, 1, 1]} : vector<16x2x2x2x512xf32> to vector<16x1x2x2x512xf32>
      %concatenate3A_237 = tpu.concatenate %slice3A_235, %slice3A_236 in 1 : vector<16x1x2x2x512xf32>, vector<16x1x2x2x512xf32> -> vector<16x2x2x2x512xf32>
      %reshape3A_238 = vector.shape_cast %concatenate3A_237 : vector<16x2x2x2x512xf32> to vector<64x2x512xf32>
      %reshape3A_239 = vector.shape_cast %select_n3A_232 : vector<64x2x512xi32> to vector<16x2x2x2x512xi32>
      %reshape3A_240 = vector.shape_cast %select_n3A_230 : vector<64x2x512xi32> to vector<16x2x2x2x512xi32>
      %slice3A_241 = vector.extract_strided_slice %reshape3A_239 {offsets = [0, 0, 0, 0, 0], sizes = [16, 1, 2, 2, 512], strides = [1, 1, 1, 1, 1]} : vector<16x2x2x2x512xi32> to vector<16x1x2x2x512xi32>
      %slice3A_242 = vector.extract_strided_slice %reshape3A_240 {offsets = [0, 1, 0, 0, 0], sizes = [16, 1, 2, 2, 512], strides = [1, 1, 1, 1, 1]} : vector<16x2x2x2x512xi32> to vector<16x1x2x2x512xi32>
      %concatenate3A_243 = tpu.concatenate %slice3A_241, %slice3A_242 in 1 : vector<16x1x2x2x512xi32>, vector<16x1x2x2x512xi32> -> vector<16x2x2x2x512xi32>
      %reshape3A_244 = vector.shape_cast %concatenate3A_243 : vector<16x2x2x2x512xi32> to vector<64x2x512xi32>
      %reshape3A_245 = vector.shape_cast %select_n3A_229 : vector<64x2x512xf32> to vector<16x2x2x2x512xf32>
      %reshape3A_246 = vector.shape_cast %select_n3A_231 : vector<64x2x512xf32> to vector<16x2x2x2x512xf32>
      %slice3A_247 = vector.extract_strided_slice %reshape3A_245 {offsets = [0, 0, 0, 0, 0], sizes = [16, 1, 2, 2, 512], strides = [1, 1, 1, 1, 1]} : vector<16x2x2x2x512xf32> to vector<16x1x2x2x512xf32>
      %slice3A_248 = vector.extract_strided_slice %reshape3A_246 {offsets = [0, 1, 0, 0, 0], sizes = [16, 1, 2, 2, 512], strides = [1, 1, 1, 1, 1]} : vector<16x2x2x2x512xf32> to vector<16x1x2x2x512xf32>
      %concatenate3A_249 = tpu.concatenate %slice3A_247, %slice3A_248 in 1 : vector<16x1x2x2x512xf32>, vector<16x1x2x2x512xf32> -> vector<16x2x2x2x512xf32>
      %reshape3A_250 = vector.shape_cast %concatenate3A_249 : vector<16x2x2x2x512xf32> to vector<64x2x512xf32>
      %reshape3A_251 = vector.shape_cast %select_n3A_230 : vector<64x2x512xi32> to vector<16x2x2x2x512xi32>
      %reshape3A_252 = vector.shape_cast %select_n3A_232 : vector<64x2x512xi32> to vector<16x2x2x2x512xi32>
      %slice3A_253 = vector.extract_strided_slice %reshape3A_251 {offsets = [0, 0, 0, 0, 0], sizes = [16, 1, 2, 2, 512], strides = [1, 1, 1, 1, 1]} : vector<16x2x2x2x512xi32> to vector<16x1x2x2x512xi32>
      %slice3A_254 = vector.extract_strided_slice %reshape3A_252 {offsets = [0, 1, 0, 0, 0], sizes = [16, 1, 2, 2, 512], strides = [1, 1, 1, 1, 1]} : vector<16x2x2x2x512xi32> to vector<16x1x2x2x512xi32>
      %concatenate3A_255 = tpu.concatenate %slice3A_253, %slice3A_254 in 1 : vector<16x1x2x2x512xi32>, vector<16x1x2x2x512xi32> -> vector<16x2x2x2x512xi32>
      %reshape3A_256 = vector.shape_cast %concatenate3A_255 : vector<16x2x2x2x512xi32> to vector<64x2x512xi32>
      %reshape3A_257 = vector.shape_cast %reshape3A_238 : vector<64x2x512xf32> to vector<64x1x2x512xf32>
      %reshape3A_258 = vector.shape_cast %reshape3A_250 : vector<64x2x512xf32> to vector<64x1x2x512xf32>
      %concatenate3A_259 = tpu.concatenate %reshape3A_257, %reshape3A_258 in 1 : vector<64x1x2x512xf32>, vector<64x1x2x512xf32> -> vector<64x2x2x512xf32>
      %reshape3A_260 = vector.shape_cast %concatenate3A_259 : vector<64x2x2x512xf32> to vector<256x512xf32>
      %reshape3A_261 = vector.shape_cast %reshape3A_244 : vector<64x2x512xi32> to vector<64x1x2x512xi32>
      %reshape3A_262 = vector.shape_cast %reshape3A_256 : vector<64x2x512xi32> to vector<64x1x2x512xi32>
      %concatenate3A_263 = tpu.concatenate %reshape3A_261, %reshape3A_262 in 1 : vector<64x1x2x512xi32>, vector<64x1x2x512xi32> -> vector<64x2x2x512xi32>
      %reshape3A_264 = vector.shape_cast %concatenate3A_263 : vector<64x2x2x512xi32> to vector<256x512xi32>
      %reshape3A_265 = vector.shape_cast %reshape3A_260 : vector<256x512xf32> to vector<128x2x1x512xf32>
      %reshape3A_266 = vector.shape_cast %reshape3A_264 : vector<256x512xi32> to vector<128x2x1x512xi32>
      %slice3A_267 = vector.extract_strided_slice %reshape3A_265 {offsets = [0, 0, 0, 0], sizes = [128, 1, 1, 512], strides = [1, 1, 1, 1]} : vector<128x2x1x512xf32> to vector<128x1x1x512xf32>
      %squeeze3A_268 = vector.shape_cast %slice3A_267 : vector<128x1x1x512xf32> to vector<128x1x512xf32>
      %slice3A_269 = vector.extract_strided_slice %reshape3A_265 {offsets = [0, 1, 0, 0], sizes = [128, 1, 1, 512], strides = [1, 1, 1, 1]} : vector<128x2x1x512xf32> to vector<128x1x1x512xf32>
      %squeeze3A_270 = vector.shape_cast %slice3A_269 : vector<128x1x1x512xf32> to vector<128x1x512xf32>
      %slice3A_271 = vector.extract_strided_slice %reshape3A_266 {offsets = [0, 0, 0, 0], sizes = [128, 1, 1, 512], strides = [1, 1, 1, 1]} : vector<128x2x1x512xi32> to vector<128x1x1x512xi32>
      %squeeze3A_272 = vector.shape_cast %slice3A_271 : vector<128x1x1x512xi32> to vector<128x1x512xi32>
      %slice3A_273 = vector.extract_strided_slice %reshape3A_266 {offsets = [0, 1, 0, 0], sizes = [128, 1, 1, 512], strides = [1, 1, 1, 1]} : vector<128x2x1x512xi32> to vector<128x1x1x512xi32>
      %squeeze3A_274 = vector.shape_cast %slice3A_273 : vector<128x1x1x512xi32> to vector<128x1x512xi32>
      %lt3A_275 = arith.cmpf olt, %squeeze3A_270, %squeeze3A_268 : vector<128x1x512xf32>
      %eq3A_276 = arith.cmpf oeq, %squeeze3A_270, %squeeze3A_268 : vector<128x1x512xf32>
      %lt3A_277 = arith.cmpi slt, %squeeze3A_274, %squeeze3A_272 : vector<128x1x512xi32>
      %and3A_278 = arith.andi %eq3A_276, %lt3A_277 : vector<128x1x512xi1>
      %or3A_279 = arith.ori %lt3A_275, %and3A_278 : vector<128x1x512xi1>
      %select_n3A_280 = arith.select %or3A_279, %squeeze3A_270, %squeeze3A_268 : vector<128x1x512xi1>, vector<128x1x512xf32>
      %select_n3A_281 = arith.select %or3A_279, %squeeze3A_274, %squeeze3A_272 : vector<128x1x512xi1>, vector<128x1x512xi32>
      %select_n3A_282 = arith.select %or3A_279, %squeeze3A_268, %squeeze3A_270 : vector<128x1x512xi1>, vector<128x1x512xf32>
      %select_n3A_283 = arith.select %or3A_279, %squeeze3A_272, %squeeze3A_274 : vector<128x1x512xi1>, vector<128x1x512xi32>
      %reshape3A_284 = vector.shape_cast %select_n3A_282 : vector<128x1x512xf32> to vector<16x2x4x1x512xf32>
      %reshape3A_285 = vector.shape_cast %select_n3A_280 : vector<128x1x512xf32> to vector<16x2x4x1x512xf32>
      %slice3A_286 = vector.extract_strided_slice %reshape3A_284 {offsets = [0, 0, 0, 0, 0], sizes = [16, 1, 4, 1, 512], strides = [1, 1, 1, 1, 1]} : vector<16x2x4x1x512xf32> to vector<16x1x4x1x512xf32>
      %slice3A_287 = vector.extract_strided_slice %reshape3A_285 {offsets = [0, 1, 0, 0, 0], sizes = [16, 1, 4, 1, 512], strides = [1, 1, 1, 1, 1]} : vector<16x2x4x1x512xf32> to vector<16x1x4x1x512xf32>
      %concatenate3A_288 = tpu.concatenate %slice3A_286, %slice3A_287 in 1 : vector<16x1x4x1x512xf32>, vector<16x1x4x1x512xf32> -> vector<16x2x4x1x512xf32>
      %reshape3A_289 = vector.shape_cast %concatenate3A_288 : vector<16x2x4x1x512xf32> to vector<128x1x512xf32>
      %reshape3A_290 = vector.shape_cast %select_n3A_283 : vector<128x1x512xi32> to vector<16x2x4x1x512xi32>
      %reshape3A_291 = vector.shape_cast %select_n3A_281 : vector<128x1x512xi32> to vector<16x2x4x1x512xi32>
      %slice3A_292 = vector.extract_strided_slice %reshape3A_290 {offsets = [0, 0, 0, 0, 0], sizes = [16, 1, 4, 1, 512], strides = [1, 1, 1, 1, 1]} : vector<16x2x4x1x512xi32> to vector<16x1x4x1x512xi32>
      %slice3A_293 = vector.extract_strided_slice %reshape3A_291 {offsets = [0, 1, 0, 0, 0], sizes = [16, 1, 4, 1, 512], strides = [1, 1, 1, 1, 1]} : vector<16x2x4x1x512xi32> to vector<16x1x4x1x512xi32>
      %concatenate3A_294 = tpu.concatenate %slice3A_292, %slice3A_293 in 1 : vector<16x1x4x1x512xi32>, vector<16x1x4x1x512xi32> -> vector<16x2x4x1x512xi32>
      %reshape3A_295 = vector.shape_cast %concatenate3A_294 : vector<16x2x4x1x512xi32> to vector<128x1x512xi32>
      %reshape3A_296 = vector.shape_cast %select_n3A_280 : vector<128x1x512xf32> to vector<16x2x4x1x512xf32>
      %reshape3A_297 = vector.shape_cast %select_n3A_282 : vector<128x1x512xf32> to vector<16x2x4x1x512xf32>
      %slice3A_298 = vector.extract_strided_slice %reshape3A_296 {offsets = [0, 0, 0, 0, 0], sizes = [16, 1, 4, 1, 512], strides = [1, 1, 1, 1, 1]} : vector<16x2x4x1x512xf32> to vector<16x1x4x1x512xf32>
      %slice3A_299 = vector.extract_strided_slice %reshape3A_297 {offsets = [0, 1, 0, 0, 0], sizes = [16, 1, 4, 1, 512], strides = [1, 1, 1, 1, 1]} : vector<16x2x4x1x512xf32> to vector<16x1x4x1x512xf32>
      %concatenate3A_300 = tpu.concatenate %slice3A_298, %slice3A_299 in 1 : vector<16x1x4x1x512xf32>, vector<16x1x4x1x512xf32> -> vector<16x2x4x1x512xf32>
      %reshape3A_301 = vector.shape_cast %concatenate3A_300 : vector<16x2x4x1x512xf32> to vector<128x1x512xf32>
      %reshape3A_302 = vector.shape_cast %select_n3A_281 : vector<128x1x512xi32> to vector<16x2x4x1x512xi32>
      %reshape3A_303 = vector.shape_cast %select_n3A_283 : vector<128x1x512xi32> to vector<16x2x4x1x512xi32>
      %slice3A_304 = vector.extract_strided_slice %reshape3A_302 {offsets = [0, 0, 0, 0, 0], sizes = [16, 1, 4, 1, 512], strides = [1, 1, 1, 1, 1]} : vector<16x2x4x1x512xi32> to vector<16x1x4x1x512xi32>
      %slice3A_305 = vector.extract_strided_slice %reshape3A_303 {offsets = [0, 1, 0, 0, 0], sizes = [16, 1, 4, 1, 512], strides = [1, 1, 1, 1, 1]} : vector<16x2x4x1x512xi32> to vector<16x1x4x1x512xi32>
      %concatenate3A_306 = tpu.concatenate %slice3A_304, %slice3A_305 in 1 : vector<16x1x4x1x512xi32>, vector<16x1x4x1x512xi32> -> vector<16x2x4x1x512xi32>
      %reshape3A_307 = vector.shape_cast %concatenate3A_306 : vector<16x2x4x1x512xi32> to vector<128x1x512xi32>
      %reshape3A_308 = vector.shape_cast %reshape3A_289 : vector<128x1x512xf32> to vector<128x1x1x512xf32>
      %reshape3A_309 = vector.shape_cast %reshape3A_301 : vector<128x1x512xf32> to vector<128x1x1x512xf32>
      %concatenate3A_310 = tpu.concatenate %reshape3A_308, %reshape3A_309 in 1 : vector<128x1x1x512xf32>, vector<128x1x1x512xf32> -> vector<128x2x1x512xf32>
      %reshape3A_311 = vector.shape_cast %concatenate3A_310 : vector<128x2x1x512xf32> to vector<256x512xf32>
      %reshape3A_312 = vector.shape_cast %reshape3A_295 : vector<128x1x512xi32> to vector<128x1x1x512xi32>
      %reshape3A_313 = vector.shape_cast %reshape3A_307 : vector<128x1x512xi32> to vector<128x1x1x512xi32>
      %concatenate3A_314 = tpu.concatenate %reshape3A_312, %reshape3A_313 in 1 : vector<128x1x1x512xi32>, vector<128x1x1x512xi32> -> vector<128x2x1x512xi32>
      %reshape3A_315 = vector.shape_cast %concatenate3A_314 : vector<128x2x1x512xi32> to vector<256x512xi32>
      %reshape3A_316 = vector.shape_cast %reshape3A_311 : vector<256x512xf32> to vector<16x2x8x512xf32>
      %reshape3A_317 = vector.shape_cast %reshape3A_315 : vector<256x512xi32> to vector<16x2x8x512xi32>
      %slice3A_318 = vector.extract_strided_slice %reshape3A_316 {offsets = [0, 0, 0, 0], sizes = [16, 1, 8, 512], strides = [1, 1, 1, 1]} : vector<16x2x8x512xf32> to vector<16x1x8x512xf32>
      %squeeze3A_319 = vector.shape_cast %slice3A_318 : vector<16x1x8x512xf32> to vector<16x8x512xf32>
      %slice3A_320 = vector.extract_strided_slice %reshape3A_316 {offsets = [0, 1, 0, 0], sizes = [16, 1, 8, 512], strides = [1, 1, 1, 1]} : vector<16x2x8x512xf32> to vector<16x1x8x512xf32>
      %squeeze3A_321 = vector.shape_cast %slice3A_320 : vector<16x1x8x512xf32> to vector<16x8x512xf32>
      %slice3A_322 = vector.extract_strided_slice %reshape3A_317 {offsets = [0, 0, 0, 0], sizes = [16, 1, 8, 512], strides = [1, 1, 1, 1]} : vector<16x2x8x512xi32> to vector<16x1x8x512xi32>
      %squeeze3A_323 = vector.shape_cast %slice3A_322 : vector<16x1x8x512xi32> to vector<16x8x512xi32>
      %slice3A_324 = vector.extract_strided_slice %reshape3A_317 {offsets = [0, 1, 0, 0], sizes = [16, 1, 8, 512], strides = [1, 1, 1, 1]} : vector<16x2x8x512xi32> to vector<16x1x8x512xi32>
      %squeeze3A_325 = vector.shape_cast %slice3A_324 : vector<16x1x8x512xi32> to vector<16x8x512xi32>
      %lt3A_326 = arith.cmpf olt, %squeeze3A_321, %squeeze3A_319 : vector<16x8x512xf32>
      %eq3A_327 = arith.cmpf oeq, %squeeze3A_321, %squeeze3A_319 : vector<16x8x512xf32>
      %lt3A_328 = arith.cmpi slt, %squeeze3A_325, %squeeze3A_323 : vector<16x8x512xi32>
      %and3A_329 = arith.andi %eq3A_327, %lt3A_328 : vector<16x8x512xi1>
      %or3A_330 = arith.ori %lt3A_326, %and3A_329 : vector<16x8x512xi1>
      %select_n3A_331 = arith.select %or3A_330, %squeeze3A_321, %squeeze3A_319 : vector<16x8x512xi1>, vector<16x8x512xf32>
      %select_n3A_332 = arith.select %or3A_330, %squeeze3A_325, %squeeze3A_323 : vector<16x8x512xi1>, vector<16x8x512xi32>
      %select_n3A_333 = arith.select %or3A_330, %squeeze3A_319, %squeeze3A_321 : vector<16x8x512xi1>, vector<16x8x512xf32>
      %select_n3A_334 = arith.select %or3A_330, %squeeze3A_323, %squeeze3A_325 : vector<16x8x512xi1>, vector<16x8x512xi32>
      %reshape3A_335 = vector.shape_cast %select_n3A_333 : vector<16x8x512xf32> to vector<8x2x1x8x512xf32>
      %reshape3A_336 = vector.shape_cast %select_n3A_331 : vector<16x8x512xf32> to vector<8x2x1x8x512xf32>
      %slice3A_337 = vector.extract_strided_slice %reshape3A_335 {offsets = [0, 0, 0, 0, 0], sizes = [8, 1, 1, 8, 512], strides = [1, 1, 1, 1, 1]} : vector<8x2x1x8x512xf32> to vector<8x1x1x8x512xf32>
      %slice3A_338 = vector.extract_strided_slice %reshape3A_336 {offsets = [0, 1, 0, 0, 0], sizes = [8, 1, 1, 8, 512], strides = [1, 1, 1, 1, 1]} : vector<8x2x1x8x512xf32> to vector<8x1x1x8x512xf32>
      %concatenate3A_339 = tpu.concatenate %slice3A_337, %slice3A_338 in 1 : vector<8x1x1x8x512xf32>, vector<8x1x1x8x512xf32> -> vector<8x2x1x8x512xf32>
      %reshape3A_340 = vector.shape_cast %concatenate3A_339 : vector<8x2x1x8x512xf32> to vector<16x8x512xf32>
      %reshape3A_341 = vector.shape_cast %select_n3A_334 : vector<16x8x512xi32> to vector<8x2x1x8x512xi32>
      %reshape3A_342 = vector.shape_cast %select_n3A_332 : vector<16x8x512xi32> to vector<8x2x1x8x512xi32>
      %slice3A_343 = vector.extract_strided_slice %reshape3A_341 {offsets = [0, 0, 0, 0, 0], sizes = [8, 1, 1, 8, 512], strides = [1, 1, 1, 1, 1]} : vector<8x2x1x8x512xi32> to vector<8x1x1x8x512xi32>
      %slice3A_344 = vector.extract_strided_slice %reshape3A_342 {offsets = [0, 1, 0, 0, 0], sizes = [8, 1, 1, 8, 512], strides = [1, 1, 1, 1, 1]} : vector<8x2x1x8x512xi32> to vector<8x1x1x8x512xi32>
      %concatenate3A_345 = tpu.concatenate %slice3A_343, %slice3A_344 in 1 : vector<8x1x1x8x512xi32>, vector<8x1x1x8x512xi32> -> vector<8x2x1x8x512xi32>
      %reshape3A_346 = vector.shape_cast %concatenate3A_345 : vector<8x2x1x8x512xi32> to vector<16x8x512xi32>
      %reshape3A_347 = vector.shape_cast %select_n3A_331 : vector<16x8x512xf32> to vector<8x2x1x8x512xf32>
      %reshape3A_348 = vector.shape_cast %select_n3A_333 : vector<16x8x512xf32> to vector<8x2x1x8x512xf32>
      %slice3A_349 = vector.extract_strided_slice %reshape3A_347 {offsets = [0, 0, 0, 0, 0], sizes = [8, 1, 1, 8, 512], strides = [1, 1, 1, 1, 1]} : vector<8x2x1x8x512xf32> to vector<8x1x1x8x512xf32>
      %slice3A_350 = vector.extract_strided_slice %reshape3A_348 {offsets = [0, 1, 0, 0, 0], sizes = [8, 1, 1, 8, 512], strides = [1, 1, 1, 1, 1]} : vector<8x2x1x8x512xf32> to vector<8x1x1x8x512xf32>
      %concatenate3A_351 = tpu.concatenate %slice3A_349, %slice3A_350 in 1 : vector<8x1x1x8x512xf32>, vector<8x1x1x8x512xf32> -> vector<8x2x1x8x512xf32>
      %reshape3A_352 = vector.shape_cast %concatenate3A_351 : vector<8x2x1x8x512xf32> to vector<16x8x512xf32>
      %reshape3A_353 = vector.shape_cast %select_n3A_332 : vector<16x8x512xi32> to vector<8x2x1x8x512xi32>
      %reshape3A_354 = vector.shape_cast %select_n3A_334 : vector<16x8x512xi32> to vector<8x2x1x8x512xi32>
      %slice3A_355 = vector.extract_strided_slice %reshape3A_353 {offsets = [0, 0, 0, 0, 0], sizes = [8, 1, 1, 8, 512], strides = [1, 1, 1, 1, 1]} : vector<8x2x1x8x512xi32> to vector<8x1x1x8x512xi32>
      %slice3A_356 = vector.extract_strided_slice %reshape3A_354 {offsets = [0, 1, 0, 0, 0], sizes = [8, 1, 1, 8, 512], strides = [1, 1, 1, 1, 1]} : vector<8x2x1x8x512xi32> to vector<8x1x1x8x512xi32>
      %concatenate3A_357 = tpu.concatenate %slice3A_355, %slice3A_356 in 1 : vector<8x1x1x8x512xi32>, vector<8x1x1x8x512xi32> -> vector<8x2x1x8x512xi32>
      %reshape3A_358 = vector.shape_cast %concatenate3A_357 : vector<8x2x1x8x512xi32> to vector<16x8x512xi32>
      %reshape3A_359 = vector.shape_cast %reshape3A_340 : vector<16x8x512xf32> to vector<16x1x8x512xf32>
      %reshape3A_360 = vector.shape_cast %reshape3A_352 : vector<16x8x512xf32> to vector<16x1x8x512xf32>
      %concatenate3A_361 = tpu.concatenate %reshape3A_359, %reshape3A_360 in 1 : vector<16x1x8x512xf32>, vector<16x1x8x512xf32> -> vector<16x2x8x512xf32>
      %reshape3A_362 = vector.shape_cast %concatenate3A_361 : vector<16x2x8x512xf32> to vector<256x512xf32>
      %reshape3A_363 = vector.shape_cast %reshape3A_346 : vector<16x8x512xi32> to vector<16x1x8x512xi32>
      %reshape3A_364 = vector.shape_cast %reshape3A_358 : vector<16x8x512xi32> to vector<16x1x8x512xi32>
      %concatenate3A_365 = tpu.concatenate %reshape3A_363, %reshape3A_364 in 1 : vector<16x1x8x512xi32>, vector<16x1x8x512xi32> -> vector<16x2x8x512xi32>
      %reshape3A_366 = vector.shape_cast %concatenate3A_365 : vector<16x2x8x512xi32> to vector<256x512xi32>
      %reshape3A_367 = vector.shape_cast %reshape3A_362 : vector<256x512xf32> to vector<32x2x4x512xf32>
      %reshape3A_368 = vector.shape_cast %reshape3A_366 : vector<256x512xi32> to vector<32x2x4x512xi32>
      %slice3A_369 = vector.extract_strided_slice %reshape3A_367 {offsets = [0, 0, 0, 0], sizes = [32, 1, 4, 512], strides = [1, 1, 1, 1]} : vector<32x2x4x512xf32> to vector<32x1x4x512xf32>
      %squeeze3A_370 = vector.shape_cast %slice3A_369 : vector<32x1x4x512xf32> to vector<32x4x512xf32>
      %slice3A_371 = vector.extract_strided_slice %reshape3A_367 {offsets = [0, 1, 0, 0], sizes = [32, 1, 4, 512], strides = [1, 1, 1, 1]} : vector<32x2x4x512xf32> to vector<32x1x4x512xf32>
      %squeeze3A_372 = vector.shape_cast %slice3A_371 : vector<32x1x4x512xf32> to vector<32x4x512xf32>
      %slice3A_373 = vector.extract_strided_slice %reshape3A_368 {offsets = [0, 0, 0, 0], sizes = [32, 1, 4, 512], strides = [1, 1, 1, 1]} : vector<32x2x4x512xi32> to vector<32x1x4x512xi32>
      %squeeze3A_374 = vector.shape_cast %slice3A_373 : vector<32x1x4x512xi32> to vector<32x4x512xi32>
      %slice3A_375 = vector.extract_strided_slice %reshape3A_368 {offsets = [0, 1, 0, 0], sizes = [32, 1, 4, 512], strides = [1, 1, 1, 1]} : vector<32x2x4x512xi32> to vector<32x1x4x512xi32>
      %squeeze3A_376 = vector.shape_cast %slice3A_375 : vector<32x1x4x512xi32> to vector<32x4x512xi32>
      %lt3A_377 = arith.cmpf olt, %squeeze3A_372, %squeeze3A_370 : vector<32x4x512xf32>
      %eq3A_378 = arith.cmpf oeq, %squeeze3A_372, %squeeze3A_370 : vector<32x4x512xf32>
      %lt3A_379 = arith.cmpi slt, %squeeze3A_376, %squeeze3A_374 : vector<32x4x512xi32>
      %and3A_380 = arith.andi %eq3A_378, %lt3A_379 : vector<32x4x512xi1>
      %or3A_381 = arith.ori %lt3A_377, %and3A_380 : vector<32x4x512xi1>
      %select_n3A_382 = arith.select %or3A_381, %squeeze3A_372, %squeeze3A_370 : vector<32x4x512xi1>, vector<32x4x512xf32>
      %select_n3A_383 = arith.select %or3A_381, %squeeze3A_376, %squeeze3A_374 : vector<32x4x512xi1>, vector<32x4x512xi32>
      %select_n3A_384 = arith.select %or3A_381, %squeeze3A_370, %squeeze3A_372 : vector<32x4x512xi1>, vector<32x4x512xf32>
      %select_n3A_385 = arith.select %or3A_381, %squeeze3A_374, %squeeze3A_376 : vector<32x4x512xi1>, vector<32x4x512xi32>
      %reshape3A_386 = vector.shape_cast %select_n3A_384 : vector<32x4x512xf32> to vector<8x2x2x4x512xf32>
      %reshape3A_387 = vector.shape_cast %select_n3A_382 : vector<32x4x512xf32> to vector<8x2x2x4x512xf32>
      %slice3A_388 = vector.extract_strided_slice %reshape3A_386 {offsets = [0, 0, 0, 0, 0], sizes = [8, 1, 2, 4, 512], strides = [1, 1, 1, 1, 1]} : vector<8x2x2x4x512xf32> to vector<8x1x2x4x512xf32>
      %slice3A_389 = vector.extract_strided_slice %reshape3A_387 {offsets = [0, 1, 0, 0, 0], sizes = [8, 1, 2, 4, 512], strides = [1, 1, 1, 1, 1]} : vector<8x2x2x4x512xf32> to vector<8x1x2x4x512xf32>
      %concatenate3A_390 = tpu.concatenate %slice3A_388, %slice3A_389 in 1 : vector<8x1x2x4x512xf32>, vector<8x1x2x4x512xf32> -> vector<8x2x2x4x512xf32>
      %reshape3A_391 = vector.shape_cast %concatenate3A_390 : vector<8x2x2x4x512xf32> to vector<32x4x512xf32>
      %reshape3A_392 = vector.shape_cast %select_n3A_385 : vector<32x4x512xi32> to vector<8x2x2x4x512xi32>
      %reshape3A_393 = vector.shape_cast %select_n3A_383 : vector<32x4x512xi32> to vector<8x2x2x4x512xi32>
      %slice3A_394 = vector.extract_strided_slice %reshape3A_392 {offsets = [0, 0, 0, 0, 0], sizes = [8, 1, 2, 4, 512], strides = [1, 1, 1, 1, 1]} : vector<8x2x2x4x512xi32> to vector<8x1x2x4x512xi32>
      %slice3A_395 = vector.extract_strided_slice %reshape3A_393 {offsets = [0, 1, 0, 0, 0], sizes = [8, 1, 2, 4, 512], strides = [1, 1, 1, 1, 1]} : vector<8x2x2x4x512xi32> to vector<8x1x2x4x512xi32>
      %concatenate3A_396 = tpu.concatenate %slice3A_394, %slice3A_395 in 1 : vector<8x1x2x4x512xi32>, vector<8x1x2x4x512xi32> -> vector<8x2x2x4x512xi32>
      %reshape3A_397 = vector.shape_cast %concatenate3A_396 : vector<8x2x2x4x512xi32> to vector<32x4x512xi32>
      %reshape3A_398 = vector.shape_cast %select_n3A_382 : vector<32x4x512xf32> to vector<8x2x2x4x512xf32>
      %reshape3A_399 = vector.shape_cast %select_n3A_384 : vector<32x4x512xf32> to vector<8x2x2x4x512xf32>
      %slice3A_400 = vector.extract_strided_slice %reshape3A_398 {offsets = [0, 0, 0, 0, 0], sizes = [8, 1, 2, 4, 512], strides = [1, 1, 1, 1, 1]} : vector<8x2x2x4x512xf32> to vector<8x1x2x4x512xf32>
      %slice3A_401 = vector.extract_strided_slice %reshape3A_399 {offsets = [0, 1, 0, 0, 0], sizes = [8, 1, 2, 4, 512], strides = [1, 1, 1, 1, 1]} : vector<8x2x2x4x512xf32> to vector<8x1x2x4x512xf32>
      %concatenate3A_402 = tpu.concatenate %slice3A_400, %slice3A_401 in 1 : vector<8x1x2x4x512xf32>, vector<8x1x2x4x512xf32> -> vector<8x2x2x4x512xf32>
      %reshape3A_403 = vector.shape_cast %concatenate3A_402 : vector<8x2x2x4x512xf32> to vector<32x4x512xf32>
      %reshape3A_404 = vector.shape_cast %select_n3A_383 : vector<32x4x512xi32> to vector<8x2x2x4x512xi32>
      %reshape3A_405 = vector.shape_cast %select_n3A_385 : vector<32x4x512xi32> to vector<8x2x2x4x512xi32>
      %slice3A_406 = vector.extract_strided_slice %reshape3A_404 {offsets = [0, 0, 0, 0, 0], sizes = [8, 1, 2, 4, 512], strides = [1, 1, 1, 1, 1]} : vector<8x2x2x4x512xi32> to vector<8x1x2x4x512xi32>
      %slice3A_407 = vector.extract_strided_slice %reshape3A_405 {offsets = [0, 1, 0, 0, 0], sizes = [8, 1, 2, 4, 512], strides = [1, 1, 1, 1, 1]} : vector<8x2x2x4x512xi32> to vector<8x1x2x4x512xi32>
      %concatenate3A_408 = tpu.concatenate %slice3A_406, %slice3A_407 in 1 : vector<8x1x2x4x512xi32>, vector<8x1x2x4x512xi32> -> vector<8x2x2x4x512xi32>
      %reshape3A_409 = vector.shape_cast %concatenate3A_408 : vector<8x2x2x4x512xi32> to vector<32x4x512xi32>
      %reshape3A_410 = vector.shape_cast %reshape3A_391 : vector<32x4x512xf32> to vector<32x1x4x512xf32>
      %reshape3A_411 = vector.shape_cast %reshape3A_403 : vector<32x4x512xf32> to vector<32x1x4x512xf32>
      %concatenate3A_412 = tpu.concatenate %reshape3A_410, %reshape3A_411 in 1 : vector<32x1x4x512xf32>, vector<32x1x4x512xf32> -> vector<32x2x4x512xf32>
      %reshape3A_413 = vector.shape_cast %concatenate3A_412 : vector<32x2x4x512xf32> to vector<256x512xf32>
      %reshape3A_414 = vector.shape_cast %reshape3A_397 : vector<32x4x512xi32> to vector<32x1x4x512xi32>
      %reshape3A_415 = vector.shape_cast %reshape3A_409 : vector<32x4x512xi32> to vector<32x1x4x512xi32>
      %concatenate3A_416 = tpu.concatenate %reshape3A_414, %reshape3A_415 in 1 : vector<32x1x4x512xi32>, vector<32x1x4x512xi32> -> vector<32x2x4x512xi32>
      %reshape3A_417 = vector.shape_cast %concatenate3A_416 : vector<32x2x4x512xi32> to vector<256x512xi32>
      %reshape3A_418 = vector.shape_cast %reshape3A_413 : vector<256x512xf32> to vector<64x2x2x512xf32>
      %reshape3A_419 = vector.shape_cast %reshape3A_417 : vector<256x512xi32> to vector<64x2x2x512xi32>
      %slice3A_420 = vector.extract_strided_slice %reshape3A_418 {offsets = [0, 0, 0, 0], sizes = [64, 1, 2, 512], strides = [1, 1, 1, 1]} : vector<64x2x2x512xf32> to vector<64x1x2x512xf32>
      %squeeze3A_421 = vector.shape_cast %slice3A_420 : vector<64x1x2x512xf32> to vector<64x2x512xf32>
      %slice3A_422 = vector.extract_strided_slice %reshape3A_418 {offsets = [0, 1, 0, 0], sizes = [64, 1, 2, 512], strides = [1, 1, 1, 1]} : vector<64x2x2x512xf32> to vector<64x1x2x512xf32>
      %squeeze3A_423 = vector.shape_cast %slice3A_422 : vector<64x1x2x512xf32> to vector<64x2x512xf32>
      %slice3A_424 = vector.extract_strided_slice %reshape3A_419 {offsets = [0, 0, 0, 0], sizes = [64, 1, 2, 512], strides = [1, 1, 1, 1]} : vector<64x2x2x512xi32> to vector<64x1x2x512xi32>
      %squeeze3A_425 = vector.shape_cast %slice3A_424 : vector<64x1x2x512xi32> to vector<64x2x512xi32>
      %slice3A_426 = vector.extract_strided_slice %reshape3A_419 {offsets = [0, 1, 0, 0], sizes = [64, 1, 2, 512], strides = [1, 1, 1, 1]} : vector<64x2x2x512xi32> to vector<64x1x2x512xi32>
      %squeeze3A_427 = vector.shape_cast %slice3A_426 : vector<64x1x2x512xi32> to vector<64x2x512xi32>
      %lt3A_428 = arith.cmpf olt, %squeeze3A_423, %squeeze3A_421 : vector<64x2x512xf32>
      %eq3A_429 = arith.cmpf oeq, %squeeze3A_423, %squeeze3A_421 : vector<64x2x512xf32>
      %lt3A_430 = arith.cmpi slt, %squeeze3A_427, %squeeze3A_425 : vector<64x2x512xi32>
      %and3A_431 = arith.andi %eq3A_429, %lt3A_430 : vector<64x2x512xi1>
      %or3A_432 = arith.ori %lt3A_428, %and3A_431 : vector<64x2x512xi1>
      %select_n3A_433 = arith.select %or3A_432, %squeeze3A_423, %squeeze3A_421 : vector<64x2x512xi1>, vector<64x2x512xf32>
      %select_n3A_434 = arith.select %or3A_432, %squeeze3A_427, %squeeze3A_425 : vector<64x2x512xi1>, vector<64x2x512xi32>
      %select_n3A_435 = arith.select %or3A_432, %squeeze3A_421, %squeeze3A_423 : vector<64x2x512xi1>, vector<64x2x512xf32>
      %select_n3A_436 = arith.select %or3A_432, %squeeze3A_425, %squeeze3A_427 : vector<64x2x512xi1>, vector<64x2x512xi32>
      %reshape3A_437 = vector.shape_cast %select_n3A_435 : vector<64x2x512xf32> to vector<8x2x4x2x512xf32>
      %reshape3A_438 = vector.shape_cast %select_n3A_433 : vector<64x2x512xf32> to vector<8x2x4x2x512xf32>
      %slice3A_439 = vector.extract_strided_slice %reshape3A_437 {offsets = [0, 0, 0, 0, 0], sizes = [8, 1, 4, 2, 512], strides = [1, 1, 1, 1, 1]} : vector<8x2x4x2x512xf32> to vector<8x1x4x2x512xf32>
      %slice3A_440 = vector.extract_strided_slice %reshape3A_438 {offsets = [0, 1, 0, 0, 0], sizes = [8, 1, 4, 2, 512], strides = [1, 1, 1, 1, 1]} : vector<8x2x4x2x512xf32> to vector<8x1x4x2x512xf32>
      %concatenate3A_441 = tpu.concatenate %slice3A_439, %slice3A_440 in 1 : vector<8x1x4x2x512xf32>, vector<8x1x4x2x512xf32> -> vector<8x2x4x2x512xf32>
      %reshape3A_442 = vector.shape_cast %concatenate3A_441 : vector<8x2x4x2x512xf32> to vector<64x2x512xf32>
      %reshape3A_443 = vector.shape_cast %select_n3A_436 : vector<64x2x512xi32> to vector<8x2x4x2x512xi32>
      %reshape3A_444 = vector.shape_cast %select_n3A_434 : vector<64x2x512xi32> to vector<8x2x4x2x512xi32>
      %slice3A_445 = vector.extract_strided_slice %reshape3A_443 {offsets = [0, 0, 0, 0, 0], sizes = [8, 1, 4, 2, 512], strides = [1, 1, 1, 1, 1]} : vector<8x2x4x2x512xi32> to vector<8x1x4x2x512xi32>
      %slice3A_446 = vector.extract_strided_slice %reshape3A_444 {offsets = [0, 1, 0, 0, 0], sizes = [8, 1, 4, 2, 512], strides = [1, 1, 1, 1, 1]} : vector<8x2x4x2x512xi32> to vector<8x1x4x2x512xi32>
      %concatenate3A_447 = tpu.concatenate %slice3A_445, %slice3A_446 in 1 : vector<8x1x4x2x512xi32>, vector<8x1x4x2x512xi32> -> vector<8x2x4x2x512xi32>
      %reshape3A_448 = vector.shape_cast %concatenate3A_447 : vector<8x2x4x2x512xi32> to vector<64x2x512xi32>
      %reshape3A_449 = vector.shape_cast %select_n3A_433 : vector<64x2x512xf32> to vector<8x2x4x2x512xf32>
      %reshape3A_450 = vector.shape_cast %select_n3A_435 : vector<64x2x512xf32> to vector<8x2x4x2x512xf32>
      %slice3A_451 = vector.extract_strided_slice %reshape3A_449 {offsets = [0, 0, 0, 0, 0], sizes = [8, 1, 4, 2, 512], strides = [1, 1, 1, 1, 1]} : vector<8x2x4x2x512xf32> to vector<8x1x4x2x512xf32>
      %slice3A_452 = vector.extract_strided_slice %reshape3A_450 {offsets = [0, 1, 0, 0, 0], sizes = [8, 1, 4, 2, 512], strides = [1, 1, 1, 1, 1]} : vector<8x2x4x2x512xf32> to vector<8x1x4x2x512xf32>
      %concatenate3A_453 = tpu.concatenate %slice3A_451, %slice3A_452 in 1 : vector<8x1x4x2x512xf32>, vector<8x1x4x2x512xf32> -> vector<8x2x4x2x512xf32>
      %reshape3A_454 = vector.shape_cast %concatenate3A_453 : vector<8x2x4x2x512xf32> to vector<64x2x512xf32>
      %reshape3A_455 = vector.shape_cast %select_n3A_434 : vector<64x2x512xi32> to vector<8x2x4x2x512xi32>
      %reshape3A_456 = vector.shape_cast %select_n3A_436 : vector<64x2x512xi32> to vector<8x2x4x2x512xi32>
      %slice3A_457 = vector.extract_strided_slice %reshape3A_455 {offsets = [0, 0, 0, 0, 0], sizes = [8, 1, 4, 2, 512], strides = [1, 1, 1, 1, 1]} : vector<8x2x4x2x512xi32> to vector<8x1x4x2x512xi32>
      %slice3A_458 = vector.extract_strided_slice %reshape3A_456 {offsets = [0, 1, 0, 0, 0], sizes = [8, 1, 4, 2, 512], strides = [1, 1, 1, 1, 1]} : vector<8x2x4x2x512xi32> to vector<8x1x4x2x512xi32>
      %concatenate3A_459 = tpu.concatenate %slice3A_457, %slice3A_458 in 1 : vector<8x1x4x2x512xi32>, vector<8x1x4x2x512xi32> -> vector<8x2x4x2x512xi32>
      %reshape3A_460 = vector.shape_cast %concatenate3A_459 : vector<8x2x4x2x512xi32> to vector<64x2x512xi32>
      %reshape3A_461 = vector.shape_cast %reshape3A_442 : vector<64x2x512xf32> to vector<64x1x2x512xf32>
      %reshape3A_462 = vector.shape_cast %reshape3A_454 : vector<64x2x512xf32> to vector<64x1x2x512xf32>
      %concatenate3A_463 = tpu.concatenate %reshape3A_461, %reshape3A_462 in 1 : vector<64x1x2x512xf32>, vector<64x1x2x512xf32> -> vector<64x2x2x512xf32>
      %reshape3A_464 = vector.shape_cast %concatenate3A_463 : vector<64x2x2x512xf32> to vector<256x512xf32>
      %reshape3A_465 = vector.shape_cast %reshape3A_448 : vector<64x2x512xi32> to vector<64x1x2x512xi32>
      %reshape3A_466 = vector.shape_cast %reshape3A_460 : vector<64x2x512xi32> to vector<64x1x2x512xi32>
      %concatenate3A_467 = tpu.concatenate %reshape3A_465, %reshape3A_466 in 1 : vector<64x1x2x512xi32>, vector<64x1x2x512xi32> -> vector<64x2x2x512xi32>
      %reshape3A_468 = vector.shape_cast %concatenate3A_467 : vector<64x2x2x512xi32> to vector<256x512xi32>
      %reshape3A_469 = vector.shape_cast %reshape3A_464 : vector<256x512xf32> to vector<128x2x1x512xf32>
      %reshape3A_470 = vector.shape_cast %reshape3A_468 : vector<256x512xi32> to vector<128x2x1x512xi32>
      %slice3A_471 = vector.extract_strided_slice %reshape3A_469 {offsets = [0, 0, 0, 0], sizes = [128, 1, 1, 512], strides = [1, 1, 1, 1]} : vector<128x2x1x512xf32> to vector<128x1x1x512xf32>
      %squeeze3A_472 = vector.shape_cast %slice3A_471 : vector<128x1x1x512xf32> to vector<128x1x512xf32>
      %slice3A_473 = vector.extract_strided_slice %reshape3A_469 {offsets = [0, 1, 0, 0], sizes = [128, 1, 1, 512], strides = [1, 1, 1, 1]} : vector<128x2x1x512xf32> to vector<128x1x1x512xf32>
      %squeeze3A_474 = vector.shape_cast %slice3A_473 : vector<128x1x1x512xf32> to vector<128x1x512xf32>
      %slice3A_475 = vector.extract_strided_slice %reshape3A_470 {offsets = [0, 0, 0, 0], sizes = [128, 1, 1, 512], strides = [1, 1, 1, 1]} : vector<128x2x1x512xi32> to vector<128x1x1x512xi32>
      %squeeze3A_476 = vector.shape_cast %slice3A_475 : vector<128x1x1x512xi32> to vector<128x1x512xi32>
      %slice3A_477 = vector.extract_strided_slice %reshape3A_470 {offsets = [0, 1, 0, 0], sizes = [128, 1, 1, 512], strides = [1, 1, 1, 1]} : vector<128x2x1x512xi32> to vector<128x1x1x512xi32>
      %squeeze3A_478 = vector.shape_cast %slice3A_477 : vector<128x1x1x512xi32> to vector<128x1x512xi32>
      %lt3A_479 = arith.cmpf olt, %squeeze3A_474, %squeeze3A_472 : vector<128x1x512xf32>
      %eq3A_480 = arith.cmpf oeq, %squeeze3A_474, %squeeze3A_472 : vector<128x1x512xf32>
      %lt3A_481 = arith.cmpi slt, %squeeze3A_478, %squeeze3A_476 : vector<128x1x512xi32>
      %and3A_482 = arith.andi %eq3A_480, %lt3A_481 : vector<128x1x512xi1>
      %or3A_483 = arith.ori %lt3A_479, %and3A_482 : vector<128x1x512xi1>
      %select_n3A_484 = arith.select %or3A_483, %squeeze3A_474, %squeeze3A_472 : vector<128x1x512xi1>, vector<128x1x512xf32>
      %select_n3A_485 = arith.select %or3A_483, %squeeze3A_478, %squeeze3A_476 : vector<128x1x512xi1>, vector<128x1x512xi32>
      %select_n3A_486 = arith.select %or3A_483, %squeeze3A_472, %squeeze3A_474 : vector<128x1x512xi1>, vector<128x1x512xf32>
      %select_n3A_487 = arith.select %or3A_483, %squeeze3A_476, %squeeze3A_478 : vector<128x1x512xi1>, vector<128x1x512xi32>
      %reshape3A_488 = vector.shape_cast %select_n3A_486 : vector<128x1x512xf32> to vector<8x2x8x1x512xf32>
      %reshape3A_489 = vector.shape_cast %select_n3A_484 : vector<128x1x512xf32> to vector<8x2x8x1x512xf32>
      %slice3A_490 = vector.extract_strided_slice %reshape3A_488 {offsets = [0, 0, 0, 0, 0], sizes = [8, 1, 8, 1, 512], strides = [1, 1, 1, 1, 1]} : vector<8x2x8x1x512xf32> to vector<8x1x8x1x512xf32>
      %slice3A_491 = vector.extract_strided_slice %reshape3A_489 {offsets = [0, 1, 0, 0, 0], sizes = [8, 1, 8, 1, 512], strides = [1, 1, 1, 1, 1]} : vector<8x2x8x1x512xf32> to vector<8x1x8x1x512xf32>
      %concatenate3A_492 = tpu.concatenate %slice3A_490, %slice3A_491 in 1 : vector<8x1x8x1x512xf32>, vector<8x1x8x1x512xf32> -> vector<8x2x8x1x512xf32>
      %reshape3A_493 = vector.shape_cast %concatenate3A_492 : vector<8x2x8x1x512xf32> to vector<128x1x512xf32>
      %reshape3A_494 = vector.shape_cast %select_n3A_487 : vector<128x1x512xi32> to vector<8x2x8x1x512xi32>
      %reshape3A_495 = vector.shape_cast %select_n3A_485 : vector<128x1x512xi32> to vector<8x2x8x1x512xi32>
      %slice3A_496 = vector.extract_strided_slice %reshape3A_494 {offsets = [0, 0, 0, 0, 0], sizes = [8, 1, 8, 1, 512], strides = [1, 1, 1, 1, 1]} : vector<8x2x8x1x512xi32> to vector<8x1x8x1x512xi32>
      %slice3A_497 = vector.extract_strided_slice %reshape3A_495 {offsets = [0, 1, 0, 0, 0], sizes = [8, 1, 8, 1, 512], strides = [1, 1, 1, 1, 1]} : vector<8x2x8x1x512xi32> to vector<8x1x8x1x512xi32>
      %concatenate3A_498 = tpu.concatenate %slice3A_496, %slice3A_497 in 1 : vector<8x1x8x1x512xi32>, vector<8x1x8x1x512xi32> -> vector<8x2x8x1x512xi32>
      %reshape3A_499 = vector.shape_cast %concatenate3A_498 : vector<8x2x8x1x512xi32> to vector<128x1x512xi32>
      %reshape3A_500 = vector.shape_cast %select_n3A_484 : vector<128x1x512xf32> to vector<8x2x8x1x512xf32>
      %reshape3A_501 = vector.shape_cast %select_n3A_486 : vector<128x1x512xf32> to vector<8x2x8x1x512xf32>
      %slice3A_502 = vector.extract_strided_slice %reshape3A_500 {offsets = [0, 0, 0, 0, 0], sizes = [8, 1, 8, 1, 512], strides = [1, 1, 1, 1, 1]} : vector<8x2x8x1x512xf32> to vector<8x1x8x1x512xf32>
      %slice3A_503 = vector.extract_strided_slice %reshape3A_501 {offsets = [0, 1, 0, 0, 0], sizes = [8, 1, 8, 1, 512], strides = [1, 1, 1, 1, 1]} : vector<8x2x8x1x512xf32> to vector<8x1x8x1x512xf32>
      %concatenate3A_504 = tpu.concatenate %slice3A_502, %slice3A_503 in 1 : vector<8x1x8x1x512xf32>, vector<8x1x8x1x512xf32> -> vector<8x2x8x1x512xf32>
      %reshape3A_505 = vector.shape_cast %concatenate3A_504 : vector<8x2x8x1x512xf32> to vector<128x1x512xf32>
      %reshape3A_506 = vector.shape_cast %select_n3A_485 : vector<128x1x512xi32> to vector<8x2x8x1x512xi32>
      %reshape3A_507 = vector.shape_cast %select_n3A_487 : vector<128x1x512xi32> to vector<8x2x8x1x512xi32>
      %slice3A_508 = vector.extract_strided_slice %reshape3A_506 {offsets = [0, 0, 0, 0, 0], sizes = [8, 1, 8, 1, 512], strides = [1, 1, 1, 1, 1]} : vector<8x2x8x1x512xi32> to vector<8x1x8x1x512xi32>
      %slice3A_509 = vector.extract_strided_slice %reshape3A_507 {offsets = [0, 1, 0, 0, 0], sizes = [8, 1, 8, 1, 512], strides = [1, 1, 1, 1, 1]} : vector<8x2x8x1x512xi32> to vector<8x1x8x1x512xi32>
      %concatenate3A_510 = tpu.concatenate %slice3A_508, %slice3A_509 in 1 : vector<8x1x8x1x512xi32>, vector<8x1x8x1x512xi32> -> vector<8x2x8x1x512xi32>
      %reshape3A_511 = vector.shape_cast %concatenate3A_510 : vector<8x2x8x1x512xi32> to vector<128x1x512xi32>
      %reshape3A_512 = vector.shape_cast %reshape3A_493 : vector<128x1x512xf32> to vector<128x1x1x512xf32>
      %reshape3A_513 = vector.shape_cast %reshape3A_505 : vector<128x1x512xf32> to vector<128x1x1x512xf32>
      %concatenate3A_514 = tpu.concatenate %reshape3A_512, %reshape3A_513 in 1 : vector<128x1x1x512xf32>, vector<128x1x1x512xf32> -> vector<128x2x1x512xf32>
      %reshape3A_515 = vector.shape_cast %concatenate3A_514 : vector<128x2x1x512xf32> to vector<256x512xf32>
      %reshape3A_516 = vector.shape_cast %reshape3A_499 : vector<128x1x512xi32> to vector<128x1x1x512xi32>
      %reshape3A_517 = vector.shape_cast %reshape3A_511 : vector<128x1x512xi32> to vector<128x1x1x512xi32>
      %concatenate3A_518 = tpu.concatenate %reshape3A_516, %reshape3A_517 in 1 : vector<128x1x1x512xi32>, vector<128x1x1x512xi32> -> vector<128x2x1x512xi32>
      %reshape3A_519 = vector.shape_cast %concatenate3A_518 : vector<128x2x1x512xi32> to vector<256x512xi32>
      %reshape3A_520 = vector.shape_cast %reshape3A_515 : vector<256x512xf32> to vector<8x2x16x512xf32>
      %reshape3A_521 = vector.shape_cast %reshape3A_519 : vector<256x512xi32> to vector<8x2x16x512xi32>
      %slice3A_522 = vector.extract_strided_slice %reshape3A_520 {offsets = [0, 0, 0, 0], sizes = [8, 1, 16, 512], strides = [1, 1, 1, 1]} : vector<8x2x16x512xf32> to vector<8x1x16x512xf32>
      %squeeze3A_523 = vector.shape_cast %slice3A_522 : vector<8x1x16x512xf32> to vector<8x16x512xf32>
      %slice3A_524 = vector.extract_strided_slice %reshape3A_520 {offsets = [0, 1, 0, 0], sizes = [8, 1, 16, 512], strides = [1, 1, 1, 1]} : vector<8x2x16x512xf32> to vector<8x1x16x512xf32>
      %squeeze3A_525 = vector.shape_cast %slice3A_524 : vector<8x1x16x512xf32> to vector<8x16x512xf32>
      %slice3A_526 = vector.extract_strided_slice %reshape3A_521 {offsets = [0, 0, 0, 0], sizes = [8, 1, 16, 512], strides = [1, 1, 1, 1]} : vector<8x2x16x512xi32> to vector<8x1x16x512xi32>
      %squeeze3A_527 = vector.shape_cast %slice3A_526 : vector<8x1x16x512xi32> to vector<8x16x512xi32>
      %slice3A_528 = vector.extract_strided_slice %reshape3A_521 {offsets = [0, 1, 0, 0], sizes = [8, 1, 16, 512], strides = [1, 1, 1, 1]} : vector<8x2x16x512xi32> to vector<8x1x16x512xi32>
      %squeeze3A_529 = vector.shape_cast %slice3A_528 : vector<8x1x16x512xi32> to vector<8x16x512xi32>
      %lt3A_530 = arith.cmpf olt, %squeeze3A_525, %squeeze3A_523 : vector<8x16x512xf32>
      %eq3A_531 = arith.cmpf oeq, %squeeze3A_525, %squeeze3A_523 : vector<8x16x512xf32>
      %lt3A_532 = arith.cmpi slt, %squeeze3A_529, %squeeze3A_527 : vector<8x16x512xi32>
      %and3A_533 = arith.andi %eq3A_531, %lt3A_532 : vector<8x16x512xi1>
      %or3A_534 = arith.ori %lt3A_530, %and3A_533 : vector<8x16x512xi1>
      %select_n3A_535 = arith.select %or3A_534, %squeeze3A_525, %squeeze3A_523 : vector<8x16x512xi1>, vector<8x16x512xf32>
      %select_n3A_536 = arith.select %or3A_534, %squeeze3A_529, %squeeze3A_527 : vector<8x16x512xi1>, vector<8x16x512xi32>
      %select_n3A_537 = arith.select %or3A_534, %squeeze3A_523, %squeeze3A_525 : vector<8x16x512xi1>, vector<8x16x512xf32>
      %select_n3A_538 = arith.select %or3A_534, %squeeze3A_527, %squeeze3A_529 : vector<8x16x512xi1>, vector<8x16x512xi32>
      %reshape3A_539 = vector.shape_cast %select_n3A_537 : vector<8x16x512xf32> to vector<4x2x1x16x512xf32>
      %reshape3A_540 = vector.shape_cast %select_n3A_535 : vector<8x16x512xf32> to vector<4x2x1x16x512xf32>
      %slice3A_541 = vector.extract_strided_slice %reshape3A_539 {offsets = [0, 0, 0, 0, 0], sizes = [4, 1, 1, 16, 512], strides = [1, 1, 1, 1, 1]} : vector<4x2x1x16x512xf32> to vector<4x1x1x16x512xf32>
      %slice3A_542 = vector.extract_strided_slice %reshape3A_540 {offsets = [0, 1, 0, 0, 0], sizes = [4, 1, 1, 16, 512], strides = [1, 1, 1, 1, 1]} : vector<4x2x1x16x512xf32> to vector<4x1x1x16x512xf32>
      %concatenate3A_543 = tpu.concatenate %slice3A_541, %slice3A_542 in 1 : vector<4x1x1x16x512xf32>, vector<4x1x1x16x512xf32> -> vector<4x2x1x16x512xf32>
      %reshape3A_544 = vector.shape_cast %concatenate3A_543 : vector<4x2x1x16x512xf32> to vector<8x16x512xf32>
      %reshape3A_545 = vector.shape_cast %select_n3A_538 : vector<8x16x512xi32> to vector<4x2x1x16x512xi32>
      %reshape3A_546 = vector.shape_cast %select_n3A_536 : vector<8x16x512xi32> to vector<4x2x1x16x512xi32>
      %slice3A_547 = vector.extract_strided_slice %reshape3A_545 {offsets = [0, 0, 0, 0, 0], sizes = [4, 1, 1, 16, 512], strides = [1, 1, 1, 1, 1]} : vector<4x2x1x16x512xi32> to vector<4x1x1x16x512xi32>
      %slice3A_548 = vector.extract_strided_slice %reshape3A_546 {offsets = [0, 1, 0, 0, 0], sizes = [4, 1, 1, 16, 512], strides = [1, 1, 1, 1, 1]} : vector<4x2x1x16x512xi32> to vector<4x1x1x16x512xi32>
      %concatenate3A_549 = tpu.concatenate %slice3A_547, %slice3A_548 in 1 : vector<4x1x1x16x512xi32>, vector<4x1x1x16x512xi32> -> vector<4x2x1x16x512xi32>
      %reshape3A_550 = vector.shape_cast %concatenate3A_549 : vector<4x2x1x16x512xi32> to vector<8x16x512xi32>
      %reshape3A_551 = vector.shape_cast %select_n3A_535 : vector<8x16x512xf32> to vector<4x2x1x16x512xf32>
      %reshape3A_552 = vector.shape_cast %select_n3A_537 : vector<8x16x512xf32> to vector<4x2x1x16x512xf32>
      %slice3A_553 = vector.extract_strided_slice %reshape3A_551 {offsets = [0, 0, 0, 0, 0], sizes = [4, 1, 1, 16, 512], strides = [1, 1, 1, 1, 1]} : vector<4x2x1x16x512xf32> to vector<4x1x1x16x512xf32>
      %slice3A_554 = vector.extract_strided_slice %reshape3A_552 {offsets = [0, 1, 0, 0, 0], sizes = [4, 1, 1, 16, 512], strides = [1, 1, 1, 1, 1]} : vector<4x2x1x16x512xf32> to vector<4x1x1x16x512xf32>
      %concatenate3A_555 = tpu.concatenate %slice3A_553, %slice3A_554 in 1 : vector<4x1x1x16x512xf32>, vector<4x1x1x16x512xf32> -> vector<4x2x1x16x512xf32>
      %reshape3A_556 = vector.shape_cast %concatenate3A_555 : vector<4x2x1x16x512xf32> to vector<8x16x512xf32>
      %reshape3A_557 = vector.shape_cast %select_n3A_536 : vector<8x16x512xi32> to vector<4x2x1x16x512xi32>
      %reshape3A_558 = vector.shape_cast %select_n3A_538 : vector<8x16x512xi32> to vector<4x2x1x16x512xi32>
      %slice3A_559 = vector.extract_strided_slice %reshape3A_557 {offsets = [0, 0, 0, 0, 0], sizes = [4, 1, 1, 16, 512], strides = [1, 1, 1, 1, 1]} : vector<4x2x1x16x512xi32> to vector<4x1x1x16x512xi32>
      %slice3A_560 = vector.extract_strided_slice %reshape3A_558 {offsets = [0, 1, 0, 0, 0], sizes = [4, 1, 1, 16, 512], strides = [1, 1, 1, 1, 1]} : vector<4x2x1x16x512xi32> to vector<4x1x1x16x512xi32>
      %concatenate3A_561 = tpu.concatenate %slice3A_559, %slice3A_560 in 1 : vector<4x1x1x16x512xi32>, vector<4x1x1x16x512xi32> -> vector<4x2x1x16x512xi32>
      %reshape3A_562 = vector.shape_cast %concatenate3A_561 : vector<4x2x1x16x512xi32> to vector<8x16x512xi32>
      %reshape3A_563 = vector.shape_cast %reshape3A_544 : vector<8x16x512xf32> to vector<8x1x16x512xf32>
      %reshape3A_564 = vector.shape_cast %reshape3A_556 : vector<8x16x512xf32> to vector<8x1x16x512xf32>
      %concatenate3A_565 = tpu.concatenate %reshape3A_563, %reshape3A_564 in 1 : vector<8x1x16x512xf32>, vector<8x1x16x512xf32> -> vector<8x2x16x512xf32>
      %reshape3A_566 = vector.shape_cast %concatenate3A_565 : vector<8x2x16x512xf32> to vector<256x512xf32>
      %reshape3A_567 = vector.shape_cast %reshape3A_550 : vector<8x16x512xi32> to vector<8x1x16x512xi32>
      %reshape3A_568 = vector.shape_cast %reshape3A_562 : vector<8x16x512xi32> to vector<8x1x16x512xi32>
      %concatenate3A_569 = tpu.concatenate %reshape3A_567, %reshape3A_568 in 1 : vector<8x1x16x512xi32>, vector<8x1x16x512xi32> -> vector<8x2x16x512xi32>
      %reshape3A_570 = vector.shape_cast %concatenate3A_569 : vector<8x2x16x512xi32> to vector<256x512xi32>
      %reshape3A_571 = vector.shape_cast %reshape3A_566 : vector<256x512xf32> to vector<16x2x8x512xf32>
      %reshape3A_572 = vector.shape_cast %reshape3A_570 : vector<256x512xi32> to vector<16x2x8x512xi32>
      %slice3A_573 = vector.extract_strided_slice %reshape3A_571 {offsets = [0, 0, 0, 0], sizes = [16, 1, 8, 512], strides = [1, 1, 1, 1]} : vector<16x2x8x512xf32> to vector<16x1x8x512xf32>
      %squeeze3A_574 = vector.shape_cast %slice3A_573 : vector<16x1x8x512xf32> to vector<16x8x512xf32>
      %slice3A_575 = vector.extract_strided_slice %reshape3A_571 {offsets = [0, 1, 0, 0], sizes = [16, 1, 8, 512], strides = [1, 1, 1, 1]} : vector<16x2x8x512xf32> to vector<16x1x8x512xf32>
      %squeeze3A_576 = vector.shape_cast %slice3A_575 : vector<16x1x8x512xf32> to vector<16x8x512xf32>
      %slice3A_577 = vector.extract_strided_slice %reshape3A_572 {offsets = [0, 0, 0, 0], sizes = [16, 1, 8, 512], strides = [1, 1, 1, 1]} : vector<16x2x8x512xi32> to vector<16x1x8x512xi32>
      %squeeze3A_578 = vector.shape_cast %slice3A_577 : vector<16x1x8x512xi32> to vector<16x8x512xi32>
      %slice3A_579 = vector.extract_strided_slice %reshape3A_572 {offsets = [0, 1, 0, 0], sizes = [16, 1, 8, 512], strides = [1, 1, 1, 1]} : vector<16x2x8x512xi32> to vector<16x1x8x512xi32>
      %squeeze3A_580 = vector.shape_cast %slice3A_579 : vector<16x1x8x512xi32> to vector<16x8x512xi32>
      %lt3A_581 = arith.cmpf olt, %squeeze3A_576, %squeeze3A_574 : vector<16x8x512xf32>
      %eq3A_582 = arith.cmpf oeq, %squeeze3A_576, %squeeze3A_574 : vector<16x8x512xf32>
      %lt3A_583 = arith.cmpi slt, %squeeze3A_580, %squeeze3A_578 : vector<16x8x512xi32>
      %and3A_584 = arith.andi %eq3A_582, %lt3A_583 : vector<16x8x512xi1>
      %or3A_585 = arith.ori %lt3A_581, %and3A_584 : vector<16x8x512xi1>
      %select_n3A_586 = arith.select %or3A_585, %squeeze3A_576, %squeeze3A_574 : vector<16x8x512xi1>, vector<16x8x512xf32>
      %select_n3A_587 = arith.select %or3A_585, %squeeze3A_580, %squeeze3A_578 : vector<16x8x512xi1>, vector<16x8x512xi32>
      %select_n3A_588 = arith.select %or3A_585, %squeeze3A_574, %squeeze3A_576 : vector<16x8x512xi1>, vector<16x8x512xf32>
      %select_n3A_589 = arith.select %or3A_585, %squeeze3A_578, %squeeze3A_580 : vector<16x8x512xi1>, vector<16x8x512xi32>
      %reshape3A_590 = vector.shape_cast %select_n3A_588 : vector<16x8x512xf32> to vector<4x2x2x8x512xf32>
      %reshape3A_591 = vector.shape_cast %select_n3A_586 : vector<16x8x512xf32> to vector<4x2x2x8x512xf32>
      %slice3A_592 = vector.extract_strided_slice %reshape3A_590 {offsets = [0, 0, 0, 0, 0], sizes = [4, 1, 2, 8, 512], strides = [1, 1, 1, 1, 1]} : vector<4x2x2x8x512xf32> to vector<4x1x2x8x512xf32>
      %slice3A_593 = vector.extract_strided_slice %reshape3A_591 {offsets = [0, 1, 0, 0, 0], sizes = [4, 1, 2, 8, 512], strides = [1, 1, 1, 1, 1]} : vector<4x2x2x8x512xf32> to vector<4x1x2x8x512xf32>
      %concatenate3A_594 = tpu.concatenate %slice3A_592, %slice3A_593 in 1 : vector<4x1x2x8x512xf32>, vector<4x1x2x8x512xf32> -> vector<4x2x2x8x512xf32>
      %reshape3A_595 = vector.shape_cast %concatenate3A_594 : vector<4x2x2x8x512xf32> to vector<16x8x512xf32>
      %reshape3A_596 = vector.shape_cast %select_n3A_589 : vector<16x8x512xi32> to vector<4x2x2x8x512xi32>
      %reshape3A_597 = vector.shape_cast %select_n3A_587 : vector<16x8x512xi32> to vector<4x2x2x8x512xi32>
      %slice3A_598 = vector.extract_strided_slice %reshape3A_596 {offsets = [0, 0, 0, 0, 0], sizes = [4, 1, 2, 8, 512], strides = [1, 1, 1, 1, 1]} : vector<4x2x2x8x512xi32> to vector<4x1x2x8x512xi32>
      %slice3A_599 = vector.extract_strided_slice %reshape3A_597 {offsets = [0, 1, 0, 0, 0], sizes = [4, 1, 2, 8, 512], strides = [1, 1, 1, 1, 1]} : vector<4x2x2x8x512xi32> to vector<4x1x2x8x512xi32>
      %concatenate3A_600 = tpu.concatenate %slice3A_598, %slice3A_599 in 1 : vector<4x1x2x8x512xi32>, vector<4x1x2x8x512xi32> -> vector<4x2x2x8x512xi32>
      %reshape3A_601 = vector.shape_cast %concatenate3A_600 : vector<4x2x2x8x512xi32> to vector<16x8x512xi32>
      %reshape3A_602 = vector.shape_cast %select_n3A_586 : vector<16x8x512xf32> to vector<4x2x2x8x512xf32>
      %reshape3A_603 = vector.shape_cast %select_n3A_588 : vector<16x8x512xf32> to vector<4x2x2x8x512xf32>
      %slice3A_604 = vector.extract_strided_slice %reshape3A_602 {offsets = [0, 0, 0, 0, 0], sizes = [4, 1, 2, 8, 512], strides = [1, 1, 1, 1, 1]} : vector<4x2x2x8x512xf32> to vector<4x1x2x8x512xf32>
      %slice3A_605 = vector.extract_strided_slice %reshape3A_603 {offsets = [0, 1, 0, 0, 0], sizes = [4, 1, 2, 8, 512], strides = [1, 1, 1, 1, 1]} : vector<4x2x2x8x512xf32> to vector<4x1x2x8x512xf32>
      %concatenate3A_606 = tpu.concatenate %slice3A_604, %slice3A_605 in 1 : vector<4x1x2x8x512xf32>, vector<4x1x2x8x512xf32> -> vector<4x2x2x8x512xf32>
      %reshape3A_607 = vector.shape_cast %concatenate3A_606 : vector<4x2x2x8x512xf32> to vector<16x8x512xf32>
      %reshape3A_608 = vector.shape_cast %select_n3A_587 : vector<16x8x512xi32> to vector<4x2x2x8x512xi32>
      %reshape3A_609 = vector.shape_cast %select_n3A_589 : vector<16x8x512xi32> to vector<4x2x2x8x512xi32>
      %slice3A_610 = vector.extract_strided_slice %reshape3A_608 {offsets = [0, 0, 0, 0, 0], sizes = [4, 1, 2, 8, 512], strides = [1, 1, 1, 1, 1]} : vector<4x2x2x8x512xi32> to vector<4x1x2x8x512xi32>
      %slice3A_611 = vector.extract_strided_slice %reshape3A_609 {offsets = [0, 1, 0, 0, 0], sizes = [4, 1, 2, 8, 512], strides = [1, 1, 1, 1, 1]} : vector<4x2x2x8x512xi32> to vector<4x1x2x8x512xi32>
      %concatenate3A_612 = tpu.concatenate %slice3A_610, %slice3A_611 in 1 : vector<4x1x2x8x512xi32>, vector<4x1x2x8x512xi32> -> vector<4x2x2x8x512xi32>
      %reshape3A_613 = vector.shape_cast %concatenate3A_612 : vector<4x2x2x8x512xi32> to vector<16x8x512xi32>
      %reshape3A_614 = vector.shape_cast %reshape3A_595 : vector<16x8x512xf32> to vector<16x1x8x512xf32>
      %reshape3A_615 = vector.shape_cast %reshape3A_607 : vector<16x8x512xf32> to vector<16x1x8x512xf32>
      %concatenate3A_616 = tpu.concatenate %reshape3A_614, %reshape3A_615 in 1 : vector<16x1x8x512xf32>, vector<16x1x8x512xf32> -> vector<16x2x8x512xf32>
      %reshape3A_617 = vector.shape_cast %concatenate3A_616 : vector<16x2x8x512xf32> to vector<256x512xf32>
      %reshape3A_618 = vector.shape_cast %reshape3A_601 : vector<16x8x512xi32> to vector<16x1x8x512xi32>
      %reshape3A_619 = vector.shape_cast %reshape3A_613 : vector<16x8x512xi32> to vector<16x1x8x512xi32>
      %concatenate3A_620 = tpu.concatenate %reshape3A_618, %reshape3A_619 in 1 : vector<16x1x8x512xi32>, vector<16x1x8x512xi32> -> vector<16x2x8x512xi32>
      %reshape3A_621 = vector.shape_cast %concatenate3A_620 : vector<16x2x8x512xi32> to vector<256x512xi32>
      %reshape3A_622 = vector.shape_cast %reshape3A_617 : vector<256x512xf32> to vector<32x2x4x512xf32>
      %reshape3A_623 = vector.shape_cast %reshape3A_621 : vector<256x512xi32> to vector<32x2x4x512xi32>
      %slice3A_624 = vector.extract_strided_slice %reshape3A_622 {offsets = [0, 0, 0, 0], sizes = [32, 1, 4, 512], strides = [1, 1, 1, 1]} : vector<32x2x4x512xf32> to vector<32x1x4x512xf32>
      %squeeze3A_625 = vector.shape_cast %slice3A_624 : vector<32x1x4x512xf32> to vector<32x4x512xf32>
      %slice3A_626 = vector.extract_strided_slice %reshape3A_622 {offsets = [0, 1, 0, 0], sizes = [32, 1, 4, 512], strides = [1, 1, 1, 1]} : vector<32x2x4x512xf32> to vector<32x1x4x512xf32>
      %squeeze3A_627 = vector.shape_cast %slice3A_626 : vector<32x1x4x512xf32> to vector<32x4x512xf32>
      %slice3A_628 = vector.extract_strided_slice %reshape3A_623 {offsets = [0, 0, 0, 0], sizes = [32, 1, 4, 512], strides = [1, 1, 1, 1]} : vector<32x2x4x512xi32> to vector<32x1x4x512xi32>
      %squeeze3A_629 = vector.shape_cast %slice3A_628 : vector<32x1x4x512xi32> to vector<32x4x512xi32>
      %slice3A_630 = vector.extract_strided_slice %reshape3A_623 {offsets = [0, 1, 0, 0], sizes = [32, 1, 4, 512], strides = [1, 1, 1, 1]} : vector<32x2x4x512xi32> to vector<32x1x4x512xi32>
      %squeeze3A_631 = vector.shape_cast %slice3A_630 : vector<32x1x4x512xi32> to vector<32x4x512xi32>
      %lt3A_632 = arith.cmpf olt, %squeeze3A_627, %squeeze3A_625 : vector<32x4x512xf32>
      %eq3A_633 = arith.cmpf oeq, %squeeze3A_627, %squeeze3A_625 : vector<32x4x512xf32>
      %lt3A_634 = arith.cmpi slt, %squeeze3A_631, %squeeze3A_629 : vector<32x4x512xi32>
      %and3A_635 = arith.andi %eq3A_633, %lt3A_634 : vector<32x4x512xi1>
      %or3A_636 = arith.ori %lt3A_632, %and3A_635 : vector<32x4x512xi1>
      %select_n3A_637 = arith.select %or3A_636, %squeeze3A_627, %squeeze3A_625 : vector<32x4x512xi1>, vector<32x4x512xf32>
      %select_n3A_638 = arith.select %or3A_636, %squeeze3A_631, %squeeze3A_629 : vector<32x4x512xi1>, vector<32x4x512xi32>
      %select_n3A_639 = arith.select %or3A_636, %squeeze3A_625, %squeeze3A_627 : vector<32x4x512xi1>, vector<32x4x512xf32>
      %select_n3A_640 = arith.select %or3A_636, %squeeze3A_629, %squeeze3A_631 : vector<32x4x512xi1>, vector<32x4x512xi32>
      %reshape3A_641 = vector.shape_cast %select_n3A_639 : vector<32x4x512xf32> to vector<4x2x4x4x512xf32>
      %reshape3A_642 = vector.shape_cast %select_n3A_637 : vector<32x4x512xf32> to vector<4x2x4x4x512xf32>
      %slice3A_643 = vector.extract_strided_slice %reshape3A_641 {offsets = [0, 0, 0, 0, 0], sizes = [4, 1, 4, 4, 512], strides = [1, 1, 1, 1, 1]} : vector<4x2x4x4x512xf32> to vector<4x1x4x4x512xf32>
      %slice3A_644 = vector.extract_strided_slice %reshape3A_642 {offsets = [0, 1, 0, 0, 0], sizes = [4, 1, 4, 4, 512], strides = [1, 1, 1, 1, 1]} : vector<4x2x4x4x512xf32> to vector<4x1x4x4x512xf32>
      %concatenate3A_645 = tpu.concatenate %slice3A_643, %slice3A_644 in 1 : vector<4x1x4x4x512xf32>, vector<4x1x4x4x512xf32> -> vector<4x2x4x4x512xf32>
      %reshape3A_646 = vector.shape_cast %concatenate3A_645 : vector<4x2x4x4x512xf32> to vector<32x4x512xf32>
      %reshape3A_647 = vector.shape_cast %select_n3A_640 : vector<32x4x512xi32> to vector<4x2x4x4x512xi32>
      %reshape3A_648 = vector.shape_cast %select_n3A_638 : vector<32x4x512xi32> to vector<4x2x4x4x512xi32>
      %slice3A_649 = vector.extract_strided_slice %reshape3A_647 {offsets = [0, 0, 0, 0, 0], sizes = [4, 1, 4, 4, 512], strides = [1, 1, 1, 1, 1]} : vector<4x2x4x4x512xi32> to vector<4x1x4x4x512xi32>
      %slice3A_650 = vector.extract_strided_slice %reshape3A_648 {offsets = [0, 1, 0, 0, 0], sizes = [4, 1, 4, 4, 512], strides = [1, 1, 1, 1, 1]} : vector<4x2x4x4x512xi32> to vector<4x1x4x4x512xi32>
      %concatenate3A_651 = tpu.concatenate %slice3A_649, %slice3A_650 in 1 : vector<4x1x4x4x512xi32>, vector<4x1x4x4x512xi32> -> vector<4x2x4x4x512xi32>
      %reshape3A_652 = vector.shape_cast %concatenate3A_651 : vector<4x2x4x4x512xi32> to vector<32x4x512xi32>
      %reshape3A_653 = vector.shape_cast %select_n3A_637 : vector<32x4x512xf32> to vector<4x2x4x4x512xf32>
      %reshape3A_654 = vector.shape_cast %select_n3A_639 : vector<32x4x512xf32> to vector<4x2x4x4x512xf32>
      %slice3A_655 = vector.extract_strided_slice %reshape3A_653 {offsets = [0, 0, 0, 0, 0], sizes = [4, 1, 4, 4, 512], strides = [1, 1, 1, 1, 1]} : vector<4x2x4x4x512xf32> to vector<4x1x4x4x512xf32>
      %slice3A_656 = vector.extract_strided_slice %reshape3A_654 {offsets = [0, 1, 0, 0, 0], sizes = [4, 1, 4, 4, 512], strides = [1, 1, 1, 1, 1]} : vector<4x2x4x4x512xf32> to vector<4x1x4x4x512xf32>
      %concatenate3A_657 = tpu.concatenate %slice3A_655, %slice3A_656 in 1 : vector<4x1x4x4x512xf32>, vector<4x1x4x4x512xf32> -> vector<4x2x4x4x512xf32>
      %reshape3A_658 = vector.shape_cast %concatenate3A_657 : vector<4x2x4x4x512xf32> to vector<32x4x512xf32>
      %reshape3A_659 = vector.shape_cast %select_n3A_638 : vector<32x4x512xi32> to vector<4x2x4x4x512xi32>
      %reshape3A_660 = vector.shape_cast %select_n3A_640 : vector<32x4x512xi32> to vector<4x2x4x4x512xi32>
      %slice3A_661 = vector.extract_strided_slice %reshape3A_659 {offsets = [0, 0, 0, 0, 0], sizes = [4, 1, 4, 4, 512], strides = [1, 1, 1, 1, 1]} : vector<4x2x4x4x512xi32> to vector<4x1x4x4x512xi32>
      %slice3A_662 = vector.extract_strided_slice %reshape3A_660 {offsets = [0, 1, 0, 0, 0], sizes = [4, 1, 4, 4, 512], strides = [1, 1, 1, 1, 1]} : vector<4x2x4x4x512xi32> to vector<4x1x4x4x512xi32>
      %concatenate3A_663 = tpu.concatenate %slice3A_661, %slice3A_662 in 1 : vector<4x1x4x4x512xi32>, vector<4x1x4x4x512xi32> -> vector<4x2x4x4x512xi32>
      %reshape3A_664 = vector.shape_cast %concatenate3A_663 : vector<4x2x4x4x512xi32> to vector<32x4x512xi32>
      %reshape3A_665 = vector.shape_cast %reshape3A_646 : vector<32x4x512xf32> to vector<32x1x4x512xf32>
      %reshape3A_666 = vector.shape_cast %reshape3A_658 : vector<32x4x512xf32> to vector<32x1x4x512xf32>
      %concatenate3A_667 = tpu.concatenate %reshape3A_665, %reshape3A_666 in 1 : vector<32x1x4x512xf32>, vector<32x1x4x512xf32> -> vector<32x2x4x512xf32>
      %reshape3A_668 = vector.shape_cast %concatenate3A_667 : vector<32x2x4x512xf32> to vector<256x512xf32>
      %reshape3A_669 = vector.shape_cast %reshape3A_652 : vector<32x4x512xi32> to vector<32x1x4x512xi32>
      %reshape3A_670 = vector.shape_cast %reshape3A_664 : vector<32x4x512xi32> to vector<32x1x4x512xi32>
      %concatenate3A_671 = tpu.concatenate %reshape3A_669, %reshape3A_670 in 1 : vector<32x1x4x512xi32>, vector<32x1x4x512xi32> -> vector<32x2x4x512xi32>
      %reshape3A_672 = vector.shape_cast %concatenate3A_671 : vector<32x2x4x512xi32> to vector<256x512xi32>
      %reshape3A_673 = vector.shape_cast %reshape3A_668 : vector<256x512xf32> to vector<64x2x2x512xf32>
      %reshape3A_674 = vector.shape_cast %reshape3A_672 : vector<256x512xi32> to vector<64x2x2x512xi32>
      %slice3A_675 = vector.extract_strided_slice %reshape3A_673 {offsets = [0, 0, 0, 0], sizes = [64, 1, 2, 512], strides = [1, 1, 1, 1]} : vector<64x2x2x512xf32> to vector<64x1x2x512xf32>
      %squeeze3A_676 = vector.shape_cast %slice3A_675 : vector<64x1x2x512xf32> to vector<64x2x512xf32>
      %slice3A_677 = vector.extract_strided_slice %reshape3A_673 {offsets = [0, 1, 0, 0], sizes = [64, 1, 2, 512], strides = [1, 1, 1, 1]} : vector<64x2x2x512xf32> to vector<64x1x2x512xf32>
      %squeeze3A_678 = vector.shape_cast %slice3A_677 : vector<64x1x2x512xf32> to vector<64x2x512xf32>
      %slice3A_679 = vector.extract_strided_slice %reshape3A_674 {offsets = [0, 0, 0, 0], sizes = [64, 1, 2, 512], strides = [1, 1, 1, 1]} : vector<64x2x2x512xi32> to vector<64x1x2x512xi32>
      %squeeze3A_680 = vector.shape_cast %slice3A_679 : vector<64x1x2x512xi32> to vector<64x2x512xi32>
      %slice3A_681 = vector.extract_strided_slice %reshape3A_674 {offsets = [0, 1, 0, 0], sizes = [64, 1, 2, 512], strides = [1, 1, 1, 1]} : vector<64x2x2x512xi32> to vector<64x1x2x512xi32>
      %squeeze3A_682 = vector.shape_cast %slice3A_681 : vector<64x1x2x512xi32> to vector<64x2x512xi32>
      %lt3A_683 = arith.cmpf olt, %squeeze3A_678, %squeeze3A_676 : vector<64x2x512xf32>
      %eq3A_684 = arith.cmpf oeq, %squeeze3A_678, %squeeze3A_676 : vector<64x2x512xf32>
      %lt3A_685 = arith.cmpi slt, %squeeze3A_682, %squeeze3A_680 : vector<64x2x512xi32>
      %and3A_686 = arith.andi %eq3A_684, %lt3A_685 : vector<64x2x512xi1>
      %or3A_687 = arith.ori %lt3A_683, %and3A_686 : vector<64x2x512xi1>
      %select_n3A_688 = arith.select %or3A_687, %squeeze3A_678, %squeeze3A_676 : vector<64x2x512xi1>, vector<64x2x512xf32>
      %select_n3A_689 = arith.select %or3A_687, %squeeze3A_682, %squeeze3A_680 : vector<64x2x512xi1>, vector<64x2x512xi32>
      %select_n3A_690 = arith.select %or3A_687, %squeeze3A_676, %squeeze3A_678 : vector<64x2x512xi1>, vector<64x2x512xf32>
      %select_n3A_691 = arith.select %or3A_687, %squeeze3A_680, %squeeze3A_682 : vector<64x2x512xi1>, vector<64x2x512xi32>
      %reshape3A_692 = vector.shape_cast %select_n3A_690 : vector<64x2x512xf32> to vector<4x2x8x2x512xf32>
      %reshape3A_693 = vector.shape_cast %select_n3A_688 : vector<64x2x512xf32> to vector<4x2x8x2x512xf32>
      %slice3A_694 = vector.extract_strided_slice %reshape3A_692 {offsets = [0, 0, 0, 0, 0], sizes = [4, 1, 8, 2, 512], strides = [1, 1, 1, 1, 1]} : vector<4x2x8x2x512xf32> to vector<4x1x8x2x512xf32>
      %slice3A_695 = vector.extract_strided_slice %reshape3A_693 {offsets = [0, 1, 0, 0, 0], sizes = [4, 1, 8, 2, 512], strides = [1, 1, 1, 1, 1]} : vector<4x2x8x2x512xf32> to vector<4x1x8x2x512xf32>
      %concatenate3A_696 = tpu.concatenate %slice3A_694, %slice3A_695 in 1 : vector<4x1x8x2x512xf32>, vector<4x1x8x2x512xf32> -> vector<4x2x8x2x512xf32>
      %reshape3A_697 = vector.shape_cast %concatenate3A_696 : vector<4x2x8x2x512xf32> to vector<64x2x512xf32>
      %reshape3A_698 = vector.shape_cast %select_n3A_691 : vector<64x2x512xi32> to vector<4x2x8x2x512xi32>
      %reshape3A_699 = vector.shape_cast %select_n3A_689 : vector<64x2x512xi32> to vector<4x2x8x2x512xi32>
      %slice3A_700 = vector.extract_strided_slice %reshape3A_698 {offsets = [0, 0, 0, 0, 0], sizes = [4, 1, 8, 2, 512], strides = [1, 1, 1, 1, 1]} : vector<4x2x8x2x512xi32> to vector<4x1x8x2x512xi32>
      %slice3A_701 = vector.extract_strided_slice %reshape3A_699 {offsets = [0, 1, 0, 0, 0], sizes = [4, 1, 8, 2, 512], strides = [1, 1, 1, 1, 1]} : vector<4x2x8x2x512xi32> to vector<4x1x8x2x512xi32>
      %concatenate3A_702 = tpu.concatenate %slice3A_700, %slice3A_701 in 1 : vector<4x1x8x2x512xi32>, vector<4x1x8x2x512xi32> -> vector<4x2x8x2x512xi32>
      %reshape3A_703 = vector.shape_cast %concatenate3A_702 : vector<4x2x8x2x512xi32> to vector<64x2x512xi32>
      %reshape3A_704 = vector.shape_cast %select_n3A_688 : vector<64x2x512xf32> to vector<4x2x8x2x512xf32>
      %reshape3A_705 = vector.shape_cast %select_n3A_690 : vector<64x2x512xf32> to vector<4x2x8x2x512xf32>
      %slice3A_706 = vector.extract_strided_slice %reshape3A_704 {offsets = [0, 0, 0, 0, 0], sizes = [4, 1, 8, 2, 512], strides = [1, 1, 1, 1, 1]} : vector<4x2x8x2x512xf32> to vector<4x1x8x2x512xf32>
      %slice3A_707 = vector.extract_strided_slice %reshape3A_705 {offsets = [0, 1, 0, 0, 0], sizes = [4, 1, 8, 2, 512], strides = [1, 1, 1, 1, 1]} : vector<4x2x8x2x512xf32> to vector<4x1x8x2x512xf32>
      %concatenate3A_708 = tpu.concatenate %slice3A_706, %slice3A_707 in 1 : vector<4x1x8x2x512xf32>, vector<4x1x8x2x512xf32> -> vector<4x2x8x2x512xf32>
      %reshape3A_709 = vector.shape_cast %concatenate3A_708 : vector<4x2x8x2x512xf32> to vector<64x2x512xf32>
      %reshape3A_710 = vector.shape_cast %select_n3A_689 : vector<64x2x512xi32> to vector<4x2x8x2x512xi32>
      %reshape3A_711 = vector.shape_cast %select_n3A_691 : vector<64x2x512xi32> to vector<4x2x8x2x512xi32>
      %slice3A_712 = vector.extract_strided_slice %reshape3A_710 {offsets = [0, 0, 0, 0, 0], sizes = [4, 1, 8, 2, 512], strides = [1, 1, 1, 1, 1]} : vector<4x2x8x2x512xi32> to vector<4x1x8x2x512xi32>
      %slice3A_713 = vector.extract_strided_slice %reshape3A_711 {offsets = [0, 1, 0, 0, 0], sizes = [4, 1, 8, 2, 512], strides = [1, 1, 1, 1, 1]} : vector<4x2x8x2x512xi32> to vector<4x1x8x2x512xi32>
      %concatenate3A_714 = tpu.concatenate %slice3A_712, %slice3A_713 in 1 : vector<4x1x8x2x512xi32>, vector<4x1x8x2x512xi32> -> vector<4x2x8x2x512xi32>
      %reshape3A_715 = vector.shape_cast %concatenate3A_714 : vector<4x2x8x2x512xi32> to vector<64x2x512xi32>
      %reshape3A_716 = vector.shape_cast %reshape3A_697 : vector<64x2x512xf32> to vector<64x1x2x512xf32>
      %reshape3A_717 = vector.shape_cast %reshape3A_709 : vector<64x2x512xf32> to vector<64x1x2x512xf32>
      %concatenate3A_718 = tpu.concatenate %reshape3A_716, %reshape3A_717 in 1 : vector<64x1x2x512xf32>, vector<64x1x2x512xf32> -> vector<64x2x2x512xf32>
      %reshape3A_719 = vector.shape_cast %concatenate3A_718 : vector<64x2x2x512xf32> to vector<256x512xf32>
      %reshape3A_720 = vector.shape_cast %reshape3A_703 : vector<64x2x512xi32> to vector<64x1x2x512xi32>
      %reshape3A_721 = vector.shape_cast %reshape3A_715 : vector<64x2x512xi32> to vector<64x1x2x512xi32>
      %concatenate3A_722 = tpu.concatenate %reshape3A_720, %reshape3A_721 in 1 : vector<64x1x2x512xi32>, vector<64x1x2x512xi32> -> vector<64x2x2x512xi32>
      %reshape3A_723 = vector.shape_cast %concatenate3A_722 : vector<64x2x2x512xi32> to vector<256x512xi32>
      %reshape3A_724 = vector.shape_cast %reshape3A_719 : vector<256x512xf32> to vector<128x2x1x512xf32>
      %reshape3A_725 = vector.shape_cast %reshape3A_723 : vector<256x512xi32> to vector<128x2x1x512xi32>
      %slice3A_726 = vector.extract_strided_slice %reshape3A_724 {offsets = [0, 0, 0, 0], sizes = [128, 1, 1, 512], strides = [1, 1, 1, 1]} : vector<128x2x1x512xf32> to vector<128x1x1x512xf32>
      %squeeze3A_727 = vector.shape_cast %slice3A_726 : vector<128x1x1x512xf32> to vector<128x1x512xf32>
      %slice3A_728 = vector.extract_strided_slice %reshape3A_724 {offsets = [0, 1, 0, 0], sizes = [128, 1, 1, 512], strides = [1, 1, 1, 1]} : vector<128x2x1x512xf32> to vector<128x1x1x512xf32>
      %squeeze3A_729 = vector.shape_cast %slice3A_728 : vector<128x1x1x512xf32> to vector<128x1x512xf32>
      %slice3A_730 = vector.extract_strided_slice %reshape3A_725 {offsets = [0, 0, 0, 0], sizes = [128, 1, 1, 512], strides = [1, 1, 1, 1]} : vector<128x2x1x512xi32> to vector<128x1x1x512xi32>
      %squeeze3A_731 = vector.shape_cast %slice3A_730 : vector<128x1x1x512xi32> to vector<128x1x512xi32>
      %slice3A_732 = vector.extract_strided_slice %reshape3A_725 {offsets = [0, 1, 0, 0], sizes = [128, 1, 1, 512], strides = [1, 1, 1, 1]} : vector<128x2x1x512xi32> to vector<128x1x1x512xi32>
      %squeeze3A_733 = vector.shape_cast %slice3A_732 : vector<128x1x1x512xi32> to vector<128x1x512xi32>
      %lt3A_734 = arith.cmpf olt, %squeeze3A_729, %squeeze3A_727 : vector<128x1x512xf32>
      %eq3A_735 = arith.cmpf oeq, %squeeze3A_729, %squeeze3A_727 : vector<128x1x512xf32>
      %lt3A_736 = arith.cmpi slt, %squeeze3A_733, %squeeze3A_731 : vector<128x1x512xi32>
      %and3A_737 = arith.andi %eq3A_735, %lt3A_736 : vector<128x1x512xi1>
      %or3A_738 = arith.ori %lt3A_734, %and3A_737 : vector<128x1x512xi1>
      %select_n3A_739 = arith.select %or3A_738, %squeeze3A_729, %squeeze3A_727 : vector<128x1x512xi1>, vector<128x1x512xf32>
      %select_n3A_740 = arith.select %or3A_738, %squeeze3A_733, %squeeze3A_731 : vector<128x1x512xi1>, vector<128x1x512xi32>
      %select_n3A_741 = arith.select %or3A_738, %squeeze3A_727, %squeeze3A_729 : vector<128x1x512xi1>, vector<128x1x512xf32>
      %select_n3A_742 = arith.select %or3A_738, %squeeze3A_731, %squeeze3A_733 : vector<128x1x512xi1>, vector<128x1x512xi32>
      %reshape3A_743 = vector.shape_cast %select_n3A_741 : vector<128x1x512xf32> to vector<4x2x16x1x512xf32>
      %reshape3A_744 = vector.shape_cast %select_n3A_739 : vector<128x1x512xf32> to vector<4x2x16x1x512xf32>
      %slice3A_745 = vector.extract_strided_slice %reshape3A_743 {offsets = [0, 0, 0, 0, 0], sizes = [4, 1, 16, 1, 512], strides = [1, 1, 1, 1, 1]} : vector<4x2x16x1x512xf32> to vector<4x1x16x1x512xf32>
      %slice3A_746 = vector.extract_strided_slice %reshape3A_744 {offsets = [0, 1, 0, 0, 0], sizes = [4, 1, 16, 1, 512], strides = [1, 1, 1, 1, 1]} : vector<4x2x16x1x512xf32> to vector<4x1x16x1x512xf32>
      %concatenate3A_747 = tpu.concatenate %slice3A_745, %slice3A_746 in 1 : vector<4x1x16x1x512xf32>, vector<4x1x16x1x512xf32> -> vector<4x2x16x1x512xf32>
      %reshape3A_748 = vector.shape_cast %concatenate3A_747 : vector<4x2x16x1x512xf32> to vector<128x1x512xf32>
      %reshape3A_749 = vector.shape_cast %select_n3A_742 : vector<128x1x512xi32> to vector<4x2x16x1x512xi32>
      %reshape3A_750 = vector.shape_cast %select_n3A_740 : vector<128x1x512xi32> to vector<4x2x16x1x512xi32>
      %slice3A_751 = vector.extract_strided_slice %reshape3A_749 {offsets = [0, 0, 0, 0, 0], sizes = [4, 1, 16, 1, 512], strides = [1, 1, 1, 1, 1]} : vector<4x2x16x1x512xi32> to vector<4x1x16x1x512xi32>
      %slice3A_752 = vector.extract_strided_slice %reshape3A_750 {offsets = [0, 1, 0, 0, 0], sizes = [4, 1, 16, 1, 512], strides = [1, 1, 1, 1, 1]} : vector<4x2x16x1x512xi32> to vector<4x1x16x1x512xi32>
      %concatenate3A_753 = tpu.concatenate %slice3A_751, %slice3A_752 in 1 : vector<4x1x16x1x512xi32>, vector<4x1x16x1x512xi32> -> vector<4x2x16x1x512xi32>
      %reshape3A_754 = vector.shape_cast %concatenate3A_753 : vector<4x2x16x1x512xi32> to vector<128x1x512xi32>
      %reshape3A_755 = vector.shape_cast %select_n3A_739 : vector<128x1x512xf32> to vector<4x2x16x1x512xf32>
      %reshape3A_756 = vector.shape_cast %select_n3A_741 : vector<128x1x512xf32> to vector<4x2x16x1x512xf32>
      %slice3A_757 = vector.extract_strided_slice %reshape3A_755 {offsets = [0, 0, 0, 0, 0], sizes = [4, 1, 16, 1, 512], strides = [1, 1, 1, 1, 1]} : vector<4x2x16x1x512xf32> to vector<4x1x16x1x512xf32>
      %slice3A_758 = vector.extract_strided_slice %reshape3A_756 {offsets = [0, 1, 0, 0, 0], sizes = [4, 1, 16, 1, 512], strides = [1, 1, 1, 1, 1]} : vector<4x2x16x1x512xf32> to vector<4x1x16x1x512xf32>
      %concatenate3A_759 = tpu.concatenate %slice3A_757, %slice3A_758 in 1 : vector<4x1x16x1x512xf32>, vector<4x1x16x1x512xf32> -> vector<4x2x16x1x512xf32>
      %reshape3A_760 = vector.shape_cast %concatenate3A_759 : vector<4x2x16x1x512xf32> to vector<128x1x512xf32>
      %reshape3A_761 = vector.shape_cast %select_n3A_740 : vector<128x1x512xi32> to vector<4x2x16x1x512xi32>
      %reshape3A_762 = vector.shape_cast %select_n3A_742 : vector<128x1x512xi32> to vector<4x2x16x1x512xi32>
      %slice3A_763 = vector.extract_strided_slice %reshape3A_761 {offsets = [0, 0, 0, 0, 0], sizes = [4, 1, 16, 1, 512], strides = [1, 1, 1, 1, 1]} : vector<4x2x16x1x512xi32> to vector<4x1x16x1x512xi32>
      %slice3A_764 = vector.extract_strided_slice %reshape3A_762 {offsets = [0, 1, 0, 0, 0], sizes = [4, 1, 16, 1, 512], strides = [1, 1, 1, 1, 1]} : vector<4x2x16x1x512xi32> to vector<4x1x16x1x512xi32>
      %concatenate3A_765 = tpu.concatenate %slice3A_763, %slice3A_764 in 1 : vector<4x1x16x1x512xi32>, vector<4x1x16x1x512xi32> -> vector<4x2x16x1x512xi32>
      %reshape3A_766 = vector.shape_cast %concatenate3A_765 : vector<4x2x16x1x512xi32> to vector<128x1x512xi32>
      %reshape3A_767 = vector.shape_cast %reshape3A_748 : vector<128x1x512xf32> to vector<128x1x1x512xf32>
      %reshape3A_768 = vector.shape_cast %reshape3A_760 : vector<128x1x512xf32> to vector<128x1x1x512xf32>
      %concatenate3A_769 = tpu.concatenate %reshape3A_767, %reshape3A_768 in 1 : vector<128x1x1x512xf32>, vector<128x1x1x512xf32> -> vector<128x2x1x512xf32>
      %reshape3A_770 = vector.shape_cast %concatenate3A_769 : vector<128x2x1x512xf32> to vector<256x512xf32>
      %reshape3A_771 = vector.shape_cast %reshape3A_754 : vector<128x1x512xi32> to vector<128x1x1x512xi32>
      %reshape3A_772 = vector.shape_cast %reshape3A_766 : vector<128x1x512xi32> to vector<128x1x1x512xi32>
      %concatenate3A_773 = tpu.concatenate %reshape3A_771, %reshape3A_772 in 1 : vector<128x1x1x512xi32>, vector<128x1x1x512xi32> -> vector<128x2x1x512xi32>
      %reshape3A_774 = vector.shape_cast %concatenate3A_773 : vector<128x2x1x512xi32> to vector<256x512xi32>
      %reshape3A_775 = vector.shape_cast %reshape3A_770 : vector<256x512xf32> to vector<4x2x32x512xf32>
      %reshape3A_776 = vector.shape_cast %reshape3A_774 : vector<256x512xi32> to vector<4x2x32x512xi32>
      %slice3A_777 = vector.extract_strided_slice %reshape3A_775 {offsets = [0, 0, 0, 0], sizes = [4, 1, 32, 512], strides = [1, 1, 1, 1]} : vector<4x2x32x512xf32> to vector<4x1x32x512xf32>
      %squeeze3A_778 = vector.shape_cast %slice3A_777 : vector<4x1x32x512xf32> to vector<4x32x512xf32>
      %slice3A_779 = vector.extract_strided_slice %reshape3A_775 {offsets = [0, 1, 0, 0], sizes = [4, 1, 32, 512], strides = [1, 1, 1, 1]} : vector<4x2x32x512xf32> to vector<4x1x32x512xf32>
      %squeeze3A_780 = vector.shape_cast %slice3A_779 : vector<4x1x32x512xf32> to vector<4x32x512xf32>
      %slice3A_781 = vector.extract_strided_slice %reshape3A_776 {offsets = [0, 0, 0, 0], sizes = [4, 1, 32, 512], strides = [1, 1, 1, 1]} : vector<4x2x32x512xi32> to vector<4x1x32x512xi32>
      %squeeze3A_782 = vector.shape_cast %slice3A_781 : vector<4x1x32x512xi32> to vector<4x32x512xi32>
      %slice3A_783 = vector.extract_strided_slice %reshape3A_776 {offsets = [0, 1, 0, 0], sizes = [4, 1, 32, 512], strides = [1, 1, 1, 1]} : vector<4x2x32x512xi32> to vector<4x1x32x512xi32>
      %squeeze3A_784 = vector.shape_cast %slice3A_783 : vector<4x1x32x512xi32> to vector<4x32x512xi32>
      %lt3A_785 = arith.cmpf olt, %squeeze3A_780, %squeeze3A_778 : vector<4x32x512xf32>
      %eq3A_786 = arith.cmpf oeq, %squeeze3A_780, %squeeze3A_778 : vector<4x32x512xf32>
      %lt3A_787 = arith.cmpi slt, %squeeze3A_784, %squeeze3A_782 : vector<4x32x512xi32>
      %and3A_788 = arith.andi %eq3A_786, %lt3A_787 : vector<4x32x512xi1>
      %or3A_789 = arith.ori %lt3A_785, %and3A_788 : vector<4x32x512xi1>
      %select_n3A_790 = arith.select %or3A_789, %squeeze3A_780, %squeeze3A_778 : vector<4x32x512xi1>, vector<4x32x512xf32>
      %select_n3A_791 = arith.select %or3A_789, %squeeze3A_784, %squeeze3A_782 : vector<4x32x512xi1>, vector<4x32x512xi32>
      %select_n3A_792 = arith.select %or3A_789, %squeeze3A_778, %squeeze3A_780 : vector<4x32x512xi1>, vector<4x32x512xf32>
      %select_n3A_793 = arith.select %or3A_789, %squeeze3A_782, %squeeze3A_784 : vector<4x32x512xi1>, vector<4x32x512xi32>
      %reshape3A_794 = vector.shape_cast %select_n3A_792 : vector<4x32x512xf32> to vector<4x1x32x512xf32>
      %reshape3A_795 = vector.shape_cast %select_n3A_790 : vector<4x32x512xf32> to vector<4x1x32x512xf32>
      %concatenate3A_796 = tpu.concatenate %reshape3A_794, %reshape3A_795 in 1 : vector<4x1x32x512xf32>, vector<4x1x32x512xf32> -> vector<4x2x32x512xf32>
      %reshape3A_797 = vector.shape_cast %concatenate3A_796 : vector<4x2x32x512xf32> to vector<256x512xf32>
      %reshape3A_798 = vector.shape_cast %select_n3A_793 : vector<4x32x512xi32> to vector<4x1x32x512xi32>
      %reshape3A_799 = vector.shape_cast %select_n3A_791 : vector<4x32x512xi32> to vector<4x1x32x512xi32>
      %concatenate3A_800 = tpu.concatenate %reshape3A_798, %reshape3A_799 in 1 : vector<4x1x32x512xi32>, vector<4x1x32x512xi32> -> vector<4x2x32x512xi32>
      %reshape3A_801 = vector.shape_cast %concatenate3A_800 : vector<4x2x32x512xi32> to vector<256x512xi32>
      %reshape3A_802 = vector.shape_cast %reshape3A_797 : vector<256x512xf32> to vector<8x2x16x512xf32>
      %reshape3A_803 = vector.shape_cast %reshape3A_801 : vector<256x512xi32> to vector<8x2x16x512xi32>
      %slice3A_804 = vector.extract_strided_slice %reshape3A_802 {offsets = [0, 0, 0, 0], sizes = [8, 1, 16, 512], strides = [1, 1, 1, 1]} : vector<8x2x16x512xf32> to vector<8x1x16x512xf32>
      %squeeze3A_805 = vector.shape_cast %slice3A_804 : vector<8x1x16x512xf32> to vector<8x16x512xf32>
      %slice3A_806 = vector.extract_strided_slice %reshape3A_802 {offsets = [0, 1, 0, 0], sizes = [8, 1, 16, 512], strides = [1, 1, 1, 1]} : vector<8x2x16x512xf32> to vector<8x1x16x512xf32>
      %squeeze3A_807 = vector.shape_cast %slice3A_806 : vector<8x1x16x512xf32> to vector<8x16x512xf32>
      %slice3A_808 = vector.extract_strided_slice %reshape3A_803 {offsets = [0, 0, 0, 0], sizes = [8, 1, 16, 512], strides = [1, 1, 1, 1]} : vector<8x2x16x512xi32> to vector<8x1x16x512xi32>
      %squeeze3A_809 = vector.shape_cast %slice3A_808 : vector<8x1x16x512xi32> to vector<8x16x512xi32>
      %slice3A_810 = vector.extract_strided_slice %reshape3A_803 {offsets = [0, 1, 0, 0], sizes = [8, 1, 16, 512], strides = [1, 1, 1, 1]} : vector<8x2x16x512xi32> to vector<8x1x16x512xi32>
      %squeeze3A_811 = vector.shape_cast %slice3A_810 : vector<8x1x16x512xi32> to vector<8x16x512xi32>
      %lt3A_812 = arith.cmpf olt, %squeeze3A_807, %squeeze3A_805 : vector<8x16x512xf32>
      %eq3A_813 = arith.cmpf oeq, %squeeze3A_807, %squeeze3A_805 : vector<8x16x512xf32>
      %lt3A_814 = arith.cmpi slt, %squeeze3A_811, %squeeze3A_809 : vector<8x16x512xi32>
      %and3A_815 = arith.andi %eq3A_813, %lt3A_814 : vector<8x16x512xi1>
      %or3A_816 = arith.ori %lt3A_812, %and3A_815 : vector<8x16x512xi1>
      %select_n3A_817 = arith.select %or3A_816, %squeeze3A_807, %squeeze3A_805 : vector<8x16x512xi1>, vector<8x16x512xf32>
      %select_n3A_818 = arith.select %or3A_816, %squeeze3A_811, %squeeze3A_809 : vector<8x16x512xi1>, vector<8x16x512xi32>
      %select_n3A_819 = arith.select %or3A_816, %squeeze3A_805, %squeeze3A_807 : vector<8x16x512xi1>, vector<8x16x512xf32>
      %select_n3A_820 = arith.select %or3A_816, %squeeze3A_809, %squeeze3A_811 : vector<8x16x512xi1>, vector<8x16x512xi32>
      %reshape3A_821 = vector.shape_cast %select_n3A_819 : vector<8x16x512xf32> to vector<8x1x16x512xf32>
      %reshape3A_822 = vector.shape_cast %select_n3A_817 : vector<8x16x512xf32> to vector<8x1x16x512xf32>
      %concatenate3A_823 = tpu.concatenate %reshape3A_821, %reshape3A_822 in 1 : vector<8x1x16x512xf32>, vector<8x1x16x512xf32> -> vector<8x2x16x512xf32>
      %reshape3A_824 = vector.shape_cast %concatenate3A_823 : vector<8x2x16x512xf32> to vector<256x512xf32>
      %reshape3A_825 = vector.shape_cast %select_n3A_820 : vector<8x16x512xi32> to vector<8x1x16x512xi32>
      %reshape3A_826 = vector.shape_cast %select_n3A_818 : vector<8x16x512xi32> to vector<8x1x16x512xi32>
      %concatenate3A_827 = tpu.concatenate %reshape3A_825, %reshape3A_826 in 1 : vector<8x1x16x512xi32>, vector<8x1x16x512xi32> -> vector<8x2x16x512xi32>
      %reshape3A_828 = vector.shape_cast %concatenate3A_827 : vector<8x2x16x512xi32> to vector<256x512xi32>
      %reshape3A_829 = vector.shape_cast %reshape3A_824 : vector<256x512xf32> to vector<16x2x8x512xf32>
      %reshape3A_830 = vector.shape_cast %reshape3A_828 : vector<256x512xi32> to vector<16x2x8x512xi32>
      %slice3A_831 = vector.extract_strided_slice %reshape3A_829 {offsets = [0, 0, 0, 0], sizes = [16, 1, 8, 512], strides = [1, 1, 1, 1]} : vector<16x2x8x512xf32> to vector<16x1x8x512xf32>
      %squeeze3A_832 = vector.shape_cast %slice3A_831 : vector<16x1x8x512xf32> to vector<16x8x512xf32>
      %slice3A_833 = vector.extract_strided_slice %reshape3A_829 {offsets = [0, 1, 0, 0], sizes = [16, 1, 8, 512], strides = [1, 1, 1, 1]} : vector<16x2x8x512xf32> to vector<16x1x8x512xf32>
      %squeeze3A_834 = vector.shape_cast %slice3A_833 : vector<16x1x8x512xf32> to vector<16x8x512xf32>
      %slice3A_835 = vector.extract_strided_slice %reshape3A_830 {offsets = [0, 0, 0, 0], sizes = [16, 1, 8, 512], strides = [1, 1, 1, 1]} : vector<16x2x8x512xi32> to vector<16x1x8x512xi32>
      %squeeze3A_836 = vector.shape_cast %slice3A_835 : vector<16x1x8x512xi32> to vector<16x8x512xi32>
      %slice3A_837 = vector.extract_strided_slice %reshape3A_830 {offsets = [0, 1, 0, 0], sizes = [16, 1, 8, 512], strides = [1, 1, 1, 1]} : vector<16x2x8x512xi32> to vector<16x1x8x512xi32>
      %squeeze3A_838 = vector.shape_cast %slice3A_837 : vector<16x1x8x512xi32> to vector<16x8x512xi32>
      %lt3A_839 = arith.cmpf olt, %squeeze3A_834, %squeeze3A_832 : vector<16x8x512xf32>
      %eq3A_840 = arith.cmpf oeq, %squeeze3A_834, %squeeze3A_832 : vector<16x8x512xf32>
      %lt3A_841 = arith.cmpi slt, %squeeze3A_838, %squeeze3A_836 : vector<16x8x512xi32>
      %and3A_842 = arith.andi %eq3A_840, %lt3A_841 : vector<16x8x512xi1>
      %or3A_843 = arith.ori %lt3A_839, %and3A_842 : vector<16x8x512xi1>
      %select_n3A_844 = arith.select %or3A_843, %squeeze3A_834, %squeeze3A_832 : vector<16x8x512xi1>, vector<16x8x512xf32>
      %select_n3A_845 = arith.select %or3A_843, %squeeze3A_838, %squeeze3A_836 : vector<16x8x512xi1>, vector<16x8x512xi32>
      %select_n3A_846 = arith.select %or3A_843, %squeeze3A_832, %squeeze3A_834 : vector<16x8x512xi1>, vector<16x8x512xf32>
      %select_n3A_847 = arith.select %or3A_843, %squeeze3A_836, %squeeze3A_838 : vector<16x8x512xi1>, vector<16x8x512xi32>
      %reshape3A_848 = vector.shape_cast %select_n3A_846 : vector<16x8x512xf32> to vector<16x1x8x512xf32>
      %reshape3A_849 = vector.shape_cast %select_n3A_844 : vector<16x8x512xf32> to vector<16x1x8x512xf32>
      %concatenate3A_850 = tpu.concatenate %reshape3A_848, %reshape3A_849 in 1 : vector<16x1x8x512xf32>, vector<16x1x8x512xf32> -> vector<16x2x8x512xf32>
      %reshape3A_851 = vector.shape_cast %concatenate3A_850 : vector<16x2x8x512xf32> to vector<256x512xf32>
      %reshape3A_852 = vector.shape_cast %select_n3A_847 : vector<16x8x512xi32> to vector<16x1x8x512xi32>
      %reshape3A_853 = vector.shape_cast %select_n3A_845 : vector<16x8x512xi32> to vector<16x1x8x512xi32>
      %concatenate3A_854 = tpu.concatenate %reshape3A_852, %reshape3A_853 in 1 : vector<16x1x8x512xi32>, vector<16x1x8x512xi32> -> vector<16x2x8x512xi32>
      %reshape3A_855 = vector.shape_cast %concatenate3A_854 : vector<16x2x8x512xi32> to vector<256x512xi32>
      %reshape3A_856 = vector.shape_cast %reshape3A_851 : vector<256x512xf32> to vector<32x2x4x512xf32>
      %reshape3A_857 = vector.shape_cast %reshape3A_855 : vector<256x512xi32> to vector<32x2x4x512xi32>
      %slice3A_858 = vector.extract_strided_slice %reshape3A_856 {offsets = [0, 0, 0, 0], sizes = [32, 1, 4, 512], strides = [1, 1, 1, 1]} : vector<32x2x4x512xf32> to vector<32x1x4x512xf32>
      %squeeze3A_859 = vector.shape_cast %slice3A_858 : vector<32x1x4x512xf32> to vector<32x4x512xf32>
      %slice3A_860 = vector.extract_strided_slice %reshape3A_856 {offsets = [0, 1, 0, 0], sizes = [32, 1, 4, 512], strides = [1, 1, 1, 1]} : vector<32x2x4x512xf32> to vector<32x1x4x512xf32>
      %squeeze3A_861 = vector.shape_cast %slice3A_860 : vector<32x1x4x512xf32> to vector<32x4x512xf32>
      %slice3A_862 = vector.extract_strided_slice %reshape3A_857 {offsets = [0, 0, 0, 0], sizes = [32, 1, 4, 512], strides = [1, 1, 1, 1]} : vector<32x2x4x512xi32> to vector<32x1x4x512xi32>
      %squeeze3A_863 = vector.shape_cast %slice3A_862 : vector<32x1x4x512xi32> to vector<32x4x512xi32>
      %slice3A_864 = vector.extract_strided_slice %reshape3A_857 {offsets = [0, 1, 0, 0], sizes = [32, 1, 4, 512], strides = [1, 1, 1, 1]} : vector<32x2x4x512xi32> to vector<32x1x4x512xi32>
      %squeeze3A_865 = vector.shape_cast %slice3A_864 : vector<32x1x4x512xi32> to vector<32x4x512xi32>
      %lt3A_866 = arith.cmpf olt, %squeeze3A_861, %squeeze3A_859 : vector<32x4x512xf32>
      %eq3A_867 = arith.cmpf oeq, %squeeze3A_861, %squeeze3A_859 : vector<32x4x512xf32>
      %lt3A_868 = arith.cmpi slt, %squeeze3A_865, %squeeze3A_863 : vector<32x4x512xi32>
      %and3A_869 = arith.andi %eq3A_867, %lt3A_868 : vector<32x4x512xi1>
      %or3A_870 = arith.ori %lt3A_866, %and3A_869 : vector<32x4x512xi1>
      %select_n3A_871 = arith.select %or3A_870, %squeeze3A_861, %squeeze3A_859 : vector<32x4x512xi1>, vector<32x4x512xf32>
      %select_n3A_872 = arith.select %or3A_870, %squeeze3A_865, %squeeze3A_863 : vector<32x4x512xi1>, vector<32x4x512xi32>
      %select_n3A_873 = arith.select %or3A_870, %squeeze3A_859, %squeeze3A_861 : vector<32x4x512xi1>, vector<32x4x512xf32>
      %select_n3A_874 = arith.select %or3A_870, %squeeze3A_863, %squeeze3A_865 : vector<32x4x512xi1>, vector<32x4x512xi32>
      %reshape3A_875 = vector.shape_cast %select_n3A_873 : vector<32x4x512xf32> to vector<32x1x4x512xf32>
      %reshape3A_876 = vector.shape_cast %select_n3A_871 : vector<32x4x512xf32> to vector<32x1x4x512xf32>
      %concatenate3A_877 = tpu.concatenate %reshape3A_875, %reshape3A_876 in 1 : vector<32x1x4x512xf32>, vector<32x1x4x512xf32> -> vector<32x2x4x512xf32>
      %reshape3A_878 = vector.shape_cast %concatenate3A_877 : vector<32x2x4x512xf32> to vector<256x512xf32>
      %reshape3A_879 = vector.shape_cast %select_n3A_874 : vector<32x4x512xi32> to vector<32x1x4x512xi32>
      %reshape3A_880 = vector.shape_cast %select_n3A_872 : vector<32x4x512xi32> to vector<32x1x4x512xi32>
      %concatenate3A_881 = tpu.concatenate %reshape3A_879, %reshape3A_880 in 1 : vector<32x1x4x512xi32>, vector<32x1x4x512xi32> -> vector<32x2x4x512xi32>
      %reshape3A_882 = vector.shape_cast %concatenate3A_881 : vector<32x2x4x512xi32> to vector<256x512xi32>
      %reshape3A_883 = vector.shape_cast %reshape3A_878 : vector<256x512xf32> to vector<64x2x2x512xf32>
      %reshape3A_884 = vector.shape_cast %reshape3A_882 : vector<256x512xi32> to vector<64x2x2x512xi32>
      %slice3A_885 = vector.extract_strided_slice %reshape3A_883 {offsets = [0, 0, 0, 0], sizes = [64, 1, 2, 512], strides = [1, 1, 1, 1]} : vector<64x2x2x512xf32> to vector<64x1x2x512xf32>
      %squeeze3A_886 = vector.shape_cast %slice3A_885 : vector<64x1x2x512xf32> to vector<64x2x512xf32>
      %slice3A_887 = vector.extract_strided_slice %reshape3A_883 {offsets = [0, 1, 0, 0], sizes = [64, 1, 2, 512], strides = [1, 1, 1, 1]} : vector<64x2x2x512xf32> to vector<64x1x2x512xf32>
      %squeeze3A_888 = vector.shape_cast %slice3A_887 : vector<64x1x2x512xf32> to vector<64x2x512xf32>
      %slice3A_889 = vector.extract_strided_slice %reshape3A_884 {offsets = [0, 0, 0, 0], sizes = [64, 1, 2, 512], strides = [1, 1, 1, 1]} : vector<64x2x2x512xi32> to vector<64x1x2x512xi32>
      %squeeze3A_890 = vector.shape_cast %slice3A_889 : vector<64x1x2x512xi32> to vector<64x2x512xi32>
      %slice3A_891 = vector.extract_strided_slice %reshape3A_884 {offsets = [0, 1, 0, 0], sizes = [64, 1, 2, 512], strides = [1, 1, 1, 1]} : vector<64x2x2x512xi32> to vector<64x1x2x512xi32>
      %squeeze3A_892 = vector.shape_cast %slice3A_891 : vector<64x1x2x512xi32> to vector<64x2x512xi32>
      %lt3A_893 = arith.cmpf olt, %squeeze3A_888, %squeeze3A_886 : vector<64x2x512xf32>
      %eq3A_894 = arith.cmpf oeq, %squeeze3A_888, %squeeze3A_886 : vector<64x2x512xf32>
      %lt3A_895 = arith.cmpi slt, %squeeze3A_892, %squeeze3A_890 : vector<64x2x512xi32>
      %and3A_896 = arith.andi %eq3A_894, %lt3A_895 : vector<64x2x512xi1>
      %or3A_897 = arith.ori %lt3A_893, %and3A_896 : vector<64x2x512xi1>
      %select_n3A_898 = arith.select %or3A_897, %squeeze3A_888, %squeeze3A_886 : vector<64x2x512xi1>, vector<64x2x512xf32>
      %select_n3A_899 = arith.select %or3A_897, %squeeze3A_892, %squeeze3A_890 : vector<64x2x512xi1>, vector<64x2x512xi32>
      %select_n3A_900 = arith.select %or3A_897, %squeeze3A_886, %squeeze3A_888 : vector<64x2x512xi1>, vector<64x2x512xf32>
      %select_n3A_901 = arith.select %or3A_897, %squeeze3A_890, %squeeze3A_892 : vector<64x2x512xi1>, vector<64x2x512xi32>
      %reshape3A_902 = vector.shape_cast %select_n3A_900 : vector<64x2x512xf32> to vector<64x1x2x512xf32>
      %reshape3A_903 = vector.shape_cast %select_n3A_898 : vector<64x2x512xf32> to vector<64x1x2x512xf32>
      %concatenate3A_904 = tpu.concatenate %reshape3A_902, %reshape3A_903 in 1 : vector<64x1x2x512xf32>, vector<64x1x2x512xf32> -> vector<64x2x2x512xf32>
      %reshape3A_905 = vector.shape_cast %concatenate3A_904 : vector<64x2x2x512xf32> to vector<256x512xf32>
      %reshape3A_906 = vector.shape_cast %select_n3A_901 : vector<64x2x512xi32> to vector<64x1x2x512xi32>
      %reshape3A_907 = vector.shape_cast %select_n3A_899 : vector<64x2x512xi32> to vector<64x1x2x512xi32>
      %concatenate3A_908 = tpu.concatenate %reshape3A_906, %reshape3A_907 in 1 : vector<64x1x2x512xi32>, vector<64x1x2x512xi32> -> vector<64x2x2x512xi32>
      %reshape3A_909 = vector.shape_cast %concatenate3A_908 : vector<64x2x2x512xi32> to vector<256x512xi32>
      %reshape3A_910 = vector.shape_cast %reshape3A_905 : vector<256x512xf32> to vector<128x2x1x512xf32>
      %reshape3A_911 = vector.shape_cast %reshape3A_909 : vector<256x512xi32> to vector<128x2x1x512xi32>
      %slice3A_912 = vector.extract_strided_slice %reshape3A_910 {offsets = [0, 0, 0, 0], sizes = [128, 1, 1, 512], strides = [1, 1, 1, 1]} : vector<128x2x1x512xf32> to vector<128x1x1x512xf32>
      %squeeze3A_913 = vector.shape_cast %slice3A_912 : vector<128x1x1x512xf32> to vector<128x1x512xf32>
      %slice3A_914 = vector.extract_strided_slice %reshape3A_910 {offsets = [0, 1, 0, 0], sizes = [128, 1, 1, 512], strides = [1, 1, 1, 1]} : vector<128x2x1x512xf32> to vector<128x1x1x512xf32>
      %squeeze3A_915 = vector.shape_cast %slice3A_914 : vector<128x1x1x512xf32> to vector<128x1x512xf32>
      %slice3A_916 = vector.extract_strided_slice %reshape3A_911 {offsets = [0, 0, 0, 0], sizes = [128, 1, 1, 512], strides = [1, 1, 1, 1]} : vector<128x2x1x512xi32> to vector<128x1x1x512xi32>
      %squeeze3A_917 = vector.shape_cast %slice3A_916 : vector<128x1x1x512xi32> to vector<128x1x512xi32>
      %slice3A_918 = vector.extract_strided_slice %reshape3A_911 {offsets = [0, 1, 0, 0], sizes = [128, 1, 1, 512], strides = [1, 1, 1, 1]} : vector<128x2x1x512xi32> to vector<128x1x1x512xi32>
      %squeeze3A_919 = vector.shape_cast %slice3A_918 : vector<128x1x1x512xi32> to vector<128x1x512xi32>
      %lt3A_920 = arith.cmpf olt, %squeeze3A_915, %squeeze3A_913 : vector<128x1x512xf32>
      %eq3A_921 = arith.cmpf oeq, %squeeze3A_915, %squeeze3A_913 : vector<128x1x512xf32>
      %lt3A_922 = arith.cmpi slt, %squeeze3A_919, %squeeze3A_917 : vector<128x1x512xi32>
      %and3A_923 = arith.andi %eq3A_921, %lt3A_922 : vector<128x1x512xi1>
      %or3A_924 = arith.ori %lt3A_920, %and3A_923 : vector<128x1x512xi1>
      %select_n3A_925 = arith.select %or3A_924, %squeeze3A_915, %squeeze3A_913 : vector<128x1x512xi1>, vector<128x1x512xf32>
      %select_n3A_926 = arith.select %or3A_924, %squeeze3A_919, %squeeze3A_917 : vector<128x1x512xi1>, vector<128x1x512xi32>
      %select_n3A_927 = arith.select %or3A_924, %squeeze3A_913, %squeeze3A_915 : vector<128x1x512xi1>, vector<128x1x512xf32>
      %select_n3A_928 = arith.select %or3A_924, %squeeze3A_917, %squeeze3A_919 : vector<128x1x512xi1>, vector<128x1x512xi32>
      %reshape3A_929 = vector.shape_cast %select_n3A_927 : vector<128x1x512xf32> to vector<128x1x1x512xf32>
      %reshape3A_930 = vector.shape_cast %select_n3A_925 : vector<128x1x512xf32> to vector<128x1x1x512xf32>
      %concatenate3A_931 = tpu.concatenate %reshape3A_929, %reshape3A_930 in 1 : vector<128x1x1x512xf32>, vector<128x1x1x512xf32> -> vector<128x2x1x512xf32>
      %reshape3A_932 = vector.shape_cast %concatenate3A_931 : vector<128x2x1x512xf32> to vector<256x512xf32>
      %reshape3A_933 = vector.shape_cast %select_n3A_928 : vector<128x1x512xi32> to vector<128x1x1x512xi32>
      %reshape3A_934 = vector.shape_cast %select_n3A_926 : vector<128x1x512xi32> to vector<128x1x1x512xi32>
      %concatenate3A_935 = tpu.concatenate %reshape3A_933, %reshape3A_934 in 1 : vector<128x1x1x512xi32>, vector<128x1x1x512xi32> -> vector<128x2x1x512xi32>
      %reshape3A_936 = vector.shape_cast %concatenate3A_935 : vector<128x2x1x512xi32> to vector<256x512xi32>
      %slice3A_937 = vector.extract_strided_slice %reshape3A_932 {offsets = [0, 0], sizes = [64, 512], strides = [1, 1]} : vector<256x512xf32> to vector<64x512xf32>
      %slice3A_938 = vector.extract_strided_slice %reshape3A_936 {offsets = [0, 0], sizes = [64, 512], strides = [1, 1]} : vector<256x512xi32> to vector<64x512xi32>
      %lt3A_939 = arith.cmpf olt, %slice3A_937, %scan3A_11 : vector<64x512xf32>
      %eq3A_940 = arith.cmpf oeq, %slice3A_937, %scan3A_11 : vector<64x512xf32>
      %lt3A_941 = arith.cmpi slt, %slice3A_938, %scan3A_12 : vector<64x512xi32>
      %and3A_942 = arith.andi %eq3A_940, %lt3A_941 : vector<64x512xi1>
      %or3A_943 = arith.ori %lt3A_939, %and3A_942 : vector<64x512xi1>
      %select_n3A_944 = arith.select %or3A_943, %slice3A_937, %scan3A_11 : vector<64x512xi1>, vector<64x512xf32>
      %select_n3A_945 = arith.select %or3A_943, %slice3A_938, %scan3A_12 : vector<64x512xi1>, vector<64x512xi32>
      %reshape3A_946 = vector.shape_cast %select_n3A_944 : vector<64x512xf32> to vector<1x2x32x512xf32>
      %reshape3A_947 = vector.shape_cast %select_n3A_945 : vector<64x512xi32> to vector<1x2x32x512xi32>
      %slice3A_948 = vector.extract_strided_slice %reshape3A_946 {offsets = [0, 0, 0, 0], sizes = [1, 1, 32, 512], strides = [1, 1, 1, 1]} : vector<1x2x32x512xf32> to vector<1x1x32x512xf32>
      %squeeze3A_949 = vector.shape_cast %slice3A_948 : vector<1x1x32x512xf32> to vector<1x32x512xf32>
      %slice3A_950 = vector.extract_strided_slice %reshape3A_946 {offsets = [0, 1, 0, 0], sizes = [1, 1, 32, 512], strides = [1, 1, 1, 1]} : vector<1x2x32x512xf32> to vector<1x1x32x512xf32>
      %squeeze3A_951 = vector.shape_cast %slice3A_950 : vector<1x1x32x512xf32> to vector<1x32x512xf32>
      %slice3A_952 = vector.extract_strided_slice %reshape3A_947 {offsets = [0, 0, 0, 0], sizes = [1, 1, 32, 512], strides = [1, 1, 1, 1]} : vector<1x2x32x512xi32> to vector<1x1x32x512xi32>
      %squeeze3A_953 = vector.shape_cast %slice3A_952 : vector<1x1x32x512xi32> to vector<1x32x512xi32>
      %slice3A_954 = vector.extract_strided_slice %reshape3A_947 {offsets = [0, 1, 0, 0], sizes = [1, 1, 32, 512], strides = [1, 1, 1, 1]} : vector<1x2x32x512xi32> to vector<1x1x32x512xi32>
      %squeeze3A_955 = vector.shape_cast %slice3A_954 : vector<1x1x32x512xi32> to vector<1x32x512xi32>
      %lt3A_956 = arith.cmpf olt, %squeeze3A_951, %squeeze3A_949 : vector<1x32x512xf32>
      %eq3A_957 = arith.cmpf oeq, %squeeze3A_951, %squeeze3A_949 : vector<1x32x512xf32>
      %lt3A_958 = arith.cmpi slt, %squeeze3A_955, %squeeze3A_953 : vector<1x32x512xi32>
      %and3A_959 = arith.andi %eq3A_957, %lt3A_958 : vector<1x32x512xi1>
      %or3A_960 = arith.ori %lt3A_956, %and3A_959 : vector<1x32x512xi1>
      %select_n3A_961 = arith.select %or3A_960, %squeeze3A_951, %squeeze3A_949 : vector<1x32x512xi1>, vector<1x32x512xf32>
      %select_n3A_962 = arith.select %or3A_960, %squeeze3A_955, %squeeze3A_953 : vector<1x32x512xi1>, vector<1x32x512xi32>
      %select_n3A_963 = arith.select %or3A_960, %squeeze3A_949, %squeeze3A_951 : vector<1x32x512xi1>, vector<1x32x512xf32>
      %select_n3A_964 = arith.select %or3A_960, %squeeze3A_953, %squeeze3A_955 : vector<1x32x512xi1>, vector<1x32x512xi32>
      %reshape3A_965 = vector.shape_cast %select_n3A_961 : vector<1x32x512xf32> to vector<1x1x32x512xf32>
      %reshape3A_966 = vector.shape_cast %select_n3A_963 : vector<1x32x512xf32> to vector<1x1x32x512xf32>
      %concatenate3A_967 = tpu.concatenate %reshape3A_965, %reshape3A_966 in 1 : vector<1x1x32x512xf32>, vector<1x1x32x512xf32> -> vector<1x2x32x512xf32>
      %reshape3A_968 = vector.shape_cast %concatenate3A_967 : vector<1x2x32x512xf32> to vector<64x512xf32>
      %reshape3A_969 = vector.shape_cast %select_n3A_962 : vector<1x32x512xi32> to vector<1x1x32x512xi32>
      %reshape3A_970 = vector.shape_cast %select_n3A_964 : vector<1x32x512xi32> to vector<1x1x32x512xi32>
      %concatenate3A_971 = tpu.concatenate %reshape3A_969, %reshape3A_970 in 1 : vector<1x1x32x512xi32>, vector<1x1x32x512xi32> -> vector<1x2x32x512xi32>
      %reshape3A_972 = vector.shape_cast %concatenate3A_971 : vector<1x2x32x512xi32> to vector<64x512xi32>
      %reshape3A_973 = vector.shape_cast %reshape3A_968 : vector<64x512xf32> to vector<2x2x16x512xf32>
      %reshape3A_974 = vector.shape_cast %reshape3A_972 : vector<64x512xi32> to vector<2x2x16x512xi32>
      %slice3A_975 = vector.extract_strided_slice %reshape3A_973 {offsets = [0, 0, 0, 0], sizes = [2, 1, 16, 512], strides = [1, 1, 1, 1]} : vector<2x2x16x512xf32> to vector<2x1x16x512xf32>
      %squeeze3A_976 = vector.shape_cast %slice3A_975 : vector<2x1x16x512xf32> to vector<2x16x512xf32>
      %slice3A_977 = vector.extract_strided_slice %reshape3A_973 {offsets = [0, 1, 0, 0], sizes = [2, 1, 16, 512], strides = [1, 1, 1, 1]} : vector<2x2x16x512xf32> to vector<2x1x16x512xf32>
      %squeeze3A_978 = vector.shape_cast %slice3A_977 : vector<2x1x16x512xf32> to vector<2x16x512xf32>
      %slice3A_979 = vector.extract_strided_slice %reshape3A_974 {offsets = [0, 0, 0, 0], sizes = [2, 1, 16, 512], strides = [1, 1, 1, 1]} : vector<2x2x16x512xi32> to vector<2x1x16x512xi32>
      %squeeze3A_980 = vector.shape_cast %slice3A_979 : vector<2x1x16x512xi32> to vector<2x16x512xi32>
      %slice3A_981 = vector.extract_strided_slice %reshape3A_974 {offsets = [0, 1, 0, 0], sizes = [2, 1, 16, 512], strides = [1, 1, 1, 1]} : vector<2x2x16x512xi32> to vector<2x1x16x512xi32>
      %squeeze3A_982 = vector.shape_cast %slice3A_981 : vector<2x1x16x512xi32> to vector<2x16x512xi32>
      %lt3A_983 = arith.cmpf olt, %squeeze3A_978, %squeeze3A_976 : vector<2x16x512xf32>
      %eq3A_984 = arith.cmpf oeq, %squeeze3A_978, %squeeze3A_976 : vector<2x16x512xf32>
      %lt3A_985 = arith.cmpi slt, %squeeze3A_982, %squeeze3A_980 : vector<2x16x512xi32>
      %and3A_986 = arith.andi %eq3A_984, %lt3A_985 : vector<2x16x512xi1>
      %or3A_987 = arith.ori %lt3A_983, %and3A_986 : vector<2x16x512xi1>
      %select_n3A_988 = arith.select %or3A_987, %squeeze3A_978, %squeeze3A_976 : vector<2x16x512xi1>, vector<2x16x512xf32>
      %select_n3A_989 = arith.select %or3A_987, %squeeze3A_982, %squeeze3A_980 : vector<2x16x512xi1>, vector<2x16x512xi32>
      %select_n3A_990 = arith.select %or3A_987, %squeeze3A_976, %squeeze3A_978 : vector<2x16x512xi1>, vector<2x16x512xf32>
      %select_n3A_991 = arith.select %or3A_987, %squeeze3A_980, %squeeze3A_982 : vector<2x16x512xi1>, vector<2x16x512xi32>
      %reshape3A_992 = vector.shape_cast %select_n3A_988 : vector<2x16x512xf32> to vector<2x1x16x512xf32>
      %reshape3A_993 = vector.shape_cast %select_n3A_990 : vector<2x16x512xf32> to vector<2x1x16x512xf32>
      %concatenate3A_994 = tpu.concatenate %reshape3A_992, %reshape3A_993 in 1 : vector<2x1x16x512xf32>, vector<2x1x16x512xf32> -> vector<2x2x16x512xf32>
      %reshape3A_995 = vector.shape_cast %concatenate3A_994 : vector<2x2x16x512xf32> to vector<64x512xf32>
      %reshape3A_996 = vector.shape_cast %select_n3A_989 : vector<2x16x512xi32> to vector<2x1x16x512xi32>
      %reshape3A_997 = vector.shape_cast %select_n3A_991 : vector<2x16x512xi32> to vector<2x1x16x512xi32>
      %concatenate3A_998 = tpu.concatenate %reshape3A_996, %reshape3A_997 in 1 : vector<2x1x16x512xi32>, vector<2x1x16x512xi32> -> vector<2x2x16x512xi32>
      %reshape3A_999 = vector.shape_cast %concatenate3A_998 : vector<2x2x16x512xi32> to vector<64x512xi32>
      %reshape3A_1000 = vector.shape_cast %reshape3A_995 : vector<64x512xf32> to vector<4x2x8x512xf32>
      %reshape3A_1001 = vector.shape_cast %reshape3A_999 : vector<64x512xi32> to vector<4x2x8x512xi32>
      %slice3A_1002 = vector.extract_strided_slice %reshape3A_1000 {offsets = [0, 0, 0, 0], sizes = [4, 1, 8, 512], strides = [1, 1, 1, 1]} : vector<4x2x8x512xf32> to vector<4x1x8x512xf32>
      %squeeze3A_1003 = vector.shape_cast %slice3A_1002 : vector<4x1x8x512xf32> to vector<4x8x512xf32>
      %slice3A_1004 = vector.extract_strided_slice %reshape3A_1000 {offsets = [0, 1, 0, 0], sizes = [4, 1, 8, 512], strides = [1, 1, 1, 1]} : vector<4x2x8x512xf32> to vector<4x1x8x512xf32>
      %squeeze3A_1005 = vector.shape_cast %slice3A_1004 : vector<4x1x8x512xf32> to vector<4x8x512xf32>
      %slice3A_1006 = vector.extract_strided_slice %reshape3A_1001 {offsets = [0, 0, 0, 0], sizes = [4, 1, 8, 512], strides = [1, 1, 1, 1]} : vector<4x2x8x512xi32> to vector<4x1x8x512xi32>
      %squeeze3A_1007 = vector.shape_cast %slice3A_1006 : vector<4x1x8x512xi32> to vector<4x8x512xi32>
      %slice3A_1008 = vector.extract_strided_slice %reshape3A_1001 {offsets = [0, 1, 0, 0], sizes = [4, 1, 8, 512], strides = [1, 1, 1, 1]} : vector<4x2x8x512xi32> to vector<4x1x8x512xi32>
      %squeeze3A_1009 = vector.shape_cast %slice3A_1008 : vector<4x1x8x512xi32> to vector<4x8x512xi32>
      %lt3A_1010 = arith.cmpf olt, %squeeze3A_1005, %squeeze3A_1003 : vector<4x8x512xf32>
      %eq3A_1011 = arith.cmpf oeq, %squeeze3A_1005, %squeeze3A_1003 : vector<4x8x512xf32>
      %lt3A_1012 = arith.cmpi slt, %squeeze3A_1009, %squeeze3A_1007 : vector<4x8x512xi32>
      %and3A_1013 = arith.andi %eq3A_1011, %lt3A_1012 : vector<4x8x512xi1>
      %or3A_1014 = arith.ori %lt3A_1010, %and3A_1013 : vector<4x8x512xi1>
      %select_n3A_1015 = arith.select %or3A_1014, %squeeze3A_1005, %squeeze3A_1003 : vector<4x8x512xi1>, vector<4x8x512xf32>
      %select_n3A_1016 = arith.select %or3A_1014, %squeeze3A_1009, %squeeze3A_1007 : vector<4x8x512xi1>, vector<4x8x512xi32>
      %select_n3A_1017 = arith.select %or3A_1014, %squeeze3A_1003, %squeeze3A_1005 : vector<4x8x512xi1>, vector<4x8x512xf32>
      %select_n3A_1018 = arith.select %or3A_1014, %squeeze3A_1007, %squeeze3A_1009 : vector<4x8x512xi1>, vector<4x8x512xi32>
      %reshape3A_1019 = vector.shape_cast %select_n3A_1015 : vector<4x8x512xf32> to vector<4x1x8x512xf32>
      %reshape3A_1020 = vector.shape_cast %select_n3A_1017 : vector<4x8x512xf32> to vector<4x1x8x512xf32>
      %concatenate3A_1021 = tpu.concatenate %reshape3A_1019, %reshape3A_1020 in 1 : vector<4x1x8x512xf32>, vector<4x1x8x512xf32> -> vector<4x2x8x512xf32>
      %reshape3A_1022 = vector.shape_cast %concatenate3A_1021 : vector<4x2x8x512xf32> to vector<64x512xf32>
      %reshape3A_1023 = vector.shape_cast %select_n3A_1016 : vector<4x8x512xi32> to vector<4x1x8x512xi32>
      %reshape3A_1024 = vector.shape_cast %select_n3A_1018 : vector<4x8x512xi32> to vector<4x1x8x512xi32>
      %concatenate3A_1025 = tpu.concatenate %reshape3A_1023, %reshape3A_1024 in 1 : vector<4x1x8x512xi32>, vector<4x1x8x512xi32> -> vector<4x2x8x512xi32>
      %reshape3A_1026 = vector.shape_cast %concatenate3A_1025 : vector<4x2x8x512xi32> to vector<64x512xi32>
      %reshape3A_1027 = vector.shape_cast %reshape3A_1022 : vector<64x512xf32> to vector<8x2x4x512xf32>
      %reshape3A_1028 = vector.shape_cast %reshape3A_1026 : vector<64x512xi32> to vector<8x2x4x512xi32>
      %slice3A_1029 = vector.extract_strided_slice %reshape3A_1027 {offsets = [0, 0, 0, 0], sizes = [8, 1, 4, 512], strides = [1, 1, 1, 1]} : vector<8x2x4x512xf32> to vector<8x1x4x512xf32>
      %squeeze3A_1030 = vector.shape_cast %slice3A_1029 : vector<8x1x4x512xf32> to vector<8x4x512xf32>
      %slice3A_1031 = vector.extract_strided_slice %reshape3A_1027 {offsets = [0, 1, 0, 0], sizes = [8, 1, 4, 512], strides = [1, 1, 1, 1]} : vector<8x2x4x512xf32> to vector<8x1x4x512xf32>
      %squeeze3A_1032 = vector.shape_cast %slice3A_1031 : vector<8x1x4x512xf32> to vector<8x4x512xf32>
      %slice3A_1033 = vector.extract_strided_slice %reshape3A_1028 {offsets = [0, 0, 0, 0], sizes = [8, 1, 4, 512], strides = [1, 1, 1, 1]} : vector<8x2x4x512xi32> to vector<8x1x4x512xi32>
      %squeeze3A_1034 = vector.shape_cast %slice3A_1033 : vector<8x1x4x512xi32> to vector<8x4x512xi32>
      %slice3A_1035 = vector.extract_strided_slice %reshape3A_1028 {offsets = [0, 1, 0, 0], sizes = [8, 1, 4, 512], strides = [1, 1, 1, 1]} : vector<8x2x4x512xi32> to vector<8x1x4x512xi32>
      %squeeze3A_1036 = vector.shape_cast %slice3A_1035 : vector<8x1x4x512xi32> to vector<8x4x512xi32>
      %lt3A_1037 = arith.cmpf olt, %squeeze3A_1032, %squeeze3A_1030 : vector<8x4x512xf32>
      %eq3A_1038 = arith.cmpf oeq, %squeeze3A_1032, %squeeze3A_1030 : vector<8x4x512xf32>
      %lt3A_1039 = arith.cmpi slt, %squeeze3A_1036, %squeeze3A_1034 : vector<8x4x512xi32>
      %and3A_1040 = arith.andi %eq3A_1038, %lt3A_1039 : vector<8x4x512xi1>
      %or3A_1041 = arith.ori %lt3A_1037, %and3A_1040 : vector<8x4x512xi1>
      %select_n3A_1042 = arith.select %or3A_1041, %squeeze3A_1032, %squeeze3A_1030 : vector<8x4x512xi1>, vector<8x4x512xf32>
      %select_n3A_1043 = arith.select %or3A_1041, %squeeze3A_1036, %squeeze3A_1034 : vector<8x4x512xi1>, vector<8x4x512xi32>
      %select_n3A_1044 = arith.select %or3A_1041, %squeeze3A_1030, %squeeze3A_1032 : vector<8x4x512xi1>, vector<8x4x512xf32>
      %select_n3A_1045 = arith.select %or3A_1041, %squeeze3A_1034, %squeeze3A_1036 : vector<8x4x512xi1>, vector<8x4x512xi32>
      %reshape3A_1046 = vector.shape_cast %select_n3A_1042 : vector<8x4x512xf32> to vector<8x1x4x512xf32>
      %reshape3A_1047 = vector.shape_cast %select_n3A_1044 : vector<8x4x512xf32> to vector<8x1x4x512xf32>
      %concatenate3A_1048 = tpu.concatenate %reshape3A_1046, %reshape3A_1047 in 1 : vector<8x1x4x512xf32>, vector<8x1x4x512xf32> -> vector<8x2x4x512xf32>
      %reshape3A_1049 = vector.shape_cast %concatenate3A_1048 : vector<8x2x4x512xf32> to vector<64x512xf32>
      %reshape3A_1050 = vector.shape_cast %select_n3A_1043 : vector<8x4x512xi32> to vector<8x1x4x512xi32>
      %reshape3A_1051 = vector.shape_cast %select_n3A_1045 : vector<8x4x512xi32> to vector<8x1x4x512xi32>
      %concatenate3A_1052 = tpu.concatenate %reshape3A_1050, %reshape3A_1051 in 1 : vector<8x1x4x512xi32>, vector<8x1x4x512xi32> -> vector<8x2x4x512xi32>
      %reshape3A_1053 = vector.shape_cast %concatenate3A_1052 : vector<8x2x4x512xi32> to vector<64x512xi32>
      %reshape3A_1054 = vector.shape_cast %reshape3A_1049 : vector<64x512xf32> to vector<16x2x2x512xf32>
      %reshape3A_1055 = vector.shape_cast %reshape3A_1053 : vector<64x512xi32> to vector<16x2x2x512xi32>
      %slice3A_1056 = vector.extract_strided_slice %reshape3A_1054 {offsets = [0, 0, 0, 0], sizes = [16, 1, 2, 512], strides = [1, 1, 1, 1]} : vector<16x2x2x512xf32> to vector<16x1x2x512xf32>
      %squeeze3A_1057 = vector.shape_cast %slice3A_1056 : vector<16x1x2x512xf32> to vector<16x2x512xf32>
      %slice3A_1058 = vector.extract_strided_slice %reshape3A_1054 {offsets = [0, 1, 0, 0], sizes = [16, 1, 2, 512], strides = [1, 1, 1, 1]} : vector<16x2x2x512xf32> to vector<16x1x2x512xf32>
      %squeeze3A_1059 = vector.shape_cast %slice3A_1058 : vector<16x1x2x512xf32> to vector<16x2x512xf32>
      %slice3A_1060 = vector.extract_strided_slice %reshape3A_1055 {offsets = [0, 0, 0, 0], sizes = [16, 1, 2, 512], strides = [1, 1, 1, 1]} : vector<16x2x2x512xi32> to vector<16x1x2x512xi32>
      %squeeze3A_1061 = vector.shape_cast %slice3A_1060 : vector<16x1x2x512xi32> to vector<16x2x512xi32>
      %slice3A_1062 = vector.extract_strided_slice %reshape3A_1055 {offsets = [0, 1, 0, 0], sizes = [16, 1, 2, 512], strides = [1, 1, 1, 1]} : vector<16x2x2x512xi32> to vector<16x1x2x512xi32>
      %squeeze3A_1063 = vector.shape_cast %slice3A_1062 : vector<16x1x2x512xi32> to vector<16x2x512xi32>
      %lt3A_1064 = arith.cmpf olt, %squeeze3A_1059, %squeeze3A_1057 : vector<16x2x512xf32>
      %eq3A_1065 = arith.cmpf oeq, %squeeze3A_1059, %squeeze3A_1057 : vector<16x2x512xf32>
      %lt3A_1066 = arith.cmpi slt, %squeeze3A_1063, %squeeze3A_1061 : vector<16x2x512xi32>
      %and3A_1067 = arith.andi %eq3A_1065, %lt3A_1066 : vector<16x2x512xi1>
      %or3A_1068 = arith.ori %lt3A_1064, %and3A_1067 : vector<16x2x512xi1>
      %select_n3A_1069 = arith.select %or3A_1068, %squeeze3A_1059, %squeeze3A_1057 : vector<16x2x512xi1>, vector<16x2x512xf32>
      %select_n3A_1070 = arith.select %or3A_1068, %squeeze3A_1063, %squeeze3A_1061 : vector<16x2x512xi1>, vector<16x2x512xi32>
      %select_n3A_1071 = arith.select %or3A_1068, %squeeze3A_1057, %squeeze3A_1059 : vector<16x2x512xi1>, vector<16x2x512xf32>
      %select_n3A_1072 = arith.select %or3A_1068, %squeeze3A_1061, %squeeze3A_1063 : vector<16x2x512xi1>, vector<16x2x512xi32>
      %reshape3A_1073 = vector.shape_cast %select_n3A_1069 : vector<16x2x512xf32> to vector<16x1x2x512xf32>
      %reshape3A_1074 = vector.shape_cast %select_n3A_1071 : vector<16x2x512xf32> to vector<16x1x2x512xf32>
      %concatenate3A_1075 = tpu.concatenate %reshape3A_1073, %reshape3A_1074 in 1 : vector<16x1x2x512xf32>, vector<16x1x2x512xf32> -> vector<16x2x2x512xf32>
      %reshape3A_1076 = vector.shape_cast %concatenate3A_1075 : vector<16x2x2x512xf32> to vector<64x512xf32>
      %reshape3A_1077 = vector.shape_cast %select_n3A_1070 : vector<16x2x512xi32> to vector<16x1x2x512xi32>
      %reshape3A_1078 = vector.shape_cast %select_n3A_1072 : vector<16x2x512xi32> to vector<16x1x2x512xi32>
      %concatenate3A_1079 = tpu.concatenate %reshape3A_1077, %reshape3A_1078 in 1 : vector<16x1x2x512xi32>, vector<16x1x2x512xi32> -> vector<16x2x2x512xi32>
      %reshape3A_1080 = vector.shape_cast %concatenate3A_1079 : vector<16x2x2x512xi32> to vector<64x512xi32>
      %reshape3A_1081 = vector.shape_cast %reshape3A_1076 : vector<64x512xf32> to vector<32x2x1x512xf32>
      %reshape3A_1082 = vector.shape_cast %reshape3A_1080 : vector<64x512xi32> to vector<32x2x1x512xi32>
      %slice3A_1083 = vector.extract_strided_slice %reshape3A_1081 {offsets = [0, 0, 0, 0], sizes = [32, 1, 1, 512], strides = [1, 1, 1, 1]} : vector<32x2x1x512xf32> to vector<32x1x1x512xf32>
      %squeeze3A_1084 = vector.shape_cast %slice3A_1083 : vector<32x1x1x512xf32> to vector<32x1x512xf32>
      %slice3A_1085 = vector.extract_strided_slice %reshape3A_1081 {offsets = [0, 1, 0, 0], sizes = [32, 1, 1, 512], strides = [1, 1, 1, 1]} : vector<32x2x1x512xf32> to vector<32x1x1x512xf32>
      %squeeze3A_1086 = vector.shape_cast %slice3A_1085 : vector<32x1x1x512xf32> to vector<32x1x512xf32>
      %slice3A_1087 = vector.extract_strided_slice %reshape3A_1082 {offsets = [0, 0, 0, 0], sizes = [32, 1, 1, 512], strides = [1, 1, 1, 1]} : vector<32x2x1x512xi32> to vector<32x1x1x512xi32>
      %squeeze3A_1088 = vector.shape_cast %slice3A_1087 : vector<32x1x1x512xi32> to vector<32x1x512xi32>
      %slice3A_1089 = vector.extract_strided_slice %reshape3A_1082 {offsets = [0, 1, 0, 0], sizes = [32, 1, 1, 512], strides = [1, 1, 1, 1]} : vector<32x2x1x512xi32> to vector<32x1x1x512xi32>
      %squeeze3A_1090 = vector.shape_cast %slice3A_1089 : vector<32x1x1x512xi32> to vector<32x1x512xi32>
      %lt3A_1091 = arith.cmpf olt, %squeeze3A_1086, %squeeze3A_1084 : vector<32x1x512xf32>
      %eq3A_1092 = arith.cmpf oeq, %squeeze3A_1086, %squeeze3A_1084 : vector<32x1x512xf32>
      %lt3A_1093 = arith.cmpi slt, %squeeze3A_1090, %squeeze3A_1088 : vector<32x1x512xi32>
      %and3A_1094 = arith.andi %eq3A_1092, %lt3A_1093 : vector<32x1x512xi1>
      %or3A_1095 = arith.ori %lt3A_1091, %and3A_1094 : vector<32x1x512xi1>
      %select_n3A_1096 = arith.select %or3A_1095, %squeeze3A_1086, %squeeze3A_1084 : vector<32x1x512xi1>, vector<32x1x512xf32>
      %select_n3A_1097 = arith.select %or3A_1095, %squeeze3A_1090, %squeeze3A_1088 : vector<32x1x512xi1>, vector<32x1x512xi32>
      %select_n3A_1098 = arith.select %or3A_1095, %squeeze3A_1084, %squeeze3A_1086 : vector<32x1x512xi1>, vector<32x1x512xf32>
      %select_n3A_1099 = arith.select %or3A_1095, %squeeze3A_1088, %squeeze3A_1090 : vector<32x1x512xi1>, vector<32x1x512xi32>
      %reshape3A_1100 = vector.shape_cast %select_n3A_1096 : vector<32x1x512xf32> to vector<32x1x1x512xf32>
      %reshape3A_1101 = vector.shape_cast %select_n3A_1098 : vector<32x1x512xf32> to vector<32x1x1x512xf32>
      %concatenate3A_1102 = tpu.concatenate %reshape3A_1100, %reshape3A_1101 in 1 : vector<32x1x1x512xf32>, vector<32x1x1x512xf32> -> vector<32x2x1x512xf32>
      %reshape3A_1103 = vector.shape_cast %concatenate3A_1102 : vector<32x2x1x512xf32> to vector<64x512xf32>
      %reshape3A_1104 = vector.shape_cast %select_n3A_1097 : vector<32x1x512xi32> to vector<32x1x1x512xi32>
      %reshape3A_1105 = vector.shape_cast %select_n3A_1099 : vector<32x1x512xi32> to vector<32x1x1x512xi32>
      %concatenate3A_1106 = tpu.concatenate %reshape3A_1104, %reshape3A_1105 in 1 : vector<32x1x1x512xi32>, vector<32x1x1x512xi32> -> vector<32x2x1x512xi32>
      %reshape3A_1107 = vector.shape_cast %concatenate3A_1106 : vector<32x2x1x512xi32> to vector<64x512xi32>
      %slice3A_1108 = vector.extract_strided_slice %reshape3A_932 {offsets = [64, 0], sizes = [64, 512], strides = [1, 1]} : vector<256x512xf32> to vector<64x512xf32>
      %slice3A_1109 = vector.extract_strided_slice %reshape3A_936 {offsets = [64, 0], sizes = [64, 512], strides = [1, 1]} : vector<256x512xi32> to vector<64x512xi32>
      %lt3A_1110 = arith.cmpf olt, %slice3A_1108, %reshape3A_1103 : vector<64x512xf32>
      %eq3A_1111 = arith.cmpf oeq, %slice3A_1108, %reshape3A_1103 : vector<64x512xf32>
      %lt3A_1112 = arith.cmpi slt, %slice3A_1109, %reshape3A_1107 : vector<64x512xi32>
      %and3A_1113 = arith.andi %eq3A_1111, %lt3A_1112 : vector<64x512xi1>
      %or3A_1114 = arith.ori %lt3A_1110, %and3A_1113 : vector<64x512xi1>
      %select_n3A_1115 = arith.select %or3A_1114, %slice3A_1108, %reshape3A_1103 : vector<64x512xi1>, vector<64x512xf32>
      %select_n3A_1116 = arith.select %or3A_1114, %slice3A_1109, %reshape3A_1107 : vector<64x512xi1>, vector<64x512xi32>
      %reshape3A_1117 = vector.shape_cast %select_n3A_1115 : vector<64x512xf32> to vector<1x2x32x512xf32>
      %reshape3A_1118 = vector.shape_cast %select_n3A_1116 : vector<64x512xi32> to vector<1x2x32x512xi32>
      %slice3A_1119 = vector.extract_strided_slice %reshape3A_1117 {offsets = [0, 0, 0, 0], sizes = [1, 1, 32, 512], strides = [1, 1, 1, 1]} : vector<1x2x32x512xf32> to vector<1x1x32x512xf32>
      %squeeze3A_1120 = vector.shape_cast %slice3A_1119 : vector<1x1x32x512xf32> to vector<1x32x512xf32>
      %slice3A_1121 = vector.extract_strided_slice %reshape3A_1117 {offsets = [0, 1, 0, 0], sizes = [1, 1, 32, 512], strides = [1, 1, 1, 1]} : vector<1x2x32x512xf32> to vector<1x1x32x512xf32>
      %squeeze3A_1122 = vector.shape_cast %slice3A_1121 : vector<1x1x32x512xf32> to vector<1x32x512xf32>
      %slice3A_1123 = vector.extract_strided_slice %reshape3A_1118 {offsets = [0, 0, 0, 0], sizes = [1, 1, 32, 512], strides = [1, 1, 1, 1]} : vector<1x2x32x512xi32> to vector<1x1x32x512xi32>
      %squeeze3A_1124 = vector.shape_cast %slice3A_1123 : vector<1x1x32x512xi32> to vector<1x32x512xi32>
      %slice3A_1125 = vector.extract_strided_slice %reshape3A_1118 {offsets = [0, 1, 0, 0], sizes = [1, 1, 32, 512], strides = [1, 1, 1, 1]} : vector<1x2x32x512xi32> to vector<1x1x32x512xi32>
      %squeeze3A_1126 = vector.shape_cast %slice3A_1125 : vector<1x1x32x512xi32> to vector<1x32x512xi32>
      %lt3A_1127 = arith.cmpf olt, %squeeze3A_1122, %squeeze3A_1120 : vector<1x32x512xf32>
      %eq3A_1128 = arith.cmpf oeq, %squeeze3A_1122, %squeeze3A_1120 : vector<1x32x512xf32>
      %lt3A_1129 = arith.cmpi slt, %squeeze3A_1126, %squeeze3A_1124 : vector<1x32x512xi32>
      %and3A_1130 = arith.andi %eq3A_1128, %lt3A_1129 : vector<1x32x512xi1>
      %or3A_1131 = arith.ori %lt3A_1127, %and3A_1130 : vector<1x32x512xi1>
      %select_n3A_1132 = arith.select %or3A_1131, %squeeze3A_1122, %squeeze3A_1120 : vector<1x32x512xi1>, vector<1x32x512xf32>
      %select_n3A_1133 = arith.select %or3A_1131, %squeeze3A_1126, %squeeze3A_1124 : vector<1x32x512xi1>, vector<1x32x512xi32>
      %select_n3A_1134 = arith.select %or3A_1131, %squeeze3A_1120, %squeeze3A_1122 : vector<1x32x512xi1>, vector<1x32x512xf32>
      %select_n3A_1135 = arith.select %or3A_1131, %squeeze3A_1124, %squeeze3A_1126 : vector<1x32x512xi1>, vector<1x32x512xi32>
      %reshape3A_1136 = vector.shape_cast %select_n3A_1132 : vector<1x32x512xf32> to vector<1x1x32x512xf32>
      %reshape3A_1137 = vector.shape_cast %select_n3A_1134 : vector<1x32x512xf32> to vector<1x1x32x512xf32>
      %concatenate3A_1138 = tpu.concatenate %reshape3A_1136, %reshape3A_1137 in 1 : vector<1x1x32x512xf32>, vector<1x1x32x512xf32> -> vector<1x2x32x512xf32>
      %reshape3A_1139 = vector.shape_cast %concatenate3A_1138 : vector<1x2x32x512xf32> to vector<64x512xf32>
      %reshape3A_1140 = vector.shape_cast %select_n3A_1133 : vector<1x32x512xi32> to vector<1x1x32x512xi32>
      %reshape3A_1141 = vector.shape_cast %select_n3A_1135 : vector<1x32x512xi32> to vector<1x1x32x512xi32>
      %concatenate3A_1142 = tpu.concatenate %reshape3A_1140, %reshape3A_1141 in 1 : vector<1x1x32x512xi32>, vector<1x1x32x512xi32> -> vector<1x2x32x512xi32>
      %reshape3A_1143 = vector.shape_cast %concatenate3A_1142 : vector<1x2x32x512xi32> to vector<64x512xi32>
      %reshape3A_1144 = vector.shape_cast %reshape3A_1139 : vector<64x512xf32> to vector<2x2x16x512xf32>
      %reshape3A_1145 = vector.shape_cast %reshape3A_1143 : vector<64x512xi32> to vector<2x2x16x512xi32>
      %slice3A_1146 = vector.extract_strided_slice %reshape3A_1144 {offsets = [0, 0, 0, 0], sizes = [2, 1, 16, 512], strides = [1, 1, 1, 1]} : vector<2x2x16x512xf32> to vector<2x1x16x512xf32>
      %squeeze3A_1147 = vector.shape_cast %slice3A_1146 : vector<2x1x16x512xf32> to vector<2x16x512xf32>
      %slice3A_1148 = vector.extract_strided_slice %reshape3A_1144 {offsets = [0, 1, 0, 0], sizes = [2, 1, 16, 512], strides = [1, 1, 1, 1]} : vector<2x2x16x512xf32> to vector<2x1x16x512xf32>
      %squeeze3A_1149 = vector.shape_cast %slice3A_1148 : vector<2x1x16x512xf32> to vector<2x16x512xf32>
      %slice3A_1150 = vector.extract_strided_slice %reshape3A_1145 {offsets = [0, 0, 0, 0], sizes = [2, 1, 16, 512], strides = [1, 1, 1, 1]} : vector<2x2x16x512xi32> to vector<2x1x16x512xi32>
      %squeeze3A_1151 = vector.shape_cast %slice3A_1150 : vector<2x1x16x512xi32> to vector<2x16x512xi32>
      %slice3A_1152 = vector.extract_strided_slice %reshape3A_1145 {offsets = [0, 1, 0, 0], sizes = [2, 1, 16, 512], strides = [1, 1, 1, 1]} : vector<2x2x16x512xi32> to vector<2x1x16x512xi32>
      %squeeze3A_1153 = vector.shape_cast %slice3A_1152 : vector<2x1x16x512xi32> to vector<2x16x512xi32>
      %lt3A_1154 = arith.cmpf olt, %squeeze3A_1149, %squeeze3A_1147 : vector<2x16x512xf32>
      %eq3A_1155 = arith.cmpf oeq, %squeeze3A_1149, %squeeze3A_1147 : vector<2x16x512xf32>
      %lt3A_1156 = arith.cmpi slt, %squeeze3A_1153, %squeeze3A_1151 : vector<2x16x512xi32>
      %and3A_1157 = arith.andi %eq3A_1155, %lt3A_1156 : vector<2x16x512xi1>
      %or3A_1158 = arith.ori %lt3A_1154, %and3A_1157 : vector<2x16x512xi1>
      %select_n3A_1159 = arith.select %or3A_1158, %squeeze3A_1149, %squeeze3A_1147 : vector<2x16x512xi1>, vector<2x16x512xf32>
      %select_n3A_1160 = arith.select %or3A_1158, %squeeze3A_1153, %squeeze3A_1151 : vector<2x16x512xi1>, vector<2x16x512xi32>
      %select_n3A_1161 = arith.select %or3A_1158, %squeeze3A_1147, %squeeze3A_1149 : vector<2x16x512xi1>, vector<2x16x512xf32>
      %select_n3A_1162 = arith.select %or3A_1158, %squeeze3A_1151, %squeeze3A_1153 : vector<2x16x512xi1>, vector<2x16x512xi32>
      %reshape3A_1163 = vector.shape_cast %select_n3A_1159 : vector<2x16x512xf32> to vector<2x1x16x512xf32>
      %reshape3A_1164 = vector.shape_cast %select_n3A_1161 : vector<2x16x512xf32> to vector<2x1x16x512xf32>
      %concatenate3A_1165 = tpu.concatenate %reshape3A_1163, %reshape3A_1164 in 1 : vector<2x1x16x512xf32>, vector<2x1x16x512xf32> -> vector<2x2x16x512xf32>
      %reshape3A_1166 = vector.shape_cast %concatenate3A_1165 : vector<2x2x16x512xf32> to vector<64x512xf32>
      %reshape3A_1167 = vector.shape_cast %select_n3A_1160 : vector<2x16x512xi32> to vector<2x1x16x512xi32>
      %reshape3A_1168 = vector.shape_cast %select_n3A_1162 : vector<2x16x512xi32> to vector<2x1x16x512xi32>
      %concatenate3A_1169 = tpu.concatenate %reshape3A_1167, %reshape3A_1168 in 1 : vector<2x1x16x512xi32>, vector<2x1x16x512xi32> -> vector<2x2x16x512xi32>
      %reshape3A_1170 = vector.shape_cast %concatenate3A_1169 : vector<2x2x16x512xi32> to vector<64x512xi32>
      %reshape3A_1171 = vector.shape_cast %reshape3A_1166 : vector<64x512xf32> to vector<4x2x8x512xf32>
      %reshape3A_1172 = vector.shape_cast %reshape3A_1170 : vector<64x512xi32> to vector<4x2x8x512xi32>
      %slice3A_1173 = vector.extract_strided_slice %reshape3A_1171 {offsets = [0, 0, 0, 0], sizes = [4, 1, 8, 512], strides = [1, 1, 1, 1]} : vector<4x2x8x512xf32> to vector<4x1x8x512xf32>
      %squeeze3A_1174 = vector.shape_cast %slice3A_1173 : vector<4x1x8x512xf32> to vector<4x8x512xf32>
      %slice3A_1175 = vector.extract_strided_slice %reshape3A_1171 {offsets = [0, 1, 0, 0], sizes = [4, 1, 8, 512], strides = [1, 1, 1, 1]} : vector<4x2x8x512xf32> to vector<4x1x8x512xf32>
      %squeeze3A_1176 = vector.shape_cast %slice3A_1175 : vector<4x1x8x512xf32> to vector<4x8x512xf32>
      %slice3A_1177 = vector.extract_strided_slice %reshape3A_1172 {offsets = [0, 0, 0, 0], sizes = [4, 1, 8, 512], strides = [1, 1, 1, 1]} : vector<4x2x8x512xi32> to vector<4x1x8x512xi32>
      %squeeze3A_1178 = vector.shape_cast %slice3A_1177 : vector<4x1x8x512xi32> to vector<4x8x512xi32>
      %slice3A_1179 = vector.extract_strided_slice %reshape3A_1172 {offsets = [0, 1, 0, 0], sizes = [4, 1, 8, 512], strides = [1, 1, 1, 1]} : vector<4x2x8x512xi32> to vector<4x1x8x512xi32>
      %squeeze3A_1180 = vector.shape_cast %slice3A_1179 : vector<4x1x8x512xi32> to vector<4x8x512xi32>
      %lt3A_1181 = arith.cmpf olt, %squeeze3A_1176, %squeeze3A_1174 : vector<4x8x512xf32>
      %eq3A_1182 = arith.cmpf oeq, %squeeze3A_1176, %squeeze3A_1174 : vector<4x8x512xf32>
      %lt3A_1183 = arith.cmpi slt, %squeeze3A_1180, %squeeze3A_1178 : vector<4x8x512xi32>
      %and3A_1184 = arith.andi %eq3A_1182, %lt3A_1183 : vector<4x8x512xi1>
      %or3A_1185 = arith.ori %lt3A_1181, %and3A_1184 : vector<4x8x512xi1>
      %select_n3A_1186 = arith.select %or3A_1185, %squeeze3A_1176, %squeeze3A_1174 : vector<4x8x512xi1>, vector<4x8x512xf32>
      %select_n3A_1187 = arith.select %or3A_1185, %squeeze3A_1180, %squeeze3A_1178 : vector<4x8x512xi1>, vector<4x8x512xi32>
      %select_n3A_1188 = arith.select %or3A_1185, %squeeze3A_1174, %squeeze3A_1176 : vector<4x8x512xi1>, vector<4x8x512xf32>
      %select_n3A_1189 = arith.select %or3A_1185, %squeeze3A_1178, %squeeze3A_1180 : vector<4x8x512xi1>, vector<4x8x512xi32>
      %reshape3A_1190 = vector.shape_cast %select_n3A_1186 : vector<4x8x512xf32> to vector<4x1x8x512xf32>
      %reshape3A_1191 = vector.shape_cast %select_n3A_1188 : vector<4x8x512xf32> to vector<4x1x8x512xf32>
      %concatenate3A_1192 = tpu.concatenate %reshape3A_1190, %reshape3A_1191 in 1 : vector<4x1x8x512xf32>, vector<4x1x8x512xf32> -> vector<4x2x8x512xf32>
      %reshape3A_1193 = vector.shape_cast %concatenate3A_1192 : vector<4x2x8x512xf32> to vector<64x512xf32>
      %reshape3A_1194 = vector.shape_cast %select_n3A_1187 : vector<4x8x512xi32> to vector<4x1x8x512xi32>
      %reshape3A_1195 = vector.shape_cast %select_n3A_1189 : vector<4x8x512xi32> to vector<4x1x8x512xi32>
      %concatenate3A_1196 = tpu.concatenate %reshape3A_1194, %reshape3A_1195 in 1 : vector<4x1x8x512xi32>, vector<4x1x8x512xi32> -> vector<4x2x8x512xi32>
      %reshape3A_1197 = vector.shape_cast %concatenate3A_1196 : vector<4x2x8x512xi32> to vector<64x512xi32>
      %reshape3A_1198 = vector.shape_cast %reshape3A_1193 : vector<64x512xf32> to vector<8x2x4x512xf32>
      %reshape3A_1199 = vector.shape_cast %reshape3A_1197 : vector<64x512xi32> to vector<8x2x4x512xi32>
      %slice3A_1200 = vector.extract_strided_slice %reshape3A_1198 {offsets = [0, 0, 0, 0], sizes = [8, 1, 4, 512], strides = [1, 1, 1, 1]} : vector<8x2x4x512xf32> to vector<8x1x4x512xf32>
      %squeeze3A_1201 = vector.shape_cast %slice3A_1200 : vector<8x1x4x512xf32> to vector<8x4x512xf32>
      %slice3A_1202 = vector.extract_strided_slice %reshape3A_1198 {offsets = [0, 1, 0, 0], sizes = [8, 1, 4, 512], strides = [1, 1, 1, 1]} : vector<8x2x4x512xf32> to vector<8x1x4x512xf32>
      %squeeze3A_1203 = vector.shape_cast %slice3A_1202 : vector<8x1x4x512xf32> to vector<8x4x512xf32>
      %slice3A_1204 = vector.extract_strided_slice %reshape3A_1199 {offsets = [0, 0, 0, 0], sizes = [8, 1, 4, 512], strides = [1, 1, 1, 1]} : vector<8x2x4x512xi32> to vector<8x1x4x512xi32>
      %squeeze3A_1205 = vector.shape_cast %slice3A_1204 : vector<8x1x4x512xi32> to vector<8x4x512xi32>
      %slice3A_1206 = vector.extract_strided_slice %reshape3A_1199 {offsets = [0, 1, 0, 0], sizes = [8, 1, 4, 512], strides = [1, 1, 1, 1]} : vector<8x2x4x512xi32> to vector<8x1x4x512xi32>
      %squeeze3A_1207 = vector.shape_cast %slice3A_1206 : vector<8x1x4x512xi32> to vector<8x4x512xi32>
      %lt3A_1208 = arith.cmpf olt, %squeeze3A_1203, %squeeze3A_1201 : vector<8x4x512xf32>
      %eq3A_1209 = arith.cmpf oeq, %squeeze3A_1203, %squeeze3A_1201 : vector<8x4x512xf32>
      %lt3A_1210 = arith.cmpi slt, %squeeze3A_1207, %squeeze3A_1205 : vector<8x4x512xi32>
      %and3A_1211 = arith.andi %eq3A_1209, %lt3A_1210 : vector<8x4x512xi1>
      %or3A_1212 = arith.ori %lt3A_1208, %and3A_1211 : vector<8x4x512xi1>
      %select_n3A_1213 = arith.select %or3A_1212, %squeeze3A_1203, %squeeze3A_1201 : vector<8x4x512xi1>, vector<8x4x512xf32>
      %select_n3A_1214 = arith.select %or3A_1212, %squeeze3A_1207, %squeeze3A_1205 : vector<8x4x512xi1>, vector<8x4x512xi32>
      %select_n3A_1215 = arith.select %or3A_1212, %squeeze3A_1201, %squeeze3A_1203 : vector<8x4x512xi1>, vector<8x4x512xf32>
      %select_n3A_1216 = arith.select %or3A_1212, %squeeze3A_1205, %squeeze3A_1207 : vector<8x4x512xi1>, vector<8x4x512xi32>
      %reshape3A_1217 = vector.shape_cast %select_n3A_1213 : vector<8x4x512xf32> to vector<8x1x4x512xf32>
      %reshape3A_1218 = vector.shape_cast %select_n3A_1215 : vector<8x4x512xf32> to vector<8x1x4x512xf32>
      %concatenate3A_1219 = tpu.concatenate %reshape3A_1217, %reshape3A_1218 in 1 : vector<8x1x4x512xf32>, vector<8x1x4x512xf32> -> vector<8x2x4x512xf32>
      %reshape3A_1220 = vector.shape_cast %concatenate3A_1219 : vector<8x2x4x512xf32> to vector<64x512xf32>
      %reshape3A_1221 = vector.shape_cast %select_n3A_1214 : vector<8x4x512xi32> to vector<8x1x4x512xi32>
      %reshape3A_1222 = vector.shape_cast %select_n3A_1216 : vector<8x4x512xi32> to vector<8x1x4x512xi32>
      %concatenate3A_1223 = tpu.concatenate %reshape3A_1221, %reshape3A_1222 in 1 : vector<8x1x4x512xi32>, vector<8x1x4x512xi32> -> vector<8x2x4x512xi32>
      %reshape3A_1224 = vector.shape_cast %concatenate3A_1223 : vector<8x2x4x512xi32> to vector<64x512xi32>
      %reshape3A_1225 = vector.shape_cast %reshape3A_1220 : vector<64x512xf32> to vector<16x2x2x512xf32>
      %reshape3A_1226 = vector.shape_cast %reshape3A_1224 : vector<64x512xi32> to vector<16x2x2x512xi32>
      %slice3A_1227 = vector.extract_strided_slice %reshape3A_1225 {offsets = [0, 0, 0, 0], sizes = [16, 1, 2, 512], strides = [1, 1, 1, 1]} : vector<16x2x2x512xf32> to vector<16x1x2x512xf32>
      %squeeze3A_1228 = vector.shape_cast %slice3A_1227 : vector<16x1x2x512xf32> to vector<16x2x512xf32>
      %slice3A_1229 = vector.extract_strided_slice %reshape3A_1225 {offsets = [0, 1, 0, 0], sizes = [16, 1, 2, 512], strides = [1, 1, 1, 1]} : vector<16x2x2x512xf32> to vector<16x1x2x512xf32>
      %squeeze3A_1230 = vector.shape_cast %slice3A_1229 : vector<16x1x2x512xf32> to vector<16x2x512xf32>
      %slice3A_1231 = vector.extract_strided_slice %reshape3A_1226 {offsets = [0, 0, 0, 0], sizes = [16, 1, 2, 512], strides = [1, 1, 1, 1]} : vector<16x2x2x512xi32> to vector<16x1x2x512xi32>
      %squeeze3A_1232 = vector.shape_cast %slice3A_1231 : vector<16x1x2x512xi32> to vector<16x2x512xi32>
      %slice3A_1233 = vector.extract_strided_slice %reshape3A_1226 {offsets = [0, 1, 0, 0], sizes = [16, 1, 2, 512], strides = [1, 1, 1, 1]} : vector<16x2x2x512xi32> to vector<16x1x2x512xi32>
      %squeeze3A_1234 = vector.shape_cast %slice3A_1233 : vector<16x1x2x512xi32> to vector<16x2x512xi32>
      %lt3A_1235 = arith.cmpf olt, %squeeze3A_1230, %squeeze3A_1228 : vector<16x2x512xf32>
      %eq3A_1236 = arith.cmpf oeq, %squeeze3A_1230, %squeeze3A_1228 : vector<16x2x512xf32>
      %lt3A_1237 = arith.cmpi slt, %squeeze3A_1234, %squeeze3A_1232 : vector<16x2x512xi32>
      %and3A_1238 = arith.andi %eq3A_1236, %lt3A_1237 : vector<16x2x512xi1>
      %or3A_1239 = arith.ori %lt3A_1235, %and3A_1238 : vector<16x2x512xi1>
      %select_n3A_1240 = arith.select %or3A_1239, %squeeze3A_1230, %squeeze3A_1228 : vector<16x2x512xi1>, vector<16x2x512xf32>
      %select_n3A_1241 = arith.select %or3A_1239, %squeeze3A_1234, %squeeze3A_1232 : vector<16x2x512xi1>, vector<16x2x512xi32>
      %select_n3A_1242 = arith.select %or3A_1239, %squeeze3A_1228, %squeeze3A_1230 : vector<16x2x512xi1>, vector<16x2x512xf32>
      %select_n3A_1243 = arith.select %or3A_1239, %squeeze3A_1232, %squeeze3A_1234 : vector<16x2x512xi1>, vector<16x2x512xi32>
      %reshape3A_1244 = vector.shape_cast %select_n3A_1240 : vector<16x2x512xf32> to vector<16x1x2x512xf32>
      %reshape3A_1245 = vector.shape_cast %select_n3A_1242 : vector<16x2x512xf32> to vector<16x1x2x512xf32>
      %concatenate3A_1246 = tpu.concatenate %reshape3A_1244, %reshape3A_1245 in 1 : vector<16x1x2x512xf32>, vector<16x1x2x512xf32> -> vector<16x2x2x512xf32>
      %reshape3A_1247 = vector.shape_cast %concatenate3A_1246 : vector<16x2x2x512xf32> to vector<64x512xf32>
      %reshape3A_1248 = vector.shape_cast %select_n3A_1241 : vector<16x2x512xi32> to vector<16x1x2x512xi32>
      %reshape3A_1249 = vector.shape_cast %select_n3A_1243 : vector<16x2x512xi32> to vector<16x1x2x512xi32>
      %concatenate3A_1250 = tpu.concatenate %reshape3A_1248, %reshape3A_1249 in 1 : vector<16x1x2x512xi32>, vector<16x1x2x512xi32> -> vector<16x2x2x512xi32>
      %reshape3A_1251 = vector.shape_cast %concatenate3A_1250 : vector<16x2x2x512xi32> to vector<64x512xi32>
      %reshape3A_1252 = vector.shape_cast %reshape3A_1247 : vector<64x512xf32> to vector<32x2x1x512xf32>
      %reshape3A_1253 = vector.shape_cast %reshape3A_1251 : vector<64x512xi32> to vector<32x2x1x512xi32>
      %slice3A_1254 = vector.extract_strided_slice %reshape3A_1252 {offsets = [0, 0, 0, 0], sizes = [32, 1, 1, 512], strides = [1, 1, 1, 1]} : vector<32x2x1x512xf32> to vector<32x1x1x512xf32>
      %squeeze3A_1255 = vector.shape_cast %slice3A_1254 : vector<32x1x1x512xf32> to vector<32x1x512xf32>
      %slice3A_1256 = vector.extract_strided_slice %reshape3A_1252 {offsets = [0, 1, 0, 0], sizes = [32, 1, 1, 512], strides = [1, 1, 1, 1]} : vector<32x2x1x512xf32> to vector<32x1x1x512xf32>
      %squeeze3A_1257 = vector.shape_cast %slice3A_1256 : vector<32x1x1x512xf32> to vector<32x1x512xf32>
      %slice3A_1258 = vector.extract_strided_slice %reshape3A_1253 {offsets = [0, 0, 0, 0], sizes = [32, 1, 1, 512], strides = [1, 1, 1, 1]} : vector<32x2x1x512xi32> to vector<32x1x1x512xi32>
      %squeeze3A_1259 = vector.shape_cast %slice3A_1258 : vector<32x1x1x512xi32> to vector<32x1x512xi32>
      %slice3A_1260 = vector.extract_strided_slice %reshape3A_1253 {offsets = [0, 1, 0, 0], sizes = [32, 1, 1, 512], strides = [1, 1, 1, 1]} : vector<32x2x1x512xi32> to vector<32x1x1x512xi32>
      %squeeze3A_1261 = vector.shape_cast %slice3A_1260 : vector<32x1x1x512xi32> to vector<32x1x512xi32>
      %lt3A_1262 = arith.cmpf olt, %squeeze3A_1257, %squeeze3A_1255 : vector<32x1x512xf32>
      %eq3A_1263 = arith.cmpf oeq, %squeeze3A_1257, %squeeze3A_1255 : vector<32x1x512xf32>
      %lt3A_1264 = arith.cmpi slt, %squeeze3A_1261, %squeeze3A_1259 : vector<32x1x512xi32>
      %and3A_1265 = arith.andi %eq3A_1263, %lt3A_1264 : vector<32x1x512xi1>
      %or3A_1266 = arith.ori %lt3A_1262, %and3A_1265 : vector<32x1x512xi1>
      %select_n3A_1267 = arith.select %or3A_1266, %squeeze3A_1257, %squeeze3A_1255 : vector<32x1x512xi1>, vector<32x1x512xf32>
      %select_n3A_1268 = arith.select %or3A_1266, %squeeze3A_1261, %squeeze3A_1259 : vector<32x1x512xi1>, vector<32x1x512xi32>
      %select_n3A_1269 = arith.select %or3A_1266, %squeeze3A_1255, %squeeze3A_1257 : vector<32x1x512xi1>, vector<32x1x512xf32>
      %select_n3A_1270 = arith.select %or3A_1266, %squeeze3A_1259, %squeeze3A_1261 : vector<32x1x512xi1>, vector<32x1x512xi32>
      %reshape3A_1271 = vector.shape_cast %select_n3A_1267 : vector<32x1x512xf32> to vector<32x1x1x512xf32>
      %reshape3A_1272 = vector.shape_cast %select_n3A_1269 : vector<32x1x512xf32> to vector<32x1x1x512xf32>
      %concatenate3A_1273 = tpu.concatenate %reshape3A_1271, %reshape3A_1272 in 1 : vector<32x1x1x512xf32>, vector<32x1x1x512xf32> -> vector<32x2x1x512xf32>
      %reshape3A_1274 = vector.shape_cast %concatenate3A_1273 : vector<32x2x1x512xf32> to vector<64x512xf32>
      %reshape3A_1275 = vector.shape_cast %select_n3A_1268 : vector<32x1x512xi32> to vector<32x1x1x512xi32>
      %reshape3A_1276 = vector.shape_cast %select_n3A_1270 : vector<32x1x512xi32> to vector<32x1x1x512xi32>
      %concatenate3A_1277 = tpu.concatenate %reshape3A_1275, %reshape3A_1276 in 1 : vector<32x1x1x512xi32>, vector<32x1x1x512xi32> -> vector<32x2x1x512xi32>
      %reshape3A_1278 = vector.shape_cast %concatenate3A_1277 : vector<32x2x1x512xi32> to vector<64x512xi32>
      %slice3A_1279 = vector.extract_strided_slice %reshape3A_932 {offsets = [128, 0], sizes = [64, 512], strides = [1, 1]} : vector<256x512xf32> to vector<64x512xf32>
      %slice3A_1280 = vector.extract_strided_slice %reshape3A_936 {offsets = [128, 0], sizes = [64, 512], strides = [1, 1]} : vector<256x512xi32> to vector<64x512xi32>
      %lt3A_1281 = arith.cmpf olt, %slice3A_1279, %reshape3A_1274 : vector<64x512xf32>
      %eq3A_1282 = arith.cmpf oeq, %slice3A_1279, %reshape3A_1274 : vector<64x512xf32>
      %lt3A_1283 = arith.cmpi slt, %slice3A_1280, %reshape3A_1278 : vector<64x512xi32>
      %and3A_1284 = arith.andi %eq3A_1282, %lt3A_1283 : vector<64x512xi1>
      %or3A_1285 = arith.ori %lt3A_1281, %and3A_1284 : vector<64x512xi1>
      %select_n3A_1286 = arith.select %or3A_1285, %slice3A_1279, %reshape3A_1274 : vector<64x512xi1>, vector<64x512xf32>
      %select_n3A_1287 = arith.select %or3A_1285, %slice3A_1280, %reshape3A_1278 : vector<64x512xi1>, vector<64x512xi32>
      %reshape3A_1288 = vector.shape_cast %select_n3A_1286 : vector<64x512xf32> to vector<1x2x32x512xf32>
      %reshape3A_1289 = vector.shape_cast %select_n3A_1287 : vector<64x512xi32> to vector<1x2x32x512xi32>
      %slice3A_1290 = vector.extract_strided_slice %reshape3A_1288 {offsets = [0, 0, 0, 0], sizes = [1, 1, 32, 512], strides = [1, 1, 1, 1]} : vector<1x2x32x512xf32> to vector<1x1x32x512xf32>
      %squeeze3A_1291 = vector.shape_cast %slice3A_1290 : vector<1x1x32x512xf32> to vector<1x32x512xf32>
      %slice3A_1292 = vector.extract_strided_slice %reshape3A_1288 {offsets = [0, 1, 0, 0], sizes = [1, 1, 32, 512], strides = [1, 1, 1, 1]} : vector<1x2x32x512xf32> to vector<1x1x32x512xf32>
      %squeeze3A_1293 = vector.shape_cast %slice3A_1292 : vector<1x1x32x512xf32> to vector<1x32x512xf32>
      %slice3A_1294 = vector.extract_strided_slice %reshape3A_1289 {offsets = [0, 0, 0, 0], sizes = [1, 1, 32, 512], strides = [1, 1, 1, 1]} : vector<1x2x32x512xi32> to vector<1x1x32x512xi32>
      %squeeze3A_1295 = vector.shape_cast %slice3A_1294 : vector<1x1x32x512xi32> to vector<1x32x512xi32>
      %slice3A_1296 = vector.extract_strided_slice %reshape3A_1289 {offsets = [0, 1, 0, 0], sizes = [1, 1, 32, 512], strides = [1, 1, 1, 1]} : vector<1x2x32x512xi32> to vector<1x1x32x512xi32>
      %squeeze3A_1297 = vector.shape_cast %slice3A_1296 : vector<1x1x32x512xi32> to vector<1x32x512xi32>
      %lt3A_1298 = arith.cmpf olt, %squeeze3A_1293, %squeeze3A_1291 : vector<1x32x512xf32>
      %eq3A_1299 = arith.cmpf oeq, %squeeze3A_1293, %squeeze3A_1291 : vector<1x32x512xf32>
      %lt3A_1300 = arith.cmpi slt, %squeeze3A_1297, %squeeze3A_1295 : vector<1x32x512xi32>
      %and3A_1301 = arith.andi %eq3A_1299, %lt3A_1300 : vector<1x32x512xi1>
      %or3A_1302 = arith.ori %lt3A_1298, %and3A_1301 : vector<1x32x512xi1>
      %select_n3A_1303 = arith.select %or3A_1302, %squeeze3A_1293, %squeeze3A_1291 : vector<1x32x512xi1>, vector<1x32x512xf32>
      %select_n3A_1304 = arith.select %or3A_1302, %squeeze3A_1297, %squeeze3A_1295 : vector<1x32x512xi1>, vector<1x32x512xi32>
      %select_n3A_1305 = arith.select %or3A_1302, %squeeze3A_1291, %squeeze3A_1293 : vector<1x32x512xi1>, vector<1x32x512xf32>
      %select_n3A_1306 = arith.select %or3A_1302, %squeeze3A_1295, %squeeze3A_1297 : vector<1x32x512xi1>, vector<1x32x512xi32>
      %reshape3A_1307 = vector.shape_cast %select_n3A_1303 : vector<1x32x512xf32> to vector<1x1x32x512xf32>
      %reshape3A_1308 = vector.shape_cast %select_n3A_1305 : vector<1x32x512xf32> to vector<1x1x32x512xf32>
      %concatenate3A_1309 = tpu.concatenate %reshape3A_1307, %reshape3A_1308 in 1 : vector<1x1x32x512xf32>, vector<1x1x32x512xf32> -> vector<1x2x32x512xf32>
      %reshape3A_1310 = vector.shape_cast %concatenate3A_1309 : vector<1x2x32x512xf32> to vector<64x512xf32>
      %reshape3A_1311 = vector.shape_cast %select_n3A_1304 : vector<1x32x512xi32> to vector<1x1x32x512xi32>
      %reshape3A_1312 = vector.shape_cast %select_n3A_1306 : vector<1x32x512xi32> to vector<1x1x32x512xi32>
      %concatenate3A_1313 = tpu.concatenate %reshape3A_1311, %reshape3A_1312 in 1 : vector<1x1x32x512xi32>, vector<1x1x32x512xi32> -> vector<1x2x32x512xi32>
      %reshape3A_1314 = vector.shape_cast %concatenate3A_1313 : vector<1x2x32x512xi32> to vector<64x512xi32>
      %reshape3A_1315 = vector.shape_cast %reshape3A_1310 : vector<64x512xf32> to vector<2x2x16x512xf32>
      %reshape3A_1316 = vector.shape_cast %reshape3A_1314 : vector<64x512xi32> to vector<2x2x16x512xi32>
      %slice3A_1317 = vector.extract_strided_slice %reshape3A_1315 {offsets = [0, 0, 0, 0], sizes = [2, 1, 16, 512], strides = [1, 1, 1, 1]} : vector<2x2x16x512xf32> to vector<2x1x16x512xf32>
      %squeeze3A_1318 = vector.shape_cast %slice3A_1317 : vector<2x1x16x512xf32> to vector<2x16x512xf32>
      %slice3A_1319 = vector.extract_strided_slice %reshape3A_1315 {offsets = [0, 1, 0, 0], sizes = [2, 1, 16, 512], strides = [1, 1, 1, 1]} : vector<2x2x16x512xf32> to vector<2x1x16x512xf32>
      %squeeze3A_1320 = vector.shape_cast %slice3A_1319 : vector<2x1x16x512xf32> to vector<2x16x512xf32>
      %slice3A_1321 = vector.extract_strided_slice %reshape3A_1316 {offsets = [0, 0, 0, 0], sizes = [2, 1, 16, 512], strides = [1, 1, 1, 1]} : vector<2x2x16x512xi32> to vector<2x1x16x512xi32>
      %squeeze3A_1322 = vector.shape_cast %slice3A_1321 : vector<2x1x16x512xi32> to vector<2x16x512xi32>
      %slice3A_1323 = vector.extract_strided_slice %reshape3A_1316 {offsets = [0, 1, 0, 0], sizes = [2, 1, 16, 512], strides = [1, 1, 1, 1]} : vector<2x2x16x512xi32> to vector<2x1x16x512xi32>
      %squeeze3A_1324 = vector.shape_cast %slice3A_1323 : vector<2x1x16x512xi32> to vector<2x16x512xi32>
      %lt3A_1325 = arith.cmpf olt, %squeeze3A_1320, %squeeze3A_1318 : vector<2x16x512xf32>
      %eq3A_1326 = arith.cmpf oeq, %squeeze3A_1320, %squeeze3A_1318 : vector<2x16x512xf32>
      %lt3A_1327 = arith.cmpi slt, %squeeze3A_1324, %squeeze3A_1322 : vector<2x16x512xi32>
      %and3A_1328 = arith.andi %eq3A_1326, %lt3A_1327 : vector<2x16x512xi1>
      %or3A_1329 = arith.ori %lt3A_1325, %and3A_1328 : vector<2x16x512xi1>
      %select_n3A_1330 = arith.select %or3A_1329, %squeeze3A_1320, %squeeze3A_1318 : vector<2x16x512xi1>, vector<2x16x512xf32>
      %select_n3A_1331 = arith.select %or3A_1329, %squeeze3A_1324, %squeeze3A_1322 : vector<2x16x512xi1>, vector<2x16x512xi32>
      %select_n3A_1332 = arith.select %or3A_1329, %squeeze3A_1318, %squeeze3A_1320 : vector<2x16x512xi1>, vector<2x16x512xf32>
      %select_n3A_1333 = arith.select %or3A_1329, %squeeze3A_1322, %squeeze3A_1324 : vector<2x16x512xi1>, vector<2x16x512xi32>
      %reshape3A_1334 = vector.shape_cast %select_n3A_1330 : vector<2x16x512xf32> to vector<2x1x16x512xf32>
      %reshape3A_1335 = vector.shape_cast %select_n3A_1332 : vector<2x16x512xf32> to vector<2x1x16x512xf32>
      %concatenate3A_1336 = tpu.concatenate %reshape3A_1334, %reshape3A_1335 in 1 : vector<2x1x16x512xf32>, vector<2x1x16x512xf32> -> vector<2x2x16x512xf32>
      %reshape3A_1337 = vector.shape_cast %concatenate3A_1336 : vector<2x2x16x512xf32> to vector<64x512xf32>
      %reshape3A_1338 = vector.shape_cast %select_n3A_1331 : vector<2x16x512xi32> to vector<2x1x16x512xi32>
      %reshape3A_1339 = vector.shape_cast %select_n3A_1333 : vector<2x16x512xi32> to vector<2x1x16x512xi32>
      %concatenate3A_1340 = tpu.concatenate %reshape3A_1338, %reshape3A_1339 in 1 : vector<2x1x16x512xi32>, vector<2x1x16x512xi32> -> vector<2x2x16x512xi32>
      %reshape3A_1341 = vector.shape_cast %concatenate3A_1340 : vector<2x2x16x512xi32> to vector<64x512xi32>
      %reshape3A_1342 = vector.shape_cast %reshape3A_1337 : vector<64x512xf32> to vector<4x2x8x512xf32>
      %reshape3A_1343 = vector.shape_cast %reshape3A_1341 : vector<64x512xi32> to vector<4x2x8x512xi32>
      %slice3A_1344 = vector.extract_strided_slice %reshape3A_1342 {offsets = [0, 0, 0, 0], sizes = [4, 1, 8, 512], strides = [1, 1, 1, 1]} : vector<4x2x8x512xf32> to vector<4x1x8x512xf32>
      %squeeze3A_1345 = vector.shape_cast %slice3A_1344 : vector<4x1x8x512xf32> to vector<4x8x512xf32>
      %slice3A_1346 = vector.extract_strided_slice %reshape3A_1342 {offsets = [0, 1, 0, 0], sizes = [4, 1, 8, 512], strides = [1, 1, 1, 1]} : vector<4x2x8x512xf32> to vector<4x1x8x512xf32>
      %squeeze3A_1347 = vector.shape_cast %slice3A_1346 : vector<4x1x8x512xf32> to vector<4x8x512xf32>
      %slice3A_1348 = vector.extract_strided_slice %reshape3A_1343 {offsets = [0, 0, 0, 0], sizes = [4, 1, 8, 512], strides = [1, 1, 1, 1]} : vector<4x2x8x512xi32> to vector<4x1x8x512xi32>
      %squeeze3A_1349 = vector.shape_cast %slice3A_1348 : vector<4x1x8x512xi32> to vector<4x8x512xi32>
      %slice3A_1350 = vector.extract_strided_slice %reshape3A_1343 {offsets = [0, 1, 0, 0], sizes = [4, 1, 8, 512], strides = [1, 1, 1, 1]} : vector<4x2x8x512xi32> to vector<4x1x8x512xi32>
      %squeeze3A_1351 = vector.shape_cast %slice3A_1350 : vector<4x1x8x512xi32> to vector<4x8x512xi32>
      %lt3A_1352 = arith.cmpf olt, %squeeze3A_1347, %squeeze3A_1345 : vector<4x8x512xf32>
      %eq3A_1353 = arith.cmpf oeq, %squeeze3A_1347, %squeeze3A_1345 : vector<4x8x512xf32>
      %lt3A_1354 = arith.cmpi slt, %squeeze3A_1351, %squeeze3A_1349 : vector<4x8x512xi32>
      %and3A_1355 = arith.andi %eq3A_1353, %lt3A_1354 : vector<4x8x512xi1>
      %or3A_1356 = arith.ori %lt3A_1352, %and3A_1355 : vector<4x8x512xi1>
      %select_n3A_1357 = arith.select %or3A_1356, %squeeze3A_1347, %squeeze3A_1345 : vector<4x8x512xi1>, vector<4x8x512xf32>
      %select_n3A_1358 = arith.select %or3A_1356, %squeeze3A_1351, %squeeze3A_1349 : vector<4x8x512xi1>, vector<4x8x512xi32>
      %select_n3A_1359 = arith.select %or3A_1356, %squeeze3A_1345, %squeeze3A_1347 : vector<4x8x512xi1>, vector<4x8x512xf32>
      %select_n3A_1360 = arith.select %or3A_1356, %squeeze3A_1349, %squeeze3A_1351 : vector<4x8x512xi1>, vector<4x8x512xi32>
      %reshape3A_1361 = vector.shape_cast %select_n3A_1357 : vector<4x8x512xf32> to vector<4x1x8x512xf32>
      %reshape3A_1362 = vector.shape_cast %select_n3A_1359 : vector<4x8x512xf32> to vector<4x1x8x512xf32>
      %concatenate3A_1363 = tpu.concatenate %reshape3A_1361, %reshape3A_1362 in 1 : vector<4x1x8x512xf32>, vector<4x1x8x512xf32> -> vector<4x2x8x512xf32>
      %reshape3A_1364 = vector.shape_cast %concatenate3A_1363 : vector<4x2x8x512xf32> to vector<64x512xf32>
      %reshape3A_1365 = vector.shape_cast %select_n3A_1358 : vector<4x8x512xi32> to vector<4x1x8x512xi32>
      %reshape3A_1366 = vector.shape_cast %select_n3A_1360 : vector<4x8x512xi32> to vector<4x1x8x512xi32>
      %concatenate3A_1367 = tpu.concatenate %reshape3A_1365, %reshape3A_1366 in 1 : vector<4x1x8x512xi32>, vector<4x1x8x512xi32> -> vector<4x2x8x512xi32>
      %reshape3A_1368 = vector.shape_cast %concatenate3A_1367 : vector<4x2x8x512xi32> to vector<64x512xi32>
      %reshape3A_1369 = vector.shape_cast %reshape3A_1364 : vector<64x512xf32> to vector<8x2x4x512xf32>
      %reshape3A_1370 = vector.shape_cast %reshape3A_1368 : vector<64x512xi32> to vector<8x2x4x512xi32>
      %slice3A_1371 = vector.extract_strided_slice %reshape3A_1369 {offsets = [0, 0, 0, 0], sizes = [8, 1, 4, 512], strides = [1, 1, 1, 1]} : vector<8x2x4x512xf32> to vector<8x1x4x512xf32>
      %squeeze3A_1372 = vector.shape_cast %slice3A_1371 : vector<8x1x4x512xf32> to vector<8x4x512xf32>
      %slice3A_1373 = vector.extract_strided_slice %reshape3A_1369 {offsets = [0, 1, 0, 0], sizes = [8, 1, 4, 512], strides = [1, 1, 1, 1]} : vector<8x2x4x512xf32> to vector<8x1x4x512xf32>
      %squeeze3A_1374 = vector.shape_cast %slice3A_1373 : vector<8x1x4x512xf32> to vector<8x4x512xf32>
      %slice3A_1375 = vector.extract_strided_slice %reshape3A_1370 {offsets = [0, 0, 0, 0], sizes = [8, 1, 4, 512], strides = [1, 1, 1, 1]} : vector<8x2x4x512xi32> to vector<8x1x4x512xi32>
      %squeeze3A_1376 = vector.shape_cast %slice3A_1375 : vector<8x1x4x512xi32> to vector<8x4x512xi32>
      %slice3A_1377 = vector.extract_strided_slice %reshape3A_1370 {offsets = [0, 1, 0, 0], sizes = [8, 1, 4, 512], strides = [1, 1, 1, 1]} : vector<8x2x4x512xi32> to vector<8x1x4x512xi32>
      %squeeze3A_1378 = vector.shape_cast %slice3A_1377 : vector<8x1x4x512xi32> to vector<8x4x512xi32>
      %lt3A_1379 = arith.cmpf olt, %squeeze3A_1374, %squeeze3A_1372 : vector<8x4x512xf32>
      %eq3A_1380 = arith.cmpf oeq, %squeeze3A_1374, %squeeze3A_1372 : vector<8x4x512xf32>
      %lt3A_1381 = arith.cmpi slt, %squeeze3A_1378, %squeeze3A_1376 : vector<8x4x512xi32>
      %and3A_1382 = arith.andi %eq3A_1380, %lt3A_1381 : vector<8x4x512xi1>
      %or3A_1383 = arith.ori %lt3A_1379, %and3A_1382 : vector<8x4x512xi1>
      %select_n3A_1384 = arith.select %or3A_1383, %squeeze3A_1374, %squeeze3A_1372 : vector<8x4x512xi1>, vector<8x4x512xf32>
      %select_n3A_1385 = arith.select %or3A_1383, %squeeze3A_1378, %squeeze3A_1376 : vector<8x4x512xi1>, vector<8x4x512xi32>
      %select_n3A_1386 = arith.select %or3A_1383, %squeeze3A_1372, %squeeze3A_1374 : vector<8x4x512xi1>, vector<8x4x512xf32>
      %select_n3A_1387 = arith.select %or3A_1383, %squeeze3A_1376, %squeeze3A_1378 : vector<8x4x512xi1>, vector<8x4x512xi32>
      %reshape3A_1388 = vector.shape_cast %select_n3A_1384 : vector<8x4x512xf32> to vector<8x1x4x512xf32>
      %reshape3A_1389 = vector.shape_cast %select_n3A_1386 : vector<8x4x512xf32> to vector<8x1x4x512xf32>
      %concatenate3A_1390 = tpu.concatenate %reshape3A_1388, %reshape3A_1389 in 1 : vector<8x1x4x512xf32>, vector<8x1x4x512xf32> -> vector<8x2x4x512xf32>
      %reshape3A_1391 = vector.shape_cast %concatenate3A_1390 : vector<8x2x4x512xf32> to vector<64x512xf32>
      %reshape3A_1392 = vector.shape_cast %select_n3A_1385 : vector<8x4x512xi32> to vector<8x1x4x512xi32>
      %reshape3A_1393 = vector.shape_cast %select_n3A_1387 : vector<8x4x512xi32> to vector<8x1x4x512xi32>
      %concatenate3A_1394 = tpu.concatenate %reshape3A_1392, %reshape3A_1393 in 1 : vector<8x1x4x512xi32>, vector<8x1x4x512xi32> -> vector<8x2x4x512xi32>
      %reshape3A_1395 = vector.shape_cast %concatenate3A_1394 : vector<8x2x4x512xi32> to vector<64x512xi32>
      %reshape3A_1396 = vector.shape_cast %reshape3A_1391 : vector<64x512xf32> to vector<16x2x2x512xf32>
      %reshape3A_1397 = vector.shape_cast %reshape3A_1395 : vector<64x512xi32> to vector<16x2x2x512xi32>
      %slice3A_1398 = vector.extract_strided_slice %reshape3A_1396 {offsets = [0, 0, 0, 0], sizes = [16, 1, 2, 512], strides = [1, 1, 1, 1]} : vector<16x2x2x512xf32> to vector<16x1x2x512xf32>
      %squeeze3A_1399 = vector.shape_cast %slice3A_1398 : vector<16x1x2x512xf32> to vector<16x2x512xf32>
      %slice3A_1400 = vector.extract_strided_slice %reshape3A_1396 {offsets = [0, 1, 0, 0], sizes = [16, 1, 2, 512], strides = [1, 1, 1, 1]} : vector<16x2x2x512xf32> to vector<16x1x2x512xf32>
      %squeeze3A_1401 = vector.shape_cast %slice3A_1400 : vector<16x1x2x512xf32> to vector<16x2x512xf32>
      %slice3A_1402 = vector.extract_strided_slice %reshape3A_1397 {offsets = [0, 0, 0, 0], sizes = [16, 1, 2, 512], strides = [1, 1, 1, 1]} : vector<16x2x2x512xi32> to vector<16x1x2x512xi32>
      %squeeze3A_1403 = vector.shape_cast %slice3A_1402 : vector<16x1x2x512xi32> to vector<16x2x512xi32>
      %slice3A_1404 = vector.extract_strided_slice %reshape3A_1397 {offsets = [0, 1, 0, 0], sizes = [16, 1, 2, 512], strides = [1, 1, 1, 1]} : vector<16x2x2x512xi32> to vector<16x1x2x512xi32>
      %squeeze3A_1405 = vector.shape_cast %slice3A_1404 : vector<16x1x2x512xi32> to vector<16x2x512xi32>
      %lt3A_1406 = arith.cmpf olt, %squeeze3A_1401, %squeeze3A_1399 : vector<16x2x512xf32>
      %eq3A_1407 = arith.cmpf oeq, %squeeze3A_1401, %squeeze3A_1399 : vector<16x2x512xf32>
      %lt3A_1408 = arith.cmpi slt, %squeeze3A_1405, %squeeze3A_1403 : vector<16x2x512xi32>
      %and3A_1409 = arith.andi %eq3A_1407, %lt3A_1408 : vector<16x2x512xi1>
      %or3A_1410 = arith.ori %lt3A_1406, %and3A_1409 : vector<16x2x512xi1>
      %select_n3A_1411 = arith.select %or3A_1410, %squeeze3A_1401, %squeeze3A_1399 : vector<16x2x512xi1>, vector<16x2x512xf32>
      %select_n3A_1412 = arith.select %or3A_1410, %squeeze3A_1405, %squeeze3A_1403 : vector<16x2x512xi1>, vector<16x2x512xi32>
      %select_n3A_1413 = arith.select %or3A_1410, %squeeze3A_1399, %squeeze3A_1401 : vector<16x2x512xi1>, vector<16x2x512xf32>
      %select_n3A_1414 = arith.select %or3A_1410, %squeeze3A_1403, %squeeze3A_1405 : vector<16x2x512xi1>, vector<16x2x512xi32>
      %reshape3A_1415 = vector.shape_cast %select_n3A_1411 : vector<16x2x512xf32> to vector<16x1x2x512xf32>
      %reshape3A_1416 = vector.shape_cast %select_n3A_1413 : vector<16x2x512xf32> to vector<16x1x2x512xf32>
      %concatenate3A_1417 = tpu.concatenate %reshape3A_1415, %reshape3A_1416 in 1 : vector<16x1x2x512xf32>, vector<16x1x2x512xf32> -> vector<16x2x2x512xf32>
      %reshape3A_1418 = vector.shape_cast %concatenate3A_1417 : vector<16x2x2x512xf32> to vector<64x512xf32>
      %reshape3A_1419 = vector.shape_cast %select_n3A_1412 : vector<16x2x512xi32> to vector<16x1x2x512xi32>
      %reshape3A_1420 = vector.shape_cast %select_n3A_1414 : vector<16x2x512xi32> to vector<16x1x2x512xi32>
      %concatenate3A_1421 = tpu.concatenate %reshape3A_1419, %reshape3A_1420 in 1 : vector<16x1x2x512xi32>, vector<16x1x2x512xi32> -> vector<16x2x2x512xi32>
      %reshape3A_1422 = vector.shape_cast %concatenate3A_1421 : vector<16x2x2x512xi32> to vector<64x512xi32>
      %reshape3A_1423 = vector.shape_cast %reshape3A_1418 : vector<64x512xf32> to vector<32x2x1x512xf32>
      %reshape3A_1424 = vector.shape_cast %reshape3A_1422 : vector<64x512xi32> to vector<32x2x1x512xi32>
      %slice3A_1425 = vector.extract_strided_slice %reshape3A_1423 {offsets = [0, 0, 0, 0], sizes = [32, 1, 1, 512], strides = [1, 1, 1, 1]} : vector<32x2x1x512xf32> to vector<32x1x1x512xf32>
      %squeeze3A_1426 = vector.shape_cast %slice3A_1425 : vector<32x1x1x512xf32> to vector<32x1x512xf32>
      %slice3A_1427 = vector.extract_strided_slice %reshape3A_1423 {offsets = [0, 1, 0, 0], sizes = [32, 1, 1, 512], strides = [1, 1, 1, 1]} : vector<32x2x1x512xf32> to vector<32x1x1x512xf32>
      %squeeze3A_1428 = vector.shape_cast %slice3A_1427 : vector<32x1x1x512xf32> to vector<32x1x512xf32>
      %slice3A_1429 = vector.extract_strided_slice %reshape3A_1424 {offsets = [0, 0, 0, 0], sizes = [32, 1, 1, 512], strides = [1, 1, 1, 1]} : vector<32x2x1x512xi32> to vector<32x1x1x512xi32>
      %squeeze3A_1430 = vector.shape_cast %slice3A_1429 : vector<32x1x1x512xi32> to vector<32x1x512xi32>
      %slice3A_1431 = vector.extract_strided_slice %reshape3A_1424 {offsets = [0, 1, 0, 0], sizes = [32, 1, 1, 512], strides = [1, 1, 1, 1]} : vector<32x2x1x512xi32> to vector<32x1x1x512xi32>
      %squeeze3A_1432 = vector.shape_cast %slice3A_1431 : vector<32x1x1x512xi32> to vector<32x1x512xi32>
      %lt3A_1433 = arith.cmpf olt, %squeeze3A_1428, %squeeze3A_1426 : vector<32x1x512xf32>
      %eq3A_1434 = arith.cmpf oeq, %squeeze3A_1428, %squeeze3A_1426 : vector<32x1x512xf32>
      %lt3A_1435 = arith.cmpi slt, %squeeze3A_1432, %squeeze3A_1430 : vector<32x1x512xi32>
      %and3A_1436 = arith.andi %eq3A_1434, %lt3A_1435 : vector<32x1x512xi1>
      %or3A_1437 = arith.ori %lt3A_1433, %and3A_1436 : vector<32x1x512xi1>
      %select_n3A_1438 = arith.select %or3A_1437, %squeeze3A_1428, %squeeze3A_1426 : vector<32x1x512xi1>, vector<32x1x512xf32>
      %select_n3A_1439 = arith.select %or3A_1437, %squeeze3A_1432, %squeeze3A_1430 : vector<32x1x512xi1>, vector<32x1x512xi32>
      %select_n3A_1440 = arith.select %or3A_1437, %squeeze3A_1426, %squeeze3A_1428 : vector<32x1x512xi1>, vector<32x1x512xf32>
      %select_n3A_1441 = arith.select %or3A_1437, %squeeze3A_1430, %squeeze3A_1432 : vector<32x1x512xi1>, vector<32x1x512xi32>
      %reshape3A_1442 = vector.shape_cast %select_n3A_1438 : vector<32x1x512xf32> to vector<32x1x1x512xf32>
      %reshape3A_1443 = vector.shape_cast %select_n3A_1440 : vector<32x1x512xf32> to vector<32x1x1x512xf32>
      %concatenate3A_1444 = tpu.concatenate %reshape3A_1442, %reshape3A_1443 in 1 : vector<32x1x1x512xf32>, vector<32x1x1x512xf32> -> vector<32x2x1x512xf32>
      %reshape3A_1445 = vector.shape_cast %concatenate3A_1444 : vector<32x2x1x512xf32> to vector<64x512xf32>
      %reshape3A_1446 = vector.shape_cast %select_n3A_1439 : vector<32x1x512xi32> to vector<32x1x1x512xi32>
      %reshape3A_1447 = vector.shape_cast %select_n3A_1441 : vector<32x1x512xi32> to vector<32x1x1x512xi32>
      %concatenate3A_1448 = tpu.concatenate %reshape3A_1446, %reshape3A_1447 in 1 : vector<32x1x1x512xi32>, vector<32x1x1x512xi32> -> vector<32x2x1x512xi32>
      %reshape3A_1449 = vector.shape_cast %concatenate3A_1448 : vector<32x2x1x512xi32> to vector<64x512xi32>
      %slice3A_1450 = vector.extract_strided_slice %reshape3A_932 {offsets = [192, 0], sizes = [64, 512], strides = [1, 1]} : vector<256x512xf32> to vector<64x512xf32>
      %slice3A_1451 = vector.extract_strided_slice %reshape3A_936 {offsets = [192, 0], sizes = [64, 512], strides = [1, 1]} : vector<256x512xi32> to vector<64x512xi32>
      %lt3A_1452 = arith.cmpf olt, %slice3A_1450, %reshape3A_1445 : vector<64x512xf32>
      %eq3A_1453 = arith.cmpf oeq, %slice3A_1450, %reshape3A_1445 : vector<64x512xf32>
      %lt3A_1454 = arith.cmpi slt, %slice3A_1451, %reshape3A_1449 : vector<64x512xi32>
      %and3A_1455 = arith.andi %eq3A_1453, %lt3A_1454 : vector<64x512xi1>
      %or3A_1456 = arith.ori %lt3A_1452, %and3A_1455 : vector<64x512xi1>
      %select_n3A_1457 = arith.select %or3A_1456, %slice3A_1450, %reshape3A_1445 : vector<64x512xi1>, vector<64x512xf32>
      %select_n3A_1458 = arith.select %or3A_1456, %slice3A_1451, %reshape3A_1449 : vector<64x512xi1>, vector<64x512xi32>
      %reshape3A_1459 = vector.shape_cast %select_n3A_1457 : vector<64x512xf32> to vector<1x2x32x512xf32>
      %reshape3A_1460 = vector.shape_cast %select_n3A_1458 : vector<64x512xi32> to vector<1x2x32x512xi32>
      %slice3A_1461 = vector.extract_strided_slice %reshape3A_1459 {offsets = [0, 0, 0, 0], sizes = [1, 1, 32, 512], strides = [1, 1, 1, 1]} : vector<1x2x32x512xf32> to vector<1x1x32x512xf32>
      %squeeze3A_1462 = vector.shape_cast %slice3A_1461 : vector<1x1x32x512xf32> to vector<1x32x512xf32>
      %slice3A_1463 = vector.extract_strided_slice %reshape3A_1459 {offsets = [0, 1, 0, 0], sizes = [1, 1, 32, 512], strides = [1, 1, 1, 1]} : vector<1x2x32x512xf32> to vector<1x1x32x512xf32>
      %squeeze3A_1464 = vector.shape_cast %slice3A_1463 : vector<1x1x32x512xf32> to vector<1x32x512xf32>
      %slice3A_1465 = vector.extract_strided_slice %reshape3A_1460 {offsets = [0, 0, 0, 0], sizes = [1, 1, 32, 512], strides = [1, 1, 1, 1]} : vector<1x2x32x512xi32> to vector<1x1x32x512xi32>
      %squeeze3A_1466 = vector.shape_cast %slice3A_1465 : vector<1x1x32x512xi32> to vector<1x32x512xi32>
      %slice3A_1467 = vector.extract_strided_slice %reshape3A_1460 {offsets = [0, 1, 0, 0], sizes = [1, 1, 32, 512], strides = [1, 1, 1, 1]} : vector<1x2x32x512xi32> to vector<1x1x32x512xi32>
      %squeeze3A_1468 = vector.shape_cast %slice3A_1467 : vector<1x1x32x512xi32> to vector<1x32x512xi32>
      %lt3A_1469 = arith.cmpf olt, %squeeze3A_1464, %squeeze3A_1462 : vector<1x32x512xf32>
      %eq3A_1470 = arith.cmpf oeq, %squeeze3A_1464, %squeeze3A_1462 : vector<1x32x512xf32>
      %lt3A_1471 = arith.cmpi slt, %squeeze3A_1468, %squeeze3A_1466 : vector<1x32x512xi32>
      %and3A_1472 = arith.andi %eq3A_1470, %lt3A_1471 : vector<1x32x512xi1>
      %or3A_1473 = arith.ori %lt3A_1469, %and3A_1472 : vector<1x32x512xi1>
      %select_n3A_1474 = arith.select %or3A_1473, %squeeze3A_1464, %squeeze3A_1462 : vector<1x32x512xi1>, vector<1x32x512xf32>
      %select_n3A_1475 = arith.select %or3A_1473, %squeeze3A_1468, %squeeze3A_1466 : vector<1x32x512xi1>, vector<1x32x512xi32>
      %select_n3A_1476 = arith.select %or3A_1473, %squeeze3A_1462, %squeeze3A_1464 : vector<1x32x512xi1>, vector<1x32x512xf32>
      %select_n3A_1477 = arith.select %or3A_1473, %squeeze3A_1466, %squeeze3A_1468 : vector<1x32x512xi1>, vector<1x32x512xi32>
      %reshape3A_1478 = vector.shape_cast %select_n3A_1474 : vector<1x32x512xf32> to vector<1x1x32x512xf32>
      %reshape3A_1479 = vector.shape_cast %select_n3A_1476 : vector<1x32x512xf32> to vector<1x1x32x512xf32>
      %concatenate3A_1480 = tpu.concatenate %reshape3A_1478, %reshape3A_1479 in 1 : vector<1x1x32x512xf32>, vector<1x1x32x512xf32> -> vector<1x2x32x512xf32>
      %reshape3A_1481 = vector.shape_cast %concatenate3A_1480 : vector<1x2x32x512xf32> to vector<64x512xf32>
      %reshape3A_1482 = vector.shape_cast %select_n3A_1475 : vector<1x32x512xi32> to vector<1x1x32x512xi32>
      %reshape3A_1483 = vector.shape_cast %select_n3A_1477 : vector<1x32x512xi32> to vector<1x1x32x512xi32>
      %concatenate3A_1484 = tpu.concatenate %reshape3A_1482, %reshape3A_1483 in 1 : vector<1x1x32x512xi32>, vector<1x1x32x512xi32> -> vector<1x2x32x512xi32>
      %reshape3A_1485 = vector.shape_cast %concatenate3A_1484 : vector<1x2x32x512xi32> to vector<64x512xi32>
      %reshape3A_1486 = vector.shape_cast %reshape3A_1481 : vector<64x512xf32> to vector<2x2x16x512xf32>
      %reshape3A_1487 = vector.shape_cast %reshape3A_1485 : vector<64x512xi32> to vector<2x2x16x512xi32>
      %slice3A_1488 = vector.extract_strided_slice %reshape3A_1486 {offsets = [0, 0, 0, 0], sizes = [2, 1, 16, 512], strides = [1, 1, 1, 1]} : vector<2x2x16x512xf32> to vector<2x1x16x512xf32>
      %squeeze3A_1489 = vector.shape_cast %slice3A_1488 : vector<2x1x16x512xf32> to vector<2x16x512xf32>
      %slice3A_1490 = vector.extract_strided_slice %reshape3A_1486 {offsets = [0, 1, 0, 0], sizes = [2, 1, 16, 512], strides = [1, 1, 1, 1]} : vector<2x2x16x512xf32> to vector<2x1x16x512xf32>
      %squeeze3A_1491 = vector.shape_cast %slice3A_1490 : vector<2x1x16x512xf32> to vector<2x16x512xf32>
      %slice3A_1492 = vector.extract_strided_slice %reshape3A_1487 {offsets = [0, 0, 0, 0], sizes = [2, 1, 16, 512], strides = [1, 1, 1, 1]} : vector<2x2x16x512xi32> to vector<2x1x16x512xi32>
      %squeeze3A_1493 = vector.shape_cast %slice3A_1492 : vector<2x1x16x512xi32> to vector<2x16x512xi32>
      %slice3A_1494 = vector.extract_strided_slice %reshape3A_1487 {offsets = [0, 1, 0, 0], sizes = [2, 1, 16, 512], strides = [1, 1, 1, 1]} : vector<2x2x16x512xi32> to vector<2x1x16x512xi32>
      %squeeze3A_1495 = vector.shape_cast %slice3A_1494 : vector<2x1x16x512xi32> to vector<2x16x512xi32>
      %lt3A_1496 = arith.cmpf olt, %squeeze3A_1491, %squeeze3A_1489 : vector<2x16x512xf32>
      %eq3A_1497 = arith.cmpf oeq, %squeeze3A_1491, %squeeze3A_1489 : vector<2x16x512xf32>
      %lt3A_1498 = arith.cmpi slt, %squeeze3A_1495, %squeeze3A_1493 : vector<2x16x512xi32>
      %and3A_1499 = arith.andi %eq3A_1497, %lt3A_1498 : vector<2x16x512xi1>
      %or3A_1500 = arith.ori %lt3A_1496, %and3A_1499 : vector<2x16x512xi1>
      %select_n3A_1501 = arith.select %or3A_1500, %squeeze3A_1491, %squeeze3A_1489 : vector<2x16x512xi1>, vector<2x16x512xf32>
      %select_n3A_1502 = arith.select %or3A_1500, %squeeze3A_1495, %squeeze3A_1493 : vector<2x16x512xi1>, vector<2x16x512xi32>
      %select_n3A_1503 = arith.select %or3A_1500, %squeeze3A_1489, %squeeze3A_1491 : vector<2x16x512xi1>, vector<2x16x512xf32>
      %select_n3A_1504 = arith.select %or3A_1500, %squeeze3A_1493, %squeeze3A_1495 : vector<2x16x512xi1>, vector<2x16x512xi32>
      %reshape3A_1505 = vector.shape_cast %select_n3A_1501 : vector<2x16x512xf32> to vector<2x1x16x512xf32>
      %reshape3A_1506 = vector.shape_cast %select_n3A_1503 : vector<2x16x512xf32> to vector<2x1x16x512xf32>
      %concatenate3A_1507 = tpu.concatenate %reshape3A_1505, %reshape3A_1506 in 1 : vector<2x1x16x512xf32>, vector<2x1x16x512xf32> -> vector<2x2x16x512xf32>
      %reshape3A_1508 = vector.shape_cast %concatenate3A_1507 : vector<2x2x16x512xf32> to vector<64x512xf32>
      %reshape3A_1509 = vector.shape_cast %select_n3A_1502 : vector<2x16x512xi32> to vector<2x1x16x512xi32>
      %reshape3A_1510 = vector.shape_cast %select_n3A_1504 : vector<2x16x512xi32> to vector<2x1x16x512xi32>
      %concatenate3A_1511 = tpu.concatenate %reshape3A_1509, %reshape3A_1510 in 1 : vector<2x1x16x512xi32>, vector<2x1x16x512xi32> -> vector<2x2x16x512xi32>
      %reshape3A_1512 = vector.shape_cast %concatenate3A_1511 : vector<2x2x16x512xi32> to vector<64x512xi32>
      %reshape3A_1513 = vector.shape_cast %reshape3A_1508 : vector<64x512xf32> to vector<4x2x8x512xf32>
      %reshape3A_1514 = vector.shape_cast %reshape3A_1512 : vector<64x512xi32> to vector<4x2x8x512xi32>
      %slice3A_1515 = vector.extract_strided_slice %reshape3A_1513 {offsets = [0, 0, 0, 0], sizes = [4, 1, 8, 512], strides = [1, 1, 1, 1]} : vector<4x2x8x512xf32> to vector<4x1x8x512xf32>
      %squeeze3A_1516 = vector.shape_cast %slice3A_1515 : vector<4x1x8x512xf32> to vector<4x8x512xf32>
      %slice3A_1517 = vector.extract_strided_slice %reshape3A_1513 {offsets = [0, 1, 0, 0], sizes = [4, 1, 8, 512], strides = [1, 1, 1, 1]} : vector<4x2x8x512xf32> to vector<4x1x8x512xf32>
      %squeeze3A_1518 = vector.shape_cast %slice3A_1517 : vector<4x1x8x512xf32> to vector<4x8x512xf32>
      %slice3A_1519 = vector.extract_strided_slice %reshape3A_1514 {offsets = [0, 0, 0, 0], sizes = [4, 1, 8, 512], strides = [1, 1, 1, 1]} : vector<4x2x8x512xi32> to vector<4x1x8x512xi32>
      %squeeze3A_1520 = vector.shape_cast %slice3A_1519 : vector<4x1x8x512xi32> to vector<4x8x512xi32>
      %slice3A_1521 = vector.extract_strided_slice %reshape3A_1514 {offsets = [0, 1, 0, 0], sizes = [4, 1, 8, 512], strides = [1, 1, 1, 1]} : vector<4x2x8x512xi32> to vector<4x1x8x512xi32>
      %squeeze3A_1522 = vector.shape_cast %slice3A_1521 : vector<4x1x8x512xi32> to vector<4x8x512xi32>
      %lt3A_1523 = arith.cmpf olt, %squeeze3A_1518, %squeeze3A_1516 : vector<4x8x512xf32>
      %eq3A_1524 = arith.cmpf oeq, %squeeze3A_1518, %squeeze3A_1516 : vector<4x8x512xf32>
      %lt3A_1525 = arith.cmpi slt, %squeeze3A_1522, %squeeze3A_1520 : vector<4x8x512xi32>
      %and3A_1526 = arith.andi %eq3A_1524, %lt3A_1525 : vector<4x8x512xi1>
      %or3A_1527 = arith.ori %lt3A_1523, %and3A_1526 : vector<4x8x512xi1>
      %select_n3A_1528 = arith.select %or3A_1527, %squeeze3A_1518, %squeeze3A_1516 : vector<4x8x512xi1>, vector<4x8x512xf32>
      %select_n3A_1529 = arith.select %or3A_1527, %squeeze3A_1522, %squeeze3A_1520 : vector<4x8x512xi1>, vector<4x8x512xi32>
      %select_n3A_1530 = arith.select %or3A_1527, %squeeze3A_1516, %squeeze3A_1518 : vector<4x8x512xi1>, vector<4x8x512xf32>
      %select_n3A_1531 = arith.select %or3A_1527, %squeeze3A_1520, %squeeze3A_1522 : vector<4x8x512xi1>, vector<4x8x512xi32>
      %reshape3A_1532 = vector.shape_cast %select_n3A_1528 : vector<4x8x512xf32> to vector<4x1x8x512xf32>
      %reshape3A_1533 = vector.shape_cast %select_n3A_1530 : vector<4x8x512xf32> to vector<4x1x8x512xf32>
      %concatenate3A_1534 = tpu.concatenate %reshape3A_1532, %reshape3A_1533 in 1 : vector<4x1x8x512xf32>, vector<4x1x8x512xf32> -> vector<4x2x8x512xf32>
      %reshape3A_1535 = vector.shape_cast %concatenate3A_1534 : vector<4x2x8x512xf32> to vector<64x512xf32>
      %reshape3A_1536 = vector.shape_cast %select_n3A_1529 : vector<4x8x512xi32> to vector<4x1x8x512xi32>
      %reshape3A_1537 = vector.shape_cast %select_n3A_1531 : vector<4x8x512xi32> to vector<4x1x8x512xi32>
      %concatenate3A_1538 = tpu.concatenate %reshape3A_1536, %reshape3A_1537 in 1 : vector<4x1x8x512xi32>, vector<4x1x8x512xi32> -> vector<4x2x8x512xi32>
      %reshape3A_1539 = vector.shape_cast %concatenate3A_1538 : vector<4x2x8x512xi32> to vector<64x512xi32>
      %reshape3A_1540 = vector.shape_cast %reshape3A_1535 : vector<64x512xf32> to vector<8x2x4x512xf32>
      %reshape3A_1541 = vector.shape_cast %reshape3A_1539 : vector<64x512xi32> to vector<8x2x4x512xi32>
      %slice3A_1542 = vector.extract_strided_slice %reshape3A_1540 {offsets = [0, 0, 0, 0], sizes = [8, 1, 4, 512], strides = [1, 1, 1, 1]} : vector<8x2x4x512xf32> to vector<8x1x4x512xf32>
      %squeeze3A_1543 = vector.shape_cast %slice3A_1542 : vector<8x1x4x512xf32> to vector<8x4x512xf32>
      %slice3A_1544 = vector.extract_strided_slice %reshape3A_1540 {offsets = [0, 1, 0, 0], sizes = [8, 1, 4, 512], strides = [1, 1, 1, 1]} : vector<8x2x4x512xf32> to vector<8x1x4x512xf32>
      %squeeze3A_1545 = vector.shape_cast %slice3A_1544 : vector<8x1x4x512xf32> to vector<8x4x512xf32>
      %slice3A_1546 = vector.extract_strided_slice %reshape3A_1541 {offsets = [0, 0, 0, 0], sizes = [8, 1, 4, 512], strides = [1, 1, 1, 1]} : vector<8x2x4x512xi32> to vector<8x1x4x512xi32>
      %squeeze3A_1547 = vector.shape_cast %slice3A_1546 : vector<8x1x4x512xi32> to vector<8x4x512xi32>
      %slice3A_1548 = vector.extract_strided_slice %reshape3A_1541 {offsets = [0, 1, 0, 0], sizes = [8, 1, 4, 512], strides = [1, 1, 1, 1]} : vector<8x2x4x512xi32> to vector<8x1x4x512xi32>
      %squeeze3A_1549 = vector.shape_cast %slice3A_1548 : vector<8x1x4x512xi32> to vector<8x4x512xi32>
      %lt3A_1550 = arith.cmpf olt, %squeeze3A_1545, %squeeze3A_1543 : vector<8x4x512xf32>
      %eq3A_1551 = arith.cmpf oeq, %squeeze3A_1545, %squeeze3A_1543 : vector<8x4x512xf32>
      %lt3A_1552 = arith.cmpi slt, %squeeze3A_1549, %squeeze3A_1547 : vector<8x4x512xi32>
      %and3A_1553 = arith.andi %eq3A_1551, %lt3A_1552 : vector<8x4x512xi1>
      %or3A_1554 = arith.ori %lt3A_1550, %and3A_1553 : vector<8x4x512xi1>
      %select_n3A_1555 = arith.select %or3A_1554, %squeeze3A_1545, %squeeze3A_1543 : vector<8x4x512xi1>, vector<8x4x512xf32>
      %select_n3A_1556 = arith.select %or3A_1554, %squeeze3A_1549, %squeeze3A_1547 : vector<8x4x512xi1>, vector<8x4x512xi32>
      %select_n3A_1557 = arith.select %or3A_1554, %squeeze3A_1543, %squeeze3A_1545 : vector<8x4x512xi1>, vector<8x4x512xf32>
      %select_n3A_1558 = arith.select %or3A_1554, %squeeze3A_1547, %squeeze3A_1549 : vector<8x4x512xi1>, vector<8x4x512xi32>
      %reshape3A_1559 = vector.shape_cast %select_n3A_1555 : vector<8x4x512xf32> to vector<8x1x4x512xf32>
      %reshape3A_1560 = vector.shape_cast %select_n3A_1557 : vector<8x4x512xf32> to vector<8x1x4x512xf32>
      %concatenate3A_1561 = tpu.concatenate %reshape3A_1559, %reshape3A_1560 in 1 : vector<8x1x4x512xf32>, vector<8x1x4x512xf32> -> vector<8x2x4x512xf32>
      %reshape3A_1562 = vector.shape_cast %concatenate3A_1561 : vector<8x2x4x512xf32> to vector<64x512xf32>
      %reshape3A_1563 = vector.shape_cast %select_n3A_1556 : vector<8x4x512xi32> to vector<8x1x4x512xi32>
      %reshape3A_1564 = vector.shape_cast %select_n3A_1558 : vector<8x4x512xi32> to vector<8x1x4x512xi32>
      %concatenate3A_1565 = tpu.concatenate %reshape3A_1563, %reshape3A_1564 in 1 : vector<8x1x4x512xi32>, vector<8x1x4x512xi32> -> vector<8x2x4x512xi32>
      %reshape3A_1566 = vector.shape_cast %concatenate3A_1565 : vector<8x2x4x512xi32> to vector<64x512xi32>
      %reshape3A_1567 = vector.shape_cast %reshape3A_1562 : vector<64x512xf32> to vector<16x2x2x512xf32>
      %reshape3A_1568 = vector.shape_cast %reshape3A_1566 : vector<64x512xi32> to vector<16x2x2x512xi32>
      %slice3A_1569 = vector.extract_strided_slice %reshape3A_1567 {offsets = [0, 0, 0, 0], sizes = [16, 1, 2, 512], strides = [1, 1, 1, 1]} : vector<16x2x2x512xf32> to vector<16x1x2x512xf32>
      %squeeze3A_1570 = vector.shape_cast %slice3A_1569 : vector<16x1x2x512xf32> to vector<16x2x512xf32>
      %slice3A_1571 = vector.extract_strided_slice %reshape3A_1567 {offsets = [0, 1, 0, 0], sizes = [16, 1, 2, 512], strides = [1, 1, 1, 1]} : vector<16x2x2x512xf32> to vector<16x1x2x512xf32>
      %squeeze3A_1572 = vector.shape_cast %slice3A_1571 : vector<16x1x2x512xf32> to vector<16x2x512xf32>
      %slice3A_1573 = vector.extract_strided_slice %reshape3A_1568 {offsets = [0, 0, 0, 0], sizes = [16, 1, 2, 512], strides = [1, 1, 1, 1]} : vector<16x2x2x512xi32> to vector<16x1x2x512xi32>
      %squeeze3A_1574 = vector.shape_cast %slice3A_1573 : vector<16x1x2x512xi32> to vector<16x2x512xi32>
      %slice3A_1575 = vector.extract_strided_slice %reshape3A_1568 {offsets = [0, 1, 0, 0], sizes = [16, 1, 2, 512], strides = [1, 1, 1, 1]} : vector<16x2x2x512xi32> to vector<16x1x2x512xi32>
      %squeeze3A_1576 = vector.shape_cast %slice3A_1575 : vector<16x1x2x512xi32> to vector<16x2x512xi32>
      %lt3A_1577 = arith.cmpf olt, %squeeze3A_1572, %squeeze3A_1570 : vector<16x2x512xf32>
      %eq3A_1578 = arith.cmpf oeq, %squeeze3A_1572, %squeeze3A_1570 : vector<16x2x512xf32>
      %lt3A_1579 = arith.cmpi slt, %squeeze3A_1576, %squeeze3A_1574 : vector<16x2x512xi32>
      %and3A_1580 = arith.andi %eq3A_1578, %lt3A_1579 : vector<16x2x512xi1>
      %or3A_1581 = arith.ori %lt3A_1577, %and3A_1580 : vector<16x2x512xi1>
      %select_n3A_1582 = arith.select %or3A_1581, %squeeze3A_1572, %squeeze3A_1570 : vector<16x2x512xi1>, vector<16x2x512xf32>
      %select_n3A_1583 = arith.select %or3A_1581, %squeeze3A_1576, %squeeze3A_1574 : vector<16x2x512xi1>, vector<16x2x512xi32>
      %select_n3A_1584 = arith.select %or3A_1581, %squeeze3A_1570, %squeeze3A_1572 : vector<16x2x512xi1>, vector<16x2x512xf32>
      %select_n3A_1585 = arith.select %or3A_1581, %squeeze3A_1574, %squeeze3A_1576 : vector<16x2x512xi1>, vector<16x2x512xi32>
      %reshape3A_1586 = vector.shape_cast %select_n3A_1582 : vector<16x2x512xf32> to vector<16x1x2x512xf32>
      %reshape3A_1587 = vector.shape_cast %select_n3A_1584 : vector<16x2x512xf32> to vector<16x1x2x512xf32>
      %concatenate3A_1588 = tpu.concatenate %reshape3A_1586, %reshape3A_1587 in 1 : vector<16x1x2x512xf32>, vector<16x1x2x512xf32> -> vector<16x2x2x512xf32>
      %reshape3A_1589 = vector.shape_cast %concatenate3A_1588 : vector<16x2x2x512xf32> to vector<64x512xf32>
      %reshape3A_1590 = vector.shape_cast %select_n3A_1583 : vector<16x2x512xi32> to vector<16x1x2x512xi32>
      %reshape3A_1591 = vector.shape_cast %select_n3A_1585 : vector<16x2x512xi32> to vector<16x1x2x512xi32>
      %concatenate3A_1592 = tpu.concatenate %reshape3A_1590, %reshape3A_1591 in 1 : vector<16x1x2x512xi32>, vector<16x1x2x512xi32> -> vector<16x2x2x512xi32>
      %reshape3A_1593 = vector.shape_cast %concatenate3A_1592 : vector<16x2x2x512xi32> to vector<64x512xi32>
      %reshape3A_1594 = vector.shape_cast %reshape3A_1589 : vector<64x512xf32> to vector<32x2x1x512xf32>
      %reshape3A_1595 = vector.shape_cast %reshape3A_1593 : vector<64x512xi32> to vector<32x2x1x512xi32>
      %slice3A_1596 = vector.extract_strided_slice %reshape3A_1594 {offsets = [0, 0, 0, 0], sizes = [32, 1, 1, 512], strides = [1, 1, 1, 1]} : vector<32x2x1x512xf32> to vector<32x1x1x512xf32>
      %squeeze3A_1597 = vector.shape_cast %slice3A_1596 : vector<32x1x1x512xf32> to vector<32x1x512xf32>
      %slice3A_1598 = vector.extract_strided_slice %reshape3A_1594 {offsets = [0, 1, 0, 0], sizes = [32, 1, 1, 512], strides = [1, 1, 1, 1]} : vector<32x2x1x512xf32> to vector<32x1x1x512xf32>
      %squeeze3A_1599 = vector.shape_cast %slice3A_1598 : vector<32x1x1x512xf32> to vector<32x1x512xf32>
      %slice3A_1600 = vector.extract_strided_slice %reshape3A_1595 {offsets = [0, 0, 0, 0], sizes = [32, 1, 1, 512], strides = [1, 1, 1, 1]} : vector<32x2x1x512xi32> to vector<32x1x1x512xi32>
      %squeeze3A_1601 = vector.shape_cast %slice3A_1600 : vector<32x1x1x512xi32> to vector<32x1x512xi32>
      %slice3A_1602 = vector.extract_strided_slice %reshape3A_1595 {offsets = [0, 1, 0, 0], sizes = [32, 1, 1, 512], strides = [1, 1, 1, 1]} : vector<32x2x1x512xi32> to vector<32x1x1x512xi32>
      %squeeze3A_1603 = vector.shape_cast %slice3A_1602 : vector<32x1x1x512xi32> to vector<32x1x512xi32>
      %lt3A_1604 = arith.cmpf olt, %squeeze3A_1599, %squeeze3A_1597 : vector<32x1x512xf32>
      %eq3A_1605 = arith.cmpf oeq, %squeeze3A_1599, %squeeze3A_1597 : vector<32x1x512xf32>
      %lt3A_1606 = arith.cmpi slt, %squeeze3A_1603, %squeeze3A_1601 : vector<32x1x512xi32>
      %and3A_1607 = arith.andi %eq3A_1605, %lt3A_1606 : vector<32x1x512xi1>
      %or3A_1608 = arith.ori %lt3A_1604, %and3A_1607 : vector<32x1x512xi1>
      %select_n3A_1609 = arith.select %or3A_1608, %squeeze3A_1599, %squeeze3A_1597 : vector<32x1x512xi1>, vector<32x1x512xf32>
      %select_n3A_1610 = arith.select %or3A_1608, %squeeze3A_1603, %squeeze3A_1601 : vector<32x1x512xi1>, vector<32x1x512xi32>
      %select_n3A_1611 = arith.select %or3A_1608, %squeeze3A_1597, %squeeze3A_1599 : vector<32x1x512xi1>, vector<32x1x512xf32>
      %select_n3A_1612 = arith.select %or3A_1608, %squeeze3A_1601, %squeeze3A_1603 : vector<32x1x512xi1>, vector<32x1x512xi32>
      %reshape3A_1613 = vector.shape_cast %select_n3A_1609 : vector<32x1x512xf32> to vector<32x1x1x512xf32>
      %reshape3A_1614 = vector.shape_cast %select_n3A_1611 : vector<32x1x512xf32> to vector<32x1x1x512xf32>
      %concatenate3A_1615 = tpu.concatenate %reshape3A_1613, %reshape3A_1614 in 1 : vector<32x1x1x512xf32>, vector<32x1x1x512xf32> -> vector<32x2x1x512xf32>
      %reshape3A_1616 = vector.shape_cast %concatenate3A_1615 : vector<32x2x1x512xf32> to vector<64x512xf32>
      %reshape3A_1617 = vector.shape_cast %select_n3A_1610 : vector<32x1x512xi32> to vector<32x1x1x512xi32>
      %reshape3A_1618 = vector.shape_cast %select_n3A_1612 : vector<32x1x512xi32> to vector<32x1x1x512xi32>
      %concatenate3A_1619 = tpu.concatenate %reshape3A_1617, %reshape3A_1618 in 1 : vector<32x1x1x512xi32>, vector<32x1x1x512xi32> -> vector<32x2x1x512xi32>
      %reshape3A_1620 = vector.shape_cast %concatenate3A_1619 : vector<32x2x1x512xi32> to vector<64x512xi32>
      scf.yield %reshape3A_1616, %reshape3A_1620 : vector<64x512xf32>, vector<64x512xi32>
    }
    %scan3A_7 = arith.constant 32 : i32
    %swap3A = arith.constant 0 : index
    %swap3A_8 = arith.constant 0 : index
    %swap3A_9 = vector.load %arg3[%swap3A, %swap3A_8] : memref<64x512xi32, #tpu.memory_space<vmem>>, vector<64x512xi32>
    tpu.vector_store %arg3[%swap3A, %swap3A_8], %scan3A_6#1 {strides = array<i32>} : memref<64x512xi32, #tpu.memory_space<vmem>>, vector<64x512xi32>,
    return
  }
  func.func @transform_0(%arg0: i32) -> (i32, i32) {
    %c0_i32 = arith.constant 0 : i32
    %c0_i32_0 = arith.constant 0 : i32
    return %c0_i32, %arg0 : i32, i32
  }
  func.func @transform_1(%arg0: i32) -> (i32, i32) {
    %c0_i32 = arith.constant 0 : i32
    %c0_i32_0 = arith.constant 0 : i32
    return %c0_i32, %arg0 : i32, i32
  }
  func.func @transform_2(%arg0: i32) -> (i32, i32) {
    %c0_i32 = arith.constant 0 : i32
    %c0_i32_0 = arith.constant 0 : i32
    return %c0_i32, %arg0 : i32, i32
  }
}

</mosaic_0001>

<sc_bundles>
// kernel: kernel.6.cloned.1.call-start
scs
__scs_entry_jumppad:
0x0: {  	(pc) =	sbr.rel $0x88, $3  }
0x1: {  	(tag) =	ssettag $0x0;
	lr =	simm.s32 $0x1  }
0x2: {  	[smem:$0x3F9F] =	sst lr;
	_ =	strace $0xD0000000  }
0x3: {  	_ = 	snop  }
0x4: {  	_ = 	snop  }
0x5: {  	_ = 	snop  }
0x6: {  	_ = 	snop  }
0x7: {  	_ = 	snop  }
__scs_overlays_trampoline_lowered:
0x8: {  	[smem:$0x3FAE] =	sst s0  }
0x9: {  	[smem:$0x3FAF] =	sst s1  }
0xa: {  	[smem:$0x3FB0] =	sst s2  }
0xb: {  	[smem:$0x3FB1] =	sst s3  }
0xc: {  	[smem:$0x3FB2] =	sst s4  }
0xd: {  	[smem:$0x3FB3] =	sst s5  }
0xe: {  	[smem:$0x3FB4] =	sst s6  }
0xf: {  	[smem:$0x3FB5] =	sst s7  }
0x10: {  	[smem:$0x3FB6] =	sst s8  }
0x11: {  	[smem:$0x3FB7] =	sst s9;
	s0 =	simm.s32 @!p0 $0x0  }
0x12: {  	s1 =	sld [smem:$0x3F9D];
	s0 =	simm.s32 @p0 $0x1  }
0x13: {  	[smem:$0x3FB8] =	sst s0;
	s0 =	simm.s32 @!p1 $0x0  }
0x14: {  	s2 =	sld [smem:$0x3F9C];
	s0 =	simm.s32 @p1 $0x1  }
0x15: {  	[smem:$0x3FB9] =	sst s0;
	s0 =	simm.s32 @!p2 $0x0  }
0x16: {  	s3 =	sld [smem:$0x3FDB];
	s0 =	simm.s32 @p2 $0x1  }
0x17: {  	s4 =	simm.s32 $0x1BF5;
	[smem:$0x3FBB] =	sst s0  }
0x18: {  	s0 =	sld [smem:$0x3F9E];
	_ =	swait.ge [sflag:s4], $0x0  }
0x19: {  	s7 =	sld [smem:$0x3F9F]  }
0x1a: {  	s8 =	sadd.s32 $0xFFFFE003, lr  }
0x1b: {  	s9 =	sadd.s32 $0xFFFFFEF7, lr;
	s5 =	simm.s32 $0xFFFFFFFF;
	p2 =	slt.u32 s8, $0xFFFFF086  }
0x1c: {  	p1 =	slt.u32 s9, $0xF7A;
	s5 =	simm.s32 @!p2 $0x0  }
0x1d: {  	s5 =	simm.s32 @p1 $0x1;
	p0 =	seq.s32 s7, s2  }
0x1e: {  	s7 =	smul.u32 @!p0 $0xF7A, s2;
	p2 =	seq.s32 @!p0 s5, $0x0  }
0x1f: {  	s9 =	smul.u32 $0xF7A, s1;
	s8 =	simm.s32 @!p0 $0x1BF5;
	p2 =	por !p2, p0  }
0x20: {  	[sflag:s8] =	ssyncset.s32 @!p0 $0xFFFFF086;
	s6 =	sadd.s32 @!p0 s3, s7;
	s7 =	simm.s32 @!p0 $0x108  }
0x21: {  	s3 =	sadd.s32 s3, s9;
	s6 =	sadd.s32 @!p0 $0x88, s6;
	s7 =	simm.s32 @p2 $0x1082  }
0x22: {  	[simem:s7], [sflag:s8] =	dma.local @!p0 [hbm:s6], $0xF7A  }
0x23: {  	s9 =	sor.u32 $0xD0000000, s2;
	s6 =	simm.s32 $0x108;
	_ =	swait.ge @!p0 [sflag:s8], $0x0  }
0x24: {  	s3 =	sadd.s32 $0x88, s3;
	s6 =	simm.s32 @!p1 $0x1082;
	[sflag:s4] =	ssyncset.s32 $0xFFFFF086  }
0x25: {  	[simem:s6], [sflag:s4] =	dma.local [hbm:s3], $0xF7A  }
0x26: {  	[smem:$0x3F9F] =	sst s1;
	(tag) =	ssettag s2;
	_ =	strace s9  }
0x27: {  	s1 =	sld [smem:$0x3FAF]  }
0x28: {  	s2 =	sld [smem:$0x3FB0]  }
0x29: {  	s4 =	sld [smem:$0x3FB2]  }
0x2a: {  	p0 =	seq.s32 s5, $0x0;
	s5 =	sld [smem:$0x3FB3]  }
0x2b: {  	s6 =	sld [smem:$0x3FB4]  }
0x2c: {  	s7 =	sld [smem:$0x3FB5]  }
0x2d: {  	s3 =	simm.s32 $0x108;
	s8 =	sld [smem:$0x3FB6]  }
0x2e: {  	s3 =	simm.s32 @!p0 $0x1082;
	s9 =	sld [smem:$0x3FB7]  }
0x2f: {  	lr =	sadd.s32 s0, s3;
	s0 =	sld [smem:$0x3FAE]  }
0x30: {  	s3 =	sld [smem:$0x3FB1]  }
0x31: {  	[smem:$0x3FBA] =	sst s10  }
0x32: {  	s10 =	sld [smem:$0x3FB8];
	_ =	sdelay $0x3  }
0x33: {  	p0 =	seq.s32 s10, $0x1;
	s10 =	sld [smem:$0x3FBA];
	_ =	sdelay $0x3  }
0x34: {  	[smem:$0x3FBA] =	sst s10  }
0x35: {  	s10 =	sld [smem:$0x3FB9];
	_ =	sdelay $0x3  }
0x36: {  	p1 =	seq.s32 s10, $0x1;
	s10 =	sld [smem:$0x3FBA];
	_ =	sdelay $0x3  }
0x37: {  	[smem:$0x3FBA] =	sst s10  }
0x38: {  	s10 =	sld [smem:$0x3FBB]  }
0x39: {  	_ = 	snop;
	(pc) =	sbr.ind lr, $3  }
0x3a: {  	_ = 	snop  }
0x3b: {  	_ = 	snop  }
0x3c: {  	p2 =	seq.s32 s10, $0x1;
	s10 =	sld [smem:$0x3FBA]  }
0x3d: {  	_ =	shalt  }
0x3e: {  	_ =	shalt  }
0x3f: {  	_ =	shalt  }
0x40: {  	_ =	shalt  }
0x41: {  	_ =	shalt  }
0x42: {  	_ =	shalt  }
0x43: {  	_ =	shalt  }
0x44: {  	_ =	shalt  }
0x45: {  	_ =	shalt  }
0x46: {  	_ =	shalt  }
0x47: {  	_ =	shalt  }
0x48: {  	_ =	shalt  }
0x49: {  	_ =	shalt  }
0x4a: {  	_ =	shalt  }
0x4b: {  	_ =	shalt  }
0x4c: {  	_ =	shalt  }
0x4d: {  	_ =	shalt  }
0x4e: {  	_ =	shalt  }
0x4f: {  	_ =	shalt  }
0x50: {  	_ =	shalt  }
0x51: {  	_ =	shalt  }
0x52: {  	_ =	shalt  }
0x53: {  	_ =	shalt  }
0x54: {  	_ =	shalt  }
0x55: {  	_ =	shalt  }
0x56: {  	_ =	shalt  }
0x57: {  	_ =	shalt  }
0x58: {  	_ =	shalt  }
0x59: {  	_ =	shalt  }
0x5a: {  	_ =	shalt  }
0x5b: {  	_ =	shalt  }
0x5c: {  	_ =	shalt  }
0x5d: {  	_ =	shalt  }
0x5e: {  	_ =	shalt  }
0x5f: {  	_ =	shalt  }
0x60: {  	_ =	shalt  }
0x61: {  	_ =	shalt  }
0x62: {  	_ =	shalt  }
0x63: {  	_ =	shalt  }
0x64: {  	_ =	shalt  }
0x65: {  	_ =	shalt  }
0x66: {  	_ =	shalt  }
0x67: {  	_ =	shalt  }
0x68: {  	_ =	shalt  }
0x69: {  	_ =	shalt  }
0x6a: {  	_ =	shalt  }
0x6b: {  	_ =	shalt  }
0x6c: {  	_ =	shalt  }
0x6d: {  	_ =	shalt  }
0x6e: {  	_ =	shalt  }
0x6f: {  	_ =	shalt  }
0x70: {  	_ =	shalt  }
0x71: {  	_ =	shalt  }
0x72: {  	_ =	shalt  }
0x73: {  	_ =	shalt  }
0x74: {  	_ =	shalt  }
0x75: {  	_ =	shalt  }
0x76: {  	_ =	shalt  }
0x77: {  	_ =	shalt  }
0x78: {  	_ =	shalt  }
0x79: {  	_ =	shalt  }
0x7a: {  	_ =	shalt  }
0x7b: {  	_ =	shalt  }
0x7c: {  	_ =	shalt  }
0x7d: {  	_ =	shalt  }
0x7e: {  	_ =	shalt  }
0x7f: {  	_ =	shalt  }
0x80: {  	_ =	shalt  }
0x81: {  	_ =	shalt  }
0x82: {  	_ =	shalt  }
0x83: {  	_ =	shalt  }
0x84: {  	_ =	shalt  }
0x85: {  	_ =	shalt  }
0x86: {  	_ =	shalt  }
0x87: {  	_ =	shalt  }
.Lfunc_end0:
.L_simem_size_0:
called_computation_lowered:
.L_overlay_start_0:
0x88: {  	s2 =	sld [smem:$0x3FD9]  }
0x89: {  	s3 =	sld [smem:$0x3FFE];
	_ =	sdelay $0x1  }
0x8a: {  	s1 =	srdreg.scid  }
0x8b: {  	s0 =	sand.u32 $0x1, s1  }
0x8c: {  	s16 =	sshll.u32 s0, $0xA;
	s2 =	sadd.s32 s3, s2  }
0x8d: {  	s2 =	sadd.s32 s2, s16  }
0x8e: {  	[smem:$0x3FC6] =	sst s2  }
0x8f: {  	_ = 	snop  }
0x90: {  	(tm) =	ssettm $0x1  }
0x91: {  	s17 =	sld [smem:$0x3FFB];
	_ =	sdelay $0x3  }
0x92: {  	_ =	strace s17  }
0x93: {  	s2 =	sld [smem:$0x3FFC];
	_ =	sdelay $0x3  }
0x94: {  	_ =	strace s2  }
0x95: {  	s2 =	sld [smem:$0x3FFD];
	_ =	sdelay $0x3  }
0x96: {  	_ =	strace s2  }
0x97: {  	_ =	strace $0x8FFFFFFF  }
0x98: {  	s18 =	sld [smem:$0x3FDB];
	_ =	sdelay $0x1  }
0x99: {  	s19 =	simm.s32 $_scs_section_size  }
0x9a: {  	s4 =	simm.s32 $_size__tile_overlayer_lowered;
	s5 =	simm.s32 $_tile_overlayer_lowered  }
0x9b: {  	s22 =	simm.s32 $0x1BFF;
	s21 =	sshll.u32 s5, $0x1;
	s2 =	sadd.s32 s19, s18  }
0x9c: {  	s6 =	simm.s32 $0x0;
	s20 =	sshll.u32 s4, $0x1;
	s4 =	sadd.s32 s21, s2  }
0x9d: {  	[timem:s6], [sflag:s22] =	dma.local [hbm:s4], s20  }
0x9e: {  	_ =	swait.ge [sflag:s22], s20  }
0x9f: {  	s3 =	ssub.s32 $0x0, s20;
	[sflag:s22] =	ssyncset.done $0x0  }
0xa0: {  	[sflag:s22] =	ssyncadd.s32 s3;
	_ =	sdelay $0x1  }
0xa1: {  	s23 =	simm.s32 $0x1B8B  }
0xa2: {  	_ =	swait.ge [sflag:s23], $0x1  }
0xa3: {  	[sflag:s23] =	ssyncset.done $0x0  }
0xa4: {  	s25 =	simm.s32 $0x1B8E;
	s24 =	sld [smem:$0x3FFE];
	[sflag:s23] =	ssyncadd.s32 $0xFFFFFFFF  }
0xa5: {  	s26 =	simm.s32 $execute0_lowered;
	[smem:$0x3FD2] =	sst s25  }
0xa6: {  	s4 =	sshll.u32 s26, $0x1;
	_ =	strace $0x80000046;
	[dreg:$0x1] =	wrdreg $0xFFFFFFFF  }
0xa7: {  	s28 =	simm.s32 $_size_execute0_lowered;
	s2 =	sadd.s32 s2, s4;
	[dreg:$0x0] =	wrdreg $0x0  }
0xa8: {  	s4 =	sshll.u32 s28, $0x1;
	[dreg:$0x2] =	wrdreg s2  }
0xa9: {  	[dreg:$0x3] =	wrdreg s4  }
0xaa: {  	[dreg:$0x4] =	wrdreg $0xC0  }
0xab: {  	_ =	task [dreg:s6], $0x5FFFF  }
0xac: {  	[dreg:$0x1] =	wrdreg $0xFFFFFFFF  }
0xad: {  	[dreg:$0x0] =	wrdreg $0x60  }
0xae: {  	[dreg:$0x2] =	wrdreg s24  }
0xaf: {  	[dreg:$0x3] =	wrdreg $0x9  }
0xb0: {  	_ =	task.clear_ibuf [dreg:s6], $0x4FFFF;
	_ =	strace $0x90000046  }
0xb1: {  	s29 =	simm.s32 $0x9;
	_ =	strace $0x8000004F  }
0xb2: {  	_ =	swait.ge [sflag:s29], $0x1  }
0xb3: {  	[sflag:s29] =	ssyncadd.s32 $0xFFFFFFFF  }
0xb4: {  	_ =	strace $0x9000004F  }
0xb5: {  	_ =	sfence  }
0xb6: {  	s30 =	sld [smem:$0x0];
	_ =	sdelay $0x2  }
0xb7: {  	s31 =	sshll.u32 s1, $0xD;
	s1 =	sshrl.u32 s1, $0x2  }
0xb8: {  	s3 =	sand.u32 $0x4000, s31;
	s1 =	sadd.s32 s1, s30  }
0xb9: {  	s0 =	sor.u32 s3, s0;
	s1 =	sshll.u32 s1, $0x11  }
0xba: {  	s0 =	sor.u32 s1, s0  }
0xbb: {  	s0 =	sadd.s32 $0x8F2B, s0  }
0xbc: {  	[sflag:s0] =	ssyncadd.remote.s32 $0x1  }
0xbd: {  	_ =	sfence.sel $0xFFFF  }
0xbe: {  	[dreg:$0x0] =	wrdreg $0xFFFFFFFF;
	(pc) =	sbr.abs _section_cstart, $3  }
0xbf: {  	[dreg:$0x1] =	wrdreg $0xFFFFFFFF  }
0xc0: {  	_ =	task.clear_ibuf [dreg:s6], $0x2FFFF;
	_ =	strace $0x9FFFFFFF  }
0xc1: {  	(tm) =	ssettm $0x7FFFFFFF  }
tec
execute0_lowered:
.L_overlay_start_1:
0x0: {  	(tag) =	ssettag $0x1  }
0x1: {  	s4 =	rddreg [dreg:$0x0]  }
0x2: {  	s0 =	rddreg [dreg:$0x1];
	s1 =	simm.s32 $0x0;
	s5 =	srdreg.scid  }
0x3: {  	s8 =	simm.s32 $0x80;
	s9 =	simm.s32 $0x4;
	s10 =	simm.s32 $0x0  }
0x4: {  	[smem:$0x7FF] =	sst s1;
	s2 =	sadd.s32 $0x6E4C00, s4;
	s3 =	sadd.s32 $0xC00, s4  }
0x5: {  	s4 =	sadd.s32 $0x1C00, s4;
	_ =	strace $0x80000047;
	[dreg:$0x2] =	wrdreg s2  }
0x6: {  	s5 =	sand.u32 $0x1, s5;
	s2 =	stileid.u32;
	[dreg:$0x4] =	wrdreg s4  }
0x7: {  	s6 =	ssub.s32 $0x2, s5;
	s5 =	sshll.u32 s5, $0x4;
	[dreg:$0x3] =	wrdreg s8  }
0x8: {  	s8 =	simm.s32 $0x5;
	s7 =	sshrl.u32 s6, $0x1;
	s5 =	sor.u32 s2, s5  }
0x9: {  	s6 =	ssub.s32 s6, s7;
	s31 =	sshll.u32 s5, $0x7;
	s4 =	sshll.u32 s5, $0x3  }
0xa: {  	s7 =	simm.s32 $0x1;
	s5 =	sadd.s32 s3, s31;
	s6 =	smax.u32 s6, $0x1  }
.LBB2_1:
0xb: {  	_ =	strace $0x80000048;
	s11 =	simm.s32 $0x1;
	p0 =	por $0x0, $0x0  }
0xc: {  	[tilespmem:s1], [sflag:$0x1] =	stream.linear.gather [hbm4b:s5+s1], $0x80, $0x200038;
	[tilespmem:$0x8100] =	vst v63  }
0xd: {  	s11 =	simm.s32 @p0 $0x0  }
0xe: {  	p4 =	por $0x1, $0x1;
	s20 =	sand.u32 $0x1, s1;
	p1 =	sne.s32 s11, $0x0  }
0xf: {  	p2 =	por $0x1, $0x1;
	s18 =	simm.s32 $0x6;
	p0 =	por !p4, !p1  }
0x10: {  	s16 =	simm.s32 $0x0;
	p5 =	por $0x0, $0x0;
	p0 =	por !p0, !p0  }
0x11: {  	s23 =	sadd.s32 $0x0, s4;
	s30 =	sadd.s32 $0x1, s20;
	s12 =	sadd.s32 @p0 s4, s11  }
0x12: {  	_ =	strace $0x90000048;
	s13 =	sand.u32 @p0 $0x1, s7;
	s12 =	sshll.u32 @p0 s12, $0x4  }
0x13: {  	_ =	strace @p0 $0x80000049;
	s15 =	simm.s32 @p0 $0x0;
	s12 =	sand.u32 @p0 $0x1FFFFFF0, s12  }
0x14: {  	s14 =	sshll.u32 @p0 s13, $0x7;
	s13 =	sadd.s32 @p0 $0x1, s13;
	s12 =	sadd.s32 @p0 s3, s12  }
0x15: {  	[tilespmem:s14], [sflag:s13] =	stream.linear.gather @p0 [hbm4b:s12+s15], $0x80, $0x200038;
	[tilespmem:$0x8100] =	vst v63  }
0x16: {  	p3 =	por p2, p2;
	s21 =	sshll.u32 s20, $0xE;
	_ =	strace @p0 $0x90000049  }
0x17: {  	s16 =	sand.u32 $0x80, s16;
	p2 =	por p5, p5;
	_ =	strace $0x8000004A  }
0x18: {  	s17 =	sadd.s32 $0x1, s11;
	s22 =	sor.u32 $0x100, s21;
	_ =	swait.ge [sflag:s30], $0x80  }
0x19: {  	s21 =	simm.s32 $0x1;
	p6 =	por p1, p1;
	[sflag:s30] =	ssyncset.done $0x0  }
0x1a: {  	p1 =	por p3, p3;
	p4 =	por $0x1, $0x1;
	[sflag:s30] =	ssyncadd.s32 $0xFFFFFF80  }
0x1b: {  	s12 =	simm.s32 $0x7;
	s15 =	sand.u32 @!p3 $0x1, s1;
	_ =	strace $0x9000004A  }
0x1c: {  	s13 =	simm.s32 $0x1;
	p3 =	seq.s32 s17, $0x8;
	_ =	strace $0x8000004B  }
0x1d: {  	s13 =	simm.s32 @!p0 $0x0;
	s17 =	simm.s32 @p3 $0x0;
	s19 =	rddreg [dreg:$0x3]  }
0x1e: {  	p0 =	por $0x0, $0x0;
	s14 =	sadd.s32 $0x1, s13;
	s31 =	rddreg [dreg:$0x2]  }
0x1f: {  	[tilespmem:s22], [sflag:$0x5] =	stream.indirect.gather [hbm4b:s31+s19], $0x80, s16, s19, $0x2000b8;
	[tilespmem:$0x8100] =	vst v63  }
0x20: {  	p3 =	sne.s32 s11, s17;
	s21 =	simm.s32 @!p0 $0x0;
	_ =	swait.ge [sflag:s8], $0x4000  }
0x21: {  	p5 =	por !p4, !p3;
	p4 =	por $0x0, $0x0;
	[sflag:s8] =	ssyncset.done $0x0  }
0x22: {  	s13 =	simm.s32 $0x0;
	p6 =	por p4, p6;
	[sflag:s8] =	ssyncadd.s32 $0xFFFFC000  }
0x23: {  	s16 =	simm.s32 $0x0;
	s19 =	simm.s32 $0x0;
	_ =	strace $0x9000004B  }
.LBB2_2:
0x24: {  	_ =	strace @p6 $0x8000004C;
	s13 =	sadd.s32 s21, s13;
	s21 =	smov.u32 s12  }
0x25: {  	s12 =	smov.u32 s18;
	s18 =	sadd.s32 $0xFFFFFFFF, s18;
	p0 =	por p3, p3  }
0x26: {  	s28 =	sshll.u32 @p6 s23, $0xB;
	s20 =	sadd.s32 @p6 $0x3, s20;
	s24 =	simm.s32 @!p0 $0x0  }
0x27: {  	s25 =	rddreg [dreg:$0x4];
	s28 =	sand.u32 @p6 $0x1FFFF800, s28;
	s24 =	simm.s32 @p0 $0x1  }
0x28: {  	s25 =	sadd.s32 @p6 s25, s28;
	s28 =	simm.s32 @p6 $0x0;
	p0 =	sne.s32 s18, $0x0  }
0x29: {  	[hbm4b:s25+s28] =	stream.linear.scatter @p6 [tilespmem:s22], [sflag:s20], $0x4000, $0x200038;
	[tilespmem:$0x8100] =	vst v63  }
0x2a: {  	s20 =	sadd.s32 @!p1 $0x3, s15;
	s15 =	simm.s32 @!p0 $0x0  }
0x2b: {  	s26 =	simm.s32 $0x1;
	[smem:$0x7FC] =	sst s24;
	s15 =	simm.s32 @p0 $0x1  }
0x2c: {  	s26 =	simm.s32 @!p6 $0x0;
	_ =	strace @p6 $0x9000004C;
	[smem:$0x7FD] =	sst s15  }
0x2d: {  	p5 =	por !p5, !p5;
	s19 =	sadd.s32 s26, s19;
	_ =	strace @!p1 $0x8000004D  }
0x2e: {  	s24 =	sand.u32 @!p2 $0x1, s13;
	s22 =	sand.u32 @p5 $0x1, s14;
	_ =	swait.ge @!p1 [sflag:s20], $0x4000  }
0x2f: {  	s15 =	smov.u32 s24;
	s24 =	sadd.s32 @p5 s4, s17;
	[sflag:s20] =	ssyncset.done @!p1 $0x0  }
0x30: {  	s25 =	sshll.u32 @p5 s22, $0x7;
	s24 =	sshll.u32 @p5 s24, $0x4;
	[sflag:s20] =	ssyncadd.s32 @!p1 $0xFFFFC000  }
0x31: {  	s20 =	sadd.s32 @p5 $0x1, s22;
	s22 =	sand.u32 @p5 $0x1FFFFFF0, s24;
	_ =	strace @!p1 $0x9000004D  }
0x32: {  	s24 =	simm.s32 @p5 $0x0;
	s22 =	sadd.s32 @p5 s3, s22;
	_ =	strace @p5 $0x80000049  }
0x33: {  	[tilespmem:s25], [sflag:s20] =	stream.linear.gather @p5 [hbm4b:s22+s24], $0x80, $0x200038;
	[tilespmem:$0x8100] =	vst v63  }
0x34: {  	s16 =	sadd.s32 s26, s16;
	s26 =	sand.u32 $0x1, s19;
	_ =	strace @p5 $0x90000049  }
0x35: {  	s24 =	sadd.s32 $0x1, s26;
	_ =	strace $0x8000004A  }
0x36: {  	_ =	swait.ge [sflag:s24], $0x80  }
0x37: {  	[sflag:s24] =	ssyncset.done $0x0  }
0x38: {  	s20 =	simm.s32 $0x1;
	[sflag:s24] =	ssyncadd.s32 $0xFFFFFF80  }
0x39: {  	s20 =	simm.s32 @!p5 $0x0;
	_ =	strace $0x9000004A  }
0x3a: {  	s14 =	sadd.s32 s20, s14;
	s20 =	sand.u32 $0x1, s16;
	_ =	strace $0x8000004B  }
0x3b: {  	s29 =	sshll.u32 s19, $0x7;
	s25 =	sshll.u32 s20, $0xE;
	s26 =	rddreg [dreg:$0x3]  }
0x3c: {  	s29 =	sand.u32 $0x80, s29;
	s22 =	sor.u32 $0x100, s25;
	s30 =	rddreg [dreg:$0x2]  }
0x3d: {  	[tilespmem:s22], [sflag:$0x5] =	stream.indirect.gather [hbm4b:s30+s26], $0x80, s29, s26, $0x2000b8;
	[tilespmem:$0x8100] =	vst v63  }
0x3e: {  	_ =	swait.ge [sflag:s8], $0x4000  }
0x3f: {  	s31 =	sadd.s32 $0x1, s17;
	[sflag:s8] =	ssyncset.done $0x0  }
0x40: {  	s23 =	sadd.s32 s4, s11;
	s11 =	smov.u32 s17;
	[sflag:s8] =	ssyncadd.s32 $0xFFFFC000  }
0x41: {  	p3 =	seq.s32 s31, $0x8;
	s17 =	smov.u32 s31;
	_ =	strace $0x9000004B  }
0x42: {  	s17 =	simm.s32 @p3 $0x0;
	s31 =	sld [smem:$0x7FD]  }
0x43: {  	p6 =	sne.s32 s12, $0x1;
	p0 =	sne.s32 s21, $0x8;
	p3 =	sne.s32 s11, s17  }
0x44: {  	p5 =	por !p6, !p3;
	p6 =	seq.s32 s21, $0x1;
	s21 =	simm.s32 $0x1  }
0x45: {  	s21 =	simm.s32 @!p0 $0x0;
	p0 =	seq.s32 s31, $0x1  }
.Ltmp0:
0x46: {  	s30 =	sld [smem:$0x7FC];
	(pc) =	sbr.rel @p0 .LBB2_2-.Ltmp0, $4  }
0x47: {  	_ = 	snop  }
0x48: {  	p4 =	seq.s32 s12, $0x8  }
0x49: {  	p1 =	por p2, p2;
	p2 =	por p4, p4;
	p4 =	seq.s32 s30, $0x1  }
0x4a: {  	p6 =	por p6, p4  }
0x4b: {  	_ =	strace @p6 $0x8000004C;
	s23 =	sshll.u32 @p6 s23, $0xB  }
0x4c: {  	s18 =	rddreg [dreg:$0x4];
	s23 =	sand.u32 @p6 $0x1FFFF800, s23  }
0x4d: {  	s20 =	sadd.s32 @p6 $0x3, s20;
	s18 =	sadd.s32 @p6 s18, s23;
	s23 =	simm.s32 @p6 $0x0  }
0x4e: {  	[hbm4b:s18+s23] =	stream.linear.scatter @p6 [tilespmem:s22], [sflag:s20], $0x4000, $0x200038;
	[tilespmem:$0x8100] =	vst v63  }
0x4f: {  	p0 =	por !p5, !p5;
	_ =	strace @p6 $0x9000004C  }
0x50: {  	s15 =	sadd.s32 @!p1 $0x3, s15;
	s17 =	sadd.s32 @p0 s4, s17;
	_ =	strace @!p1 $0x8000004D  }
0x51: {  	s14 =	sand.u32 @p0 $0x1, s14;
	s17 =	sshll.u32 @p0 s17, $0x4;
	_ =	swait.ge @!p1 [sflag:s15], $0x4000  }
0x52: {  	s18 =	simm.s32 $0x1;
	s20 =	sshll.u32 @p0 s14, $0x7;
	[sflag:s15] =	ssyncset.done @!p1 $0x0  }
0x53: {  	s14 =	sadd.s32 @p0 $0x1, s14;
	s18 =	simm.s32 @!p6 $0x0;
	[sflag:s15] =	ssyncadd.s32 @!p1 $0xFFFFC000  }
0x54: {  	s19 =	sadd.s32 s18, s19;
	s15 =	sand.u32 @p0 $0x1FFFFFF0, s17;
	_ =	strace @!p1 $0x9000004D  }
0x55: {  	s17 =	simm.s32 @p0 $0x0;
	s15 =	sadd.s32 @p0 s3, s15;
	_ =	strace @p0 $0x80000049  }
0x56: {  	[tilespmem:s20], [sflag:s14] =	stream.linear.gather @p0 [hbm4b:s15+s17], $0x80, $0x200038;
	[tilespmem:$0x8100] =	vst v63  }
0x57: {  	s25 =	sand.u32 $0x1, s19;
	_ =	strace @p0 $0x90000049  }
0x58: {  	s14 =	sadd.s32 $0x1, s25;
	_ =	strace $0x8000004A  }
0x59: {  	_ =	swait.ge [sflag:s14], $0x80  }
0x5a: {  	[sflag:s14] =	ssyncset.done $0x0  }
0x5b: {  	[sflag:s14] =	ssyncadd.s32 $0xFFFFFF80  }
0x5c: {  	s26 =	sadd.s32 s18, s16;
	_ =	strace $0x9000004A  }
0x5d: {  	s14 =	sand.u32 $0x1, s26;
	_ =	strace $0x8000004B  }
0x5e: {  	s30 =	sshll.u32 s19, $0x7;
	s31 =	sshll.u32 s14, $0xE;
	s28 =	rddreg [dreg:$0x3]  }
0x5f: {  	s17 =	sand.u32 $0x80, s30;
	s18 =	sor.u32 $0x100, s31;
	s29 =	rddreg [dreg:$0x2]  }
0x60: {  	[tilespmem:s18], [sflag:$0x5] =	stream.indirect.gather [hbm4b:s29+s28], $0x80, s17, s28, $0x2000b8;
	[tilespmem:$0x8100] =	vst v63  }
0x61: {  	_ =	swait.ge [sflag:s8], $0x4000  }
0x62: {  	[sflag:s8] =	ssyncset.done $0x0  }
0x63: {  	p5 =	por p3, p3;
	p6 =	seq.s32 s12, $0x1;
	[sflag:s8] =	ssyncadd.s32 $0xFFFFC000  }
0x64: {  	s11 =	sadd.s32 s4, s11;
	p0 =	por p6, p5;
	_ =	strace $0x9000004B  }
0x65: {  	s11 =	sshll.u32 @p0 s11, $0xB;
	_ =	strace @p0 $0x8000004C  }
0x66: {  	s13 =	sadd.s32 s21, s13;
	s11 =	sand.u32 @p0 $0x1FFFF800, s11;
	s12 =	rddreg [dreg:$0x4]  }
0x67: {  	s14 =	sadd.s32 @p0 $0x3, s14;
	s11 =	sadd.s32 @p0 s12, s11;
	s12 =	simm.s32 @p0 $0x0  }
0x68: {  	[hbm4b:s11+s12] =	stream.linear.scatter @p0 [tilespmem:s18], [sflag:s14], $0x4000, $0x200038;
	[tilespmem:$0x8100] =	vst v63  }
0x69: {  	p1 =	por p2, p2;
	s11 =	sand.u32 @!p2 $0x1, s13;
	_ =	strace @p0 $0x9000004C  }
0x6a: {  	s11 =	sadd.s32 @!p1 $0x3, s11;
	_ =	strace @!p1 $0x8000004D  }
0x6b: {  	_ =	swait.ge @!p1 [sflag:s11], $0x4000  }
0x6c: {  	[sflag:s11] =	ssyncset.done @!p1 $0x0  }
0x6d: {  	s10 =	sadd.s32 $0x1, s10;
	[sflag:s11] =	ssyncadd.s32 @!p1 $0xFFFFC000  }
0x6e: {  	p0 =	sne.s32 s10, s6;
	_ =	strace @!p1 $0x9000004D  }
.Ltmp1:
0x6f: {  	_ =	strace $0x8000004E;
	(pc) =	sbr.rel @p0 .LBB2_1-.Ltmp1, $4  }
0x70: {  	_ =	swait.ge [sflag:s9], $0x4000  }
0x71: {  	[sflag:s9] =	ssyncset.done $0x0  }
0x72: {  	[sflag:s9] =	ssyncadd.s32 $0xFFFFC000  }
0x73: {  	_ =	strace $0x9000004E  }
0x74: {  	_ =	sfence.sel $0x180000  }
0x75: {  	[bflag:$0x0] =	sbarrier.arrive $0xFFFF  }
0x76: {  	p0 =	sne.s32 s2, $0x0;
	_ =	strace $0x90000047  }
0x77: {  	s0 =	sadd.s32 @!p0 $0x100000, s0;
	[bflag:$0x2] =	sbarrier.arrive $0xFFFF  }
0x78: {  	[sflag:s0] =	ssyncadd.tile.s32 @!p0 $0x1;
	_ =	shalt  }
.Lfunc_end2:
_tile_overlayer_lowered:
.L_overlay_start_2:
0x79: {  	(tag) =	ssettag $0x2  }
0x7a: {  	s0 =	rddreg [dreg:$0x0];
	s2 =	stileid.u32  }
0x7b: {  	s1 =	rddreg [dreg:$0x1];
	p0 =	sne.s32 s2, $0x0  }
0x7c: {  	s3 =	rddreg [dreg:$0x2];
	[bflag:$0x3] =	sbarrier.arrive $0xFFFF;
	s2 =	simm.s32 @!p0 $0x1C01  }
0x7d: {  	[timem:s3], [sflag:s2] =	dma.local @!p0 [hbm:s0], s1  }
0x7e: {  	s0 =	simm.s32 @!p0 $0x1  }
0x7f: {  	_ =	swait.ge @!p0 [sflag:s0], s1  }
0x80: {  	s1 =	ssub.s32 @!p0 $0x0, s1;
	[sflag:s0] =	ssyncset.done @!p0 $0x0  }
0x81: {  	[sflag:s0] =	ssyncadd.s32 @!p0 s1  }
0x82: {  	[bflag:$0x3] =	sbarrier.arrive $0xFFFF  }
0x83: {  	_ =	shalt  }

</sc_bundles>
